<compile_context>
chip_gen: v7x
topology: tpu7x:2x2x1
jax: 0.10.2.dev20260603
libtpu: 0.0.44.dev20260713+nightly
codegen_flags: <defaults>
</compile_context>

<pallas_src>
import functools

import jax
import jax.numpy as jnp
from jax import lax
from jax.experimental import pallas as pl
from jax.experimental.pallas import tpu as pltpu
from jax.experimental.pallas import tpu_sc as plsc

_EXAG = 2
_B = 16
_S = 1024
_D = 1024
_CHUNK = 512
_G = 16
_NGROUPS = _CHUNK // _G


def _widx():
    return lax.axis_index("s") * 2 + lax.axis_index("c")


def _body(ids, pos, exg, tew, tpw, sew, spw, ew, eb, out, scr,
          ids_v, pos_v, eidx, pidx, exg_v, cbuf,
          buf_e, buf_p, buf_c, stage, sem, osem):
    wid = _widx()
    b = wid // 2
    s0 = (wid % 2) * _CHUNK
    base = wid * _CHUNK

    pltpu.sync_copy(ids.at[pl.ds(b * _S, _S)], ids_v)
    pltpu.sync_copy(pos.at[pl.ds(base, _CHUNK)], pos_v)
    pltpu.sync_copy(exg, exg_v)
    pltpu.sync_copy(ew, buf_e.at[0])
    pltpu.sync_copy(eb, buf_p.at[0])

    big = _S * _B
    iv16 = lax.iota(jnp.int32, _G)

    def zmin(g, run_):
        v = ids_v[pl.ds(g * _G, _G)]
        cand = jnp.where(v == 0, g * _G + iv16, big)
        return jnp.minimum(run_, cand)

    run = lax.fori_loop(0, _S // _G, zmin, jnp.full((_G,), big, jnp.int32))
    zp = run[0]
    for l in range(1, 16):
        zp = jnp.minimum(zp, run[l])
    m = jnp.where(zp < big, zp, -1)
    mloc = jnp.clip(m + 1 - s0, 0, _CHUNK)

    exg16 = exg_v[pl.ds(0, 16)]
    ex_b = exg16[0]
    for l in range(1, 16):
        ex_b = jnp.where(b == l, exg16[l], ex_b)

    pltpu.async_copy(tew.at[0], buf_c.at[0], sem).wait()
    pltpu.async_copy(tpw.at[0], buf_c.at[1], sem).wait()
    pltpu.async_copy(sew.at[0], buf_c.at[2], sem).wait()
    pltpu.async_copy(spw.at[0], buf_c.at[3], sem).wait()

    def fixbody(d, _):
        sl = pl.ds(d * 16, 16)
        affine = buf_e[0, sl] * ex_b + buf_p[0, sl]
        cbuf[0, sl] = jnp.zeros((16,), jnp.float32)
        cbuf[1, sl] = jnp.zeros((16,), jnp.float32)
        cbuf[2, sl] = affine - buf_c[0, sl] - buf_c[1, sl]
        cbuf[3, sl] = affine - buf_c[2, sl] - buf_c[3, sl]
        return 0

    lax.fori_loop(0, _D // 16, fixbody, 0)
    pltpu.sync_copy(cbuf, scr.at[pl.ds(4 * wid, 4)])

    def ibody(g, _):
        sl = pl.ds(g * _G, _G)
        x = ids_v[pl.ds(s0 + g * _G, _G)]
        p = pos_v[sl]
        e = x == _EXAG
        eidx[sl] = jnp.where(e, 0, x)
        pidx[sl] = jnp.where(e, 0, p)
        return 0

    lax.fori_loop(0, _NGROUPS, ibody, 0)

    def gather_pair(emb_t, pos_t, gs):
        ei = eidx[pl.ds(gs, _G)]
        pi = pidx[pl.ds(gs, _G)]
        pltpu.async_copy(emb_t.at[ei], buf_e, sem).wait()
        pltpu.async_copy(pos_t.at[pi], buf_p, sem).wait()

    def combine(lo, hi):
        def db(d, _):
            sl = pl.ds(d * 16, 16)
            for t in range(_G):
                if isinstance(lo, int) and isinstance(hi, int):
                    stage[t, sl] = buf_e[t, sl] + buf_p[t, sl] + buf_c[t, sl]
                else:
                    @pl.when((t >= lo) & (t < hi))
                    def _(t=t, sl=sl):
                        stage[t, sl] = (buf_e[t, sl] + buf_p[t, sl]
                                        + buf_c[t, sl])
            return 0
        lax.fori_loop(0, _D // 16, db, 0)

    def gbody(g, _):
        gs = g * _G
        pure_text = (gs + _G) <= mloc
        pure_speech = gs >= mloc
        mixed = jnp.logical_not(pure_text | pure_speech)

        ev = ids_v[pl.ds(s0 + gs, _G)] == _EXAG
        in_text = (gs + iv16) < mloc
        fi = 4 * wid + jnp.where(in_text, 0, 1) + jnp.where(ev, 2, 0)
        pltpu.async_copy(scr.at[fi], buf_c, sem).wait()

        @pl.when(pure_text)
        def _():
            gather_pair(tew, tpw, gs)
            combine(0, _G)

        @pl.when(pure_speech)
        def _():
            gather_pair(sew, spw, gs)
            combine(0, _G)

        @pl.when(mixed)
        def _():
            r = mloc - gs
            gather_pair(tew, tpw, gs)
            combine(0, r)
            gather_pair(sew, spw, gs)
            combine(r, _G)

        pltpu.async_copy(stage, out.at[pl.ds(base + gs, _G)], osem).wait()
        return 0

    lax.fori_loop(0, _NGROUPS, gbody, 0)


@functools.partial(jax.jit, static_argnames=())
def kernel(input_ids, position_ids, exaggeration, text_emb_W, text_pos_W,
           speech_emb_W, speech_pos_W, emo_W, emo_b):
    mesh = plsc.VectorSubcoreMesh(core_axis_name="c", subcore_axis_name="s")
    run = pl.kernel(
        _body,
        out_type=(jax.ShapeDtypeStruct((_B * _S, _D), jnp.float32),
                  jax.ShapeDtypeStruct((128, _D), jnp.float32)),
        mesh=mesh,
        scratch_types=[
            pltpu.VMEM((_S,), jnp.int32),
            pltpu.VMEM((_CHUNK,), jnp.int32),
            pltpu.VMEM((_CHUNK,), jnp.int32),
            pltpu.VMEM((_CHUNK,), jnp.int32),
            pltpu.VMEM((_B,), jnp.float32),
            pltpu.VMEM((4, _D), jnp.float32),
            pltpu.VMEM((_G, _D), jnp.float32),
            pltpu.VMEM((_G, _D), jnp.float32),
            pltpu.VMEM((_G, _D), jnp.float32),
            pltpu.VMEM((_G, _D), jnp.float32),
            pltpu.SemaphoreType.DMA,
            pltpu.SemaphoreType.DMA,
        ],
    )
    out, _ = run(input_ids.reshape(-1), position_ids.reshape(-1), exaggeration,
                 text_emb_W, text_pos_W, speech_emb_W, speech_pos_W,
                 emo_W.reshape(-1), emo_b)
    return out.reshape(_B, _S, _D)

# --- scband reference (transcript-rebuilt; emitter-appended) ---
"""Pipeline reference for scband-inputs-embeds-19945828123105 (READ-ONLY COPY).

The authoritative reference and input builder live on the scoring server;
editing this copy changes nothing except your own understanding.
"""

import jax, jax.numpy as jnp
import numpy as np

EXAGGERATION_TOKEN = 2
TEXT_VOCAB = 704
SPEECH_VOCAB = 8194
D_MODEL = 1024
MAX_TEXT_POS = 2048
MAX_SPEECH_POS = 4096
B = 16
S = 1024


def setup_inputs(seed: int = 0):
    key = jax.random.key(seed)
    ks = jax.random.split(key, 9)
    input_ids = jax.random.randint(ks[0], (B, S), 0, TEXT_VOCAB, dtype=jnp.int32)
    position_ids = jax.random.randint(ks[1], (B, S), 0, MAX_TEXT_POS, dtype=jnp.int32)
    exaggeration = jax.random.uniform(ks[2], (B,), dtype=jnp.float32)
    text_emb_W = jax.random.normal(ks[3], (TEXT_VOCAB, D_MODEL), dtype=jnp.float32) * 0.02
    text_pos_W = jax.random.normal(ks[4], (MAX_TEXT_POS, D_MODEL), dtype=jnp.float32) * 0.02
    speech_emb_W = jax.random.normal(ks[5], (SPEECH_VOCAB, D_MODEL), dtype=jnp.float32) * 0.02
    speech_pos_W = jax.random.normal(ks[6], (MAX_SPEECH_POS, D_MODEL), dtype=jnp.float32) * 0.02
    emo_W = jax.random.normal(ks[7], (D_MODEL, 1), dtype=jnp.float32) * 0.02
    emo_b = jax.random.normal(ks[8], (D_MODEL,), dtype=jnp.float32) * 0.02
    return {"input_ids": input_ids, "position_ids": position_ids, "exaggeration": exaggeration,
            "text_emb_W": text_emb_W, "text_pos_W": text_pos_W, "speech_emb_W": speech_emb_W,
            "speech_pos_W": speech_pos_W, "emo_W": emo_W, "emo_b": emo_b}


def reference(input_ids, position_ids, exaggeration, text_emb_W, text_pos_W, speech_emb_W, speech_pos_W, emo_W, emo_b):
    batch_size, seq_len = input_ids.shape
    x = input_ids
    idx = jnp.broadcast_to(jnp.arange(seq_len, dtype=x.dtype)[None, :], (batch_size, seq_len))
    is_zero = x == 0
    has_zero = jnp.any(is_zero, axis=1)
    zero_pos = jnp.where(has_zero, jnp.argmax(is_zero.astype(jnp.float32), axis=1).astype(x.dtype),
                         jnp.full((batch_size,), -1, dtype=x.dtype))
    exaggeration_mask = x == EXAGGERATION_TOKEN
    base_text_mask = (idx <= zero_pos[:, None]) & has_zero[:, None]
    text_mask = base_text_mask & (~exaggeration_mask)
    speech_mask = (~base_text_mask) & (~exaggeration_mask)
    text_pos_ids = position_ids * text_mask
    speech_pos_ids = position_ids * speech_mask
    flat_x = x.reshape(-1)
    flat_text_mask = text_mask.reshape(-1)
    flat_speech_mask = speech_mask.reshape(-1)
    flat_exaggeration_mask = exaggeration_mask.reshape(-1)
    flat_text_pos = text_pos_ids.reshape(-1)
    flat_speech_pos = speech_pos_ids.reshape(-1)
    safe_text_idx = jnp.where(flat_text_mask, flat_x, jnp.zeros_like(flat_x))
    safe_text_pos = jnp.where(flat_text_mask, flat_text_pos, jnp.zeros_like(flat_text_pos))
    safe_speech_idx = jnp.where(flat_speech_mask, flat_x, jnp.zeros_like(flat_x))
    safe_speech_pos = jnp.where(flat_speech_mask, flat_speech_pos, jnp.zeros_like(flat_speech_pos))
    all_text_emb = jnp.take(text_emb_W, safe_text_idx, axis=0) + jnp.take(text_pos_W, safe_text_pos, axis=0)
    all_speech_emb = jnp.take(speech_emb_W, safe_speech_idx, axis=0) + jnp.take(speech_pos_W, safe_speech_pos, axis=0)
    text_emb = all_text_emb * flat_text_mask[:, None].astype(all_text_emb.dtype)
    speech_emb = all_speech_emb * flat_speech_mask[:, None].astype(all_speech_emb.dtype)
    emotion_adv = exaggeration.reshape(-1, 1, 1)
    cond_emotion_adv = jnp.matmul(emotion_adv, emo_W.T) + emo_b
    embed_dim = text_emb.shape[-1]
    out = jnp.zeros((batch_size * seq_len, embed_dim), dtype=text_emb.dtype)
    out = jnp.where(flat_text_mask[:, None], text_emb, out)
    out = jnp.where(flat_speech_mask[:, None], speech_emb, out)
    batch_indices = jnp.broadcast_to(jnp.arange(batch_size)[:, None], (batch_size, seq_len)).reshape(-1)
    exaggeration_emb_full = jnp.swapaxes(jnp.take(cond_emotion_adv, batch_indices, axis=0), 0, 1)
    exaggeration_emb = exaggeration_emb_full * flat_exaggeration_mask[:, None].astype(exaggeration_emb_full.dtype)
    out = out + exaggeration_emb
    out = out.reshape(batch_size, seq_len, embed_dim)
    return out

if __name__ == "__main__":
    import jax
    _d = setup_inputs()
    print(jax.jit(kernel)(*tuple(_d.values())))

</pallas_src>

<mosaic_0001>
#map = affine_map<(d0, d1) -> (0)>
#map1 = affine_map<(d0, d1) -> (0, 0)>
module attributes {stable_mosaic.version = 14 : i64} {
  func.func @_body(%arg0: i32, %arg1: i32, %arg2: memref<16384xi32, #tpu.memory_space<hbm>>, %arg3: memref<16384xi32, #tpu.memory_space<hbm>>, %arg4: memref<16xf32, #tpu.memory_space<hbm>>, %arg5: memref<704x1024xf32, #tpu.memory_space<hbm>>, %arg6: memref<2048x1024xf32, #tpu.memory_space<hbm>>, %arg7: memref<8194x1024xf32, #tpu.memory_space<hbm>>, %arg8: memref<4096x1024xf32, #tpu.memory_space<hbm>>, %arg9: memref<1024xf32, #tpu.memory_space<hbm>>, %arg10: memref<1024xf32, #tpu.memory_space<hbm>>, %arg11: memref<16384x1024xf32, #tpu.memory_space<hbm>>, %arg12: memref<128x1024xf32, #tpu.memory_space<hbm>>, %arg13: memref<1024xi32, #tpu.memory_space<vmem>>, %arg14: memref<512xi32, #tpu.memory_space<vmem>>, %arg15: memref<512xi32, #tpu.memory_space<vmem>>, %arg16: memref<512xi32, #tpu.memory_space<vmem>>, %arg17: memref<16xf32, #tpu.memory_space<vmem>>, %arg18: memref<4x1024xf32, #tpu.memory_space<vmem>>, %arg19: memref<16x1024xf32, #tpu.memory_space<vmem>>, %arg20: memref<16x1024xf32, #tpu.memory_space<vmem>>, %arg21: memref<16x1024xf32, #tpu.memory_space<vmem>>, %arg22: memref<16x1024xf32, #tpu.memory_space<vmem>>, %arg23: memref<!tpu.dma_semaphore, #tpu.memory_space<semaphore_mem>>, %arg24: memref<!tpu.dma_semaphore, #tpu.memory_space<semaphore_mem>>) attributes {dimension_semantics = [#tpu.dimension_semantics<core_parallel>, #tpu.dimension_semantics<subcore_parallel>], iteration_bounds = array<i64: 2, 16>, scalar_prefetch = 0 : i64, scratch_operands = 12 : i64, tpu.core_type = #tpu.core_type<sc_vector_subcore>, window_params = [{transform_indices = #map}, {transform_indices = #map}, {transform_indices = #map}, {transform_indices = #map1}, {transform_indices = #map1}, {transform_indices = #map1}, {transform_indices = #map1}, {transform_indices = #map}, {transform_indices = #map}, {transform_indices = #map1}, {transform_indices = #map1}]} {
    %mul3A = arith.constant 2 : i32
    %mul3A_0 = arith.muli %arg1, %mul3A : i32
    %add3A = arith.addi %mul3A_0, %arg0 : i32
    %jit3A = arith.constant 2 : i32
    %div3A = arith.divsi %add3A, %jit3A : i32
    %sign3A = arith.constant 0 : i32
    %sign3A_1 = arith.cmpi sgt, %add3A, %sign3A : i32
    %sign3A_2 = arith.extui %sign3A_1 : i1 to i32
    %sign3A_3 = arith.constant 0 : i32
    %sign3A_4 = arith.cmpi slt, %add3A, %sign3A_3 : i32
    %sign3A_5 = arith.extui %sign3A_4 : i1 to i32
    %sign3A_6 = arith.subi %sign3A_2, %sign3A_5 : i32
    %sign3A_7 = arith.constant 0 : i32
    %sign3A_8 = arith.cmpi sgt, %jit3A, %sign3A_7 : i32
    %sign3A_9 = arith.extui %sign3A_8 : i1 to i32
    %sign3A_10 = arith.constant 0 : i32
    %sign3A_11 = arith.cmpi slt, %jit3A, %sign3A_10 : i32
    %sign3A_12 = arith.extui %sign3A_11 : i1 to i32
    %sign3A_13 = arith.subi %sign3A_9, %sign3A_12 : i32
    %ne3A = arith.cmpi ne, %sign3A_6, %sign3A_13 : i32
    %rem3A = arith.remsi %add3A, %jit3A : i32
    %ne3A_14 = arith.constant 0 : i32
    %ne3A_15 = arith.cmpi ne, %rem3A, %ne3A_14 : i32
    %and3A = arith.andi %ne3A, %ne3A_15 : i1
    %sub3A = arith.constant 1 : i32
    %sub3A_16 = arith.subi %div3A, %sub3A : i32
    %select_n3A = arith.select %and3A, %sub3A_16, %div3A : i32
    %jit3A_17 = arith.constant 2 : i32
    %eq3A = arith.constant 0 : i32
    %eq3A_18 = arith.cmpi eq, %jit3A_17, %eq3A : i32
    %jit3A_19 = arith.constant 1 : i32
    %select_n3A_20 = arith.select %eq3A_18, %jit3A_19, %jit3A_17 : i32
    %rem3A_21 = arith.remsi %add3A, %select_n3A_20 : i32
    %ne3A_22 = arith.constant 0 : i32
    %ne3A_23 = arith.cmpi ne, %rem3A_21, %ne3A_22 : i32
    %lt3A = arith.constant 0 : i32
    %lt3A_24 = arith.cmpi slt, %rem3A_21, %lt3A : i32
    %lt3A_25 = arith.constant 0 : i32
    %lt3A_26 = arith.cmpi slt, %select_n3A_20, %lt3A_25 : i32
    %ne3A_27 = arith.xori %lt3A_24, %lt3A_26 : i1
    %and3A_28 = arith.andi %ne3A_27, %ne3A_23 : i1
    %add3A_29 = arith.addi %rem3A_21, %select_n3A_20 : i32
    %select_n3A_30 = arith.select %and3A_28, %add3A_29, %rem3A_21 : i32
    %mul3A_31 = arith.constant 512 : i32
    %mul3A_32 = arith.muli %select_n3A_30, %mul3A_31 : i32
    %mul3A_33 = arith.constant 512 : i32
    %mul3A_34 = arith.muli %add3A, %mul3A_33 : i32
    %mul3A_35 = arith.constant 1024 : i32
    %mul3A_36 = arith.muli %select_n3A, %mul3A_35 : i32
    "tpu.region"() ({
      %run_scoped3A_310 = tpu.sem_alloc : memref<!tpu.dma_semaphore, #tpu.memory_space<semaphore_mem>>
      %dma_start3A_311 = tpu.memref_slice %arg2[%mul3A_36] : memref<16384xi32, #tpu.memory_space<hbm>> -> memref<1024xi32, #tpu.memory_space<hbm>>
      %dma_start3A_312 = tpu.memref_slice %arg2[%mul3A_36] : memref<16384xi32, #tpu.memory_space<hbm>> -> memref<1024xi32, #tpu.memory_space<hbm>>
      tpu.enqueue_dma source(%dma_start3A_312 : memref<1024xi32, #tpu.memory_space<hbm>>) target(%arg13 : memref<1024xi32, #tpu.memory_space<vmem>>) target_semaphore(%run_scoped3A_310 : memref<!tpu.dma_semaphore, #tpu.memory_space<semaphore_mem>>)
      %dma_wait3A_313 = tpu.memref_slice %arg2[%mul3A_36] : memref<16384xi32, #tpu.memory_space<hbm>> -> memref<1024xi32, #tpu.memory_space<hbm>>
      %dma_wait3A_314 = tpu.memref_slice %arg2[%mul3A_36] : memref<16384xi32, #tpu.memory_space<hbm>> -> memref<1024xi32, #tpu.memory_space<hbm>>
      tpu.wait_dma2 semaphore(%run_scoped3A_310 : memref<!tpu.dma_semaphore, #tpu.memory_space<semaphore_mem>>) src(%dma_wait3A_314 : memref<1024xi32, #tpu.memory_space<hbm>>) dst(%arg13 : memref<1024xi32, #tpu.memory_space<vmem>>)
      tpu.yield
    }) : () -> ()
    "tpu.region"() ({
      %run_scoped3A_310 = tpu.sem_alloc : memref<!tpu.dma_semaphore, #tpu.memory_space<semaphore_mem>>
      %dma_start3A_311 = tpu.memref_slice %arg3[%mul3A_34] : memref<16384xi32, #tpu.memory_space<hbm>> -> memref<512xi32, #tpu.memory_space<hbm>>
      %dma_start3A_312 = tpu.memref_slice %arg3[%mul3A_34] : memref<16384xi32, #tpu.memory_space<hbm>> -> memref<512xi32, #tpu.memory_space<hbm>>
      tpu.enqueue_dma source(%dma_start3A_312 : memref<512xi32, #tpu.memory_space<hbm>>) target(%arg14 : memref<512xi32, #tpu.memory_space<vmem>>) target_semaphore(%run_scoped3A_310 : memref<!tpu.dma_semaphore, #tpu.memory_space<semaphore_mem>>)
      %dma_wait3A_313 = tpu.memref_slice %arg3[%mul3A_34] : memref<16384xi32, #tpu.memory_space<hbm>> -> memref<512xi32, #tpu.memory_space<hbm>>
      %dma_wait3A_314 = tpu.memref_slice %arg3[%mul3A_34] : memref<16384xi32, #tpu.memory_space<hbm>> -> memref<512xi32, #tpu.memory_space<hbm>>
      tpu.wait_dma2 semaphore(%run_scoped3A_310 : memref<!tpu.dma_semaphore, #tpu.memory_space<semaphore_mem>>) src(%dma_wait3A_314 : memref<512xi32, #tpu.memory_space<hbm>>) dst(%arg14 : memref<512xi32, #tpu.memory_space<vmem>>)
      tpu.yield
    }) : () -> ()
    "tpu.region"() ({
      %run_scoped3A_310 = tpu.sem_alloc : memref<!tpu.dma_semaphore, #tpu.memory_space<semaphore_mem>>
      tpu.enqueue_dma source(%arg4 : memref<16xf32, #tpu.memory_space<hbm>>) target(%arg17 : memref<16xf32, #tpu.memory_space<vmem>>) target_semaphore(%run_scoped3A_310 : memref<!tpu.dma_semaphore, #tpu.memory_space<semaphore_mem>>)
      tpu.wait_dma2 semaphore(%run_scoped3A_310 : memref<!tpu.dma_semaphore, #tpu.memory_space<semaphore_mem>>) src(%arg4 : memref<16xf32, #tpu.memory_space<hbm>>) dst(%arg17 : memref<16xf32, #tpu.memory_space<vmem>>)
      tpu.yield
    }) : () -> ()
    %run_scoped3A = arith.constant 0 : i32
    "tpu.region"() ({
      %run_scoped3A_310 = tpu.sem_alloc : memref<!tpu.dma_semaphore, #tpu.memory_space<semaphore_mem>>
      %dma_start3A_311 = arith.constant 0 : i32
      %dma_start3A_312 = tpu.memref_slice %arg19[%run_scoped3A, %dma_start3A_311] : memref<16x1024xf32, #tpu.memory_space<vmem>> -> memref<1x1024xf32, #tpu.memory_space<vmem>>
      %dma_start3A_313 = tpu.memref_squeeze %dma_start3A_312 : memref<1x1024xf32, #tpu.memory_space<vmem>> -> memref<1024xf32, #tpu.memory_space<vmem>>
      %dma_start3A_314 = arith.constant 0 : i32
      %dma_start3A_315 = tpu.memref_slice %arg19[%run_scoped3A, %dma_start3A_314] : memref<16x1024xf32, #tpu.memory_space<vmem>> -> memref<1x1024xf32, #tpu.memory_space<vmem>>
      %dma_start3A_316 = tpu.memref_squeeze %dma_start3A_315 : memref<1x1024xf32, #tpu.memory_space<vmem>> -> memref<1024xf32, #tpu.memory_space<vmem>>
      tpu.enqueue_dma source(%arg9 : memref<1024xf32, #tpu.memory_space<hbm>>) target(%dma_start3A_316 : memref<1024xf32, #tpu.memory_space<vmem>>) target_semaphore(%run_scoped3A_310 : memref<!tpu.dma_semaphore, #tpu.memory_space<semaphore_mem>>)
      %dma_wait3A_317 = arith.constant 0 : i32
      %dma_wait3A_318 = tpu.memref_slice %arg19[%run_scoped3A, %dma_wait3A_317] : memref<16x1024xf32, #tpu.memory_space<vmem>> -> memref<1x1024xf32, #tpu.memory_space<vmem>>
      %dma_wait3A_319 = tpu.memref_squeeze %dma_wait3A_318 : memref<1x1024xf32, #tpu.memory_space<vmem>> -> memref<1024xf32, #tpu.memory_space<vmem>>
      %dma_wait3A_320 = arith.constant 0 : i32
      %dma_wait3A_321 = tpu.memref_slice %arg19[%run_scoped3A, %dma_wait3A_320] : memref<16x1024xf32, #tpu.memory_space<vmem>> -> memref<1x1024xf32, #tpu.memory_space<vmem>>
      %dma_wait3A_322 = tpu.memref_squeeze %dma_wait3A_321 : memref<1x1024xf32, #tpu.memory_space<vmem>> -> memref<1024xf32, #tpu.memory_space<vmem>>
      tpu.wait_dma2 semaphore(%run_scoped3A_310 : memref<!tpu.dma_semaphore, #tpu.memory_space<semaphore_mem>>) src(%arg9 : memref<1024xf32, #tpu.memory_space<hbm>>) dst(%dma_wait3A_322 : memref<1024xf32, #tpu.memory_space<vmem>>)
      tpu.yield
    }) : () -> ()
    %run_scoped3A_37 = arith.constant 0 : i32
    "tpu.region"() ({
      %run_scoped3A_310 = tpu.sem_alloc : memref<!tpu.dma_semaphore, #tpu.memory_space<semaphore_mem>>
      %dma_start3A_311 = arith.constant 0 : i32
      %dma_start3A_312 = tpu.memref_slice %arg20[%run_scoped3A_37, %dma_start3A_311] : memref<16x1024xf32, #tpu.memory_space<vmem>> -> memref<1x1024xf32, #tpu.memory_space<vmem>>
      %dma_start3A_313 = tpu.memref_squeeze %dma_start3A_312 : memref<1x1024xf32, #tpu.memory_space<vmem>> -> memref<1024xf32, #tpu.memory_space<vmem>>
      %dma_start3A_314 = arith.constant 0 : i32
      %dma_start3A_315 = tpu.memref_slice %arg20[%run_scoped3A_37, %dma_start3A_314] : memref<16x1024xf32, #tpu.memory_space<vmem>> -> memref<1x1024xf32, #tpu.memory_space<vmem>>
      %dma_start3A_316 = tpu.memref_squeeze %dma_start3A_315 : memref<1x1024xf32, #tpu.memory_space<vmem>> -> memref<1024xf32, #tpu.memory_space<vmem>>
      tpu.enqueue_dma source(%arg10 : memref<1024xf32, #tpu.memory_space<hbm>>) target(%dma_start3A_316 : memref<1024xf32, #tpu.memory_space<vmem>>) target_semaphore(%run_scoped3A_310 : memref<!tpu.dma_semaphore, #tpu.memory_space<semaphore_mem>>)
      %dma_wait3A_317 = arith.constant 0 : i32
      %dma_wait3A_318 = tpu.memref_slice %arg20[%run_scoped3A_37, %dma_wait3A_317] : memref<16x1024xf32, #tpu.memory_space<vmem>> -> memref<1x1024xf32, #tpu.memory_space<vmem>>
      %dma_wait3A_319 = tpu.memref_squeeze %dma_wait3A_318 : memref<1x1024xf32, #tpu.memory_space<vmem>> -> memref<1024xf32, #tpu.memory_space<vmem>>
      %dma_wait3A_320 = arith.constant 0 : i32
      %dma_wait3A_321 = tpu.memref_slice %arg20[%run_scoped3A_37, %dma_wait3A_320] : memref<16x1024xf32, #tpu.memory_space<vmem>> -> memref<1x1024xf32, #tpu.memory_space<vmem>>
      %dma_wait3A_322 = tpu.memref_squeeze %dma_wait3A_321 : memref<1x1024xf32, #tpu.memory_space<vmem>> -> memref<1024xf32, #tpu.memory_space<vmem>>
      tpu.wait_dma2 semaphore(%run_scoped3A_310 : memref<!tpu.dma_semaphore, #tpu.memory_space<semaphore_mem>>) src(%arg10 : memref<1024xf32, #tpu.memory_space<hbm>>) dst(%dma_wait3A_322 : memref<1024xf32, #tpu.memory_space<vmem>>)
      tpu.yield
    }) : () -> ()
    %iota3A = tpu.iota {dimensions = array<i32: 0>} : vector<16xi32>
    %broadcast_in_dim3A = arith.constant 16384 : i32
    %broadcast_in_dim3A_38 = vector.broadcast %broadcast_in_dim3A : i32 to vector<16xi32>
    %scan3A = arith.constant 0 : i32
    %scan3A_39 = arith.constant 64 : i32
    %scan3A_40 = arith.addi %scan3A, %scan3A_39 : i32
    %scan3A_41 = arith.constant 1 : i32
    %scan3A_42 = scf.for %scan3A_310 = %scan3A to %scan3A_40 step %scan3A_41 iter_args(%scan3A_311 = %broadcast_in_dim3A_38) -> (vector<16xi32>)  : i32 {
      %mul3A_312 = arith.constant 16 : i32
      %mul3A_313 = arith.muli %scan3A_310, %mul3A_312 : i32
      %get3A_314 = arith.index_cast %mul3A_313 : i32 to index
      %get3A_315 = tpu.vector_load %arg13[%get3A_314] {strides = array<i32>} : memref<1024xi32, #tpu.memory_space<vmem>>, vector<16xi32>,
      %get3A_316 = vector.shape_cast %get3A_315 : vector<16xi32> to vector<16xi32>
      %eq3A_317 = arith.constant 0 : i32
      %eq3A_318 = vector.broadcast %eq3A_317 : i32 to vector<16xi32>
      %eq3A_319 = arith.cmpi eq, %get3A_316, %eq3A_318 : vector<16xi32>
      %mul3A_320 = arith.constant 16 : i32
      %mul3A_321 = arith.muli %scan3A_310, %mul3A_320 : i32
      %add3A_322 = vector.broadcast %mul3A_321 : i32 to vector<16xi32>
      %add3A_323 = arith.addi %add3A_322, %iota3A : vector<16xi32>
      %jit3A_324 = arith.constant 16384 : i32
      %broadcast_in_dim3A_325 = vector.broadcast %jit3A_324 : i32 to vector<16xi32>
      %select_n3A_326 = arith.select %eq3A_319, %add3A_323, %broadcast_in_dim3A_325 : vector<16xi1>, vector<16xi32>
      %min3A_327 = arith.minsi %scan3A_311, %select_n3A_326 : vector<16xi32>
      scf.yield %min3A_327 : vector<16xi32>
    }
    %scan3A_43 = arith.constant 64 : i32
    %slice3A = vector.extract_strided_slice %scan3A_42 {offsets = [0], sizes = [1], strides = [1]} : vector<16xi32> to vector<1xi32>
    %squeeze3A = vector.extract %slice3A[0] : i32 from vector<1xi32>
    %slice3A_44 = vector.extract_strided_slice %scan3A_42 {offsets = [1], sizes = [1], strides = [1]} : vector<16xi32> to vector<1xi32>
    %squeeze3A_45 = vector.extract %slice3A_44[0] : i32 from vector<1xi32>
    %min3A = arith.minsi %squeeze3A, %squeeze3A_45 : i32
    %slice3A_46 = vector.extract_strided_slice %scan3A_42 {offsets = [2], sizes = [1], strides = [1]} : vector<16xi32> to vector<1xi32>
    %squeeze3A_47 = vector.extract %slice3A_46[0] : i32 from vector<1xi32>
    %min3A_48 = arith.minsi %min3A, %squeeze3A_47 : i32
    %slice3A_49 = vector.extract_strided_slice %scan3A_42 {offsets = [3], sizes = [1], strides = [1]} : vector<16xi32> to vector<1xi32>
    %squeeze3A_50 = vector.extract %slice3A_49[0] : i32 from vector<1xi32>
    %min3A_51 = arith.minsi %min3A_48, %squeeze3A_50 : i32
    %slice3A_52 = vector.extract_strided_slice %scan3A_42 {offsets = [4], sizes = [1], strides = [1]} : vector<16xi32> to vector<1xi32>
    %squeeze3A_53 = vector.extract %slice3A_52[0] : i32 from vector<1xi32>
    %min3A_54 = arith.minsi %min3A_51, %squeeze3A_53 : i32
    %slice3A_55 = vector.extract_strided_slice %scan3A_42 {offsets = [5], sizes = [1], strides = [1]} : vector<16xi32> to vector<1xi32>
    %squeeze3A_56 = vector.extract %slice3A_55[0] : i32 from vector<1xi32>
    %min3A_57 = arith.minsi %min3A_54, %squeeze3A_56 : i32
    %slice3A_58 = vector.extract_strided_slice %scan3A_42 {offsets = [6], sizes = [1], strides = [1]} : vector<16xi32> to vector<1xi32>
    %squeeze3A_59 = vector.extract %slice3A_58[0] : i32 from vector<1xi32>
    %min3A_60 = arith.minsi %min3A_57, %squeeze3A_59 : i32
    %slice3A_61 = vector.extract_strided_slice %scan3A_42 {offsets = [7], sizes = [1], strides = [1]} : vector<16xi32> to vector<1xi32>
    %squeeze3A_62 = vector.extract %slice3A_61[0] : i32 from vector<1xi32>
    %min3A_63 = arith.minsi %min3A_60, %squeeze3A_62 : i32
    %slice3A_64 = vector.extract_strided_slice %scan3A_42 {offsets = [8], sizes = [1], strides = [1]} : vector<16xi32> to vector<1xi32>
    %squeeze3A_65 = vector.extract %slice3A_64[0] : i32 from vector<1xi32>
    %min3A_66 = arith.minsi %min3A_63, %squeeze3A_65 : i32
    %slice3A_67 = vector.extract_strided_slice %scan3A_42 {offsets = [9], sizes = [1], strides = [1]} : vector<16xi32> to vector<1xi32>
    %squeeze3A_68 = vector.extract %slice3A_67[0] : i32 from vector<1xi32>
    %min3A_69 = arith.minsi %min3A_66, %squeeze3A_68 : i32
    %slice3A_70 = vector.extract_strided_slice %scan3A_42 {offsets = [10], sizes = [1], strides = [1]} : vector<16xi32> to vector<1xi32>
    %squeeze3A_71 = vector.extract %slice3A_70[0] : i32 from vector<1xi32>
    %min3A_72 = arith.minsi %min3A_69, %squeeze3A_71 : i32
    %slice3A_73 = vector.extract_strided_slice %scan3A_42 {offsets = [11], sizes = [1], strides = [1]} : vector<16xi32> to vector<1xi32>
    %squeeze3A_74 = vector.extract %slice3A_73[0] : i32 from vector<1xi32>
    %min3A_75 = arith.minsi %min3A_72, %squeeze3A_74 : i32
    %slice3A_76 = vector.extract_strided_slice %scan3A_42 {offsets = [12], sizes = [1], strides = [1]} : vector<16xi32> to vector<1xi32>
    %squeeze3A_77 = vector.extract %slice3A_76[0] : i32 from vector<1xi32>
    %min3A_78 = arith.minsi %min3A_75, %squeeze3A_77 : i32
    %slice3A_79 = vector.extract_strided_slice %scan3A_42 {offsets = [13], sizes = [1], strides = [1]} : vector<16xi32> to vector<1xi32>
    %squeeze3A_80 = vector.extract %slice3A_79[0] : i32 from vector<1xi32>
    %min3A_81 = arith.minsi %min3A_78, %squeeze3A_80 : i32
    %slice3A_82 = vector.extract_strided_slice %scan3A_42 {offsets = [14], sizes = [1], strides = [1]} : vector<16xi32> to vector<1xi32>
    %squeeze3A_83 = vector.extract %slice3A_82[0] : i32 from vector<1xi32>
    %min3A_84 = arith.minsi %min3A_81, %squeeze3A_83 : i32
    %slice3A_85 = vector.extract_strided_slice %scan3A_42 {offsets = [15], sizes = [1], strides = [1]} : vector<16xi32> to vector<1xi32>
    %squeeze3A_86 = vector.extract %slice3A_85[0] : i32 from vector<1xi32>
    %min3A_87 = arith.minsi %min3A_84, %squeeze3A_86 : i32
    %lt3A_88 = arith.constant 16384 : i32
    %lt3A_89 = arith.cmpi slt, %min3A_87, %lt3A_88 : i32
    %jit3A_90 = arith.constant -1 : i32
    %select_n3A_91 = arith.select %lt3A_89, %min3A_87, %jit3A_90 : i32
    %add3A_92 = arith.constant 1 : i32
    %add3A_93 = arith.addi %select_n3A_91, %add3A_92 : i32
    %sub3A_94 = arith.subi %add3A_93, %mul3A_32 : i32
    %jit3A_95 = arith.constant 0 : i32
    %jit3A_96 = arith.constant 512 : i32
    %max3A = arith.maxsi %jit3A_95, %sub3A_94 : i32
    %min3A_97 = arith.minsi %jit3A_96, %max3A : i32
    %get3A = arith.constant 0 : index
    %get3A_98 = tpu.vector_load %arg17[%get3A] {strides = array<i32>} : memref<16xf32, #tpu.memory_space<vmem>>, vector<16xf32>,
    %get3A_99 = vector.shape_cast %get3A_98 : vector<16xf32> to vector<16xf32>
    %slice3A_100 = vector.extract_strided_slice %get3A_99 {offsets = [0], sizes = [1], strides = [1]} : vector<16xf32> to vector<1xf32>
    %squeeze3A_101 = vector.extract %slice3A_100[0] : f32 from vector<1xf32>
    %eq3A_102 = arith.constant 1 : i32
    %eq3A_103 = arith.cmpi eq, %select_n3A, %eq3A_102 : i32
    %slice3A_104 = vector.extract_strided_slice %get3A_99 {offsets = [1], sizes = [1], strides = [1]} : vector<16xf32> to vector<1xf32>
    %squeeze3A_105 = vector.extract %slice3A_104[0] : f32 from vector<1xf32>
    %select_n3A_106 = arith.select %eq3A_103, %squeeze3A_105, %squeeze3A_101 : f32
    %eq3A_107 = arith.constant 2 : i32
    %eq3A_108 = arith.cmpi eq, %select_n3A, %eq3A_107 : i32
    %slice3A_109 = vector.extract_strided_slice %get3A_99 {offsets = [2], sizes = [1], strides = [1]} : vector<16xf32> to vector<1xf32>
    %squeeze3A_110 = vector.extract %slice3A_109[0] : f32 from vector<1xf32>
    %select_n3A_111 = arith.select %eq3A_108, %squeeze3A_110, %select_n3A_106 : f32
    %eq3A_112 = arith.constant 3 : i32
    %eq3A_113 = arith.cmpi eq, %select_n3A, %eq3A_112 : i32
    %slice3A_114 = vector.extract_strided_slice %get3A_99 {offsets = [3], sizes = [1], strides = [1]} : vector<16xf32> to vector<1xf32>
    %squeeze3A_115 = vector.extract %slice3A_114[0] : f32 from vector<1xf32>
    %select_n3A_116 = arith.select %eq3A_113, %squeeze3A_115, %select_n3A_111 : f32
    %eq3A_117 = arith.constant 4 : i32
    %eq3A_118 = arith.cmpi eq, %select_n3A, %eq3A_117 : i32
    %slice3A_119 = vector.extract_strided_slice %get3A_99 {offsets = [4], sizes = [1], strides = [1]} : vector<16xf32> to vector<1xf32>
    %squeeze3A_120 = vector.extract %slice3A_119[0] : f32 from vector<1xf32>
    %select_n3A_121 = arith.select %eq3A_118, %squeeze3A_120, %select_n3A_116 : f32
    %eq3A_122 = arith.constant 5 : i32
    %eq3A_123 = arith.cmpi eq, %select_n3A, %eq3A_122 : i32
    %slice3A_124 = vector.extract_strided_slice %get3A_99 {offsets = [5], sizes = [1], strides = [1]} : vector<16xf32> to vector<1xf32>
    %squeeze3A_125 = vector.extract %slice3A_124[0] : f32 from vector<1xf32>
    %select_n3A_126 = arith.select %eq3A_123, %squeeze3A_125, %select_n3A_121 : f32
    %eq3A_127 = arith.constant 6 : i32
    %eq3A_128 = arith.cmpi eq, %select_n3A, %eq3A_127 : i32
    %slice3A_129 = vector.extract_strided_slice %get3A_99 {offsets = [6], sizes = [1], strides = [1]} : vector<16xf32> to vector<1xf32>
    %squeeze3A_130 = vector.extract %slice3A_129[0] : f32 from vector<1xf32>
    %select_n3A_131 = arith.select %eq3A_128, %squeeze3A_130, %select_n3A_126 : f32
    %eq3A_132 = arith.constant 7 : i32
    %eq3A_133 = arith.cmpi eq, %select_n3A, %eq3A_132 : i32
    %slice3A_134 = vector.extract_strided_slice %get3A_99 {offsets = [7], sizes = [1], strides = [1]} : vector<16xf32> to vector<1xf32>
    %squeeze3A_135 = vector.extract %slice3A_134[0] : f32 from vector<1xf32>
    %select_n3A_136 = arith.select %eq3A_133, %squeeze3A_135, %select_n3A_131 : f32
    %eq3A_137 = arith.constant 8 : i32
    %eq3A_138 = arith.cmpi eq, %select_n3A, %eq3A_137 : i32
    %slice3A_139 = vector.extract_strided_slice %get3A_99 {offsets = [8], sizes = [1], strides = [1]} : vector<16xf32> to vector<1xf32>
    %squeeze3A_140 = vector.extract %slice3A_139[0] : f32 from vector<1xf32>
    %select_n3A_141 = arith.select %eq3A_138, %squeeze3A_140, %select_n3A_136 : f32
    %eq3A_142 = arith.constant 9 : i32
    %eq3A_143 = arith.cmpi eq, %select_n3A, %eq3A_142 : i32
    %slice3A_144 = vector.extract_strided_slice %get3A_99 {offsets = [9], sizes = [1], strides = [1]} : vector<16xf32> to vector<1xf32>
    %squeeze3A_145 = vector.extract %slice3A_144[0] : f32 from vector<1xf32>
    %select_n3A_146 = arith.select %eq3A_143, %squeeze3A_145, %select_n3A_141 : f32
    %eq3A_147 = arith.constant 10 : i32
    %eq3A_148 = arith.cmpi eq, %select_n3A, %eq3A_147 : i32
    %slice3A_149 = vector.extract_strided_slice %get3A_99 {offsets = [10], sizes = [1], strides = [1]} : vector<16xf32> to vector<1xf32>
    %squeeze3A_150 = vector.extract %slice3A_149[0] : f32 from vector<1xf32>
    %select_n3A_151 = arith.select %eq3A_148, %squeeze3A_150, %select_n3A_146 : f32
    %eq3A_152 = arith.constant 11 : i32
    %eq3A_153 = arith.cmpi eq, %select_n3A, %eq3A_152 : i32
    %slice3A_154 = vector.extract_strided_slice %get3A_99 {offsets = [11], sizes = [1], strides = [1]} : vector<16xf32> to vector<1xf32>
    %squeeze3A_155 = vector.extract %slice3A_154[0] : f32 from vector<1xf32>
    %select_n3A_156 = arith.select %eq3A_153, %squeeze3A_155, %select_n3A_151 : f32
    %eq3A_157 = arith.constant 12 : i32
    %eq3A_158 = arith.cmpi eq, %select_n3A, %eq3A_157 : i32
    %slice3A_159 = vector.extract_strided_slice %get3A_99 {offsets = [12], sizes = [1], strides = [1]} : vector<16xf32> to vector<1xf32>
    %squeeze3A_160 = vector.extract %slice3A_159[0] : f32 from vector<1xf32>
    %select_n3A_161 = arith.select %eq3A_158, %squeeze3A_160, %select_n3A_156 : f32
    %eq3A_162 = arith.constant 13 : i32
    %eq3A_163 = arith.cmpi eq, %select_n3A, %eq3A_162 : i32
    %slice3A_164 = vector.extract_strided_slice %get3A_99 {offsets = [13], sizes = [1], strides = [1]} : vector<16xf32> to vector<1xf32>
    %squeeze3A_165 = vector.extract %slice3A_164[0] : f32 from vector<1xf32>
    %select_n3A_166 = arith.select %eq3A_163, %squeeze3A_165, %select_n3A_161 : f32
    %eq3A_167 = arith.constant 14 : i32
    %eq3A_168 = arith.cmpi eq, %select_n3A, %eq3A_167 : i32
    %slice3A_169 = vector.extract_strided_slice %get3A_99 {offsets = [14], sizes = [1], strides = [1]} : vector<16xf32> to vector<1xf32>
    %squeeze3A_170 = vector.extract %slice3A_169[0] : f32 from vector<1xf32>
    %select_n3A_171 = arith.select %eq3A_168, %squeeze3A_170, %select_n3A_166 : f32
    %eq3A_172 = arith.constant 15 : i32
    %eq3A_173 = arith.cmpi eq, %select_n3A, %eq3A_172 : i32
    %slice3A_174 = vector.extract_strided_slice %get3A_99 {offsets = [15], sizes = [1], strides = [1]} : vector<16xf32> to vector<1xf32>
    %squeeze3A_175 = vector.extract %slice3A_174[0] : f32 from vector<1xf32>
    %select_n3A_176 = arith.select %eq3A_173, %squeeze3A_175, %select_n3A_171 : f32
    %dma_start3A = arith.constant 0 : i32
    %dma_start3A_177 = arith.constant 0 : i32
    %dma_start3A_178 = arith.constant 0 : i32
    %dma_start3A_179 = tpu.memref_slice %arg21[%dma_start3A_177, %dma_start3A_178] : memref<16x1024xf32, #tpu.memory_space<vmem>> -> memref<1x1024xf32, #tpu.memory_space<vmem>>
    %dma_start3A_180 = tpu.memref_squeeze %dma_start3A_179 : memref<1x1024xf32, #tpu.memory_space<vmem>> -> memref<1024xf32, #tpu.memory_space<vmem>>
    %dma_start3A_181 = arith.constant 0 : i32
    %dma_start3A_182 = tpu.memref_slice %arg5[%dma_start3A, %dma_start3A_181] : memref<704x1024xf32, #tpu.memory_space<hbm>> -> memref<1x1024xf32, #tpu.memory_space<hbm>>
    %dma_start3A_183 = tpu.memref_squeeze %dma_start3A_182 : memref<1x1024xf32, #tpu.memory_space<hbm>> -> memref<1024xf32, #tpu.memory_space<hbm>>
    %dma_start3A_184 = arith.constant 0 : i32
    %dma_start3A_185 = tpu.memref_slice %arg21[%dma_start3A_177, %dma_start3A_184] : memref<16x1024xf32, #tpu.memory_space<vmem>> -> memref<1x1024xf32, #tpu.memory_space<vmem>>
    %dma_start3A_186 = tpu.memref_squeeze %dma_start3A_185 : memref<1x1024xf32, #tpu.memory_space<vmem>> -> memref<1024xf32, #tpu.memory_space<vmem>>
    %dma_start3A_187 = arith.constant 0 : i32
    %dma_start3A_188 = tpu.memref_slice %arg5[%dma_start3A, %dma_start3A_187] : memref<704x1024xf32, #tpu.memory_space<hbm>> -> memref<1x1024xf32, #tpu.memory_space<hbm>>
    %dma_start3A_189 = tpu.memref_squeeze %dma_start3A_188 : memref<1x1024xf32, #tpu.memory_space<hbm>> -> memref<1024xf32, #tpu.memory_space<hbm>>
    tpu.enqueue_dma source(%dma_start3A_189 : memref<1024xf32, #tpu.memory_space<hbm>>) target(%dma_start3A_186 : memref<1024xf32, #tpu.memory_space<vmem>>) target_semaphore(%arg23 : memref<!tpu.dma_semaphore, #tpu.memory_space<semaphore_mem>>)
    %dma_wait3A = arith.constant 0 : i32
    %dma_wait3A_190 = arith.constant 0 : i32
    %dma_wait3A_191 = arith.constant 0 : i32
    %dma_wait3A_192 = tpu.memref_slice %arg21[%dma_wait3A_190, %dma_wait3A_191] : memref<16x1024xf32, #tpu.memory_space<vmem>> -> memref<1x1024xf32, #tpu.memory_space<vmem>>
    %dma_wait3A_193 = tpu.memref_squeeze %dma_wait3A_192 : memref<1x1024xf32, #tpu.memory_space<vmem>> -> memref<1024xf32, #tpu.memory_space<vmem>>
    %dma_wait3A_194 = arith.constant 0 : i32
    %dma_wait3A_195 = tpu.memref_slice %arg5[%dma_wait3A, %dma_wait3A_194] : memref<704x1024xf32, #tpu.memory_space<hbm>> -> memref<1x1024xf32, #tpu.memory_space<hbm>>
    %dma_wait3A_196 = tpu.memref_squeeze %dma_wait3A_195 : memref<1x1024xf32, #tpu.memory_space<hbm>> -> memref<1024xf32, #tpu.memory_space<hbm>>
    %dma_wait3A_197 = arith.constant 0 : i32
    %dma_wait3A_198 = tpu.memref_slice %arg21[%dma_wait3A_190, %dma_wait3A_197] : memref<16x1024xf32, #tpu.memory_space<vmem>> -> memref<1x1024xf32, #tpu.memory_space<vmem>>
    %dma_wait3A_199 = tpu.memref_squeeze %dma_wait3A_198 : memref<1x1024xf32, #tpu.memory_space<vmem>> -> memref<1024xf32, #tpu.memory_space<vmem>>
    %dma_wait3A_200 = arith.constant 0 : i32
    %dma_wait3A_201 = tpu.memref_slice %arg5[%dma_wait3A, %dma_wait3A_200] : memref<704x1024xf32, #tpu.memory_space<hbm>> -> memref<1x1024xf32, #tpu.memory_space<hbm>>
    %dma_wait3A_202 = tpu.memref_squeeze %dma_wait3A_201 : memref<1x1024xf32, #tpu.memory_space<hbm>> -> memref<1024xf32, #tpu.memory_space<hbm>>
    tpu.wait_dma2 semaphore(%arg23 : memref<!tpu.dma_semaphore, #tpu.memory_space<semaphore_mem>>) src(%dma_wait3A_202 : memref<1024xf32, #tpu.memory_space<hbm>>) dst(%dma_wait3A_199 : memref<1024xf32, #tpu.memory_space<vmem>>)
    %dma_start3A_203 = arith.constant 0 : i32
    %dma_start3A_204 = arith.constant 1 : i32
    %dma_start3A_205 = arith.constant 0 : i32
    %dma_start3A_206 = tpu.memref_slice %arg21[%dma_start3A_204, %dma_start3A_205] : memref<16x1024xf32, #tpu.memory_space<vmem>> -> memref<1x1024xf32, #tpu.memory_space<vmem>>
    %dma_start3A_207 = tpu.memref_squeeze %dma_start3A_206 : memref<1x1024xf32, #tpu.memory_space<vmem>> -> memref<1024xf32, #tpu.memory_space<vmem>>
    %dma_start3A_208 = arith.constant 0 : i32
    %dma_start3A_209 = tpu.memref_slice %arg6[%dma_start3A_203, %dma_start3A_208] : memref<2048x1024xf32, #tpu.memory_space<hbm>> -> memref<1x1024xf32, #tpu.memory_space<hbm>>
    %dma_start3A_210 = tpu.memref_squeeze %dma_start3A_209 : memref<1x1024xf32, #tpu.memory_space<hbm>> -> memref<1024xf32, #tpu.memory_space<hbm>>
    %dma_start3A_211 = arith.constant 0 : i32
    %dma_start3A_212 = tpu.memref_slice %arg21[%dma_start3A_204, %dma_start3A_211] : memref<16x1024xf32, #tpu.memory_space<vmem>> -> memref<1x1024xf32, #tpu.memory_space<vmem>>
    %dma_start3A_213 = tpu.memref_squeeze %dma_start3A_212 : memref<1x1024xf32, #tpu.memory_space<vmem>> -> memref<1024xf32, #tpu.memory_space<vmem>>
    %dma_start3A_214 = arith.constant 0 : i32
    %dma_start3A_215 = tpu.memref_slice %arg6[%dma_start3A_203, %dma_start3A_214] : memref<2048x1024xf32, #tpu.memory_space<hbm>> -> memref<1x1024xf32, #tpu.memory_space<hbm>>
    %dma_start3A_216 = tpu.memref_squeeze %dma_start3A_215 : memref<1x1024xf32, #tpu.memory_space<hbm>> -> memref<1024xf32, #tpu.memory_space<hbm>>
    tpu.enqueue_dma source(%dma_start3A_216 : memref<1024xf32, #tpu.memory_space<hbm>>) target(%dma_start3A_213 : memref<1024xf32, #tpu.memory_space<vmem>>) target_semaphore(%arg23 : memref<!tpu.dma_semaphore, #tpu.memory_space<semaphore_mem>>)
    %dma_wait3A_217 = arith.constant 0 : i32
    %dma_wait3A_218 = arith.constant 1 : i32
    %dma_wait3A_219 = arith.constant 0 : i32
    %dma_wait3A_220 = tpu.memref_slice %arg21[%dma_wait3A_218, %dma_wait3A_219] : memref<16x1024xf32, #tpu.memory_space<vmem>> -> memref<1x1024xf32, #tpu.memory_space<vmem>>
    %dma_wait3A_221 = tpu.memref_squeeze %dma_wait3A_220 : memref<1x1024xf32, #tpu.memory_space<vmem>> -> memref<1024xf32, #tpu.memory_space<vmem>>
    %dma_wait3A_222 = arith.constant 0 : i32
    %dma_wait3A_223 = tpu.memref_slice %arg6[%dma_wait3A_217, %dma_wait3A_222] : memref<2048x1024xf32, #tpu.memory_space<hbm>> -> memref<1x1024xf32, #tpu.memory_space<hbm>>
    %dma_wait3A_224 = tpu.memref_squeeze %dma_wait3A_223 : memref<1x1024xf32, #tpu.memory_space<hbm>> -> memref<1024xf32, #tpu.memory_space<hbm>>
    %dma_wait3A_225 = arith.constant 0 : i32
    %dma_wait3A_226 = tpu.memref_slice %arg21[%dma_wait3A_218, %dma_wait3A_225] : memref<16x1024xf32, #tpu.memory_space<vmem>> -> memref<1x1024xf32, #tpu.memory_space<vmem>>
    %dma_wait3A_227 = tpu.memref_squeeze %dma_wait3A_226 : memref<1x1024xf32, #tpu.memory_space<vmem>> -> memref<1024xf32, #tpu.memory_space<vmem>>
    %dma_wait3A_228 = arith.constant 0 : i32
    %dma_wait3A_229 = tpu.memref_slice %arg6[%dma_wait3A_217, %dma_wait3A_228] : memref<2048x1024xf32, #tpu.memory_space<hbm>> -> memref<1x1024xf32, #tpu.memory_space<hbm>>
    %dma_wait3A_230 = tpu.memref_squeeze %dma_wait3A_229 : memref<1x1024xf32, #tpu.memory_space<hbm>> -> memref<1024xf32, #tpu.memory_space<hbm>>
    tpu.wait_dma2 semaphore(%arg23 : memref<!tpu.dma_semaphore, #tpu.memory_space<semaphore_mem>>) src(%dma_wait3A_230 : memref<1024xf32, #tpu.memory_space<hbm>>) dst(%dma_wait3A_227 : memref<1024xf32, #tpu.memory_space<vmem>>)
    %dma_start3A_231 = arith.constant 0 : i32
    %dma_start3A_232 = arith.constant 2 : i32
    %dma_start3A_233 = arith.constant 0 : i32
    %dma_start3A_234 = tpu.memref_slice %arg21[%dma_start3A_232, %dma_start3A_233] : memref<16x1024xf32, #tpu.memory_space<vmem>> -> memref<1x1024xf32, #tpu.memory_space<vmem>>
    %dma_start3A_235 = tpu.memref_squeeze %dma_start3A_234 : memref<1x1024xf32, #tpu.memory_space<vmem>> -> memref<1024xf32, #tpu.memory_space<vmem>>
    %dma_start3A_236 = arith.constant 0 : i32
    %dma_start3A_237 = tpu.memref_slice %arg7[%dma_start3A_231, %dma_start3A_236] : memref<8194x1024xf32, #tpu.memory_space<hbm>> -> memref<1x1024xf32, #tpu.memory_space<hbm>>
    %dma_start3A_238 = tpu.memref_squeeze %dma_start3A_237 : memref<1x1024xf32, #tpu.memory_space<hbm>> -> memref<1024xf32, #tpu.memory_space<hbm>>
    %dma_start3A_239 = arith.constant 0 : i32
    %dma_start3A_240 = tpu.memref_slice %arg21[%dma_start3A_232, %dma_start3A_239] : memref<16x1024xf32, #tpu.memory_space<vmem>> -> memref<1x1024xf32, #tpu.memory_space<vmem>>
    %dma_start3A_241 = tpu.memref_squeeze %dma_start3A_240 : memref<1x1024xf32, #tpu.memory_space<vmem>> -> memref<1024xf32, #tpu.memory_space<vmem>>
    %dma_start3A_242 = arith.constant 0 : i32
    %dma_start3A_243 = tpu.memref_slice %arg7[%dma_start3A_231, %dma_start3A_242] : memref<8194x1024xf32, #tpu.memory_space<hbm>> -> memref<1x1024xf32, #tpu.memory_space<hbm>>
    %dma_start3A_244 = tpu.memref_squeeze %dma_start3A_243 : memref<1x1024xf32, #tpu.memory_space<hbm>> -> memref<1024xf32, #tpu.memory_space<hbm>>
    tpu.enqueue_dma source(%dma_start3A_244 : memref<1024xf32, #tpu.memory_space<hbm>>) target(%dma_start3A_241 : memref<1024xf32, #tpu.memory_space<vmem>>) target_semaphore(%arg23 : memref<!tpu.dma_semaphore, #tpu.memory_space<semaphore_mem>>)
    %dma_wait3A_245 = arith.constant 0 : i32
    %dma_wait3A_246 = arith.constant 2 : i32
    %dma_wait3A_247 = arith.constant 0 : i32
    %dma_wait3A_248 = tpu.memref_slice %arg21[%dma_wait3A_246, %dma_wait3A_247] : memref<16x1024xf32, #tpu.memory_space<vmem>> -> memref<1x1024xf32, #tpu.memory_space<vmem>>
    %dma_wait3A_249 = tpu.memref_squeeze %dma_wait3A_248 : memref<1x1024xf32, #tpu.memory_space<vmem>> -> memref<1024xf32, #tpu.memory_space<vmem>>
    %dma_wait3A_250 = arith.constant 0 : i32
    %dma_wait3A_251 = tpu.memref_slice %arg7[%dma_wait3A_245, %dma_wait3A_250] : memref<8194x1024xf32, #tpu.memory_space<hbm>> -> memref<1x1024xf32, #tpu.memory_space<hbm>>
    %dma_wait3A_252 = tpu.memref_squeeze %dma_wait3A_251 : memref<1x1024xf32, #tpu.memory_space<hbm>> -> memref<1024xf32, #tpu.memory_space<hbm>>
    %dma_wait3A_253 = arith.constant 0 : i32
    %dma_wait3A_254 = tpu.memref_slice %arg21[%dma_wait3A_246, %dma_wait3A_253] : memref<16x1024xf32, #tpu.memory_space<vmem>> -> memref<1x1024xf32, #tpu.memory_space<vmem>>
    %dma_wait3A_255 = tpu.memref_squeeze %dma_wait3A_254 : memref<1x1024xf32, #tpu.memory_space<vmem>> -> memref<1024xf32, #tpu.memory_space<vmem>>
    %dma_wait3A_256 = arith.constant 0 : i32
    %dma_wait3A_257 = tpu.memref_slice %arg7[%dma_wait3A_245, %dma_wait3A_256] : memref<8194x1024xf32, #tpu.memory_space<hbm>> -> memref<1x1024xf32, #tpu.memory_space<hbm>>
    %dma_wait3A_258 = tpu.memref_squeeze %dma_wait3A_257 : memref<1x1024xf32, #tpu.memory_space<hbm>> -> memref<1024xf32, #tpu.memory_space<hbm>>
    tpu.wait_dma2 semaphore(%arg23 : memref<!tpu.dma_semaphore, #tpu.memory_space<semaphore_mem>>) src(%dma_wait3A_258 : memref<1024xf32, #tpu.memory_space<hbm>>) dst(%dma_wait3A_255 : memref<1024xf32, #tpu.memory_space<vmem>>)
    %dma_start3A_259 = arith.constant 0 : i32
    %dma_start3A_260 = arith.constant 3 : i32
    %dma_start3A_261 = arith.constant 0 : i32
    %dma_start3A_262 = tpu.memref_slice %arg21[%dma_start3A_260, %dma_start3A_261] : memref<16x1024xf32, #tpu.memory_space<vmem>> -> memref<1x1024xf32, #tpu.memory_space<vmem>>
    %dma_start3A_263 = tpu.memref_squeeze %dma_start3A_262 : memref<1x1024xf32, #tpu.memory_space<vmem>> -> memref<1024xf32, #tpu.memory_space<vmem>>
    %dma_start3A_264 = arith.constant 0 : i32
    %dma_start3A_265 = tpu.memref_slice %arg8[%dma_start3A_259, %dma_start3A_264] : memref<4096x1024xf32, #tpu.memory_space<hbm>> -> memref<1x1024xf32, #tpu.memory_space<hbm>>
    %dma_start3A_266 = tpu.memref_squeeze %dma_start3A_265 : memref<1x1024xf32, #tpu.memory_space<hbm>> -> memref<1024xf32, #tpu.memory_space<hbm>>
    %dma_start3A_267 = arith.constant 0 : i32
    %dma_start3A_268 = tpu.memref_slice %arg21[%dma_start3A_260, %dma_start3A_267] : memref<16x1024xf32, #tpu.memory_space<vmem>> -> memref<1x1024xf32, #tpu.memory_space<vmem>>
    %dma_start3A_269 = tpu.memref_squeeze %dma_start3A_268 : memref<1x1024xf32, #tpu.memory_space<vmem>> -> memref<1024xf32, #tpu.memory_space<vmem>>
    %dma_start3A_270 = arith.constant 0 : i32
    %dma_start3A_271 = tpu.memref_slice %arg8[%dma_start3A_259, %dma_start3A_270] : memref<4096x1024xf32, #tpu.memory_space<hbm>> -> memref<1x1024xf32, #tpu.memory_space<hbm>>
    %dma_start3A_272 = tpu.memref_squeeze %dma_start3A_271 : memref<1x1024xf32, #tpu.memory_space<hbm>> -> memref<1024xf32, #tpu.memory_space<hbm>>
    tpu.enqueue_dma source(%dma_start3A_272 : memref<1024xf32, #tpu.memory_space<hbm>>) target(%dma_start3A_269 : memref<1024xf32, #tpu.memory_space<vmem>>) target_semaphore(%arg23 : memref<!tpu.dma_semaphore, #tpu.memory_space<semaphore_mem>>)
    %dma_wait3A_273 = arith.constant 0 : i32
    %dma_wait3A_274 = arith.constant 3 : i32
    %dma_wait3A_275 = arith.constant 0 : i32
    %dma_wait3A_276 = tpu.memref_slice %arg21[%dma_wait3A_274, %dma_wait3A_275] : memref<16x1024xf32, #tpu.memory_space<vmem>> -> memref<1x1024xf32, #tpu.memory_space<vmem>>
    %dma_wait3A_277 = tpu.memref_squeeze %dma_wait3A_276 : memref<1x1024xf32, #tpu.memory_space<vmem>> -> memref<1024xf32, #tpu.memory_space<vmem>>
    %dma_wait3A_278 = arith.constant 0 : i32
    %dma_wait3A_279 = tpu.memref_slice %arg8[%dma_wait3A_273, %dma_wait3A_278] : memref<4096x1024xf32, #tpu.memory_space<hbm>> -> memref<1x1024xf32, #tpu.memory_space<hbm>>
    %dma_wait3A_280 = tpu.memref_squeeze %dma_wait3A_279 : memref<1x1024xf32, #tpu.memory_space<hbm>> -> memref<1024xf32, #tpu.memory_space<hbm>>
    %dma_wait3A_281 = arith.constant 0 : i32
    %dma_wait3A_282 = tpu.memref_slice %arg21[%dma_wait3A_274, %dma_wait3A_281] : memref<16x1024xf32, #tpu.memory_space<vmem>> -> memref<1x1024xf32, #tpu.memory_space<vmem>>
    %dma_wait3A_283 = tpu.memref_squeeze %dma_wait3A_282 : memref<1x1024xf32, #tpu.memory_space<vmem>> -> memref<1024xf32, #tpu.memory_space<vmem>>
    %dma_wait3A_284 = arith.constant 0 : i32
    %dma_wait3A_285 = tpu.memref_slice %arg8[%dma_wait3A_273, %dma_wait3A_284] : memref<4096x1024xf32, #tpu.memory_space<hbm>> -> memref<1x1024xf32, #tpu.memory_space<hbm>>
    %dma_wait3A_286 = tpu.memref_squeeze %dma_wait3A_285 : memref<1x1024xf32, #tpu.memory_space<hbm>> -> memref<1024xf32, #tpu.memory_space<hbm>>
    tpu.wait_dma2 semaphore(%arg23 : memref<!tpu.dma_semaphore, #tpu.memory_space<semaphore_mem>>) src(%dma_wait3A_286 : memref<1024xf32, #tpu.memory_space<hbm>>) dst(%dma_wait3A_283 : memref<1024xf32, #tpu.memory_space<vmem>>)
    %scan3A_287 = arith.constant 0 : i32
    %scan3A_288 = arith.constant 0 : i32
    %scan3A_289 = arith.constant 64 : i32
    %scan3A_290 = arith.addi %scan3A_288, %scan3A_289 : i32
    %scan3A_291 = arith.constant 1 : i32
    %scan3A_292 = scf.for %scan3A_310 = %scan3A_288 to %scan3A_290 step %scan3A_291 iter_args(%scan3A_311 = %scan3A_287) -> (i32)  : i32 {
      %mul3A_312 = arith.constant 16 : i32
      %mul3A_313 = arith.muli %scan3A_310, %mul3A_312 : i32
      %get3A_314 = arith.constant 0 : i32
      %get3A_315 = arith.index_cast %get3A_314 : i32 to index
      %get3A_316 = arith.index_cast %mul3A_313 : i32 to index
      %get3A_317 = tpu.vector_load %arg19[%get3A_315, %get3A_316] {strides = array<i32>} : memref<16x1024xf32, #tpu.memory_space<vmem>>, vector<1x16xf32>,
      %get3A_318 = vector.shape_cast %get3A_317 : vector<1x16xf32> to vector<16xf32>
      %mul3A_319 = vector.broadcast %select_n3A_176 : f32 to vector<16xf32>
      %mul3A_320 = arith.mulf %get3A_318, %mul3A_319 : vector<16xf32>
      %get3A_321 = arith.constant 0 : i32
      %get3A_322 = arith.index_cast %get3A_321 : i32 to index
      %get3A_323 = arith.index_cast %mul3A_313 : i32 to index
      %get3A_324 = tpu.vector_load %arg20[%get3A_322, %get3A_323] {strides = array<i32>} : memref<16x1024xf32, #tpu.memory_space<vmem>>, vector<1x16xf32>,
      %get3A_325 = vector.shape_cast %get3A_324 : vector<1x16xf32> to vector<16xf32>
      %add3A_326 = arith.addf %mul3A_320, %get3A_325 : vector<16xf32>
      %broadcast_in_dim3A_327 = arith.constant 0.000000e+00 : f32
      %broadcast_in_dim3A_328 = vector.broadcast %broadcast_in_dim3A_327 : f32 to vector<16xf32>
      %swap3A = arith.constant 0 : i32
      %swap3A_329 = arith.index_cast %swap3A : i32 to index
      %swap3A_330 = arith.index_cast %mul3A_313 : i32 to index
      %swap3A_331 = tpu.vector_load %arg18[%swap3A_329, %swap3A_330] {strides = array<i32>} : memref<4x1024xf32, #tpu.memory_space<vmem>>, vector<1x16xf32>,
      %swap3A_332 = vector.shape_cast %swap3A_331 : vector<1x16xf32> to vector<16xf32>
      %swap3A_333 = vector.shape_cast %broadcast_in_dim3A_328 : vector<16xf32> to vector<1x16xf32>
      tpu.vector_store %arg18[%swap3A_329, %swap3A_330], %swap3A_333 {strides = array<i32>} : memref<4x1024xf32, #tpu.memory_space<vmem>>, vector<1x16xf32>,
      %broadcast_in_dim3A_334 = arith.constant 0.000000e+00 : f32
      %broadcast_in_dim3A_335 = vector.broadcast %broadcast_in_dim3A_334 : f32 to vector<16xf32>
      %swap3A_336 = arith.constant 1 : i32
      %swap3A_337 = arith.index_cast %swap3A_336 : i32 to index
      %swap3A_338 = arith.index_cast %mul3A_313 : i32 to index
      %swap3A_339 = tpu.vector_load %arg18[%swap3A_337, %swap3A_338] {strides = array<i32>} : memref<4x1024xf32, #tpu.memory_space<vmem>>, vector<1x16xf32>,
      %swap3A_340 = vector.shape_cast %swap3A_339 : vector<1x16xf32> to vector<16xf32>
      %swap3A_341 = vector.shape_cast %broadcast_in_dim3A_335 : vector<16xf32> to vector<1x16xf32>
      tpu.vector_store %arg18[%swap3A_337, %swap3A_338], %swap3A_341 {strides = array<i32>} : memref<4x1024xf32, #tpu.memory_space<vmem>>, vector<1x16xf32>,
      %get3A_342 = arith.constant 0 : i32
      %get3A_343 = arith.index_cast %get3A_342 : i32 to index
      %get3A_344 = arith.index_cast %mul3A_313 : i32 to index
      %get3A_345 = tpu.vector_load %arg21[%get3A_343, %get3A_344] {strides = array<i32>} : memref<16x1024xf32, #tpu.memory_space<vmem>>, vector<1x16xf32>,
      %get3A_346 = vector.shape_cast %get3A_345 : vector<1x16xf32> to vector<16xf32>
      %sub3A_347 = arith.subf %add3A_326, %get3A_346 : vector<16xf32>
      %get3A_348 = arith.constant 1 : i32
      %get3A_349 = arith.index_cast %get3A_348 : i32 to index
      %get3A_350 = arith.index_cast %mul3A_313 : i32 to index
      %get3A_351 = tpu.vector_load %arg21[%get3A_349, %get3A_350] {strides = array<i32>} : memref<16x1024xf32, #tpu.memory_space<vmem>>, vector<1x16xf32>,
      %get3A_352 = vector.shape_cast %get3A_351 : vector<1x16xf32> to vector<16xf32>
      %sub3A_353 = arith.subf %sub3A_347, %get3A_352 : vector<16xf32>
      %swap3A_354 = arith.constant 2 : i32
      %swap3A_355 = arith.index_cast %swap3A_354 : i32 to index
      %swap3A_356 = arith.index_cast %mul3A_313 : i32 to index
      %swap3A_357 = tpu.vector_load %arg18[%swap3A_355, %swap3A_356] {strides = array<i32>} : memref<4x1024xf32, #tpu.memory_space<vmem>>, vector<1x16xf32>,
      %swap3A_358 = vector.shape_cast %swap3A_357 : vector<1x16xf32> to vector<16xf32>
      %swap3A_359 = vector.shape_cast %sub3A_353 : vector<16xf32> to vector<1x16xf32>
      tpu.vector_store %arg18[%swap3A_355, %swap3A_356], %swap3A_359 {strides = array<i32>} : memref<4x1024xf32, #tpu.memory_space<vmem>>, vector<1x16xf32>,
      %get3A_360 = arith.constant 2 : i32
      %get3A_361 = arith.index_cast %get3A_360 : i32 to index
      %get3A_362 = arith.index_cast %mul3A_313 : i32 to index
      %get3A_363 = tpu.vector_load %arg21[%get3A_361, %get3A_362] {strides = array<i32>} : memref<16x1024xf32, #tpu.memory_space<vmem>>, vector<1x16xf32>,
      %get3A_364 = vector.shape_cast %get3A_363 : vector<1x16xf32> to vector<16xf32>
      %sub3A_365 = arith.subf %add3A_326, %get3A_364 : vector<16xf32>
      %get3A_366 = arith.constant 3 : i32
      %get3A_367 = arith.index_cast %get3A_366 : i32 to index
      %get3A_368 = arith.index_cast %mul3A_313 : i32 to index
      %get3A_369 = tpu.vector_load %arg21[%get3A_367, %get3A_368] {strides = array<i32>} : memref<16x1024xf32, #tpu.memory_space<vmem>>, vector<1x16xf32>,
      %get3A_370 = vector.shape_cast %get3A_369 : vector<1x16xf32> to vector<16xf32>
      %sub3A_371 = arith.subf %sub3A_365, %get3A_370 : vector<16xf32>
      %swap3A_372 = arith.constant 3 : i32
      %swap3A_373 = arith.index_cast %swap3A_372 : i32 to index
      %swap3A_374 = arith.index_cast %mul3A_313 : i32 to index
      %swap3A_375 = tpu.vector_load %arg18[%swap3A_373, %swap3A_374] {strides = array<i32>} : memref<4x1024xf32, #tpu.memory_space<vmem>>, vector<1x16xf32>,
      %swap3A_376 = vector.shape_cast %swap3A_375 : vector<1x16xf32> to vector<16xf32>
      %swap3A_377 = vector.shape_cast %sub3A_371 : vector<16xf32> to vector<1x16xf32>
      tpu.vector_store %arg18[%swap3A_373, %swap3A_374], %swap3A_377 {strides = array<i32>} : memref<4x1024xf32, #tpu.memory_space<vmem>>, vector<1x16xf32>,
      %scan3A_378 = arith.constant 0 : i32
      scf.yield %scan3A_378 : i32
    }
    %scan3A_293 = arith.constant 64 : i32
    %mul3A_294 = arith.constant 4 : i32
    %mul3A_295 = arith.muli %mul3A_294, %add3A : i32
    "tpu.region"() ({
      %run_scoped3A_310 = tpu.sem_alloc : memref<!tpu.dma_semaphore, #tpu.memory_space<semaphore_mem>>
      %dma_start3A_311 = arith.constant 0 : i32
      %dma_start3A_312 = tpu.memref_slice %arg12[%mul3A_295, %dma_start3A_311] : memref<128x1024xf32, #tpu.memory_space<hbm>> -> memref<4x1024xf32, #tpu.memory_space<hbm>>
      %dma_start3A_313 = arith.constant 0 : i32
      %dma_start3A_314 = tpu.memref_slice %arg12[%mul3A_295, %dma_start3A_313] : memref<128x1024xf32, #tpu.memory_space<hbm>> -> memref<4x1024xf32, #tpu.memory_space<hbm>>
      tpu.enqueue_dma source(%arg18 : memref<4x1024xf32, #tpu.memory_space<vmem>>) target(%dma_start3A_314 : memref<4x1024xf32, #tpu.memory_space<hbm>>) target_semaphore(%run_scoped3A_310 : memref<!tpu.dma_semaphore, #tpu.memory_space<semaphore_mem>>)
      %dma_wait3A_315 = arith.constant 0 : i32
      %dma_wait3A_316 = tpu.memref_slice %arg12[%mul3A_295, %dma_wait3A_315] : memref<128x1024xf32, #tpu.memory_space<hbm>> -> memref<4x1024xf32, #tpu.memory_space<hbm>>
      %dma_wait3A_317 = arith.constant 0 : i32
      %dma_wait3A_318 = tpu.memref_slice %arg12[%mul3A_295, %dma_wait3A_317] : memref<128x1024xf32, #tpu.memory_space<hbm>> -> memref<4x1024xf32, #tpu.memory_space<hbm>>
      tpu.wait_dma2 semaphore(%run_scoped3A_310 : memref<!tpu.dma_semaphore, #tpu.memory_space<semaphore_mem>>) src(%arg18 : memref<4x1024xf32, #tpu.memory_space<vmem>>) dst(%dma_wait3A_318 : memref<4x1024xf32, #tpu.memory_space<hbm>>)
      tpu.yield
    }) : () -> ()
    %scan3A_296 = arith.constant 0 : i32
    %scan3A_297 = arith.constant 0 : i32
    %scan3A_298 = arith.constant 32 : i32
    %scan3A_299 = arith.addi %scan3A_297, %scan3A_298 : i32
    %scan3A_300 = arith.constant 1 : i32
    %scan3A_301 = scf.for %scan3A_310 = %scan3A_297 to %scan3A_299 step %scan3A_300 iter_args(%scan3A_311 = %scan3A_296) -> (i32)  : i32 {
      %mul3A_312 = arith.constant 16 : i32
      %mul3A_313 = arith.muli %scan3A_310, %mul3A_312 : i32
      %mul3A_314 = arith.constant 16 : i32
      %mul3A_315 = arith.muli %scan3A_310, %mul3A_314 : i32
      %add3A_316 = arith.addi %mul3A_32, %mul3A_315 : i32
      %get3A_317 = arith.index_cast %add3A_316 : i32 to index
      %get3A_318 = tpu.vector_load %arg13[%get3A_317] {strides = array<i32>} : memref<1024xi32, #tpu.memory_space<vmem>>, vector<16xi32>,
      %get3A_319 = vector.shape_cast %get3A_318 : vector<16xi32> to vector<16xi32>
      %get3A_320 = arith.index_cast %mul3A_313 : i32 to index
      %get3A_321 = tpu.vector_load %arg14[%get3A_320] {strides = array<i32>} : memref<512xi32, #tpu.memory_space<vmem>>, vector<16xi32>,
      %get3A_322 = vector.shape_cast %get3A_321 : vector<16xi32> to vector<16xi32>
      %eq3A_323 = arith.constant 2 : i32
      %eq3A_324 = vector.broadcast %eq3A_323 : i32 to vector<16xi32>
      %eq3A_325 = arith.cmpi eq, %get3A_319, %eq3A_324 : vector<16xi32>
      %jit3A_326 = arith.constant 0 : i32
      %broadcast_in_dim3A_327 = vector.broadcast %jit3A_326 : i32 to vector<16xi32>
      %select_n3A_328 = arith.select %eq3A_325, %broadcast_in_dim3A_327, %get3A_319 : vector<16xi1>, vector<16xi32>
      %swap3A = arith.index_cast %mul3A_313 : i32 to index
      %swap3A_329 = tpu.vector_load %arg15[%swap3A] {strides = array<i32>} : memref<512xi32, #tpu.memory_space<vmem>>, vector<16xi32>,
      %swap3A_330 = vector.shape_cast %swap3A_329 : vector<16xi32> to vector<16xi32>
      %swap3A_331 = vector.shape_cast %select_n3A_328 : vector<16xi32> to vector<16xi32>
      tpu.vector_store %arg15[%swap3A], %swap3A_331 {strides = array<i32>} : memref<512xi32, #tpu.memory_space<vmem>>, vector<16xi32>,
      %jit3A_332 = arith.constant 0 : i32
      %broadcast_in_dim3A_333 = vector.broadcast %jit3A_332 : i32 to vector<16xi32>
      %select_n3A_334 = arith.select %eq3A_325, %broadcast_in_dim3A_333, %get3A_322 : vector<16xi1>, vector<16xi32>
      %swap3A_335 = arith.index_cast %mul3A_313 : i32 to index
      %swap3A_336 = tpu.vector_load %arg16[%swap3A_335] {strides = array<i32>} : memref<512xi32, #tpu.memory_space<vmem>>, vector<16xi32>,
      %swap3A_337 = vector.shape_cast %swap3A_336 : vector<16xi32> to vector<16xi32>
      %swap3A_338 = vector.shape_cast %select_n3A_334 : vector<16xi32> to vector<16xi32>
      tpu.vector_store %arg16[%swap3A_335], %swap3A_338 {strides = array<i32>} : memref<512xi32, #tpu.memory_space<vmem>>, vector<16xi32>,
      %scan3A_339 = arith.constant 0 : i32
      scf.yield %scan3A_339 : i32
    }
    %scan3A_302 = arith.constant 32 : i32
    %scan3A_303 = arith.constant 0 : i32
    %scan3A_304 = arith.constant 0 : i32
    %scan3A_305 = arith.constant 32 : i32
    %scan3A_306 = arith.addi %scan3A_304, %scan3A_305 : i32
    %scan3A_307 = arith.constant 1 : i32
    %scan3A_308 = scf.for %scan3A_310 = %scan3A_304 to %scan3A_306 step %scan3A_307 iter_args(%scan3A_311 = %scan3A_303) -> (i32)  : i32 {
      %mul3A_312 = arith.constant 16 : i32
      %mul3A_313 = arith.muli %scan3A_310, %mul3A_312 : i32
      %add3A_314 = arith.constant 16 : i32
      %add3A_315 = arith.addi %mul3A_313, %add3A_314 : i32
      %le3A = arith.cmpi sle, %add3A_315, %min3A_97 : i32
      %ge3A = arith.cmpi sge, %mul3A_313, %min3A_97 : i32
      %or3A = arith.ori %le3A, %ge3A : i1
      %not3A = arith.constant true
      %not3A_316 = arith.xori %or3A, %not3A : i1
      %add3A_317 = arith.addi %mul3A_32, %mul3A_313 : i32
      %get3A_318 = arith.index_cast %add3A_317 : i32 to index
      %get3A_319 = tpu.vector_load %arg13[%get3A_318] {strides = array<i32>} : memref<1024xi32, #tpu.memory_space<vmem>>, vector<16xi32>,
      %get3A_320 = vector.shape_cast %get3A_319 : vector<16xi32> to vector<16xi32>
      %eq3A_321 = arith.constant 2 : i32
      %eq3A_322 = vector.broadcast %eq3A_321 : i32 to vector<16xi32>
      %eq3A_323 = arith.cmpi eq, %get3A_320, %eq3A_322 : vector<16xi32>
      %add3A_324 = vector.broadcast %mul3A_313 : i32 to vector<16xi32>
      %add3A_325 = arith.addi %add3A_324, %iota3A : vector<16xi32>
      %lt3A_326 = vector.broadcast %min3A_97 : i32 to vector<16xi32>
      %lt3A_327 = arith.cmpi slt, %add3A_325, %lt3A_326 : vector<16xi32>
      %mul3A_328 = arith.constant 4 : i32
      %mul3A_329 = arith.muli %mul3A_328, %add3A : i32
      %jit3A_330 = arith.constant 0 : i32
      %jit3A_331 = arith.constant 1 : i32
      %broadcast_in_dim3A_332 = vector.broadcast %jit3A_330 : i32 to vector<16xi32>
      %broadcast_in_dim3A_333 = vector.broadcast %jit3A_331 : i32 to vector<16xi32>
      %select_n3A_334 = arith.select %lt3A_327, %broadcast_in_dim3A_332, %broadcast_in_dim3A_333 : vector<16xi1>, vector<16xi32>
      %add3A_335 = vector.broadcast %mul3A_329 : i32 to vector<16xi32>
      %add3A_336 = arith.addi %add3A_335, %select_n3A_334 : vector<16xi32>
      %jit3A_337 = arith.constant 2 : i32
      %jit3A_338 = arith.constant 0 : i32
      %broadcast_in_dim3A_339 = vector.broadcast %jit3A_337 : i32 to vector<16xi32>
      %broadcast_in_dim3A_340 = vector.broadcast %jit3A_338 : i32 to vector<16xi32>
      %select_n3A_341 = arith.select %eq3A_323, %broadcast_in_dim3A_339, %broadcast_in_dim3A_340 : vector<16xi1>, vector<16xi32>
      %add3A_342 = arith.addi %add3A_336, %select_n3A_341 : vector<16xi32>
      %dma_start3A_343 = arith.constant 0 : i32
      %dma_start3A_344 = arith.constant 0 : i32
      %dma_start3A_345 = tpu.memref_slice %arg12[%dma_start3A_343, %dma_start3A_344] : memref<128x1024xf32, #tpu.memory_space<hbm>> -> memref<128x1024xf32, #tpu.memory_space<hbm>>
      tpu.enqueue_indirect_dma source(%dma_start3A_345 : memref<128x1024xf32, #tpu.memory_space<hbm>>) target(%arg21 : memref<16x1024xf32, #tpu.memory_space<vmem>>) offsets(%add3A_342 : vector<16xi32>) semaphore(%arg23 : memref<!tpu.dma_semaphore, #tpu.memory_space<semaphore_mem>>)
      %dma_wait3A_346 = arith.constant 0 : i32
      %dma_wait3A_347 = arith.constant 0 : i32
      %dma_wait3A_348 = tpu.memref_slice %arg12[%dma_wait3A_346, %dma_wait3A_347] : memref<128x1024xf32, #tpu.memory_space<hbm>> -> memref<128x1024xf32, #tpu.memory_space<hbm>>
      tpu.wait_indirect_dma semaphore(%arg23 : memref<!tpu.dma_semaphore, #tpu.memory_space<semaphore_mem>>) src(%dma_wait3A_348 : memref<128x1024xf32, #tpu.memory_space<hbm>>) dst(%arg21 : memref<16x1024xf32, #tpu.memory_space<vmem>>)
      %convert_element_type3A = arith.extui %le3A : i1 to i32
      %cond3A = arith.constant 0 : i32
      %cond3A_349 = arith.cmpi ne, %convert_element_type3A, %cond3A : i32
      scf.if %cond3A_349 {
        %get3A_366 = arith.index_cast %mul3A_313 : i32 to index
        %get3A_367 = tpu.vector_load %arg15[%get3A_366] {strides = array<i32>} : memref<512xi32, #tpu.memory_space<vmem>>, vector<16xi32>,
        %get3A_368 = vector.shape_cast %get3A_367 : vector<16xi32> to vector<16xi32>
        %get3A_369 = arith.index_cast %mul3A_313 : i32 to index
        %get3A_370 = tpu.vector_load %arg16[%get3A_369] {strides = array<i32>} : memref<512xi32, #tpu.memory_space<vmem>>, vector<16xi32>,
        %get3A_371 = vector.shape_cast %get3A_370 : vector<16xi32> to vector<16xi32>
        %dma_start3A_372 = arith.constant 0 : i32
        %dma_start3A_373 = arith.constant 0 : i32
        %dma_start3A_374 = tpu.memref_slice %arg5[%dma_start3A_372, %dma_start3A_373] : memref<704x1024xf32, #tpu.memory_space<hbm>> -> memref<704x1024xf32, #tpu.memory_space<hbm>>
        tpu.enqueue_indirect_dma source(%dma_start3A_374 : memref<704x1024xf32, #tpu.memory_space<hbm>>) target(%arg19 : memref<16x1024xf32, #tpu.memory_space<vmem>>) offsets(%get3A_368 : vector<16xi32>) semaphore(%arg23 : memref<!tpu.dma_semaphore, #tpu.memory_space<semaphore_mem>>)
        %dma_wait3A_375 = arith.constant 0 : i32
        %dma_wait3A_376 = arith.constant 0 : i32
        %dma_wait3A_377 = tpu.memref_slice %arg5[%dma_wait3A_375, %dma_wait3A_376] : memref<704x1024xf32, #tpu.memory_space<hbm>> -> memref<704x1024xf32, #tpu.memory_space<hbm>>
        tpu.wait_indirect_dma semaphore(%arg23 : memref<!tpu.dma_semaphore, #tpu.memory_space<semaphore_mem>>) src(%dma_wait3A_377 : memref<704x1024xf32, #tpu.memory_space<hbm>>) dst(%arg19 : memref<16x1024xf32, #tpu.memory_space<vmem>>)
        %dma_start3A_378 = arith.constant 0 : i32
        %dma_start3A_379 = arith.constant 0 : i32
        %dma_start3A_380 = tpu.memref_slice %arg6[%dma_start3A_378, %dma_start3A_379] : memref<2048x1024xf32, #tpu.memory_space<hbm>> -> memref<2048x1024xf32, #tpu.memory_space<hbm>>
        tpu.enqueue_indirect_dma source(%dma_start3A_380 : memref<2048x1024xf32, #tpu.memory_space<hbm>>) target(%arg20 : memref<16x1024xf32, #tpu.memory_space<vmem>>) offsets(%get3A_371 : vector<16xi32>) semaphore(%arg23 : memref<!tpu.dma_semaphore, #tpu.memory_space<semaphore_mem>>)
        %dma_wait3A_381 = arith.constant 0 : i32
        %dma_wait3A_382 = arith.constant 0 : i32
        %dma_wait3A_383 = tpu.memref_slice %arg6[%dma_wait3A_381, %dma_wait3A_382] : memref<2048x1024xf32, #tpu.memory_space<hbm>> -> memref<2048x1024xf32, #tpu.memory_space<hbm>>
        tpu.wait_indirect_dma semaphore(%arg23 : memref<!tpu.dma_semaphore, #tpu.memory_space<semaphore_mem>>) src(%dma_wait3A_383 : memref<2048x1024xf32, #tpu.memory_space<hbm>>) dst(%arg20 : memref<16x1024xf32, #tpu.memory_space<vmem>>)
        %scan3A_384 = arith.constant 0 : i32
        %scan3A_385 = arith.constant 0 : i32
        %scan3A_386 = arith.constant 64 : i32
        %scan3A_387 = arith.addi %scan3A_385, %scan3A_386 : i32
        %scan3A_388 = arith.constant 1 : i32
        %scan3A_389 = scf.for %scan3A_391 = %scan3A_385 to %scan3A_387 step %scan3A_388 iter_args(%scan3A_392 = %scan3A_384) -> (i32)  : i32 {
          %mul3A_393 = arith.constant 16 : i32
          %mul3A_394 = arith.muli %scan3A_391, %mul3A_393 : i32
          %get3A_395 = arith.constant 0 : i32
          %get3A_396 = arith.index_cast %get3A_395 : i32 to index
          %get3A_397 = arith.index_cast %mul3A_394 : i32 to index
          %get3A_398 = tpu.vector_load %arg19[%get3A_396, %get3A_397] {strides = array<i32>} : memref<16x1024xf32, #tpu.memory_space<vmem>>, vector<1x16xf32>,
          %get3A_399 = vector.shape_cast %get3A_398 : vector<1x16xf32> to vector<16xf32>
          %get3A_400 = arith.constant 0 : i32
          %get3A_401 = arith.index_cast %get3A_400 : i32 to index
          %get3A_402 = arith.index_cast %mul3A_394 : i32 to index
          %get3A_403 = tpu.vector_load %arg20[%get3A_401, %get3A_402] {strides = array<i32>} : memref<16x1024xf32, #tpu.memory_space<vmem>>, vector<1x16xf32>,
          %get3A_404 = vector.shape_cast %get3A_403 : vector<1x16xf32> to vector<16xf32>
          %add3A_405 = arith.addf %get3A_399, %get3A_404 : vector<16xf32>
          %get3A_406 = arith.constant 0 : i32
          %get3A_407 = arith.index_cast %get3A_406 : i32 to index
          %get3A_408 = arith.index_cast %mul3A_394 : i32 to index
          %get3A_409 = tpu.vector_load %arg21[%get3A_407, %get3A_408] {strides = array<i32>} : memref<16x1024xf32, #tpu.memory_space<vmem>>, vector<1x16xf32>,
          %get3A_410 = vector.shape_cast %get3A_409 : vector<1x16xf32> to vector<16xf32>
          %add3A_411 = arith.addf %add3A_405, %get3A_410 : vector<16xf32>
          %swap3A = arith.constant 0 : i32
          %swap3A_412 = arith.index_cast %swap3A : i32 to index
          %swap3A_413 = arith.index_cast %mul3A_394 : i32 to index
          %swap3A_414 = tpu.vector_load %arg22[%swap3A_412, %swap3A_413] {strides = array<i32>} : memref<16x1024xf32, #tpu.memory_space<vmem>>, vector<1x16xf32>,
          %swap3A_415 = vector.shape_cast %swap3A_414 : vector<1x16xf32> to vector<16xf32>
          %swap3A_416 = vector.shape_cast %add3A_411 : vector<16xf32> to vector<1x16xf32>
          tpu.vector_store %arg22[%swap3A_412, %swap3A_413], %swap3A_416 {strides = array<i32>} : memref<16x1024xf32, #tpu.memory_space<vmem>>, vector<1x16xf32>,
          %get3A_417 = arith.constant 1 : i32
          %get3A_418 = arith.index_cast %get3A_417 : i32 to index
          %get3A_419 = arith.index_cast %mul3A_394 : i32 to index
          %get3A_420 = tpu.vector_load %arg19[%get3A_418, %get3A_419] {strides = array<i32>} : memref<16x1024xf32, #tpu.memory_space<vmem>>, vector<1x16xf32>,
          %get3A_421 = vector.shape_cast %get3A_420 : vector<1x16xf32> to vector<16xf32>
          %get3A_422 = arith.constant 1 : i32
          %get3A_423 = arith.index_cast %get3A_422 : i32 to index
          %get3A_424 = arith.index_cast %mul3A_394 : i32 to index
          %get3A_425 = tpu.vector_load %arg20[%get3A_423, %get3A_424] {strides = array<i32>} : memref<16x1024xf32, #tpu.memory_space<vmem>>, vector<1x16xf32>,
          %get3A_426 = vector.shape_cast %get3A_425 : vector<1x16xf32> to vector<16xf32>
          %add3A_427 = arith.addf %get3A_421, %get3A_426 : vector<16xf32>
          %get3A_428 = arith.constant 1 : i32
          %get3A_429 = arith.index_cast %get3A_428 : i32 to index
          %get3A_430 = arith.index_cast %mul3A_394 : i32 to index
          %get3A_431 = tpu.vector_load %arg21[%get3A_429, %get3A_430] {strides = array<i32>} : memref<16x1024xf32, #tpu.memory_space<vmem>>, vector<1x16xf32>,
          %get3A_432 = vector.shape_cast %get3A_431 : vector<1x16xf32> to vector<16xf32>
          %add3A_433 = arith.addf %add3A_427, %get3A_432 : vector<16xf32>
          %swap3A_434 = arith.constant 1 : i32
          %swap3A_435 = arith.index_cast %swap3A_434 : i32 to index
          %swap3A_436 = arith.index_cast %mul3A_394 : i32 to index
          %swap3A_437 = tpu.vector_load %arg22[%swap3A_435, %swap3A_436] {strides = array<i32>} : memref<16x1024xf32, #tpu.memory_space<vmem>>, vector<1x16xf32>,
          %swap3A_438 = vector.shape_cast %swap3A_437 : vector<1x16xf32> to vector<16xf32>
          %swap3A_439 = vector.shape_cast %add3A_433 : vector<16xf32> to vector<1x16xf32>
          tpu.vector_store %arg22[%swap3A_435, %swap3A_436], %swap3A_439 {strides = array<i32>} : memref<16x1024xf32, #tpu.memory_space<vmem>>, vector<1x16xf32>,
          %get3A_440 = arith.constant 2 : i32
          %get3A_441 = arith.index_cast %get3A_440 : i32 to index
          %get3A_442 = arith.index_cast %mul3A_394 : i32 to index
          %get3A_443 = tpu.vector_load %arg19[%get3A_441, %get3A_442] {strides = array<i32>} : memref<16x1024xf32, #tpu.memory_space<vmem>>, vector<1x16xf32>,
          %get3A_444 = vector.shape_cast %get3A_443 : vector<1x16xf32> to vector<16xf32>
          %get3A_445 = arith.constant 2 : i32
          %get3A_446 = arith.index_cast %get3A_445 : i32 to index
          %get3A_447 = arith.index_cast %mul3A_394 : i32 to index
          %get3A_448 = tpu.vector_load %arg20[%get3A_446, %get3A_447] {strides = array<i32>} : memref<16x1024xf32, #tpu.memory_space<vmem>>, vector<1x16xf32>,
          %get3A_449 = vector.shape_cast %get3A_448 : vector<1x16xf32> to vector<16xf32>
          %add3A_450 = arith.addf %get3A_444, %get3A_449 : vector<16xf32>
          %get3A_451 = arith.constant 2 : i32
          %get3A_452 = arith.index_cast %get3A_451 : i32 to index
          %get3A_453 = arith.index_cast %mul3A_394 : i32 to index
          %get3A_454 = tpu.vector_load %arg21[%get3A_452, %get3A_453] {strides = array<i32>} : memref<16x1024xf32, #tpu.memory_space<vmem>>, vector<1x16xf32>,
          %get3A_455 = vector.shape_cast %get3A_454 : vector<1x16xf32> to vector<16xf32>
          %add3A_456 = arith.addf %add3A_450, %get3A_455 : vector<16xf32>
          %swap3A_457 = arith.constant 2 : i32
          %swap3A_458 = arith.index_cast %swap3A_457 : i32 to index
          %swap3A_459 = arith.index_cast %mul3A_394 : i32 to index
          %swap3A_460 = tpu.vector_load %arg22[%swap3A_458, %swap3A_459] {strides = array<i32>} : memref<16x1024xf32, #tpu.memory_space<vmem>>, vector<1x16xf32>,
          %swap3A_461 = vector.shape_cast %swap3A_460 : vector<1x16xf32> to vector<16xf32>
          %swap3A_462 = vector.shape_cast %add3A_456 : vector<16xf32> to vector<1x16xf32>
          tpu.vector_store %arg22[%swap3A_458, %swap3A_459], %swap3A_462 {strides = array<i32>} : memref<16x1024xf32, #tpu.memory_space<vmem>>, vector<1x16xf32>,
          %get3A_463 = arith.constant 3 : i32
          %get3A_464 = arith.index_cast %get3A_463 : i32 to index
          %get3A_465 = arith.index_cast %mul3A_394 : i32 to index
          %get3A_466 = tpu.vector_load %arg19[%get3A_464, %get3A_465] {strides = array<i32>} : memref<16x1024xf32, #tpu.memory_space<vmem>>, vector<1x16xf32>,
          %get3A_467 = vector.shape_cast %get3A_466 : vector<1x16xf32> to vector<16xf32>
          %get3A_468 = arith.constant 3 : i32
          %get3A_469 = arith.index_cast %get3A_468 : i32 to index
          %get3A_470 = arith.index_cast %mul3A_394 : i32 to index
          %get3A_471 = tpu.vector_load %arg20[%get3A_469, %get3A_470] {strides = array<i32>} : memref<16x1024xf32, #tpu.memory_space<vmem>>, vector<1x16xf32>,
          %get3A_472 = vector.shape_cast %get3A_471 : vector<1x16xf32> to vector<16xf32>
          %add3A_473 = arith.addf %get3A_467, %get3A_472 : vector<16xf32>
          %get3A_474 = arith.constant 3 : i32
          %get3A_475 = arith.index_cast %get3A_474 : i32 to index
          %get3A_476 = arith.index_cast %mul3A_394 : i32 to index
          %get3A_477 = tpu.vector_load %arg21[%get3A_475, %get3A_476] {strides = array<i32>} : memref<16x1024xf32, #tpu.memory_space<vmem>>, vector<1x16xf32>,
          %get3A_478 = vector.shape_cast %get3A_477 : vector<1x16xf32> to vector<16xf32>
          %add3A_479 = arith.addf %add3A_473, %get3A_478 : vector<16xf32>
          %swap3A_480 = arith.constant 3 : i32
          %swap3A_481 = arith.index_cast %swap3A_480 : i32 to index
          %swap3A_482 = arith.index_cast %mul3A_394 : i32 to index
          %swap3A_483 = tpu.vector_load %arg22[%swap3A_481, %swap3A_482] {strides = array<i32>} : memref<16x1024xf32, #tpu.memory_space<vmem>>, vector<1x16xf32>,
          %swap3A_484 = vector.shape_cast %swap3A_483 : vector<1x16xf32> to vector<16xf32>
          %swap3A_485 = vector.shape_cast %add3A_479 : vector<16xf32> to vector<1x16xf32>
          tpu.vector_store %arg22[%swap3A_481, %swap3A_482], %swap3A_485 {strides = array<i32>} : memref<16x1024xf32, #tpu.memory_space<vmem>>, vector<1x16xf32>,
          %get3A_486 = arith.constant 4 : i32
          %get3A_487 = arith.index_cast %get3A_486 : i32 to index
          %get3A_488 = arith.index_cast %mul3A_394 : i32 to index
          %get3A_489 = tpu.vector_load %arg19[%get3A_487, %get3A_488] {strides = array<i32>} : memref<16x1024xf32, #tpu.memory_space<vmem>>, vector<1x16xf32>,
          %get3A_490 = vector.shape_cast %get3A_489 : vector<1x16xf32> to vector<16xf32>
          %get3A_491 = arith.constant 4 : i32
          %get3A_492 = arith.index_cast %get3A_491 : i32 to index
          %get3A_493 = arith.index_cast %mul3A_394 : i32 to index
          %get3A_494 = tpu.vector_load %arg20[%get3A_492, %get3A_493] {strides = array<i32>} : memref<16x1024xf32, #tpu.memory_space<vmem>>, vector<1x16xf32>,
          %get3A_495 = vector.shape_cast %get3A_494 : vector<1x16xf32> to vector<16xf32>
          %add3A_496 = arith.addf %get3A_490, %get3A_495 : vector<16xf32>
          %get3A_497 = arith.constant 4 : i32
          %get3A_498 = arith.index_cast %get3A_497 : i32 to index
          %get3A_499 = arith.index_cast %mul3A_394 : i32 to index
          %get3A_500 = tpu.vector_load %arg21[%get3A_498, %get3A_499] {strides = array<i32>} : memref<16x1024xf32, #tpu.memory_space<vmem>>, vector<1x16xf32>,
          %get3A_501 = vector.shape_cast %get3A_500 : vector<1x16xf32> to vector<16xf32>
          %add3A_502 = arith.addf %add3A_496, %get3A_501 : vector<16xf32>
          %swap3A_503 = arith.constant 4 : i32
          %swap3A_504 = arith.index_cast %swap3A_503 : i32 to index
          %swap3A_505 = arith.index_cast %mul3A_394 : i32 to index
          %swap3A_506 = tpu.vector_load %arg22[%swap3A_504, %swap3A_505] {strides = array<i32>} : memref<16x1024xf32, #tpu.memory_space<vmem>>, vector<1x16xf32>,
          %swap3A_507 = vector.shape_cast %swap3A_506 : vector<1x16xf32> to vector<16xf32>
          %swap3A_508 = vector.shape_cast %add3A_502 : vector<16xf32> to vector<1x16xf32>
          tpu.vector_store %arg22[%swap3A_504, %swap3A_505], %swap3A_508 {strides = array<i32>} : memref<16x1024xf32, #tpu.memory_space<vmem>>, vector<1x16xf32>,
          %get3A_509 = arith.constant 5 : i32
          %get3A_510 = arith.index_cast %get3A_509 : i32 to index
          %get3A_511 = arith.index_cast %mul3A_394 : i32 to index
          %get3A_512 = tpu.vector_load %arg19[%get3A_510, %get3A_511] {strides = array<i32>} : memref<16x1024xf32, #tpu.memory_space<vmem>>, vector<1x16xf32>,
          %get3A_513 = vector.shape_cast %get3A_512 : vector<1x16xf32> to vector<16xf32>
          %get3A_514 = arith.constant 5 : i32
          %get3A_515 = arith.index_cast %get3A_514 : i32 to index
          %get3A_516 = arith.index_cast %mul3A_394 : i32 to index
          %get3A_517 = tpu.vector_load %arg20[%get3A_515, %get3A_516] {strides = array<i32>} : memref<16x1024xf32, #tpu.memory_space<vmem>>, vector<1x16xf32>,
          %get3A_518 = vector.shape_cast %get3A_517 : vector<1x16xf32> to vector<16xf32>
          %add3A_519 = arith.addf %get3A_513, %get3A_518 : vector<16xf32>
          %get3A_520 = arith.constant 5 : i32
          %get3A_521 = arith.index_cast %get3A_520 : i32 to index
          %get3A_522 = arith.index_cast %mul3A_394 : i32 to index
          %get3A_523 = tpu.vector_load %arg21[%get3A_521, %get3A_522] {strides = array<i32>} : memref<16x1024xf32, #tpu.memory_space<vmem>>, vector<1x16xf32>,
          %get3A_524 = vector.shape_cast %get3A_523 : vector<1x16xf32> to vector<16xf32>
          %add3A_525 = arith.addf %add3A_519, %get3A_524 : vector<16xf32>
          %swap3A_526 = arith.constant 5 : i32
          %swap3A_527 = arith.index_cast %swap3A_526 : i32 to index
          %swap3A_528 = arith.index_cast %mul3A_394 : i32 to index
          %swap3A_529 = tpu.vector_load %arg22[%swap3A_527, %swap3A_528] {strides = array<i32>} : memref<16x1024xf32, #tpu.memory_space<vmem>>, vector<1x16xf32>,
          %swap3A_530 = vector.shape_cast %swap3A_529 : vector<1x16xf32> to vector<16xf32>
          %swap3A_531 = vector.shape_cast %add3A_525 : vector<16xf32> to vector<1x16xf32>
          tpu.vector_store %arg22[%swap3A_527, %swap3A_528], %swap3A_531 {strides = array<i32>} : memref<16x1024xf32, #tpu.memory_space<vmem>>, vector<1x16xf32>,
          %get3A_532 = arith.constant 6 : i32
          %get3A_533 = arith.index_cast %get3A_532 : i32 to index
          %get3A_534 = arith.index_cast %mul3A_394 : i32 to index
          %get3A_535 = tpu.vector_load %arg19[%get3A_533, %get3A_534] {strides = array<i32>} : memref<16x1024xf32, #tpu.memory_space<vmem>>, vector<1x16xf32>,
          %get3A_536 = vector.shape_cast %get3A_535 : vector<1x16xf32> to vector<16xf32>
          %get3A_537 = arith.constant 6 : i32
          %get3A_538 = arith.index_cast %get3A_537 : i32 to index
          %get3A_539 = arith.index_cast %mul3A_394 : i32 to index
          %get3A_540 = tpu.vector_load %arg20[%get3A_538, %get3A_539] {strides = array<i32>} : memref<16x1024xf32, #tpu.memory_space<vmem>>, vector<1x16xf32>,
          %get3A_541 = vector.shape_cast %get3A_540 : vector<1x16xf32> to vector<16xf32>
          %add3A_542 = arith.addf %get3A_536, %get3A_541 : vector<16xf32>
          %get3A_543 = arith.constant 6 : i32
          %get3A_544 = arith.index_cast %get3A_543 : i32 to index
          %get3A_545 = arith.index_cast %mul3A_394 : i32 to index
          %get3A_546 = tpu.vector_load %arg21[%get3A_544, %get3A_545] {strides = array<i32>} : memref<16x1024xf32, #tpu.memory_space<vmem>>, vector<1x16xf32>,
          %get3A_547 = vector.shape_cast %get3A_546 : vector<1x16xf32> to vector<16xf32>
          %add3A_548 = arith.addf %add3A_542, %get3A_547 : vector<16xf32>
          %swap3A_549 = arith.constant 6 : i32
          %swap3A_550 = arith.index_cast %swap3A_549 : i32 to index
          %swap3A_551 = arith.index_cast %mul3A_394 : i32 to index
          %swap3A_552 = tpu.vector_load %arg22[%swap3A_550, %swap3A_551] {strides = array<i32>} : memref<16x1024xf32, #tpu.memory_space<vmem>>, vector<1x16xf32>,
          %swap3A_553 = vector.shape_cast %swap3A_552 : vector<1x16xf32> to vector<16xf32>
          %swap3A_554 = vector.shape_cast %add3A_548 : vector<16xf32> to vector<1x16xf32>
          tpu.vector_store %arg22[%swap3A_550, %swap3A_551], %swap3A_554 {strides = array<i32>} : memref<16x1024xf32, #tpu.memory_space<vmem>>, vector<1x16xf32>,
          %get3A_555 = arith.constant 7 : i32
          %get3A_556 = arith.index_cast %get3A_555 : i32 to index
          %get3A_557 = arith.index_cast %mul3A_394 : i32 to index
          %get3A_558 = tpu.vector_load %arg19[%get3A_556, %get3A_557] {strides = array<i32>} : memref<16x1024xf32, #tpu.memory_space<vmem>>, vector<1x16xf32>,
          %get3A_559 = vector.shape_cast %get3A_558 : vector<1x16xf32> to vector<16xf32>
          %get3A_560 = arith.constant 7 : i32
          %get3A_561 = arith.index_cast %get3A_560 : i32 to index
          %get3A_562 = arith.index_cast %mul3A_394 : i32 to index
          %get3A_563 = tpu.vector_load %arg20[%get3A_561, %get3A_562] {strides = array<i32>} : memref<16x1024xf32, #tpu.memory_space<vmem>>, vector<1x16xf32>,
          %get3A_564 = vector.shape_cast %get3A_563 : vector<1x16xf32> to vector<16xf32>
          %add3A_565 = arith.addf %get3A_559, %get3A_564 : vector<16xf32>
          %get3A_566 = arith.constant 7 : i32
          %get3A_567 = arith.index_cast %get3A_566 : i32 to index
          %get3A_568 = arith.index_cast %mul3A_394 : i32 to index
          %get3A_569 = tpu.vector_load %arg21[%get3A_567, %get3A_568] {strides = array<i32>} : memref<16x1024xf32, #tpu.memory_space<vmem>>, vector<1x16xf32>,
          %get3A_570 = vector.shape_cast %get3A_569 : vector<1x16xf32> to vector<16xf32>
          %add3A_571 = arith.addf %add3A_565, %get3A_570 : vector<16xf32>
          %swap3A_572 = arith.constant 7 : i32
          %swap3A_573 = arith.index_cast %swap3A_572 : i32 to index
          %swap3A_574 = arith.index_cast %mul3A_394 : i32 to index
          %swap3A_575 = tpu.vector_load %arg22[%swap3A_573, %swap3A_574] {strides = array<i32>} : memref<16x1024xf32, #tpu.memory_space<vmem>>, vector<1x16xf32>,
          %swap3A_576 = vector.shape_cast %swap3A_575 : vector<1x16xf32> to vector<16xf32>
          %swap3A_577 = vector.shape_cast %add3A_571 : vector<16xf32> to vector<1x16xf32>
          tpu.vector_store %arg22[%swap3A_573, %swap3A_574], %swap3A_577 {strides = array<i32>} : memref<16x1024xf32, #tpu.memory_space<vmem>>, vector<1x16xf32>,
          %get3A_578 = arith.constant 8 : i32
          %get3A_579 = arith.index_cast %get3A_578 : i32 to index
          %get3A_580 = arith.index_cast %mul3A_394 : i32 to index
          %get3A_581 = tpu.vector_load %arg19[%get3A_579, %get3A_580] {strides = array<i32>} : memref<16x1024xf32, #tpu.memory_space<vmem>>, vector<1x16xf32>,
          %get3A_582 = vector.shape_cast %get3A_581 : vector<1x16xf32> to vector<16xf32>
          %get3A_583 = arith.constant 8 : i32
          %get3A_584 = arith.index_cast %get3A_583 : i32 to index
          %get3A_585 = arith.index_cast %mul3A_394 : i32 to index
          %get3A_586 = tpu.vector_load %arg20[%get3A_584, %get3A_585] {strides = array<i32>} : memref<16x1024xf32, #tpu.memory_space<vmem>>, vector<1x16xf32>,
          %get3A_587 = vector.shape_cast %get3A_586 : vector<1x16xf32> to vector<16xf32>
          %add3A_588 = arith.addf %get3A_582, %get3A_587 : vector<16xf32>
          %get3A_589 = arith.constant 8 : i32
          %get3A_590 = arith.index_cast %get3A_589 : i32 to index
          %get3A_591 = arith.index_cast %mul3A_394 : i32 to index
          %get3A_592 = tpu.vector_load %arg21[%get3A_590, %get3A_591] {strides = array<i32>} : memref<16x1024xf32, #tpu.memory_space<vmem>>, vector<1x16xf32>,
          %get3A_593 = vector.shape_cast %get3A_592 : vector<1x16xf32> to vector<16xf32>
          %add3A_594 = arith.addf %add3A_588, %get3A_593 : vector<16xf32>
          %swap3A_595 = arith.constant 8 : i32
          %swap3A_596 = arith.index_cast %swap3A_595 : i32 to index
          %swap3A_597 = arith.index_cast %mul3A_394 : i32 to index
          %swap3A_598 = tpu.vector_load %arg22[%swap3A_596, %swap3A_597] {strides = array<i32>} : memref<16x1024xf32, #tpu.memory_space<vmem>>, vector<1x16xf32>,
          %swap3A_599 = vector.shape_cast %swap3A_598 : vector<1x16xf32> to vector<16xf32>
          %swap3A_600 = vector.shape_cast %add3A_594 : vector<16xf32> to vector<1x16xf32>
          tpu.vector_store %arg22[%swap3A_596, %swap3A_597], %swap3A_600 {strides = array<i32>} : memref<16x1024xf32, #tpu.memory_space<vmem>>, vector<1x16xf32>,
          %get3A_601 = arith.constant 9 : i32
          %get3A_602 = arith.index_cast %get3A_601 : i32 to index
          %get3A_603 = arith.index_cast %mul3A_394 : i32 to index
          %get3A_604 = tpu.vector_load %arg19[%get3A_602, %get3A_603] {strides = array<i32>} : memref<16x1024xf32, #tpu.memory_space<vmem>>, vector<1x16xf32>,
          %get3A_605 = vector.shape_cast %get3A_604 : vector<1x16xf32> to vector<16xf32>
          %get3A_606 = arith.constant 9 : i32
          %get3A_607 = arith.index_cast %get3A_606 : i32 to index
          %get3A_608 = arith.index_cast %mul3A_394 : i32 to index
          %get3A_609 = tpu.vector_load %arg20[%get3A_607, %get3A_608] {strides = array<i32>} : memref<16x1024xf32, #tpu.memory_space<vmem>>, vector<1x16xf32>,
          %get3A_610 = vector.shape_cast %get3A_609 : vector<1x16xf32> to vector<16xf32>
          %add3A_611 = arith.addf %get3A_605, %get3A_610 : vector<16xf32>
          %get3A_612 = arith.constant 9 : i32
          %get3A_613 = arith.index_cast %get3A_612 : i32 to index
          %get3A_614 = arith.index_cast %mul3A_394 : i32 to index
          %get3A_615 = tpu.vector_load %arg21[%get3A_613, %get3A_614] {strides = array<i32>} : memref<16x1024xf32, #tpu.memory_space<vmem>>, vector<1x16xf32>,
          %get3A_616 = vector.shape_cast %get3A_615 : vector<1x16xf32> to vector<16xf32>
          %add3A_617 = arith.addf %add3A_611, %get3A_616 : vector<16xf32>
          %swap3A_618 = arith.constant 9 : i32
          %swap3A_619 = arith.index_cast %swap3A_618 : i32 to index
          %swap3A_620 = arith.index_cast %mul3A_394 : i32 to index
          %swap3A_621 = tpu.vector_load %arg22[%swap3A_619, %swap3A_620] {strides = array<i32>} : memref<16x1024xf32, #tpu.memory_space<vmem>>, vector<1x16xf32>,
          %swap3A_622 = vector.shape_cast %swap3A_621 : vector<1x16xf32> to vector<16xf32>
          %swap3A_623 = vector.shape_cast %add3A_617 : vector<16xf32> to vector<1x16xf32>
          tpu.vector_store %arg22[%swap3A_619, %swap3A_620], %swap3A_623 {strides = array<i32>} : memref<16x1024xf32, #tpu.memory_space<vmem>>, vector<1x16xf32>,
          %get3A_624 = arith.constant 10 : i32
          %get3A_625 = arith.index_cast %get3A_624 : i32 to index
          %get3A_626 = arith.index_cast %mul3A_394 : i32 to index
          %get3A_627 = tpu.vector_load %arg19[%get3A_625, %get3A_626] {strides = array<i32>} : memref<16x1024xf32, #tpu.memory_space<vmem>>, vector<1x16xf32>,
          %get3A_628 = vector.shape_cast %get3A_627 : vector<1x16xf32> to vector<16xf32>
          %get3A_629 = arith.constant 10 : i32
          %get3A_630 = arith.index_cast %get3A_629 : i32 to index
          %get3A_631 = arith.index_cast %mul3A_394 : i32 to index
          %get3A_632 = tpu.vector_load %arg20[%get3A_630, %get3A_631] {strides = array<i32>} : memref<16x1024xf32, #tpu.memory_space<vmem>>, vector<1x16xf32>,
          %get3A_633 = vector.shape_cast %get3A_632 : vector<1x16xf32> to vector<16xf32>
          %add3A_634 = arith.addf %get3A_628, %get3A_633 : vector<16xf32>
          %get3A_635 = arith.constant 10 : i32
          %get3A_636 = arith.index_cast %get3A_635 : i32 to index
          %get3A_637 = arith.index_cast %mul3A_394 : i32 to index
          %get3A_638 = tpu.vector_load %arg21[%get3A_636, %get3A_637] {strides = array<i32>} : memref<16x1024xf32, #tpu.memory_space<vmem>>, vector<1x16xf32>,
          %get3A_639 = vector.shape_cast %get3A_638 : vector<1x16xf32> to vector<16xf32>
          %add3A_640 = arith.addf %add3A_634, %get3A_639 : vector<16xf32>
          %swap3A_641 = arith.constant 10 : i32
          %swap3A_642 = arith.index_cast %swap3A_641 : i32 to index
          %swap3A_643 = arith.index_cast %mul3A_394 : i32 to index
          %swap3A_644 = tpu.vector_load %arg22[%swap3A_642, %swap3A_643] {strides = array<i32>} : memref<16x1024xf32, #tpu.memory_space<vmem>>, vector<1x16xf32>,
          %swap3A_645 = vector.shape_cast %swap3A_644 : vector<1x16xf32> to vector<16xf32>
          %swap3A_646 = vector.shape_cast %add3A_640 : vector<16xf32> to vector<1x16xf32>
          tpu.vector_store %arg22[%swap3A_642, %swap3A_643], %swap3A_646 {strides = array<i32>} : memref<16x1024xf32, #tpu.memory_space<vmem>>, vector<1x16xf32>,
          %get3A_647 = arith.constant 11 : i32
          %get3A_648 = arith.index_cast %get3A_647 : i32 to index
          %get3A_649 = arith.index_cast %mul3A_394 : i32 to index
          %get3A_650 = tpu.vector_load %arg19[%get3A_648, %get3A_649] {strides = array<i32>} : memref<16x1024xf32, #tpu.memory_space<vmem>>, vector<1x16xf32>,
          %get3A_651 = vector.shape_cast %get3A_650 : vector<1x16xf32> to vector<16xf32>
          %get3A_652 = arith.constant 11 : i32
          %get3A_653 = arith.index_cast %get3A_652 : i32 to index
          %get3A_654 = arith.index_cast %mul3A_394 : i32 to index
          %get3A_655 = tpu.vector_load %arg20[%get3A_653, %get3A_654] {strides = array<i32>} : memref<16x1024xf32, #tpu.memory_space<vmem>>, vector<1x16xf32>,
          %get3A_656 = vector.shape_cast %get3A_655 : vector<1x16xf32> to vector<16xf32>
          %add3A_657 = arith.addf %get3A_651, %get3A_656 : vector<16xf32>
          %get3A_658 = arith.constant 11 : i32
          %get3A_659 = arith.index_cast %get3A_658 : i32 to index
          %get3A_660 = arith.index_cast %mul3A_394 : i32 to index
          %get3A_661 = tpu.vector_load %arg21[%get3A_659, %get3A_660] {strides = array<i32>} : memref<16x1024xf32, #tpu.memory_space<vmem>>, vector<1x16xf32>,
          %get3A_662 = vector.shape_cast %get3A_661 : vector<1x16xf32> to vector<16xf32>
          %add3A_663 = arith.addf %add3A_657, %get3A_662 : vector<16xf32>
          %swap3A_664 = arith.constant 11 : i32
          %swap3A_665 = arith.index_cast %swap3A_664 : i32 to index
          %swap3A_666 = arith.index_cast %mul3A_394 : i32 to index
          %swap3A_667 = tpu.vector_load %arg22[%swap3A_665, %swap3A_666] {strides = array<i32>} : memref<16x1024xf32, #tpu.memory_space<vmem>>, vector<1x16xf32>,
          %swap3A_668 = vector.shape_cast %swap3A_667 : vector<1x16xf32> to vector<16xf32>
          %swap3A_669 = vector.shape_cast %add3A_663 : vector<16xf32> to vector<1x16xf32>
          tpu.vector_store %arg22[%swap3A_665, %swap3A_666], %swap3A_669 {strides = array<i32>} : memref<16x1024xf32, #tpu.memory_space<vmem>>, vector<1x16xf32>,
          %get3A_670 = arith.constant 12 : i32
          %get3A_671 = arith.index_cast %get3A_670 : i32 to index
          %get3A_672 = arith.index_cast %mul3A_394 : i32 to index
          %get3A_673 = tpu.vector_load %arg19[%get3A_671, %get3A_672] {strides = array<i32>} : memref<16x1024xf32, #tpu.memory_space<vmem>>, vector<1x16xf32>,
          %get3A_674 = vector.shape_cast %get3A_673 : vector<1x16xf32> to vector<16xf32>
          %get3A_675 = arith.constant 12 : i32
          %get3A_676 = arith.index_cast %get3A_675 : i32 to index
          %get3A_677 = arith.index_cast %mul3A_394 : i32 to index
          %get3A_678 = tpu.vector_load %arg20[%get3A_676, %get3A_677] {strides = array<i32>} : memref<16x1024xf32, #tpu.memory_space<vmem>>, vector<1x16xf32>,
          %get3A_679 = vector.shape_cast %get3A_678 : vector<1x16xf32> to vector<16xf32>
          %add3A_680 = arith.addf %get3A_674, %get3A_679 : vector<16xf32>
          %get3A_681 = arith.constant 12 : i32
          %get3A_682 = arith.index_cast %get3A_681 : i32 to index
          %get3A_683 = arith.index_cast %mul3A_394 : i32 to index
          %get3A_684 = tpu.vector_load %arg21[%get3A_682, %get3A_683] {strides = array<i32>} : memref<16x1024xf32, #tpu.memory_space<vmem>>, vector<1x16xf32>,
          %get3A_685 = vector.shape_cast %get3A_684 : vector<1x16xf32> to vector<16xf32>
          %add3A_686 = arith.addf %add3A_680, %get3A_685 : vector<16xf32>
          %swap3A_687 = arith.constant 12 : i32
          %swap3A_688 = arith.index_cast %swap3A_687 : i32 to index
          %swap3A_689 = arith.index_cast %mul3A_394 : i32 to index
          %swap3A_690 = tpu.vector_load %arg22[%swap3A_688, %swap3A_689] {strides = array<i32>} : memref<16x1024xf32, #tpu.memory_space<vmem>>, vector<1x16xf32>,
          %swap3A_691 = vector.shape_cast %swap3A_690 : vector<1x16xf32> to vector<16xf32>
          %swap3A_692 = vector.shape_cast %add3A_686 : vector<16xf32> to vector<1x16xf32>
          tpu.vector_store %arg22[%swap3A_688, %swap3A_689], %swap3A_692 {strides = array<i32>} : memref<16x1024xf32, #tpu.memory_space<vmem>>, vector<1x16xf32>,
          %get3A_693 = arith.constant 13 : i32
          %get3A_694 = arith.index_cast %get3A_693 : i32 to index
          %get3A_695 = arith.index_cast %mul3A_394 : i32 to index
          %get3A_696 = tpu.vector_load %arg19[%get3A_694, %get3A_695] {strides = array<i32>} : memref<16x1024xf32, #tpu.memory_space<vmem>>, vector<1x16xf32>,
          %get3A_697 = vector.shape_cast %get3A_696 : vector<1x16xf32> to vector<16xf32>
          %get3A_698 = arith.constant 13 : i32
          %get3A_699 = arith.index_cast %get3A_698 : i32 to index
          %get3A_700 = arith.index_cast %mul3A_394 : i32 to index
          %get3A_701 = tpu.vector_load %arg20[%get3A_699, %get3A_700] {strides = array<i32>} : memref<16x1024xf32, #tpu.memory_space<vmem>>, vector<1x16xf32>,
          %get3A_702 = vector.shape_cast %get3A_701 : vector<1x16xf32> to vector<16xf32>
          %add3A_703 = arith.addf %get3A_697, %get3A_702 : vector<16xf32>
          %get3A_704 = arith.constant 13 : i32
          %get3A_705 = arith.index_cast %get3A_704 : i32 to index
          %get3A_706 = arith.index_cast %mul3A_394 : i32 to index
          %get3A_707 = tpu.vector_load %arg21[%get3A_705, %get3A_706] {strides = array<i32>} : memref<16x1024xf32, #tpu.memory_space<vmem>>, vector<1x16xf32>,
          %get3A_708 = vector.shape_cast %get3A_707 : vector<1x16xf32> to vector<16xf32>
          %add3A_709 = arith.addf %add3A_703, %get3A_708 : vector<16xf32>
          %swap3A_710 = arith.constant 13 : i32
          %swap3A_711 = arith.index_cast %swap3A_710 : i32 to index
          %swap3A_712 = arith.index_cast %mul3A_394 : i32 to index
          %swap3A_713 = tpu.vector_load %arg22[%swap3A_711, %swap3A_712] {strides = array<i32>} : memref<16x1024xf32, #tpu.memory_space<vmem>>, vector<1x16xf32>,
          %swap3A_714 = vector.shape_cast %swap3A_713 : vector<1x16xf32> to vector<16xf32>
          %swap3A_715 = vector.shape_cast %add3A_709 : vector<16xf32> to vector<1x16xf32>
          tpu.vector_store %arg22[%swap3A_711, %swap3A_712], %swap3A_715 {strides = array<i32>} : memref<16x1024xf32, #tpu.memory_space<vmem>>, vector<1x16xf32>,
          %get3A_716 = arith.constant 14 : i32
          %get3A_717 = arith.index_cast %get3A_716 : i32 to index
          %get3A_718 = arith.index_cast %mul3A_394 : i32 to index
          %get3A_719 = tpu.vector_load %arg19[%get3A_717, %get3A_718] {strides = array<i32>} : memref<16x1024xf32, #tpu.memory_space<vmem>>, vector<1x16xf32>,
          %get3A_720 = vector.shape_cast %get3A_719 : vector<1x16xf32> to vector<16xf32>
          %get3A_721 = arith.constant 14 : i32
          %get3A_722 = arith.index_cast %get3A_721 : i32 to index
          %get3A_723 = arith.index_cast %mul3A_394 : i32 to index
          %get3A_724 = tpu.vector_load %arg20[%get3A_722, %get3A_723] {strides = array<i32>} : memref<16x1024xf32, #tpu.memory_space<vmem>>, vector<1x16xf32>,
          %get3A_725 = vector.shape_cast %get3A_724 : vector<1x16xf32> to vector<16xf32>
          %add3A_726 = arith.addf %get3A_720, %get3A_725 : vector<16xf32>
          %get3A_727 = arith.constant 14 : i32
          %get3A_728 = arith.index_cast %get3A_727 : i32 to index
          %get3A_729 = arith.index_cast %mul3A_394 : i32 to index
          %get3A_730 = tpu.vector_load %arg21[%get3A_728, %get3A_729] {strides = array<i32>} : memref<16x1024xf32, #tpu.memory_space<vmem>>, vector<1x16xf32>,
          %get3A_731 = vector.shape_cast %get3A_730 : vector<1x16xf32> to vector<16xf32>
          %add3A_732 = arith.addf %add3A_726, %get3A_731 : vector<16xf32>
          %swap3A_733 = arith.constant 14 : i32
          %swap3A_734 = arith.index_cast %swap3A_733 : i32 to index
          %swap3A_735 = arith.index_cast %mul3A_394 : i32 to index
          %swap3A_736 = tpu.vector_load %arg22[%swap3A_734, %swap3A_735] {strides = array<i32>} : memref<16x1024xf32, #tpu.memory_space<vmem>>, vector<1x16xf32>,
          %swap3A_737 = vector.shape_cast %swap3A_736 : vector<1x16xf32> to vector<16xf32>
          %swap3A_738 = vector.shape_cast %add3A_732 : vector<16xf32> to vector<1x16xf32>
          tpu.vector_store %arg22[%swap3A_734, %swap3A_735], %swap3A_738 {strides = array<i32>} : memref<16x1024xf32, #tpu.memory_space<vmem>>, vector<1x16xf32>,
          %get3A_739 = arith.constant 15 : i32
          %get3A_740 = arith.index_cast %get3A_739 : i32 to index
          %get3A_741 = arith.index_cast %mul3A_394 : i32 to index
          %get3A_742 = tpu.vector_load %arg19[%get3A_740, %get3A_741] {strides = array<i32>} : memref<16x1024xf32, #tpu.memory_space<vmem>>, vector<1x16xf32>,
          %get3A_743 = vector.shape_cast %get3A_742 : vector<1x16xf32> to vector<16xf32>
          %get3A_744 = arith.constant 15 : i32
          %get3A_745 = arith.index_cast %get3A_744 : i32 to index
          %get3A_746 = arith.index_cast %mul3A_394 : i32 to index
          %get3A_747 = tpu.vector_load %arg20[%get3A_745, %get3A_746] {strides = array<i32>} : memref<16x1024xf32, #tpu.memory_space<vmem>>, vector<1x16xf32>,
          %get3A_748 = vector.shape_cast %get3A_747 : vector<1x16xf32> to vector<16xf32>
          %add3A_749 = arith.addf %get3A_743, %get3A_748 : vector<16xf32>
          %get3A_750 = arith.constant 15 : i32
          %get3A_751 = arith.index_cast %get3A_750 : i32 to index
          %get3A_752 = arith.index_cast %mul3A_394 : i32 to index
          %get3A_753 = tpu.vector_load %arg21[%get3A_751, %get3A_752] {strides = array<i32>} : memref<16x1024xf32, #tpu.memory_space<vmem>>, vector<1x16xf32>,
          %get3A_754 = vector.shape_cast %get3A_753 : vector<1x16xf32> to vector<16xf32>
          %add3A_755 = arith.addf %add3A_749, %get3A_754 : vector<16xf32>
          %swap3A_756 = arith.constant 15 : i32
          %swap3A_757 = arith.index_cast %swap3A_756 : i32 to index
          %swap3A_758 = arith.index_cast %mul3A_394 : i32 to index
          %swap3A_759 = tpu.vector_load %arg22[%swap3A_757, %swap3A_758] {strides = array<i32>} : memref<16x1024xf32, #tpu.memory_space<vmem>>, vector<1x16xf32>,
          %swap3A_760 = vector.shape_cast %swap3A_759 : vector<1x16xf32> to vector<16xf32>
          %swap3A_761 = vector.shape_cast %add3A_755 : vector<16xf32> to vector<1x16xf32>
          tpu.vector_store %arg22[%swap3A_757, %swap3A_758], %swap3A_761 {strides = array<i32>} : memref<16x1024xf32, #tpu.memory_space<vmem>>, vector<1x16xf32>,
          %scan3A_762 = arith.constant 0 : i32
          scf.yield %scan3A_762 : i32
        }
        %scan3A_390 = arith.constant 64 : i32
      } else {
      }
      %convert_element_type3A_350 = arith.extui %ge3A : i1 to i32
      %cond3A_351 = arith.constant 0 : i32
      %cond3A_352 = arith.cmpi ne, %convert_element_type3A_350, %cond3A_351 : i32
      scf.if %cond3A_352 {
        %get3A_366 = arith.index_cast %mul3A_313 : i32 to index
        %get3A_367 = tpu.vector_load %arg15[%get3A_366] {strides = array<i32>} : memref<512xi32, #tpu.memory_space<vmem>>, vector<16xi32>,
        %get3A_368 = vector.shape_cast %get3A_367 : vector<16xi32> to vector<16xi32>
        %get3A_369 = arith.index_cast %mul3A_313 : i32 to index
        %get3A_370 = tpu.vector_load %arg16[%get3A_369] {strides = array<i32>} : memref<512xi32, #tpu.memory_space<vmem>>, vector<16xi32>,
        %get3A_371 = vector.shape_cast %get3A_370 : vector<16xi32> to vector<16xi32>
        %dma_start3A_372 = arith.constant 0 : i32
        %dma_start3A_373 = arith.constant 0 : i32
        %dma_start3A_374 = tpu.memref_slice %arg7[%dma_start3A_372, %dma_start3A_373] : memref<8194x1024xf32, #tpu.memory_space<hbm>> -> memref<8194x1024xf32, #tpu.memory_space<hbm>>
        tpu.enqueue_indirect_dma source(%dma_start3A_374 : memref<8194x1024xf32, #tpu.memory_space<hbm>>) target(%arg19 : memref<16x1024xf32, #tpu.memory_space<vmem>>) offsets(%get3A_368 : vector<16xi32>) semaphore(%arg23 : memref<!tpu.dma_semaphore, #tpu.memory_space<semaphore_mem>>)
        %dma_wait3A_375 = arith.constant 0 : i32
        %dma_wait3A_376 = arith.constant 0 : i32
        %dma_wait3A_377 = tpu.memref_slice %arg7[%dma_wait3A_375, %dma_wait3A_376] : memref<8194x1024xf32, #tpu.memory_space<hbm>> -> memref<8194x1024xf32, #tpu.memory_space<hbm>>
        tpu.wait_indirect_dma semaphore(%arg23 : memref<!tpu.dma_semaphore, #tpu.memory_space<semaphore_mem>>) src(%dma_wait3A_377 : memref<8194x1024xf32, #tpu.memory_space<hbm>>) dst(%arg19 : memref<16x1024xf32, #tpu.memory_space<vmem>>)
        %dma_start3A_378 = arith.constant 0 : i32
        %dma_start3A_379 = arith.constant 0 : i32
        %dma_start3A_380 = tpu.memref_slice %arg8[%dma_start3A_378, %dma_start3A_379] : memref<4096x1024xf32, #tpu.memory_space<hbm>> -> memref<4096x1024xf32, #tpu.memory_space<hbm>>
        tpu.enqueue_indirect_dma source(%dma_start3A_380 : memref<4096x1024xf32, #tpu.memory_space<hbm>>) target(%arg20 : memref<16x1024xf32, #tpu.memory_space<vmem>>) offsets(%get3A_371 : vector<16xi32>) semaphore(%arg23 : memref<!tpu.dma_semaphore, #tpu.memory_space<semaphore_mem>>)
        %dma_wait3A_381 = arith.constant 0 : i32
        %dma_wait3A_382 = arith.constant 0 : i32
        %dma_wait3A_383 = tpu.memref_slice %arg8[%dma_wait3A_381, %dma_wait3A_382] : memref<4096x1024xf32, #tpu.memory_space<hbm>> -> memref<4096x1024xf32, #tpu.memory_space<hbm>>
        tpu.wait_indirect_dma semaphore(%arg23 : memref<!tpu.dma_semaphore, #tpu.memory_space<semaphore_mem>>) src(%dma_wait3A_383 : memref<4096x1024xf32, #tpu.memory_space<hbm>>) dst(%arg20 : memref<16x1024xf32, #tpu.memory_space<vmem>>)
        %scan3A_384 = arith.constant 0 : i32
        %scan3A_385 = arith.constant 0 : i32
        %scan3A_386 = arith.constant 64 : i32
        %scan3A_387 = arith.addi %scan3A_385, %scan3A_386 : i32
        %scan3A_388 = arith.constant 1 : i32
        %scan3A_389 = scf.for %scan3A_391 = %scan3A_385 to %scan3A_387 step %scan3A_388 iter_args(%scan3A_392 = %scan3A_384) -> (i32)  : i32 {
          %mul3A_393 = arith.constant 16 : i32
          %mul3A_394 = arith.muli %scan3A_391, %mul3A_393 : i32
          %get3A_395 = arith.constant 0 : i32
          %get3A_396 = arith.index_cast %get3A_395 : i32 to index
          %get3A_397 = arith.index_cast %mul3A_394 : i32 to index
          %get3A_398 = tpu.vector_load %arg19[%get3A_396, %get3A_397] {strides = array<i32>} : memref<16x1024xf32, #tpu.memory_space<vmem>>, vector<1x16xf32>,
          %get3A_399 = vector.shape_cast %get3A_398 : vector<1x16xf32> to vector<16xf32>
          %get3A_400 = arith.constant 0 : i32
          %get3A_401 = arith.index_cast %get3A_400 : i32 to index
          %get3A_402 = arith.index_cast %mul3A_394 : i32 to index
          %get3A_403 = tpu.vector_load %arg20[%get3A_401, %get3A_402] {strides = array<i32>} : memref<16x1024xf32, #tpu.memory_space<vmem>>, vector<1x16xf32>,
          %get3A_404 = vector.shape_cast %get3A_403 : vector<1x16xf32> to vector<16xf32>
          %add3A_405 = arith.addf %get3A_399, %get3A_404 : vector<16xf32>
          %get3A_406 = arith.constant 0 : i32
          %get3A_407 = arith.index_cast %get3A_406 : i32 to index
          %get3A_408 = arith.index_cast %mul3A_394 : i32 to index
          %get3A_409 = tpu.vector_load %arg21[%get3A_407, %get3A_408] {strides = array<i32>} : memref<16x1024xf32, #tpu.memory_space<vmem>>, vector<1x16xf32>,
          %get3A_410 = vector.shape_cast %get3A_409 : vector<1x16xf32> to vector<16xf32>
          %add3A_411 = arith.addf %add3A_405, %get3A_410 : vector<16xf32>
          %swap3A = arith.constant 0 : i32
          %swap3A_412 = arith.index_cast %swap3A : i32 to index
          %swap3A_413 = arith.index_cast %mul3A_394 : i32 to index
          %swap3A_414 = tpu.vector_load %arg22[%swap3A_412, %swap3A_413] {strides = array<i32>} : memref<16x1024xf32, #tpu.memory_space<vmem>>, vector<1x16xf32>,
          %swap3A_415 = vector.shape_cast %swap3A_414 : vector<1x16xf32> to vector<16xf32>
          %swap3A_416 = vector.shape_cast %add3A_411 : vector<16xf32> to vector<1x16xf32>
          tpu.vector_store %arg22[%swap3A_412, %swap3A_413], %swap3A_416 {strides = array<i32>} : memref<16x1024xf32, #tpu.memory_space<vmem>>, vector<1x16xf32>,
          %get3A_417 = arith.constant 1 : i32
          %get3A_418 = arith.index_cast %get3A_417 : i32 to index
          %get3A_419 = arith.index_cast %mul3A_394 : i32 to index
          %get3A_420 = tpu.vector_load %arg19[%get3A_418, %get3A_419] {strides = array<i32>} : memref<16x1024xf32, #tpu.memory_space<vmem>>, vector<1x16xf32>,
          %get3A_421 = vector.shape_cast %get3A_420 : vector<1x16xf32> to vector<16xf32>
          %get3A_422 = arith.constant 1 : i32
          %get3A_423 = arith.index_cast %get3A_422 : i32 to index
          %get3A_424 = arith.index_cast %mul3A_394 : i32 to index
          %get3A_425 = tpu.vector_load %arg20[%get3A_423, %get3A_424] {strides = array<i32>} : memref<16x1024xf32, #tpu.memory_space<vmem>>, vector<1x16xf32>,
          %get3A_426 = vector.shape_cast %get3A_425 : vector<1x16xf32> to vector<16xf32>
          %add3A_427 = arith.addf %get3A_421, %get3A_426 : vector<16xf32>
          %get3A_428 = arith.constant 1 : i32
          %get3A_429 = arith.index_cast %get3A_428 : i32 to index
          %get3A_430 = arith.index_cast %mul3A_394 : i32 to index
          %get3A_431 = tpu.vector_load %arg21[%get3A_429, %get3A_430] {strides = array<i32>} : memref<16x1024xf32, #tpu.memory_space<vmem>>, vector<1x16xf32>,
          %get3A_432 = vector.shape_cast %get3A_431 : vector<1x16xf32> to vector<16xf32>
          %add3A_433 = arith.addf %add3A_427, %get3A_432 : vector<16xf32>
          %swap3A_434 = arith.constant 1 : i32
          %swap3A_435 = arith.index_cast %swap3A_434 : i32 to index
          %swap3A_436 = arith.index_cast %mul3A_394 : i32 to index
          %swap3A_437 = tpu.vector_load %arg22[%swap3A_435, %swap3A_436] {strides = array<i32>} : memref<16x1024xf32, #tpu.memory_space<vmem>>, vector<1x16xf32>,
          %swap3A_438 = vector.shape_cast %swap3A_437 : vector<1x16xf32> to vector<16xf32>
          %swap3A_439 = vector.shape_cast %add3A_433 : vector<16xf32> to vector<1x16xf32>
          tpu.vector_store %arg22[%swap3A_435, %swap3A_436], %swap3A_439 {strides = array<i32>} : memref<16x1024xf32, #tpu.memory_space<vmem>>, vector<1x16xf32>,
          %get3A_440 = arith.constant 2 : i32
          %get3A_441 = arith.index_cast %get3A_440 : i32 to index
          %get3A_442 = arith.index_cast %mul3A_394 : i32 to index
          %get3A_443 = tpu.vector_load %arg19[%get3A_441, %get3A_442] {strides = array<i32>} : memref<16x1024xf32, #tpu.memory_space<vmem>>, vector<1x16xf32>,
          %get3A_444 = vector.shape_cast %get3A_443 : vector<1x16xf32> to vector<16xf32>
          %get3A_445 = arith.constant 2 : i32
          %get3A_446 = arith.index_cast %get3A_445 : i32 to index
          %get3A_447 = arith.index_cast %mul3A_394 : i32 to index
          %get3A_448 = tpu.vector_load %arg20[%get3A_446, %get3A_447] {strides = array<i32>} : memref<16x1024xf32, #tpu.memory_space<vmem>>, vector<1x16xf32>,
          %get3A_449 = vector.shape_cast %get3A_448 : vector<1x16xf32> to vector<16xf32>
          %add3A_450 = arith.addf %get3A_444, %get3A_449 : vector<16xf32>
          %get3A_451 = arith.constant 2 : i32
          %get3A_452 = arith.index_cast %get3A_451 : i32 to index
          %get3A_453 = arith.index_cast %mul3A_394 : i32 to index
          %get3A_454 = tpu.vector_load %arg21[%get3A_452, %get3A_453] {strides = array<i32>} : memref<16x1024xf32, #tpu.memory_space<vmem>>, vector<1x16xf32>,
          %get3A_455 = vector.shape_cast %get3A_454 : vector<1x16xf32> to vector<16xf32>
          %add3A_456 = arith.addf %add3A_450, %get3A_455 : vector<16xf32>
          %swap3A_457 = arith.constant 2 : i32
          %swap3A_458 = arith.index_cast %swap3A_457 : i32 to index
          %swap3A_459 = arith.index_cast %mul3A_394 : i32 to index
          %swap3A_460 = tpu.vector_load %arg22[%swap3A_458, %swap3A_459] {strides = array<i32>} : memref<16x1024xf32, #tpu.memory_space<vmem>>, vector<1x16xf32>,
          %swap3A_461 = vector.shape_cast %swap3A_460 : vector<1x16xf32> to vector<16xf32>
          %swap3A_462 = vector.shape_cast %add3A_456 : vector<16xf32> to vector<1x16xf32>
          tpu.vector_store %arg22[%swap3A_458, %swap3A_459], %swap3A_462 {strides = array<i32>} : memref<16x1024xf32, #tpu.memory_space<vmem>>, vector<1x16xf32>,
          %get3A_463 = arith.constant 3 : i32
          %get3A_464 = arith.index_cast %get3A_463 : i32 to index
          %get3A_465 = arith.index_cast %mul3A_394 : i32 to index
          %get3A_466 = tpu.vector_load %arg19[%get3A_464, %get3A_465] {strides = array<i32>} : memref<16x1024xf32, #tpu.memory_space<vmem>>, vector<1x16xf32>,
          %get3A_467 = vector.shape_cast %get3A_466 : vector<1x16xf32> to vector<16xf32>
          %get3A_468 = arith.constant 3 : i32
          %get3A_469 = arith.index_cast %get3A_468 : i32 to index
          %get3A_470 = arith.index_cast %mul3A_394 : i32 to index
          %get3A_471 = tpu.vector_load %arg20[%get3A_469, %get3A_470] {strides = array<i32>} : memref<16x1024xf32, #tpu.memory_space<vmem>>, vector<1x16xf32>,
          %get3A_472 = vector.shape_cast %get3A_471 : vector<1x16xf32> to vector<16xf32>
          %add3A_473 = arith.addf %get3A_467, %get3A_472 : vector<16xf32>
          %get3A_474 = arith.constant 3 : i32
          %get3A_475 = arith.index_cast %get3A_474 : i32 to index
          %get3A_476 = arith.index_cast %mul3A_394 : i32 to index
          %get3A_477 = tpu.vector_load %arg21[%get3A_475, %get3A_476] {strides = array<i32>} : memref<16x1024xf32, #tpu.memory_space<vmem>>, vector<1x16xf32>,
          %get3A_478 = vector.shape_cast %get3A_477 : vector<1x16xf32> to vector<16xf32>
          %add3A_479 = arith.addf %add3A_473, %get3A_478 : vector<16xf32>
          %swap3A_480 = arith.constant 3 : i32
          %swap3A_481 = arith.index_cast %swap3A_480 : i32 to index
          %swap3A_482 = arith.index_cast %mul3A_394 : i32 to index
          %swap3A_483 = tpu.vector_load %arg22[%swap3A_481, %swap3A_482] {strides = array<i32>} : memref<16x1024xf32, #tpu.memory_space<vmem>>, vector<1x16xf32>,
          %swap3A_484 = vector.shape_cast %swap3A_483 : vector<1x16xf32> to vector<16xf32>
          %swap3A_485 = vector.shape_cast %add3A_479 : vector<16xf32> to vector<1x16xf32>
          tpu.vector_store %arg22[%swap3A_481, %swap3A_482], %swap3A_485 {strides = array<i32>} : memref<16x1024xf32, #tpu.memory_space<vmem>>, vector<1x16xf32>,
          %get3A_486 = arith.constant 4 : i32
          %get3A_487 = arith.index_cast %get3A_486 : i32 to index
          %get3A_488 = arith.index_cast %mul3A_394 : i32 to index
          %get3A_489 = tpu.vector_load %arg19[%get3A_487, %get3A_488] {strides = array<i32>} : memref<16x1024xf32, #tpu.memory_space<vmem>>, vector<1x16xf32>,
          %get3A_490 = vector.shape_cast %get3A_489 : vector<1x16xf32> to vector<16xf32>
          %get3A_491 = arith.constant 4 : i32
          %get3A_492 = arith.index_cast %get3A_491 : i32 to index
          %get3A_493 = arith.index_cast %mul3A_394 : i32 to index
          %get3A_494 = tpu.vector_load %arg20[%get3A_492, %get3A_493] {strides = array<i32>} : memref<16x1024xf32, #tpu.memory_space<vmem>>, vector<1x16xf32>,
          %get3A_495 = vector.shape_cast %get3A_494 : vector<1x16xf32> to vector<16xf32>
          %add3A_496 = arith.addf %get3A_490, %get3A_495 : vector<16xf32>
          %get3A_497 = arith.constant 4 : i32
          %get3A_498 = arith.index_cast %get3A_497 : i32 to index
          %get3A_499 = arith.index_cast %mul3A_394 : i32 to index
          %get3A_500 = tpu.vector_load %arg21[%get3A_498, %get3A_499] {strides = array<i32>} : memref<16x1024xf32, #tpu.memory_space<vmem>>, vector<1x16xf32>,
          %get3A_501 = vector.shape_cast %get3A_500 : vector<1x16xf32> to vector<16xf32>
          %add3A_502 = arith.addf %add3A_496, %get3A_501 : vector<16xf32>
          %swap3A_503 = arith.constant 4 : i32
          %swap3A_504 = arith.index_cast %swap3A_503 : i32 to index
          %swap3A_505 = arith.index_cast %mul3A_394 : i32 to index
          %swap3A_506 = tpu.vector_load %arg22[%swap3A_504, %swap3A_505] {strides = array<i32>} : memref<16x1024xf32, #tpu.memory_space<vmem>>, vector<1x16xf32>,
          %swap3A_507 = vector.shape_cast %swap3A_506 : vector<1x16xf32> to vector<16xf32>
          %swap3A_508 = vector.shape_cast %add3A_502 : vector<16xf32> to vector<1x16xf32>
          tpu.vector_store %arg22[%swap3A_504, %swap3A_505], %swap3A_508 {strides = array<i32>} : memref<16x1024xf32, #tpu.memory_space<vmem>>, vector<1x16xf32>,
          %get3A_509 = arith.constant 5 : i32
          %get3A_510 = arith.index_cast %get3A_509 : i32 to index
          %get3A_511 = arith.index_cast %mul3A_394 : i32 to index
          %get3A_512 = tpu.vector_load %arg19[%get3A_510, %get3A_511] {strides = array<i32>} : memref<16x1024xf32, #tpu.memory_space<vmem>>, vector<1x16xf32>,
          %get3A_513 = vector.shape_cast %get3A_512 : vector<1x16xf32> to vector<16xf32>
          %get3A_514 = arith.constant 5 : i32
          %get3A_515 = arith.index_cast %get3A_514 : i32 to index
          %get3A_516 = arith.index_cast %mul3A_394 : i32 to index
          %get3A_517 = tpu.vector_load %arg20[%get3A_515, %get3A_516] {strides = array<i32>} : memref<16x1024xf32, #tpu.memory_space<vmem>>, vector<1x16xf32>,
          %get3A_518 = vector.shape_cast %get3A_517 : vector<1x16xf32> to vector<16xf32>
          %add3A_519 = arith.addf %get3A_513, %get3A_518 : vector<16xf32>
          %get3A_520 = arith.constant 5 : i32
          %get3A_521 = arith.index_cast %get3A_520 : i32 to index
          %get3A_522 = arith.index_cast %mul3A_394 : i32 to index
          %get3A_523 = tpu.vector_load %arg21[%get3A_521, %get3A_522] {strides = array<i32>} : memref<16x1024xf32, #tpu.memory_space<vmem>>, vector<1x16xf32>,
          %get3A_524 = vector.shape_cast %get3A_523 : vector<1x16xf32> to vector<16xf32>
          %add3A_525 = arith.addf %add3A_519, %get3A_524 : vector<16xf32>
          %swap3A_526 = arith.constant 5 : i32
          %swap3A_527 = arith.index_cast %swap3A_526 : i32 to index
          %swap3A_528 = arith.index_cast %mul3A_394 : i32 to index
          %swap3A_529 = tpu.vector_load %arg22[%swap3A_527, %swap3A_528] {strides = array<i32>} : memref<16x1024xf32, #tpu.memory_space<vmem>>, vector<1x16xf32>,
          %swap3A_530 = vector.shape_cast %swap3A_529 : vector<1x16xf32> to vector<16xf32>
          %swap3A_531 = vector.shape_cast %add3A_525 : vector<16xf32> to vector<1x16xf32>
          tpu.vector_store %arg22[%swap3A_527, %swap3A_528], %swap3A_531 {strides = array<i32>} : memref<16x1024xf32, #tpu.memory_space<vmem>>, vector<1x16xf32>,
          %get3A_532 = arith.constant 6 : i32
          %get3A_533 = arith.index_cast %get3A_532 : i32 to index
          %get3A_534 = arith.index_cast %mul3A_394 : i32 to index
          %get3A_535 = tpu.vector_load %arg19[%get3A_533, %get3A_534] {strides = array<i32>} : memref<16x1024xf32, #tpu.memory_space<vmem>>, vector<1x16xf32>,
          %get3A_536 = vector.shape_cast %get3A_535 : vector<1x16xf32> to vector<16xf32>
          %get3A_537 = arith.constant 6 : i32
          %get3A_538 = arith.index_cast %get3A_537 : i32 to index
          %get3A_539 = arith.index_cast %mul3A_394 : i32 to index
          %get3A_540 = tpu.vector_load %arg20[%get3A_538, %get3A_539] {strides = array<i32>} : memref<16x1024xf32, #tpu.memory_space<vmem>>, vector<1x16xf32>,
          %get3A_541 = vector.shape_cast %get3A_540 : vector<1x16xf32> to vector<16xf32>
          %add3A_542 = arith.addf %get3A_536, %get3A_541 : vector<16xf32>
          %get3A_543 = arith.constant 6 : i32
          %get3A_544 = arith.index_cast %get3A_543 : i32 to index
          %get3A_545 = arith.index_cast %mul3A_394 : i32 to index
          %get3A_546 = tpu.vector_load %arg21[%get3A_544, %get3A_545] {strides = array<i32>} : memref<16x1024xf32, #tpu.memory_space<vmem>>, vector<1x16xf32>,
          %get3A_547 = vector.shape_cast %get3A_546 : vector<1x16xf32> to vector<16xf32>
          %add3A_548 = arith.addf %add3A_542, %get3A_547 : vector<16xf32>
          %swap3A_549 = arith.constant 6 : i32
          %swap3A_550 = arith.index_cast %swap3A_549 : i32 to index
          %swap3A_551 = arith.index_cast %mul3A_394 : i32 to index
          %swap3A_552 = tpu.vector_load %arg22[%swap3A_550, %swap3A_551] {strides = array<i32>} : memref<16x1024xf32, #tpu.memory_space<vmem>>, vector<1x16xf32>,
          %swap3A_553 = vector.shape_cast %swap3A_552 : vector<1x16xf32> to vector<16xf32>
          %swap3A_554 = vector.shape_cast %add3A_548 : vector<16xf32> to vector<1x16xf32>
          tpu.vector_store %arg22[%swap3A_550, %swap3A_551], %swap3A_554 {strides = array<i32>} : memref<16x1024xf32, #tpu.memory_space<vmem>>, vector<1x16xf32>,
          %get3A_555 = arith.constant 7 : i32
          %get3A_556 = arith.index_cast %get3A_555 : i32 to index
          %get3A_557 = arith.index_cast %mul3A_394 : i32 to index
          %get3A_558 = tpu.vector_load %arg19[%get3A_556, %get3A_557] {strides = array<i32>} : memref<16x1024xf32, #tpu.memory_space<vmem>>, vector<1x16xf32>,
          %get3A_559 = vector.shape_cast %get3A_558 : vector<1x16xf32> to vector<16xf32>
          %get3A_560 = arith.constant 7 : i32
          %get3A_561 = arith.index_cast %get3A_560 : i32 to index
          %get3A_562 = arith.index_cast %mul3A_394 : i32 to index
          %get3A_563 = tpu.vector_load %arg20[%get3A_561, %get3A_562] {strides = array<i32>} : memref<16x1024xf32, #tpu.memory_space<vmem>>, vector<1x16xf32>,
          %get3A_564 = vector.shape_cast %get3A_563 : vector<1x16xf32> to vector<16xf32>
          %add3A_565 = arith.addf %get3A_559, %get3A_564 : vector<16xf32>
          %get3A_566 = arith.constant 7 : i32
          %get3A_567 = arith.index_cast %get3A_566 : i32 to index
          %get3A_568 = arith.index_cast %mul3A_394 : i32 to index
          %get3A_569 = tpu.vector_load %arg21[%get3A_567, %get3A_568] {strides = array<i32>} : memref<16x1024xf32, #tpu.memory_space<vmem>>, vector<1x16xf32>,
          %get3A_570 = vector.shape_cast %get3A_569 : vector<1x16xf32> to vector<16xf32>
          %add3A_571 = arith.addf %add3A_565, %get3A_570 : vector<16xf32>
          %swap3A_572 = arith.constant 7 : i32
          %swap3A_573 = arith.index_cast %swap3A_572 : i32 to index
          %swap3A_574 = arith.index_cast %mul3A_394 : i32 to index
          %swap3A_575 = tpu.vector_load %arg22[%swap3A_573, %swap3A_574] {strides = array<i32>} : memref<16x1024xf32, #tpu.memory_space<vmem>>, vector<1x16xf32>,
          %swap3A_576 = vector.shape_cast %swap3A_575 : vector<1x16xf32> to vector<16xf32>
          %swap3A_577 = vector.shape_cast %add3A_571 : vector<16xf32> to vector<1x16xf32>
          tpu.vector_store %arg22[%swap3A_573, %swap3A_574], %swap3A_577 {strides = array<i32>} : memref<16x1024xf32, #tpu.memory_space<vmem>>, vector<1x16xf32>,
          %get3A_578 = arith.constant 8 : i32
          %get3A_579 = arith.index_cast %get3A_578 : i32 to index
          %get3A_580 = arith.index_cast %mul3A_394 : i32 to index
          %get3A_581 = tpu.vector_load %arg19[%get3A_579, %get3A_580] {strides = array<i32>} : memref<16x1024xf32, #tpu.memory_space<vmem>>, vector<1x16xf32>,
          %get3A_582 = vector.shape_cast %get3A_581 : vector<1x16xf32> to vector<16xf32>
          %get3A_583 = arith.constant 8 : i32
          %get3A_584 = arith.index_cast %get3A_583 : i32 to index
          %get3A_585 = arith.index_cast %mul3A_394 : i32 to index
          %get3A_586 = tpu.vector_load %arg20[%get3A_584, %get3A_585] {strides = array<i32>} : memref<16x1024xf32, #tpu.memory_space<vmem>>, vector<1x16xf32>,
          %get3A_587 = vector.shape_cast %get3A_586 : vector<1x16xf32> to vector<16xf32>
          %add3A_588 = arith.addf %get3A_582, %get3A_587 : vector<16xf32>
          %get3A_589 = arith.constant 8 : i32
          %get3A_590 = arith.index_cast %get3A_589 : i32 to index
          %get3A_591 = arith.index_cast %mul3A_394 : i32 to index
          %get3A_592 = tpu.vector_load %arg21[%get3A_590, %get3A_591] {strides = array<i32>} : memref<16x1024xf32, #tpu.memory_space<vmem>>, vector<1x16xf32>,
          %get3A_593 = vector.shape_cast %get3A_592 : vector<1x16xf32> to vector<16xf32>
          %add3A_594 = arith.addf %add3A_588, %get3A_593 : vector<16xf32>
          %swap3A_595 = arith.constant 8 : i32
          %swap3A_596 = arith.index_cast %swap3A_595 : i32 to index
          %swap3A_597 = arith.index_cast %mul3A_394 : i32 to index
          %swap3A_598 = tpu.vector_load %arg22[%swap3A_596, %swap3A_597] {strides = array<i32>} : memref<16x1024xf32, #tpu.memory_space<vmem>>, vector<1x16xf32>,
          %swap3A_599 = vector.shape_cast %swap3A_598 : vector<1x16xf32> to vector<16xf32>
          %swap3A_600 = vector.shape_cast %add3A_594 : vector<16xf32> to vector<1x16xf32>
          tpu.vector_store %arg22[%swap3A_596, %swap3A_597], %swap3A_600 {strides = array<i32>} : memref<16x1024xf32, #tpu.memory_space<vmem>>, vector<1x16xf32>,
          %get3A_601 = arith.constant 9 : i32
          %get3A_602 = arith.index_cast %get3A_601 : i32 to index
          %get3A_603 = arith.index_cast %mul3A_394 : i32 to index
          %get3A_604 = tpu.vector_load %arg19[%get3A_602, %get3A_603] {strides = array<i32>} : memref<16x1024xf32, #tpu.memory_space<vmem>>, vector<1x16xf32>,
          %get3A_605 = vector.shape_cast %get3A_604 : vector<1x16xf32> to vector<16xf32>
          %get3A_606 = arith.constant 9 : i32
          %get3A_607 = arith.index_cast %get3A_606 : i32 to index
          %get3A_608 = arith.index_cast %mul3A_394 : i32 to index
          %get3A_609 = tpu.vector_load %arg20[%get3A_607, %get3A_608] {strides = array<i32>} : memref<16x1024xf32, #tpu.memory_space<vmem>>, vector<1x16xf32>,
          %get3A_610 = vector.shape_cast %get3A_609 : vector<1x16xf32> to vector<16xf32>
          %add3A_611 = arith.addf %get3A_605, %get3A_610 : vector<16xf32>
          %get3A_612 = arith.constant 9 : i32
          %get3A_613 = arith.index_cast %get3A_612 : i32 to index
          %get3A_614 = arith.index_cast %mul3A_394 : i32 to index
          %get3A_615 = tpu.vector_load %arg21[%get3A_613, %get3A_614] {strides = array<i32>} : memref<16x1024xf32, #tpu.memory_space<vmem>>, vector<1x16xf32>,
          %get3A_616 = vector.shape_cast %get3A_615 : vector<1x16xf32> to vector<16xf32>
          %add3A_617 = arith.addf %add3A_611, %get3A_616 : vector<16xf32>
          %swap3A_618 = arith.constant 9 : i32
          %swap3A_619 = arith.index_cast %swap3A_618 : i32 to index
          %swap3A_620 = arith.index_cast %mul3A_394 : i32 to index
          %swap3A_621 = tpu.vector_load %arg22[%swap3A_619, %swap3A_620] {strides = array<i32>} : memref<16x1024xf32, #tpu.memory_space<vmem>>, vector<1x16xf32>,
          %swap3A_622 = vector.shape_cast %swap3A_621 : vector<1x16xf32> to vector<16xf32>
          %swap3A_623 = vector.shape_cast %add3A_617 : vector<16xf32> to vector<1x16xf32>
          tpu.vector_store %arg22[%swap3A_619, %swap3A_620], %swap3A_623 {strides = array<i32>} : memref<16x1024xf32, #tpu.memory_space<vmem>>, vector<1x16xf32>,
          %get3A_624 = arith.constant 10 : i32
          %get3A_625 = arith.index_cast %get3A_624 : i32 to index
          %get3A_626 = arith.index_cast %mul3A_394 : i32 to index
          %get3A_627 = tpu.vector_load %arg19[%get3A_625, %get3A_626] {strides = array<i32>} : memref<16x1024xf32, #tpu.memory_space<vmem>>, vector<1x16xf32>,
          %get3A_628 = vector.shape_cast %get3A_627 : vector<1x16xf32> to vector<16xf32>
          %get3A_629 = arith.constant 10 : i32
          %get3A_630 = arith.index_cast %get3A_629 : i32 to index
          %get3A_631 = arith.index_cast %mul3A_394 : i32 to index
          %get3A_632 = tpu.vector_load %arg20[%get3A_630, %get3A_631] {strides = array<i32>} : memref<16x1024xf32, #tpu.memory_space<vmem>>, vector<1x16xf32>,
          %get3A_633 = vector.shape_cast %get3A_632 : vector<1x16xf32> to vector<16xf32>
          %add3A_634 = arith.addf %get3A_628, %get3A_633 : vector<16xf32>
          %get3A_635 = arith.constant 10 : i32
          %get3A_636 = arith.index_cast %get3A_635 : i32 to index
          %get3A_637 = arith.index_cast %mul3A_394 : i32 to index
          %get3A_638 = tpu.vector_load %arg21[%get3A_636, %get3A_637] {strides = array<i32>} : memref<16x1024xf32, #tpu.memory_space<vmem>>, vector<1x16xf32>,
          %get3A_639 = vector.shape_cast %get3A_638 : vector<1x16xf32> to vector<16xf32>
          %add3A_640 = arith.addf %add3A_634, %get3A_639 : vector<16xf32>
          %swap3A_641 = arith.constant 10 : i32
          %swap3A_642 = arith.index_cast %swap3A_641 : i32 to index
          %swap3A_643 = arith.index_cast %mul3A_394 : i32 to index
          %swap3A_644 = tpu.vector_load %arg22[%swap3A_642, %swap3A_643] {strides = array<i32>} : memref<16x1024xf32, #tpu.memory_space<vmem>>, vector<1x16xf32>,
          %swap3A_645 = vector.shape_cast %swap3A_644 : vector<1x16xf32> to vector<16xf32>
          %swap3A_646 = vector.shape_cast %add3A_640 : vector<16xf32> to vector<1x16xf32>
          tpu.vector_store %arg22[%swap3A_642, %swap3A_643], %swap3A_646 {strides = array<i32>} : memref<16x1024xf32, #tpu.memory_space<vmem>>, vector<1x16xf32>,
          %get3A_647 = arith.constant 11 : i32
          %get3A_648 = arith.index_cast %get3A_647 : i32 to index
          %get3A_649 = arith.index_cast %mul3A_394 : i32 to index
          %get3A_650 = tpu.vector_load %arg19[%get3A_648, %get3A_649] {strides = array<i32>} : memref<16x1024xf32, #tpu.memory_space<vmem>>, vector<1x16xf32>,
          %get3A_651 = vector.shape_cast %get3A_650 : vector<1x16xf32> to vector<16xf32>
          %get3A_652 = arith.constant 11 : i32
          %get3A_653 = arith.index_cast %get3A_652 : i32 to index
          %get3A_654 = arith.index_cast %mul3A_394 : i32 to index
          %get3A_655 = tpu.vector_load %arg20[%get3A_653, %get3A_654] {strides = array<i32>} : memref<16x1024xf32, #tpu.memory_space<vmem>>, vector<1x16xf32>,
          %get3A_656 = vector.shape_cast %get3A_655 : vector<1x16xf32> to vector<16xf32>
          %add3A_657 = arith.addf %get3A_651, %get3A_656 : vector<16xf32>
          %get3A_658 = arith.constant 11 : i32
          %get3A_659 = arith.index_cast %get3A_658 : i32 to index
          %get3A_660 = arith.index_cast %mul3A_394 : i32 to index
          %get3A_661 = tpu.vector_load %arg21[%get3A_659, %get3A_660] {strides = array<i32>} : memref<16x1024xf32, #tpu.memory_space<vmem>>, vector<1x16xf32>,
          %get3A_662 = vector.shape_cast %get3A_661 : vector<1x16xf32> to vector<16xf32>
          %add3A_663 = arith.addf %add3A_657, %get3A_662 : vector<16xf32>
          %swap3A_664 = arith.constant 11 : i32
          %swap3A_665 = arith.index_cast %swap3A_664 : i32 to index
          %swap3A_666 = arith.index_cast %mul3A_394 : i32 to index
          %swap3A_667 = tpu.vector_load %arg22[%swap3A_665, %swap3A_666] {strides = array<i32>} : memref<16x1024xf32, #tpu.memory_space<vmem>>, vector<1x16xf32>,
          %swap3A_668 = vector.shape_cast %swap3A_667 : vector<1x16xf32> to vector<16xf32>
          %swap3A_669 = vector.shape_cast %add3A_663 : vector<16xf32> to vector<1x16xf32>
          tpu.vector_store %arg22[%swap3A_665, %swap3A_666], %swap3A_669 {strides = array<i32>} : memref<16x1024xf32, #tpu.memory_space<vmem>>, vector<1x16xf32>,
          %get3A_670 = arith.constant 12 : i32
          %get3A_671 = arith.index_cast %get3A_670 : i32 to index
          %get3A_672 = arith.index_cast %mul3A_394 : i32 to index
          %get3A_673 = tpu.vector_load %arg19[%get3A_671, %get3A_672] {strides = array<i32>} : memref<16x1024xf32, #tpu.memory_space<vmem>>, vector<1x16xf32>,
          %get3A_674 = vector.shape_cast %get3A_673 : vector<1x16xf32> to vector<16xf32>
          %get3A_675 = arith.constant 12 : i32
          %get3A_676 = arith.index_cast %get3A_675 : i32 to index
          %get3A_677 = arith.index_cast %mul3A_394 : i32 to index
          %get3A_678 = tpu.vector_load %arg20[%get3A_676, %get3A_677] {strides = array<i32>} : memref<16x1024xf32, #tpu.memory_space<vmem>>, vector<1x16xf32>,
          %get3A_679 = vector.shape_cast %get3A_678 : vector<1x16xf32> to vector<16xf32>
          %add3A_680 = arith.addf %get3A_674, %get3A_679 : vector<16xf32>
          %get3A_681 = arith.constant 12 : i32
          %get3A_682 = arith.index_cast %get3A_681 : i32 to index
          %get3A_683 = arith.index_cast %mul3A_394 : i32 to index
          %get3A_684 = tpu.vector_load %arg21[%get3A_682, %get3A_683] {strides = array<i32>} : memref<16x1024xf32, #tpu.memory_space<vmem>>, vector<1x16xf32>,
          %get3A_685 = vector.shape_cast %get3A_684 : vector<1x16xf32> to vector<16xf32>
          %add3A_686 = arith.addf %add3A_680, %get3A_685 : vector<16xf32>
          %swap3A_687 = arith.constant 12 : i32
          %swap3A_688 = arith.index_cast %swap3A_687 : i32 to index
          %swap3A_689 = arith.index_cast %mul3A_394 : i32 to index
          %swap3A_690 = tpu.vector_load %arg22[%swap3A_688, %swap3A_689] {strides = array<i32>} : memref<16x1024xf32, #tpu.memory_space<vmem>>, vector<1x16xf32>,
          %swap3A_691 = vector.shape_cast %swap3A_690 : vector<1x16xf32> to vector<16xf32>
          %swap3A_692 = vector.shape_cast %add3A_686 : vector<16xf32> to vector<1x16xf32>
          tpu.vector_store %arg22[%swap3A_688, %swap3A_689], %swap3A_692 {strides = array<i32>} : memref<16x1024xf32, #tpu.memory_space<vmem>>, vector<1x16xf32>,
          %get3A_693 = arith.constant 13 : i32
          %get3A_694 = arith.index_cast %get3A_693 : i32 to index
          %get3A_695 = arith.index_cast %mul3A_394 : i32 to index
          %get3A_696 = tpu.vector_load %arg19[%get3A_694, %get3A_695] {strides = array<i32>} : memref<16x1024xf32, #tpu.memory_space<vmem>>, vector<1x16xf32>,
          %get3A_697 = vector.shape_cast %get3A_696 : vector<1x16xf32> to vector<16xf32>
          %get3A_698 = arith.constant 13 : i32
          %get3A_699 = arith.index_cast %get3A_698 : i32 to index
          %get3A_700 = arith.index_cast %mul3A_394 : i32 to index
          %get3A_701 = tpu.vector_load %arg20[%get3A_699, %get3A_700] {strides = array<i32>} : memref<16x1024xf32, #tpu.memory_space<vmem>>, vector<1x16xf32>,
          %get3A_702 = vector.shape_cast %get3A_701 : vector<1x16xf32> to vector<16xf32>
          %add3A_703 = arith.addf %get3A_697, %get3A_702 : vector<16xf32>
          %get3A_704 = arith.constant 13 : i32
          %get3A_705 = arith.index_cast %get3A_704 : i32 to index
          %get3A_706 = arith.index_cast %mul3A_394 : i32 to index
          %get3A_707 = tpu.vector_load %arg21[%get3A_705, %get3A_706] {strides = array<i32>} : memref<16x1024xf32, #tpu.memory_space<vmem>>, vector<1x16xf32>,
          %get3A_708 = vector.shape_cast %get3A_707 : vector<1x16xf32> to vector<16xf32>
          %add3A_709 = arith.addf %add3A_703, %get3A_708 : vector<16xf32>
          %swap3A_710 = arith.constant 13 : i32
          %swap3A_711 = arith.index_cast %swap3A_710 : i32 to index
          %swap3A_712 = arith.index_cast %mul3A_394 : i32 to index
          %swap3A_713 = tpu.vector_load %arg22[%swap3A_711, %swap3A_712] {strides = array<i32>} : memref<16x1024xf32, #tpu.memory_space<vmem>>, vector<1x16xf32>,
          %swap3A_714 = vector.shape_cast %swap3A_713 : vector<1x16xf32> to vector<16xf32>
          %swap3A_715 = vector.shape_cast %add3A_709 : vector<16xf32> to vector<1x16xf32>
          tpu.vector_store %arg22[%swap3A_711, %swap3A_712], %swap3A_715 {strides = array<i32>} : memref<16x1024xf32, #tpu.memory_space<vmem>>, vector<1x16xf32>,
          %get3A_716 = arith.constant 14 : i32
          %get3A_717 = arith.index_cast %get3A_716 : i32 to index
          %get3A_718 = arith.index_cast %mul3A_394 : i32 to index
          %get3A_719 = tpu.vector_load %arg19[%get3A_717, %get3A_718] {strides = array<i32>} : memref<16x1024xf32, #tpu.memory_space<vmem>>, vector<1x16xf32>,
          %get3A_720 = vector.shape_cast %get3A_719 : vector<1x16xf32> to vector<16xf32>
          %get3A_721 = arith.constant 14 : i32
          %get3A_722 = arith.index_cast %get3A_721 : i32 to index
          %get3A_723 = arith.index_cast %mul3A_394 : i32 to index
          %get3A_724 = tpu.vector_load %arg20[%get3A_722, %get3A_723] {strides = array<i32>} : memref<16x1024xf32, #tpu.memory_space<vmem>>, vector<1x16xf32>,
          %get3A_725 = vector.shape_cast %get3A_724 : vector<1x16xf32> to vector<16xf32>
          %add3A_726 = arith.addf %get3A_720, %get3A_725 : vector<16xf32>
          %get3A_727 = arith.constant 14 : i32
          %get3A_728 = arith.index_cast %get3A_727 : i32 to index
          %get3A_729 = arith.index_cast %mul3A_394 : i32 to index
          %get3A_730 = tpu.vector_load %arg21[%get3A_728, %get3A_729] {strides = array<i32>} : memref<16x1024xf32, #tpu.memory_space<vmem>>, vector<1x16xf32>,
          %get3A_731 = vector.shape_cast %get3A_730 : vector<1x16xf32> to vector<16xf32>
          %add3A_732 = arith.addf %add3A_726, %get3A_731 : vector<16xf32>
          %swap3A_733 = arith.constant 14 : i32
          %swap3A_734 = arith.index_cast %swap3A_733 : i32 to index
          %swap3A_735 = arith.index_cast %mul3A_394 : i32 to index
          %swap3A_736 = tpu.vector_load %arg22[%swap3A_734, %swap3A_735] {strides = array<i32>} : memref<16x1024xf32, #tpu.memory_space<vmem>>, vector<1x16xf32>,
          %swap3A_737 = vector.shape_cast %swap3A_736 : vector<1x16xf32> to vector<16xf32>
          %swap3A_738 = vector.shape_cast %add3A_732 : vector<16xf32> to vector<1x16xf32>
          tpu.vector_store %arg22[%swap3A_734, %swap3A_735], %swap3A_738 {strides = array<i32>} : memref<16x1024xf32, #tpu.memory_space<vmem>>, vector<1x16xf32>,
          %get3A_739 = arith.constant 15 : i32
          %get3A_740 = arith.index_cast %get3A_739 : i32 to index
          %get3A_741 = arith.index_cast %mul3A_394 : i32 to index
          %get3A_742 = tpu.vector_load %arg19[%get3A_740, %get3A_741] {strides = array<i32>} : memref<16x1024xf32, #tpu.memory_space<vmem>>, vector<1x16xf32>,
          %get3A_743 = vector.shape_cast %get3A_742 : vector<1x16xf32> to vector<16xf32>
          %get3A_744 = arith.constant 15 : i32
          %get3A_745 = arith.index_cast %get3A_744 : i32 to index
          %get3A_746 = arith.index_cast %mul3A_394 : i32 to index
          %get3A_747 = tpu.vector_load %arg20[%get3A_745, %get3A_746] {strides = array<i32>} : memref<16x1024xf32, #tpu.memory_space<vmem>>, vector<1x16xf32>,
          %get3A_748 = vector.shape_cast %get3A_747 : vector<1x16xf32> to vector<16xf32>
          %add3A_749 = arith.addf %get3A_743, %get3A_748 : vector<16xf32>
          %get3A_750 = arith.constant 15 : i32
          %get3A_751 = arith.index_cast %get3A_750 : i32 to index
          %get3A_752 = arith.index_cast %mul3A_394 : i32 to index
          %get3A_753 = tpu.vector_load %arg21[%get3A_751, %get3A_752] {strides = array<i32>} : memref<16x1024xf32, #tpu.memory_space<vmem>>, vector<1x16xf32>,
          %get3A_754 = vector.shape_cast %get3A_753 : vector<1x16xf32> to vector<16xf32>
          %add3A_755 = arith.addf %add3A_749, %get3A_754 : vector<16xf32>
          %swap3A_756 = arith.constant 15 : i32
          %swap3A_757 = arith.index_cast %swap3A_756 : i32 to index
          %swap3A_758 = arith.index_cast %mul3A_394 : i32 to index
          %swap3A_759 = tpu.vector_load %arg22[%swap3A_757, %swap3A_758] {strides = array<i32>} : memref<16x1024xf32, #tpu.memory_space<vmem>>, vector<1x16xf32>,
          %swap3A_760 = vector.shape_cast %swap3A_759 : vector<1x16xf32> to vector<16xf32>
          %swap3A_761 = vector.shape_cast %add3A_755 : vector<16xf32> to vector<1x16xf32>
          tpu.vector_store %arg22[%swap3A_757, %swap3A_758], %swap3A_761 {strides = array<i32>} : memref<16x1024xf32, #tpu.memory_space<vmem>>, vector<1x16xf32>,
          %scan3A_762 = arith.constant 0 : i32
          scf.yield %scan3A_762 : i32
        }
        %scan3A_390 = arith.constant 64 : i32
      } else {
      }
      %convert_element_type3A_353 = arith.extui %not3A_316 : i1 to i32
      %cond3A_354 = arith.constant 0 : i32
      %cond3A_355 = arith.cmpi ne, %convert_element_type3A_353, %cond3A_354 : i32
      scf.if %cond3A_355 {
        %sub3A_366 = arith.subi %min3A_97, %mul3A_313 : i32
        %get3A_367 = arith.index_cast %mul3A_313 : i32 to index
        %get3A_368 = tpu.vector_load %arg15[%get3A_367] {strides = array<i32>} : memref<512xi32, #tpu.memory_space<vmem>>, vector<16xi32>,
        %get3A_369 = vector.shape_cast %get3A_368 : vector<16xi32> to vector<16xi32>
        %get3A_370 = arith.index_cast %mul3A_313 : i32 to index
        %get3A_371 = tpu.vector_load %arg16[%get3A_370] {strides = array<i32>} : memref<512xi32, #tpu.memory_space<vmem>>, vector<16xi32>,
        %get3A_372 = vector.shape_cast %get3A_371 : vector<16xi32> to vector<16xi32>
        %dma_start3A_373 = arith.constant 0 : i32
        %dma_start3A_374 = arith.constant 0 : i32
        %dma_start3A_375 = tpu.memref_slice %arg5[%dma_start3A_373, %dma_start3A_374] : memref<704x1024xf32, #tpu.memory_space<hbm>> -> memref<704x1024xf32, #tpu.memory_space<hbm>>
        tpu.enqueue_indirect_dma source(%dma_start3A_375 : memref<704x1024xf32, #tpu.memory_space<hbm>>) target(%arg19 : memref<16x1024xf32, #tpu.memory_space<vmem>>) offsets(%get3A_369 : vector<16xi32>) semaphore(%arg23 : memref<!tpu.dma_semaphore, #tpu.memory_space<semaphore_mem>>)
        %dma_wait3A_376 = arith.constant 0 : i32
        %dma_wait3A_377 = arith.constant 0 : i32
        %dma_wait3A_378 = tpu.memref_slice %arg5[%dma_wait3A_376, %dma_wait3A_377] : memref<704x1024xf32, #tpu.memory_space<hbm>> -> memref<704x1024xf32, #tpu.memory_space<hbm>>
        tpu.wait_indirect_dma semaphore(%arg23 : memref<!tpu.dma_semaphore, #tpu.memory_space<semaphore_mem>>) src(%dma_wait3A_378 : memref<704x1024xf32, #tpu.memory_space<hbm>>) dst(%arg19 : memref<16x1024xf32, #tpu.memory_space<vmem>>)
        %dma_start3A_379 = arith.constant 0 : i32
        %dma_start3A_380 = arith.constant 0 : i32
        %dma_start3A_381 = tpu.memref_slice %arg6[%dma_start3A_379, %dma_start3A_380] : memref<2048x1024xf32, #tpu.memory_space<hbm>> -> memref<2048x1024xf32, #tpu.memory_space<hbm>>
        tpu.enqueue_indirect_dma source(%dma_start3A_381 : memref<2048x1024xf32, #tpu.memory_space<hbm>>) target(%arg20 : memref<16x1024xf32, #tpu.memory_space<vmem>>) offsets(%get3A_372 : vector<16xi32>) semaphore(%arg23 : memref<!tpu.dma_semaphore, #tpu.memory_space<semaphore_mem>>)
        %dma_wait3A_382 = arith.constant 0 : i32
        %dma_wait3A_383 = arith.constant 0 : i32
        %dma_wait3A_384 = tpu.memref_slice %arg6[%dma_wait3A_382, %dma_wait3A_383] : memref<2048x1024xf32, #tpu.memory_space<hbm>> -> memref<2048x1024xf32, #tpu.memory_space<hbm>>
        tpu.wait_indirect_dma semaphore(%arg23 : memref<!tpu.dma_semaphore, #tpu.memory_space<semaphore_mem>>) src(%dma_wait3A_384 : memref<2048x1024xf32, #tpu.memory_space<hbm>>) dst(%arg20 : memref<16x1024xf32, #tpu.memory_space<vmem>>)
        %scan3A_385 = arith.constant 0 : i32
        %scan3A_386 = arith.constant 0 : i32
        %scan3A_387 = arith.constant 64 : i32
        %scan3A_388 = arith.addi %scan3A_386, %scan3A_387 : i32
        %scan3A_389 = arith.constant 1 : i32
        %scan3A_390 = scf.for %scan3A_417 = %scan3A_386 to %scan3A_388 step %scan3A_389 iter_args(%scan3A_418 = %scan3A_385) -> (i32)  : i32 {
          %mul3A_419 = arith.constant 16 : i32
          %mul3A_420 = arith.muli %scan3A_417, %mul3A_419 : i32
          %gt3A = arith.constant 0 : i32
          %gt3A_421 = arith.cmpi sgt, %sub3A_366, %gt3A : i32
          %and3A_422 = arith.constant true
          %and3A_423 = arith.andi %and3A_422, %gt3A_421 : i1
          %convert_element_type3A_424 = arith.extui %and3A_423 : i1 to i32
          %cond3A_425 = arith.constant 0 : i32
          %cond3A_426 = arith.cmpi ne, %convert_element_type3A_424, %cond3A_425 : i32
          scf.if %cond3A_426 {
            %get3A_533 = arith.constant 0 : i32
            %get3A_534 = arith.index_cast %get3A_533 : i32 to index
            %get3A_535 = arith.index_cast %mul3A_420 : i32 to index
            %get3A_536 = tpu.vector_load %arg19[%get3A_534, %get3A_535] {strides = array<i32>} : memref<16x1024xf32, #tpu.memory_space<vmem>>, vector<1x16xf32>,
            %get3A_537 = vector.shape_cast %get3A_536 : vector<1x16xf32> to vector<16xf32>
            %get3A_538 = arith.constant 0 : i32
            %get3A_539 = arith.index_cast %get3A_538 : i32 to index
            %get3A_540 = arith.index_cast %mul3A_420 : i32 to index
            %get3A_541 = tpu.vector_load %arg20[%get3A_539, %get3A_540] {strides = array<i32>} : memref<16x1024xf32, #tpu.memory_space<vmem>>, vector<1x16xf32>,
            %get3A_542 = vector.shape_cast %get3A_541 : vector<1x16xf32> to vector<16xf32>
            %add3A_543 = arith.addf %get3A_537, %get3A_542 : vector<16xf32>
            %get3A_544 = arith.constant 0 : i32
            %get3A_545 = arith.index_cast %get3A_544 : i32 to index
            %get3A_546 = arith.index_cast %mul3A_420 : i32 to index
            %get3A_547 = tpu.vector_load %arg21[%get3A_545, %get3A_546] {strides = array<i32>} : memref<16x1024xf32, #tpu.memory_space<vmem>>, vector<1x16xf32>,
            %get3A_548 = vector.shape_cast %get3A_547 : vector<1x16xf32> to vector<16xf32>
            %add3A_549 = arith.addf %add3A_543, %get3A_548 : vector<16xf32>
            %swap3A = arith.constant 0 : i32
            %swap3A_550 = arith.index_cast %swap3A : i32 to index
            %swap3A_551 = arith.index_cast %mul3A_420 : i32 to index
            %swap3A_552 = tpu.vector_load %arg22[%swap3A_550, %swap3A_551] {strides = array<i32>} : memref<16x1024xf32, #tpu.memory_space<vmem>>, vector<1x16xf32>,
            %swap3A_553 = vector.shape_cast %swap3A_552 : vector<1x16xf32> to vector<16xf32>
            %swap3A_554 = vector.shape_cast %add3A_549 : vector<16xf32> to vector<1x16xf32>
            tpu.vector_store %arg22[%swap3A_550, %swap3A_551], %swap3A_554 {strides = array<i32>} : memref<16x1024xf32, #tpu.memory_space<vmem>>, vector<1x16xf32>,
          } else {
          }
          %gt3A_427 = arith.constant 1 : i32
          %gt3A_428 = arith.cmpi sgt, %sub3A_366, %gt3A_427 : i32
          %and3A_429 = arith.constant true
          %and3A_430 = arith.andi %and3A_429, %gt3A_428 : i1
          %convert_element_type3A_431 = arith.extui %and3A_430 : i1 to i32
          %cond3A_432 = arith.constant 0 : i32
          %cond3A_433 = arith.cmpi ne, %convert_element_type3A_431, %cond3A_432 : i32
          scf.if %cond3A_433 {
            %get3A_533 = arith.constant 1 : i32
            %get3A_534 = arith.index_cast %get3A_533 : i32 to index
            %get3A_535 = arith.index_cast %mul3A_420 : i32 to index
            %get3A_536 = tpu.vector_load %arg19[%get3A_534, %get3A_535] {strides = array<i32>} : memref<16x1024xf32, #tpu.memory_space<vmem>>, vector<1x16xf32>,
            %get3A_537 = vector.shape_cast %get3A_536 : vector<1x16xf32> to vector<16xf32>
            %get3A_538 = arith.constant 1 : i32
            %get3A_539 = arith.index_cast %get3A_538 : i32 to index
            %get3A_540 = arith.index_cast %mul3A_420 : i32 to index
            %get3A_541 = tpu.vector_load %arg20[%get3A_539, %get3A_540] {strides = array<i32>} : memref<16x1024xf32, #tpu.memory_space<vmem>>, vector<1x16xf32>,
            %get3A_542 = vector.shape_cast %get3A_541 : vector<1x16xf32> to vector<16xf32>
            %add3A_543 = arith.addf %get3A_537, %get3A_542 : vector<16xf32>
            %get3A_544 = arith.constant 1 : i32
            %get3A_545 = arith.index_cast %get3A_544 : i32 to index
            %get3A_546 = arith.index_cast %mul3A_420 : i32 to index
            %get3A_547 = tpu.vector_load %arg21[%get3A_545, %get3A_546] {strides = array<i32>} : memref<16x1024xf32, #tpu.memory_space<vmem>>, vector<1x16xf32>,
            %get3A_548 = vector.shape_cast %get3A_547 : vector<1x16xf32> to vector<16xf32>
            %add3A_549 = arith.addf %add3A_543, %get3A_548 : vector<16xf32>
            %swap3A = arith.constant 1 : i32
            %swap3A_550 = arith.index_cast %swap3A : i32 to index
            %swap3A_551 = arith.index_cast %mul3A_420 : i32 to index
            %swap3A_552 = tpu.vector_load %arg22[%swap3A_550, %swap3A_551] {strides = array<i32>} : memref<16x1024xf32, #tpu.memory_space<vmem>>, vector<1x16xf32>,
            %swap3A_553 = vector.shape_cast %swap3A_552 : vector<1x16xf32> to vector<16xf32>
            %swap3A_554 = vector.shape_cast %add3A_549 : vector<16xf32> to vector<1x16xf32>
            tpu.vector_store %arg22[%swap3A_550, %swap3A_551], %swap3A_554 {strides = array<i32>} : memref<16x1024xf32, #tpu.memory_space<vmem>>, vector<1x16xf32>,
          } else {
          }
          %gt3A_434 = arith.constant 2 : i32
          %gt3A_435 = arith.cmpi sgt, %sub3A_366, %gt3A_434 : i32
          %and3A_436 = arith.constant true
          %and3A_437 = arith.andi %and3A_436, %gt3A_435 : i1
          %convert_element_type3A_438 = arith.extui %and3A_437 : i1 to i32
          %cond3A_439 = arith.constant 0 : i32
          %cond3A_440 = arith.cmpi ne, %convert_element_type3A_438, %cond3A_439 : i32
          scf.if %cond3A_440 {
            %get3A_533 = arith.constant 2 : i32
            %get3A_534 = arith.index_cast %get3A_533 : i32 to index
            %get3A_535 = arith.index_cast %mul3A_420 : i32 to index
            %get3A_536 = tpu.vector_load %arg19[%get3A_534, %get3A_535] {strides = array<i32>} : memref<16x1024xf32, #tpu.memory_space<vmem>>, vector<1x16xf32>,
            %get3A_537 = vector.shape_cast %get3A_536 : vector<1x16xf32> to vector<16xf32>
            %get3A_538 = arith.constant 2 : i32
            %get3A_539 = arith.index_cast %get3A_538 : i32 to index
            %get3A_540 = arith.index_cast %mul3A_420 : i32 to index
            %get3A_541 = tpu.vector_load %arg20[%get3A_539, %get3A_540] {strides = array<i32>} : memref<16x1024xf32, #tpu.memory_space<vmem>>, vector<1x16xf32>,
            %get3A_542 = vector.shape_cast %get3A_541 : vector<1x16xf32> to vector<16xf32>
            %add3A_543 = arith.addf %get3A_537, %get3A_542 : vector<16xf32>
            %get3A_544 = arith.constant 2 : i32
            %get3A_545 = arith.index_cast %get3A_544 : i32 to index
            %get3A_546 = arith.index_cast %mul3A_420 : i32 to index
            %get3A_547 = tpu.vector_load %arg21[%get3A_545, %get3A_546] {strides = array<i32>} : memref<16x1024xf32, #tpu.memory_space<vmem>>, vector<1x16xf32>,
            %get3A_548 = vector.shape_cast %get3A_547 : vector<1x16xf32> to vector<16xf32>
            %add3A_549 = arith.addf %add3A_543, %get3A_548 : vector<16xf32>
            %swap3A = arith.constant 2 : i32
            %swap3A_550 = arith.index_cast %swap3A : i32 to index
            %swap3A_551 = arith.index_cast %mul3A_420 : i32 to index
            %swap3A_552 = tpu.vector_load %arg22[%swap3A_550, %swap3A_551] {strides = array<i32>} : memref<16x1024xf32, #tpu.memory_space<vmem>>, vector<1x16xf32>,
            %swap3A_553 = vector.shape_cast %swap3A_552 : vector<1x16xf32> to vector<16xf32>
            %swap3A_554 = vector.shape_cast %add3A_549 : vector<16xf32> to vector<1x16xf32>
            tpu.vector_store %arg22[%swap3A_550, %swap3A_551], %swap3A_554 {strides = array<i32>} : memref<16x1024xf32, #tpu.memory_space<vmem>>, vector<1x16xf32>,
          } else {
          }
          %gt3A_441 = arith.constant 3 : i32
          %gt3A_442 = arith.cmpi sgt, %sub3A_366, %gt3A_441 : i32
          %and3A_443 = arith.constant true
          %and3A_444 = arith.andi %and3A_443, %gt3A_442 : i1
          %convert_element_type3A_445 = arith.extui %and3A_444 : i1 to i32
          %cond3A_446 = arith.constant 0 : i32
          %cond3A_447 = arith.cmpi ne, %convert_element_type3A_445, %cond3A_446 : i32
          scf.if %cond3A_447 {
            %get3A_533 = arith.constant 3 : i32
            %get3A_534 = arith.index_cast %get3A_533 : i32 to index
            %get3A_535 = arith.index_cast %mul3A_420 : i32 to index
            %get3A_536 = tpu.vector_load %arg19[%get3A_534, %get3A_535] {strides = array<i32>} : memref<16x1024xf32, #tpu.memory_space<vmem>>, vector<1x16xf32>,
            %get3A_537 = vector.shape_cast %get3A_536 : vector<1x16xf32> to vector<16xf32>
            %get3A_538 = arith.constant 3 : i32
            %get3A_539 = arith.index_cast %get3A_538 : i32 to index
            %get3A_540 = arith.index_cast %mul3A_420 : i32 to index
            %get3A_541 = tpu.vector_load %arg20[%get3A_539, %get3A_540] {strides = array<i32>} : memref<16x1024xf32, #tpu.memory_space<vmem>>, vector<1x16xf32>,
            %get3A_542 = vector.shape_cast %get3A_541 : vector<1x16xf32> to vector<16xf32>
            %add3A_543 = arith.addf %get3A_537, %get3A_542 : vector<16xf32>
            %get3A_544 = arith.constant 3 : i32
            %get3A_545 = arith.index_cast %get3A_544 : i32 to index
            %get3A_546 = arith.index_cast %mul3A_420 : i32 to index
            %get3A_547 = tpu.vector_load %arg21[%get3A_545, %get3A_546] {strides = array<i32>} : memref<16x1024xf32, #tpu.memory_space<vmem>>, vector<1x16xf32>,
            %get3A_548 = vector.shape_cast %get3A_547 : vector<1x16xf32> to vector<16xf32>
            %add3A_549 = arith.addf %add3A_543, %get3A_548 : vector<16xf32>
            %swap3A = arith.constant 3 : i32
            %swap3A_550 = arith.index_cast %swap3A : i32 to index
            %swap3A_551 = arith.index_cast %mul3A_420 : i32 to index
            %swap3A_552 = tpu.vector_load %arg22[%swap3A_550, %swap3A_551] {strides = array<i32>} : memref<16x1024xf32, #tpu.memory_space<vmem>>, vector<1x16xf32>,
            %swap3A_553 = vector.shape_cast %swap3A_552 : vector<1x16xf32> to vector<16xf32>
            %swap3A_554 = vector.shape_cast %add3A_549 : vector<16xf32> to vector<1x16xf32>
            tpu.vector_store %arg22[%swap3A_550, %swap3A_551], %swap3A_554 {strides = array<i32>} : memref<16x1024xf32, #tpu.memory_space<vmem>>, vector<1x16xf32>,
          } else {
          }
          %gt3A_448 = arith.constant 4 : i32
          %gt3A_449 = arith.cmpi sgt, %sub3A_366, %gt3A_448 : i32
          %and3A_450 = arith.constant true
          %and3A_451 = arith.andi %and3A_450, %gt3A_449 : i1
          %convert_element_type3A_452 = arith.extui %and3A_451 : i1 to i32
          %cond3A_453 = arith.constant 0 : i32
          %cond3A_454 = arith.cmpi ne, %convert_element_type3A_452, %cond3A_453 : i32
          scf.if %cond3A_454 {
            %get3A_533 = arith.constant 4 : i32
            %get3A_534 = arith.index_cast %get3A_533 : i32 to index
            %get3A_535 = arith.index_cast %mul3A_420 : i32 to index
            %get3A_536 = tpu.vector_load %arg19[%get3A_534, %get3A_535] {strides = array<i32>} : memref<16x1024xf32, #tpu.memory_space<vmem>>, vector<1x16xf32>,
            %get3A_537 = vector.shape_cast %get3A_536 : vector<1x16xf32> to vector<16xf32>
            %get3A_538 = arith.constant 4 : i32
            %get3A_539 = arith.index_cast %get3A_538 : i32 to index
            %get3A_540 = arith.index_cast %mul3A_420 : i32 to index
            %get3A_541 = tpu.vector_load %arg20[%get3A_539, %get3A_540] {strides = array<i32>} : memref<16x1024xf32, #tpu.memory_space<vmem>>, vector<1x16xf32>,
            %get3A_542 = vector.shape_cast %get3A_541 : vector<1x16xf32> to vector<16xf32>
            %add3A_543 = arith.addf %get3A_537, %get3A_542 : vector<16xf32>
            %get3A_544 = arith.constant 4 : i32
            %get3A_545 = arith.index_cast %get3A_544 : i32 to index
            %get3A_546 = arith.index_cast %mul3A_420 : i32 to index
            %get3A_547 = tpu.vector_load %arg21[%get3A_545, %get3A_546] {strides = array<i32>} : memref<16x1024xf32, #tpu.memory_space<vmem>>, vector<1x16xf32>,
            %get3A_548 = vector.shape_cast %get3A_547 : vector<1x16xf32> to vector<16xf32>
            %add3A_549 = arith.addf %add3A_543, %get3A_548 : vector<16xf32>
            %swap3A = arith.constant 4 : i32
            %swap3A_550 = arith.index_cast %swap3A : i32 to index
            %swap3A_551 = arith.index_cast %mul3A_420 : i32 to index
            %swap3A_552 = tpu.vector_load %arg22[%swap3A_550, %swap3A_551] {strides = array<i32>} : memref<16x1024xf32, #tpu.memory_space<vmem>>, vector<1x16xf32>,
            %swap3A_553 = vector.shape_cast %swap3A_552 : vector<1x16xf32> to vector<16xf32>
            %swap3A_554 = vector.shape_cast %add3A_549 : vector<16xf32> to vector<1x16xf32>
            tpu.vector_store %arg22[%swap3A_550, %swap3A_551], %swap3A_554 {strides = array<i32>} : memref<16x1024xf32, #tpu.memory_space<vmem>>, vector<1x16xf32>,
          } else {
          }
          %gt3A_455 = arith.constant 5 : i32
          %gt3A_456 = arith.cmpi sgt, %sub3A_366, %gt3A_455 : i32
          %and3A_457 = arith.constant true
          %and3A_458 = arith.andi %and3A_457, %gt3A_456 : i1
          %convert_element_type3A_459 = arith.extui %and3A_458 : i1 to i32
          %cond3A_460 = arith.constant 0 : i32
          %cond3A_461 = arith.cmpi ne, %convert_element_type3A_459, %cond3A_460 : i32
          scf.if %cond3A_461 {
            %get3A_533 = arith.constant 5 : i32
            %get3A_534 = arith.index_cast %get3A_533 : i32 to index
            %get3A_535 = arith.index_cast %mul3A_420 : i32 to index
            %get3A_536 = tpu.vector_load %arg19[%get3A_534, %get3A_535] {strides = array<i32>} : memref<16x1024xf32, #tpu.memory_space<vmem>>, vector<1x16xf32>,
            %get3A_537 = vector.shape_cast %get3A_536 : vector<1x16xf32> to vector<16xf32>
            %get3A_538 = arith.constant 5 : i32
            %get3A_539 = arith.index_cast %get3A_538 : i32 to index
            %get3A_540 = arith.index_cast %mul3A_420 : i32 to index
            %get3A_541 = tpu.vector_load %arg20[%get3A_539, %get3A_540] {strides = array<i32>} : memref<16x1024xf32, #tpu.memory_space<vmem>>, vector<1x16xf32>,
            %get3A_542 = vector.shape_cast %get3A_541 : vector<1x16xf32> to vector<16xf32>
            %add3A_543 = arith.addf %get3A_537, %get3A_542 : vector<16xf32>
            %get3A_544 = arith.constant 5 : i32
            %get3A_545 = arith.index_cast %get3A_544 : i32 to index
            %get3A_546 = arith.index_cast %mul3A_420 : i32 to index
            %get3A_547 = tpu.vector_load %arg21[%get3A_545, %get3A_546] {strides = array<i32>} : memref<16x1024xf32, #tpu.memory_space<vmem>>, vector<1x16xf32>,
            %get3A_548 = vector.shape_cast %get3A_547 : vector<1x16xf32> to vector<16xf32>
            %add3A_549 = arith.addf %add3A_543, %get3A_548 : vector<16xf32>
            %swap3A = arith.constant 5 : i32
            %swap3A_550 = arith.index_cast %swap3A : i32 to index
            %swap3A_551 = arith.index_cast %mul3A_420 : i32 to index
            %swap3A_552 = tpu.vector_load %arg22[%swap3A_550, %swap3A_551] {strides = array<i32>} : memref<16x1024xf32, #tpu.memory_space<vmem>>, vector<1x16xf32>,
            %swap3A_553 = vector.shape_cast %swap3A_552 : vector<1x16xf32> to vector<16xf32>
            %swap3A_554 = vector.shape_cast %add3A_549 : vector<16xf32> to vector<1x16xf32>
            tpu.vector_store %arg22[%swap3A_550, %swap3A_551], %swap3A_554 {strides = array<i32>} : memref<16x1024xf32, #tpu.memory_space<vmem>>, vector<1x16xf32>,
          } else {
          }
          %gt3A_462 = arith.constant 6 : i32
          %gt3A_463 = arith.cmpi sgt, %sub3A_366, %gt3A_462 : i32
          %and3A_464 = arith.constant true
          %and3A_465 = arith.andi %and3A_464, %gt3A_463 : i1
          %convert_element_type3A_466 = arith.extui %and3A_465 : i1 to i32
          %cond3A_467 = arith.constant 0 : i32
          %cond3A_468 = arith.cmpi ne, %convert_element_type3A_466, %cond3A_467 : i32
          scf.if %cond3A_468 {
            %get3A_533 = arith.constant 6 : i32
            %get3A_534 = arith.index_cast %get3A_533 : i32 to index
            %get3A_535 = arith.index_cast %mul3A_420 : i32 to index
            %get3A_536 = tpu.vector_load %arg19[%get3A_534, %get3A_535] {strides = array<i32>} : memref<16x1024xf32, #tpu.memory_space<vmem>>, vector<1x16xf32>,
            %get3A_537 = vector.shape_cast %get3A_536 : vector<1x16xf32> to vector<16xf32>
            %get3A_538 = arith.constant 6 : i32
            %get3A_539 = arith.index_cast %get3A_538 : i32 to index
            %get3A_540 = arith.index_cast %mul3A_420 : i32 to index
            %get3A_541 = tpu.vector_load %arg20[%get3A_539, %get3A_540] {strides = array<i32>} : memref<16x1024xf32, #tpu.memory_space<vmem>>, vector<1x16xf32>,
            %get3A_542 = vector.shape_cast %get3A_541 : vector<1x16xf32> to vector<16xf32>
            %add3A_543 = arith.addf %get3A_537, %get3A_542 : vector<16xf32>
            %get3A_544 = arith.constant 6 : i32
            %get3A_545 = arith.index_cast %get3A_544 : i32 to index
            %get3A_546 = arith.index_cast %mul3A_420 : i32 to index
            %get3A_547 = tpu.vector_load %arg21[%get3A_545, %get3A_546] {strides = array<i32>} : memref<16x1024xf32, #tpu.memory_space<vmem>>, vector<1x16xf32>,
            %get3A_548 = vector.shape_cast %get3A_547 : vector<1x16xf32> to vector<16xf32>
            %add3A_549 = arith.addf %add3A_543, %get3A_548 : vector<16xf32>
            %swap3A = arith.constant 6 : i32
            %swap3A_550 = arith.index_cast %swap3A : i32 to index
            %swap3A_551 = arith.index_cast %mul3A_420 : i32 to index
            %swap3A_552 = tpu.vector_load %arg22[%swap3A_550, %swap3A_551] {strides = array<i32>} : memref<16x1024xf32, #tpu.memory_space<vmem>>, vector<1x16xf32>,
            %swap3A_553 = vector.shape_cast %swap3A_552 : vector<1x16xf32> to vector<16xf32>
            %swap3A_554 = vector.shape_cast %add3A_549 : vector<16xf32> to vector<1x16xf32>
            tpu.vector_store %arg22[%swap3A_550, %swap3A_551], %swap3A_554 {strides = array<i32>} : memref<16x1024xf32, #tpu.memory_space<vmem>>, vector<1x16xf32>,
          } else {
          }
          %gt3A_469 = arith.constant 7 : i32
          %gt3A_470 = arith.cmpi sgt, %sub3A_366, %gt3A_469 : i32
          %and3A_471 = arith.constant true
          %and3A_472 = arith.andi %and3A_471, %gt3A_470 : i1
          %convert_element_type3A_473 = arith.extui %and3A_472 : i1 to i32
          %cond3A_474 = arith.constant 0 : i32
          %cond3A_475 = arith.cmpi ne, %convert_element_type3A_473, %cond3A_474 : i32
          scf.if %cond3A_475 {
            %get3A_533 = arith.constant 7 : i32
            %get3A_534 = arith.index_cast %get3A_533 : i32 to index
            %get3A_535 = arith.index_cast %mul3A_420 : i32 to index
            %get3A_536 = tpu.vector_load %arg19[%get3A_534, %get3A_535] {strides = array<i32>} : memref<16x1024xf32, #tpu.memory_space<vmem>>, vector<1x16xf32>,
            %get3A_537 = vector.shape_cast %get3A_536 : vector<1x16xf32> to vector<16xf32>
            %get3A_538 = arith.constant 7 : i32
            %get3A_539 = arith.index_cast %get3A_538 : i32 to index
            %get3A_540 = arith.index_cast %mul3A_420 : i32 to index
            %get3A_541 = tpu.vector_load %arg20[%get3A_539, %get3A_540] {strides = array<i32>} : memref<16x1024xf32, #tpu.memory_space<vmem>>, vector<1x16xf32>,
            %get3A_542 = vector.shape_cast %get3A_541 : vector<1x16xf32> to vector<16xf32>
            %add3A_543 = arith.addf %get3A_537, %get3A_542 : vector<16xf32>
            %get3A_544 = arith.constant 7 : i32
            %get3A_545 = arith.index_cast %get3A_544 : i32 to index
            %get3A_546 = arith.index_cast %mul3A_420 : i32 to index
            %get3A_547 = tpu.vector_load %arg21[%get3A_545, %get3A_546] {strides = array<i32>} : memref<16x1024xf32, #tpu.memory_space<vmem>>, vector<1x16xf32>,
            %get3A_548 = vector.shape_cast %get3A_547 : vector<1x16xf32> to vector<16xf32>
            %add3A_549 = arith.addf %add3A_543, %get3A_548 : vector<16xf32>
            %swap3A = arith.constant 7 : i32
            %swap3A_550 = arith.index_cast %swap3A : i32 to index
            %swap3A_551 = arith.index_cast %mul3A_420 : i32 to index
            %swap3A_552 = tpu.vector_load %arg22[%swap3A_550, %swap3A_551] {strides = array<i32>} : memref<16x1024xf32, #tpu.memory_space<vmem>>, vector<1x16xf32>,
            %swap3A_553 = vector.shape_cast %swap3A_552 : vector<1x16xf32> to vector<16xf32>
            %swap3A_554 = vector.shape_cast %add3A_549 : vector<16xf32> to vector<1x16xf32>
            tpu.vector_store %arg22[%swap3A_550, %swap3A_551], %swap3A_554 {strides = array<i32>} : memref<16x1024xf32, #tpu.memory_space<vmem>>, vector<1x16xf32>,
          } else {
          }
          %gt3A_476 = arith.constant 8 : i32
          %gt3A_477 = arith.cmpi sgt, %sub3A_366, %gt3A_476 : i32
          %and3A_478 = arith.constant true
          %and3A_479 = arith.andi %and3A_478, %gt3A_477 : i1
          %convert_element_type3A_480 = arith.extui %and3A_479 : i1 to i32
          %cond3A_481 = arith.constant 0 : i32
          %cond3A_482 = arith.cmpi ne, %convert_element_type3A_480, %cond3A_481 : i32
          scf.if %cond3A_482 {
            %get3A_533 = arith.constant 8 : i32
            %get3A_534 = arith.index_cast %get3A_533 : i32 to index
            %get3A_535 = arith.index_cast %mul3A_420 : i32 to index
            %get3A_536 = tpu.vector_load %arg19[%get3A_534, %get3A_535] {strides = array<i32>} : memref<16x1024xf32, #tpu.memory_space<vmem>>, vector<1x16xf32>,
            %get3A_537 = vector.shape_cast %get3A_536 : vector<1x16xf32> to vector<16xf32>
            %get3A_538 = arith.constant 8 : i32
            %get3A_539 = arith.index_cast %get3A_538 : i32 to index
            %get3A_540 = arith.index_cast %mul3A_420 : i32 to index
            %get3A_541 = tpu.vector_load %arg20[%get3A_539, %get3A_540] {strides = array<i32>} : memref<16x1024xf32, #tpu.memory_space<vmem>>, vector<1x16xf32>,
            %get3A_542 = vector.shape_cast %get3A_541 : vector<1x16xf32> to vector<16xf32>
            %add3A_543 = arith.addf %get3A_537, %get3A_542 : vector<16xf32>
            %get3A_544 = arith.constant 8 : i32
            %get3A_545 = arith.index_cast %get3A_544 : i32 to index
            %get3A_546 = arith.index_cast %mul3A_420 : i32 to index
            %get3A_547 = tpu.vector_load %arg21[%get3A_545, %get3A_546] {strides = array<i32>} : memref<16x1024xf32, #tpu.memory_space<vmem>>, vector<1x16xf32>,
            %get3A_548 = vector.shape_cast %get3A_547 : vector<1x16xf32> to vector<16xf32>
            %add3A_549 = arith.addf %add3A_543, %get3A_548 : vector<16xf32>
            %swap3A = arith.constant 8 : i32
            %swap3A_550 = arith.index_cast %swap3A : i32 to index
            %swap3A_551 = arith.index_cast %mul3A_420 : i32 to index
            %swap3A_552 = tpu.vector_load %arg22[%swap3A_550, %swap3A_551] {strides = array<i32>} : memref<16x1024xf32, #tpu.memory_space<vmem>>, vector<1x16xf32>,
            %swap3A_553 = vector.shape_cast %swap3A_552 : vector<1x16xf32> to vector<16xf32>
            %swap3A_554 = vector.shape_cast %add3A_549 : vector<16xf32> to vector<1x16xf32>
            tpu.vector_store %arg22[%swap3A_550, %swap3A_551], %swap3A_554 {strides = array<i32>} : memref<16x1024xf32, #tpu.memory_space<vmem>>, vector<1x16xf32>,
          } else {
          }
          %gt3A_483 = arith.constant 9 : i32
          %gt3A_484 = arith.cmpi sgt, %sub3A_366, %gt3A_483 : i32
          %and3A_485 = arith.constant true
          %and3A_486 = arith.andi %and3A_485, %gt3A_484 : i1
          %convert_element_type3A_487 = arith.extui %and3A_486 : i1 to i32
          %cond3A_488 = arith.constant 0 : i32
          %cond3A_489 = arith.cmpi ne, %convert_element_type3A_487, %cond3A_488 : i32
          scf.if %cond3A_489 {
            %get3A_533 = arith.constant 9 : i32
            %get3A_534 = arith.index_cast %get3A_533 : i32 to index
            %get3A_535 = arith.index_cast %mul3A_420 : i32 to index
            %get3A_536 = tpu.vector_load %arg19[%get3A_534, %get3A_535] {strides = array<i32>} : memref<16x1024xf32, #tpu.memory_space<vmem>>, vector<1x16xf32>,
            %get3A_537 = vector.shape_cast %get3A_536 : vector<1x16xf32> to vector<16xf32>
            %get3A_538 = arith.constant 9 : i32
            %get3A_539 = arith.index_cast %get3A_538 : i32 to index
            %get3A_540 = arith.index_cast %mul3A_420 : i32 to index
            %get3A_541 = tpu.vector_load %arg20[%get3A_539, %get3A_540] {strides = array<i32>} : memref<16x1024xf32, #tpu.memory_space<vmem>>, vector<1x16xf32>,
            %get3A_542 = vector.shape_cast %get3A_541 : vector<1x16xf32> to vector<16xf32>
            %add3A_543 = arith.addf %get3A_537, %get3A_542 : vector<16xf32>
            %get3A_544 = arith.constant 9 : i32
            %get3A_545 = arith.index_cast %get3A_544 : i32 to index
            %get3A_546 = arith.index_cast %mul3A_420 : i32 to index
            %get3A_547 = tpu.vector_load %arg21[%get3A_545, %get3A_546] {strides = array<i32>} : memref<16x1024xf32, #tpu.memory_space<vmem>>, vector<1x16xf32>,
            %get3A_548 = vector.shape_cast %get3A_547 : vector<1x16xf32> to vector<16xf32>
            %add3A_549 = arith.addf %add3A_543, %get3A_548 : vector<16xf32>
            %swap3A = arith.constant 9 : i32
            %swap3A_550 = arith.index_cast %swap3A : i32 to index
            %swap3A_551 = arith.index_cast %mul3A_420 : i32 to index
            %swap3A_552 = tpu.vector_load %arg22[%swap3A_550, %swap3A_551] {strides = array<i32>} : memref<16x1024xf32, #tpu.memory_space<vmem>>, vector<1x16xf32>,
            %swap3A_553 = vector.shape_cast %swap3A_552 : vector<1x16xf32> to vector<16xf32>
            %swap3A_554 = vector.shape_cast %add3A_549 : vector<16xf32> to vector<1x16xf32>
            tpu.vector_store %arg22[%swap3A_550, %swap3A_551], %swap3A_554 {strides = array<i32>} : memref<16x1024xf32, #tpu.memory_space<vmem>>, vector<1x16xf32>,
          } else {
          }
          %gt3A_490 = arith.constant 10 : i32
          %gt3A_491 = arith.cmpi sgt, %sub3A_366, %gt3A_490 : i32
          %and3A_492 = arith.constant true
          %and3A_493 = arith.andi %and3A_492, %gt3A_491 : i1
          %convert_element_type3A_494 = arith.extui %and3A_493 : i1 to i32
          %cond3A_495 = arith.constant 0 : i32
          %cond3A_496 = arith.cmpi ne, %convert_element_type3A_494, %cond3A_495 : i32
          scf.if %cond3A_496 {
            %get3A_533 = arith.constant 10 : i32
            %get3A_534 = arith.index_cast %get3A_533 : i32 to index
            %get3A_535 = arith.index_cast %mul3A_420 : i32 to index
            %get3A_536 = tpu.vector_load %arg19[%get3A_534, %get3A_535] {strides = array<i32>} : memref<16x1024xf32, #tpu.memory_space<vmem>>, vector<1x16xf32>,
            %get3A_537 = vector.shape_cast %get3A_536 : vector<1x16xf32> to vector<16xf32>
            %get3A_538 = arith.constant 10 : i32
            %get3A_539 = arith.index_cast %get3A_538 : i32 to index
            %get3A_540 = arith.index_cast %mul3A_420 : i32 to index
            %get3A_541 = tpu.vector_load %arg20[%get3A_539, %get3A_540] {strides = array<i32>} : memref<16x1024xf32, #tpu.memory_space<vmem>>, vector<1x16xf32>,
            %get3A_542 = vector.shape_cast %get3A_541 : vector<1x16xf32> to vector<16xf32>
            %add3A_543 = arith.addf %get3A_537, %get3A_542 : vector<16xf32>
            %get3A_544 = arith.constant 10 : i32
            %get3A_545 = arith.index_cast %get3A_544 : i32 to index
            %get3A_546 = arith.index_cast %mul3A_420 : i32 to index
            %get3A_547 = tpu.vector_load %arg21[%get3A_545, %get3A_546] {strides = array<i32>} : memref<16x1024xf32, #tpu.memory_space<vmem>>, vector<1x16xf32>,
            %get3A_548 = vector.shape_cast %get3A_547 : vector<1x16xf32> to vector<16xf32>
            %add3A_549 = arith.addf %add3A_543, %get3A_548 : vector<16xf32>
            %swap3A = arith.constant 10 : i32
            %swap3A_550 = arith.index_cast %swap3A : i32 to index
            %swap3A_551 = arith.index_cast %mul3A_420 : i32 to index
            %swap3A_552 = tpu.vector_load %arg22[%swap3A_550, %swap3A_551] {strides = array<i32>} : memref<16x1024xf32, #tpu.memory_space<vmem>>, vector<1x16xf32>,
            %swap3A_553 = vector.shape_cast %swap3A_552 : vector<1x16xf32> to vector<16xf32>
            %swap3A_554 = vector.shape_cast %add3A_549 : vector<16xf32> to vector<1x16xf32>
            tpu.vector_store %arg22[%swap3A_550, %swap3A_551], %swap3A_554 {strides = array<i32>} : memref<16x1024xf32, #tpu.memory_space<vmem>>, vector<1x16xf32>,
          } else {
          }
          %gt3A_497 = arith.constant 11 : i32
          %gt3A_498 = arith.cmpi sgt, %sub3A_366, %gt3A_497 : i32
          %and3A_499 = arith.constant true
          %and3A_500 = arith.andi %and3A_499, %gt3A_498 : i1
          %convert_element_type3A_501 = arith.extui %and3A_500 : i1 to i32
          %cond3A_502 = arith.constant 0 : i32
          %cond3A_503 = arith.cmpi ne, %convert_element_type3A_501, %cond3A_502 : i32
          scf.if %cond3A_503 {
            %get3A_533 = arith.constant 11 : i32
            %get3A_534 = arith.index_cast %get3A_533 : i32 to index
            %get3A_535 = arith.index_cast %mul3A_420 : i32 to index
            %get3A_536 = tpu.vector_load %arg19[%get3A_534, %get3A_535] {strides = array<i32>} : memref<16x1024xf32, #tpu.memory_space<vmem>>, vector<1x16xf32>,
            %get3A_537 = vector.shape_cast %get3A_536 : vector<1x16xf32> to vector<16xf32>
            %get3A_538 = arith.constant 11 : i32
            %get3A_539 = arith.index_cast %get3A_538 : i32 to index
            %get3A_540 = arith.index_cast %mul3A_420 : i32 to index
            %get3A_541 = tpu.vector_load %arg20[%get3A_539, %get3A_540] {strides = array<i32>} : memref<16x1024xf32, #tpu.memory_space<vmem>>, vector<1x16xf32>,
            %get3A_542 = vector.shape_cast %get3A_541 : vector<1x16xf32> to vector<16xf32>
            %add3A_543 = arith.addf %get3A_537, %get3A_542 : vector<16xf32>
            %get3A_544 = arith.constant 11 : i32
            %get3A_545 = arith.index_cast %get3A_544 : i32 to index
            %get3A_546 = arith.index_cast %mul3A_420 : i32 to index
            %get3A_547 = tpu.vector_load %arg21[%get3A_545, %get3A_546] {strides = array<i32>} : memref<16x1024xf32, #tpu.memory_space<vmem>>, vector<1x16xf32>,
            %get3A_548 = vector.shape_cast %get3A_547 : vector<1x16xf32> to vector<16xf32>
            %add3A_549 = arith.addf %add3A_543, %get3A_548 : vector<16xf32>
            %swap3A = arith.constant 11 : i32
            %swap3A_550 = arith.index_cast %swap3A : i32 to index
            %swap3A_551 = arith.index_cast %mul3A_420 : i32 to index
            %swap3A_552 = tpu.vector_load %arg22[%swap3A_550, %swap3A_551] {strides = array<i32>} : memref<16x1024xf32, #tpu.memory_space<vmem>>, vector<1x16xf32>,
            %swap3A_553 = vector.shape_cast %swap3A_552 : vector<1x16xf32> to vector<16xf32>
            %swap3A_554 = vector.shape_cast %add3A_549 : vector<16xf32> to vector<1x16xf32>
            tpu.vector_store %arg22[%swap3A_550, %swap3A_551], %swap3A_554 {strides = array<i32>} : memref<16x1024xf32, #tpu.memory_space<vmem>>, vector<1x16xf32>,
          } else {
          }
          %gt3A_504 = arith.constant 12 : i32
          %gt3A_505 = arith.cmpi sgt, %sub3A_366, %gt3A_504 : i32
          %and3A_506 = arith.constant true
          %and3A_507 = arith.andi %and3A_506, %gt3A_505 : i1
          %convert_element_type3A_508 = arith.extui %and3A_507 : i1 to i32
          %cond3A_509 = arith.constant 0 : i32
          %cond3A_510 = arith.cmpi ne, %convert_element_type3A_508, %cond3A_509 : i32
          scf.if %cond3A_510 {
            %get3A_533 = arith.constant 12 : i32
            %get3A_534 = arith.index_cast %get3A_533 : i32 to index
            %get3A_535 = arith.index_cast %mul3A_420 : i32 to index
            %get3A_536 = tpu.vector_load %arg19[%get3A_534, %get3A_535] {strides = array<i32>} : memref<16x1024xf32, #tpu.memory_space<vmem>>, vector<1x16xf32>,
            %get3A_537 = vector.shape_cast %get3A_536 : vector<1x16xf32> to vector<16xf32>
            %get3A_538 = arith.constant 12 : i32
            %get3A_539 = arith.index_cast %get3A_538 : i32 to index
            %get3A_540 = arith.index_cast %mul3A_420 : i32 to index
            %get3A_541 = tpu.vector_load %arg20[%get3A_539, %get3A_540] {strides = array<i32>} : memref<16x1024xf32, #tpu.memory_space<vmem>>, vector<1x16xf32>,
            %get3A_542 = vector.shape_cast %get3A_541 : vector<1x16xf32> to vector<16xf32>
            %add3A_543 = arith.addf %get3A_537, %get3A_542 : vector<16xf32>
            %get3A_544 = arith.constant 12 : i32
            %get3A_545 = arith.index_cast %get3A_544 : i32 to index
            %get3A_546 = arith.index_cast %mul3A_420 : i32 to index
            %get3A_547 = tpu.vector_load %arg21[%get3A_545, %get3A_546] {strides = array<i32>} : memref<16x1024xf32, #tpu.memory_space<vmem>>, vector<1x16xf32>,
            %get3A_548 = vector.shape_cast %get3A_547 : vector<1x16xf32> to vector<16xf32>
            %add3A_549 = arith.addf %add3A_543, %get3A_548 : vector<16xf32>
            %swap3A = arith.constant 12 : i32
            %swap3A_550 = arith.index_cast %swap3A : i32 to index
            %swap3A_551 = arith.index_cast %mul3A_420 : i32 to index
            %swap3A_552 = tpu.vector_load %arg22[%swap3A_550, %swap3A_551] {strides = array<i32>} : memref<16x1024xf32, #tpu.memory_space<vmem>>, vector<1x16xf32>,
            %swap3A_553 = vector.shape_cast %swap3A_552 : vector<1x16xf32> to vector<16xf32>
            %swap3A_554 = vector.shape_cast %add3A_549 : vector<16xf32> to vector<1x16xf32>
            tpu.vector_store %arg22[%swap3A_550, %swap3A_551], %swap3A_554 {strides = array<i32>} : memref<16x1024xf32, #tpu.memory_space<vmem>>, vector<1x16xf32>,
          } else {
          }
          %gt3A_511 = arith.constant 13 : i32
          %gt3A_512 = arith.cmpi sgt, %sub3A_366, %gt3A_511 : i32
          %and3A_513 = arith.constant true
          %and3A_514 = arith.andi %and3A_513, %gt3A_512 : i1
          %convert_element_type3A_515 = arith.extui %and3A_514 : i1 to i32
          %cond3A_516 = arith.constant 0 : i32
          %cond3A_517 = arith.cmpi ne, %convert_element_type3A_515, %cond3A_516 : i32
          scf.if %cond3A_517 {
            %get3A_533 = arith.constant 13 : i32
            %get3A_534 = arith.index_cast %get3A_533 : i32 to index
            %get3A_535 = arith.index_cast %mul3A_420 : i32 to index
            %get3A_536 = tpu.vector_load %arg19[%get3A_534, %get3A_535] {strides = array<i32>} : memref<16x1024xf32, #tpu.memory_space<vmem>>, vector<1x16xf32>,
            %get3A_537 = vector.shape_cast %get3A_536 : vector<1x16xf32> to vector<16xf32>
            %get3A_538 = arith.constant 13 : i32
            %get3A_539 = arith.index_cast %get3A_538 : i32 to index
            %get3A_540 = arith.index_cast %mul3A_420 : i32 to index
            %get3A_541 = tpu.vector_load %arg20[%get3A_539, %get3A_540] {strides = array<i32>} : memref<16x1024xf32, #tpu.memory_space<vmem>>, vector<1x16xf32>,
            %get3A_542 = vector.shape_cast %get3A_541 : vector<1x16xf32> to vector<16xf32>
            %add3A_543 = arith.addf %get3A_537, %get3A_542 : vector<16xf32>
            %get3A_544 = arith.constant 13 : i32
            %get3A_545 = arith.index_cast %get3A_544 : i32 to index
            %get3A_546 = arith.index_cast %mul3A_420 : i32 to index
            %get3A_547 = tpu.vector_load %arg21[%get3A_545, %get3A_546] {strides = array<i32>} : memref<16x1024xf32, #tpu.memory_space<vmem>>, vector<1x16xf32>,
            %get3A_548 = vector.shape_cast %get3A_547 : vector<1x16xf32> to vector<16xf32>
            %add3A_549 = arith.addf %add3A_543, %get3A_548 : vector<16xf32>
            %swap3A = arith.constant 13 : i32
            %swap3A_550 = arith.index_cast %swap3A : i32 to index
            %swap3A_551 = arith.index_cast %mul3A_420 : i32 to index
            %swap3A_552 = tpu.vector_load %arg22[%swap3A_550, %swap3A_551] {strides = array<i32>} : memref<16x1024xf32, #tpu.memory_space<vmem>>, vector<1x16xf32>,
            %swap3A_553 = vector.shape_cast %swap3A_552 : vector<1x16xf32> to vector<16xf32>
            %swap3A_554 = vector.shape_cast %add3A_549 : vector<16xf32> to vector<1x16xf32>
            tpu.vector_store %arg22[%swap3A_550, %swap3A_551], %swap3A_554 {strides = array<i32>} : memref<16x1024xf32, #tpu.memory_space<vmem>>, vector<1x16xf32>,
          } else {
          }
          %gt3A_518 = arith.constant 14 : i32
          %gt3A_519 = arith.cmpi sgt, %sub3A_366, %gt3A_518 : i32
          %and3A_520 = arith.constant true
          %and3A_521 = arith.andi %and3A_520, %gt3A_519 : i1
          %convert_element_type3A_522 = arith.extui %and3A_521 : i1 to i32
          %cond3A_523 = arith.constant 0 : i32
          %cond3A_524 = arith.cmpi ne, %convert_element_type3A_522, %cond3A_523 : i32
          scf.if %cond3A_524 {
            %get3A_533 = arith.constant 14 : i32
            %get3A_534 = arith.index_cast %get3A_533 : i32 to index
            %get3A_535 = arith.index_cast %mul3A_420 : i32 to index
            %get3A_536 = tpu.vector_load %arg19[%get3A_534, %get3A_535] {strides = array<i32>} : memref<16x1024xf32, #tpu.memory_space<vmem>>, vector<1x16xf32>,
            %get3A_537 = vector.shape_cast %get3A_536 : vector<1x16xf32> to vector<16xf32>
            %get3A_538 = arith.constant 14 : i32
            %get3A_539 = arith.index_cast %get3A_538 : i32 to index
            %get3A_540 = arith.index_cast %mul3A_420 : i32 to index
            %get3A_541 = tpu.vector_load %arg20[%get3A_539, %get3A_540] {strides = array<i32>} : memref<16x1024xf32, #tpu.memory_space<vmem>>, vector<1x16xf32>,
            %get3A_542 = vector.shape_cast %get3A_541 : vector<1x16xf32> to vector<16xf32>
            %add3A_543 = arith.addf %get3A_537, %get3A_542 : vector<16xf32>
            %get3A_544 = arith.constant 14 : i32
            %get3A_545 = arith.index_cast %get3A_544 : i32 to index
            %get3A_546 = arith.index_cast %mul3A_420 : i32 to index
            %get3A_547 = tpu.vector_load %arg21[%get3A_545, %get3A_546] {strides = array<i32>} : memref<16x1024xf32, #tpu.memory_space<vmem>>, vector<1x16xf32>,
            %get3A_548 = vector.shape_cast %get3A_547 : vector<1x16xf32> to vector<16xf32>
            %add3A_549 = arith.addf %add3A_543, %get3A_548 : vector<16xf32>
            %swap3A = arith.constant 14 : i32
            %swap3A_550 = arith.index_cast %swap3A : i32 to index
            %swap3A_551 = arith.index_cast %mul3A_420 : i32 to index
            %swap3A_552 = tpu.vector_load %arg22[%swap3A_550, %swap3A_551] {strides = array<i32>} : memref<16x1024xf32, #tpu.memory_space<vmem>>, vector<1x16xf32>,
            %swap3A_553 = vector.shape_cast %swap3A_552 : vector<1x16xf32> to vector<16xf32>
            %swap3A_554 = vector.shape_cast %add3A_549 : vector<16xf32> to vector<1x16xf32>
            tpu.vector_store %arg22[%swap3A_550, %swap3A_551], %swap3A_554 {strides = array<i32>} : memref<16x1024xf32, #tpu.memory_space<vmem>>, vector<1x16xf32>,
          } else {
          }
          %gt3A_525 = arith.constant 15 : i32
          %gt3A_526 = arith.cmpi sgt, %sub3A_366, %gt3A_525 : i32
          %and3A_527 = arith.constant true
          %and3A_528 = arith.andi %and3A_527, %gt3A_526 : i1
          %convert_element_type3A_529 = arith.extui %and3A_528 : i1 to i32
          %cond3A_530 = arith.constant 0 : i32
          %cond3A_531 = arith.cmpi ne, %convert_element_type3A_529, %cond3A_530 : i32
          scf.if %cond3A_531 {
            %get3A_533 = arith.constant 15 : i32
            %get3A_534 = arith.index_cast %get3A_533 : i32 to index
            %get3A_535 = arith.index_cast %mul3A_420 : i32 to index
            %get3A_536 = tpu.vector_load %arg19[%get3A_534, %get3A_535] {strides = array<i32>} : memref<16x1024xf32, #tpu.memory_space<vmem>>, vector<1x16xf32>,
            %get3A_537 = vector.shape_cast %get3A_536 : vector<1x16xf32> to vector<16xf32>
            %get3A_538 = arith.constant 15 : i32
            %get3A_539 = arith.index_cast %get3A_538 : i32 to index
            %get3A_540 = arith.index_cast %mul3A_420 : i32 to index
            %get3A_541 = tpu.vector_load %arg20[%get3A_539, %get3A_540] {strides = array<i32>} : memref<16x1024xf32, #tpu.memory_space<vmem>>, vector<1x16xf32>,
            %get3A_542 = vector.shape_cast %get3A_541 : vector<1x16xf32> to vector<16xf32>
            %add3A_543 = arith.addf %get3A_537, %get3A_542 : vector<16xf32>
            %get3A_544 = arith.constant 15 : i32
            %get3A_545 = arith.index_cast %get3A_544 : i32 to index
            %get3A_546 = arith.index_cast %mul3A_420 : i32 to index
            %get3A_547 = tpu.vector_load %arg21[%get3A_545, %get3A_546] {strides = array<i32>} : memref<16x1024xf32, #tpu.memory_space<vmem>>, vector<1x16xf32>,
            %get3A_548 = vector.shape_cast %get3A_547 : vector<1x16xf32> to vector<16xf32>
            %add3A_549 = arith.addf %add3A_543, %get3A_548 : vector<16xf32>
            %swap3A = arith.constant 15 : i32
            %swap3A_550 = arith.index_cast %swap3A : i32 to index
            %swap3A_551 = arith.index_cast %mul3A_420 : i32 to index
            %swap3A_552 = tpu.vector_load %arg22[%swap3A_550, %swap3A_551] {strides = array<i32>} : memref<16x1024xf32, #tpu.memory_space<vmem>>, vector<1x16xf32>,
            %swap3A_553 = vector.shape_cast %swap3A_552 : vector<1x16xf32> to vector<16xf32>
            %swap3A_554 = vector.shape_cast %add3A_549 : vector<16xf32> to vector<1x16xf32>
            tpu.vector_store %arg22[%swap3A_550, %swap3A_551], %swap3A_554 {strides = array<i32>} : memref<16x1024xf32, #tpu.memory_space<vmem>>, vector<1x16xf32>,
          } else {
          }
          %scan3A_532 = arith.constant 0 : i32
          scf.yield %scan3A_532 : i32
        }
        %scan3A_391 = arith.constant 64 : i32
        %get3A_392 = arith.index_cast %mul3A_313 : i32 to index
        %get3A_393 = tpu.vector_load %arg15[%get3A_392] {strides = array<i32>} : memref<512xi32, #tpu.memory_space<vmem>>, vector<16xi32>,
        %get3A_394 = vector.shape_cast %get3A_393 : vector<16xi32> to vector<16xi32>
        %get3A_395 = arith.index_cast %mul3A_313 : i32 to index
        %get3A_396 = tpu.vector_load %arg16[%get3A_395] {strides = array<i32>} : memref<512xi32, #tpu.memory_space<vmem>>, vector<16xi32>,
        %get3A_397 = vector.shape_cast %get3A_396 : vector<16xi32> to vector<16xi32>
        %dma_start3A_398 = arith.constant 0 : i32
        %dma_start3A_399 = arith.constant 0 : i32
        %dma_start3A_400 = tpu.memref_slice %arg7[%dma_start3A_398, %dma_start3A_399] : memref<8194x1024xf32, #tpu.memory_space<hbm>> -> memref<8194x1024xf32, #tpu.memory_space<hbm>>
        tpu.enqueue_indirect_dma source(%dma_start3A_400 : memref<8194x1024xf32, #tpu.memory_space<hbm>>) target(%arg19 : memref<16x1024xf32, #tpu.memory_space<vmem>>) offsets(%get3A_394 : vector<16xi32>) semaphore(%arg23 : memref<!tpu.dma_semaphore, #tpu.memory_space<semaphore_mem>>)
        %dma_wait3A_401 = arith.constant 0 : i32
        %dma_wait3A_402 = arith.constant 0 : i32
        %dma_wait3A_403 = tpu.memref_slice %arg7[%dma_wait3A_401, %dma_wait3A_402] : memref<8194x1024xf32, #tpu.memory_space<hbm>> -> memref<8194x1024xf32, #tpu.memory_space<hbm>>
        tpu.wait_indirect_dma semaphore(%arg23 : memref<!tpu.dma_semaphore, #tpu.memory_space<semaphore_mem>>) src(%dma_wait3A_403 : memref<8194x1024xf32, #tpu.memory_space<hbm>>) dst(%arg19 : memref<16x1024xf32, #tpu.memory_space<vmem>>)
        %dma_start3A_404 = arith.constant 0 : i32
        %dma_start3A_405 = arith.constant 0 : i32
        %dma_start3A_406 = tpu.memref_slice %arg8[%dma_start3A_404, %dma_start3A_405] : memref<4096x1024xf32, #tpu.memory_space<hbm>> -> memref<4096x1024xf32, #tpu.memory_space<hbm>>
        tpu.enqueue_indirect_dma source(%dma_start3A_406 : memref<4096x1024xf32, #tpu.memory_space<hbm>>) target(%arg20 : memref<16x1024xf32, #tpu.memory_space<vmem>>) offsets(%get3A_397 : vector<16xi32>) semaphore(%arg23 : memref<!tpu.dma_semaphore, #tpu.memory_space<semaphore_mem>>)
        %dma_wait3A_407 = arith.constant 0 : i32
        %dma_wait3A_408 = arith.constant 0 : i32
        %dma_wait3A_409 = tpu.memref_slice %arg8[%dma_wait3A_407, %dma_wait3A_408] : memref<4096x1024xf32, #tpu.memory_space<hbm>> -> memref<4096x1024xf32, #tpu.memory_space<hbm>>
        tpu.wait_indirect_dma semaphore(%arg23 : memref<!tpu.dma_semaphore, #tpu.memory_space<semaphore_mem>>) src(%dma_wait3A_409 : memref<4096x1024xf32, #tpu.memory_space<hbm>>) dst(%arg20 : memref<16x1024xf32, #tpu.memory_space<vmem>>)
        %scan3A_410 = arith.constant 0 : i32
        %scan3A_411 = arith.constant 0 : i32
        %scan3A_412 = arith.constant 64 : i32
        %scan3A_413 = arith.addi %scan3A_411, %scan3A_412 : i32
        %scan3A_414 = arith.constant 1 : i32
        %scan3A_415 = scf.for %scan3A_417 = %scan3A_411 to %scan3A_413 step %scan3A_414 iter_args(%scan3A_418 = %scan3A_410) -> (i32)  : i32 {
          %mul3A_419 = arith.constant 16 : i32
          %mul3A_420 = arith.muli %scan3A_417, %mul3A_419 : i32
          %le3A_421 = arith.constant 0 : i32
          %le3A_422 = arith.cmpi sle, %sub3A_366, %le3A_421 : i32
          %and3A_423 = arith.constant true
          %and3A_424 = arith.andi %le3A_422, %and3A_423 : i1
          %convert_element_type3A_425 = arith.extui %and3A_424 : i1 to i32
          %cond3A_426 = arith.constant 0 : i32
          %cond3A_427 = arith.cmpi ne, %convert_element_type3A_425, %cond3A_426 : i32
          scf.if %cond3A_427 {
            %get3A_534 = arith.constant 0 : i32
            %get3A_535 = arith.index_cast %get3A_534 : i32 to index
            %get3A_536 = arith.index_cast %mul3A_420 : i32 to index
            %get3A_537 = tpu.vector_load %arg19[%get3A_535, %get3A_536] {strides = array<i32>} : memref<16x1024xf32, #tpu.memory_space<vmem>>, vector<1x16xf32>,
            %get3A_538 = vector.shape_cast %get3A_537 : vector<1x16xf32> to vector<16xf32>
            %get3A_539 = arith.constant 0 : i32
            %get3A_540 = arith.index_cast %get3A_539 : i32 to index
            %get3A_541 = arith.index_cast %mul3A_420 : i32 to index
            %get3A_542 = tpu.vector_load %arg20[%get3A_540, %get3A_541] {strides = array<i32>} : memref<16x1024xf32, #tpu.memory_space<vmem>>, vector<1x16xf32>,
            %get3A_543 = vector.shape_cast %get3A_542 : vector<1x16xf32> to vector<16xf32>
            %add3A_544 = arith.addf %get3A_538, %get3A_543 : vector<16xf32>
            %get3A_545 = arith.constant 0 : i32
            %get3A_546 = arith.index_cast %get3A_545 : i32 to index
            %get3A_547 = arith.index_cast %mul3A_420 : i32 to index
            %get3A_548 = tpu.vector_load %arg21[%get3A_546, %get3A_547] {strides = array<i32>} : memref<16x1024xf32, #tpu.memory_space<vmem>>, vector<1x16xf32>,
            %get3A_549 = vector.shape_cast %get3A_548 : vector<1x16xf32> to vector<16xf32>
            %add3A_550 = arith.addf %add3A_544, %get3A_549 : vector<16xf32>
            %swap3A = arith.constant 0 : i32
            %swap3A_551 = arith.index_cast %swap3A : i32 to index
            %swap3A_552 = arith.index_cast %mul3A_420 : i32 to index
            %swap3A_553 = tpu.vector_load %arg22[%swap3A_551, %swap3A_552] {strides = array<i32>} : memref<16x1024xf32, #tpu.memory_space<vmem>>, vector<1x16xf32>,
            %swap3A_554 = vector.shape_cast %swap3A_553 : vector<1x16xf32> to vector<16xf32>
            %swap3A_555 = vector.shape_cast %add3A_550 : vector<16xf32> to vector<1x16xf32>
            tpu.vector_store %arg22[%swap3A_551, %swap3A_552], %swap3A_555 {strides = array<i32>} : memref<16x1024xf32, #tpu.memory_space<vmem>>, vector<1x16xf32>,
          } else {
          }
          %le3A_428 = arith.constant 1 : i32
          %le3A_429 = arith.cmpi sle, %sub3A_366, %le3A_428 : i32
          %and3A_430 = arith.constant true
          %and3A_431 = arith.andi %le3A_429, %and3A_430 : i1
          %convert_element_type3A_432 = arith.extui %and3A_431 : i1 to i32
          %cond3A_433 = arith.constant 0 : i32
          %cond3A_434 = arith.cmpi ne, %convert_element_type3A_432, %cond3A_433 : i32
          scf.if %cond3A_434 {
            %get3A_534 = arith.constant 1 : i32
            %get3A_535 = arith.index_cast %get3A_534 : i32 to index
            %get3A_536 = arith.index_cast %mul3A_420 : i32 to index
            %get3A_537 = tpu.vector_load %arg19[%get3A_535, %get3A_536] {strides = array<i32>} : memref<16x1024xf32, #tpu.memory_space<vmem>>, vector<1x16xf32>,
            %get3A_538 = vector.shape_cast %get3A_537 : vector<1x16xf32> to vector<16xf32>
            %get3A_539 = arith.constant 1 : i32
            %get3A_540 = arith.index_cast %get3A_539 : i32 to index
            %get3A_541 = arith.index_cast %mul3A_420 : i32 to index
            %get3A_542 = tpu.vector_load %arg20[%get3A_540, %get3A_541] {strides = array<i32>} : memref<16x1024xf32, #tpu.memory_space<vmem>>, vector<1x16xf32>,
            %get3A_543 = vector.shape_cast %get3A_542 : vector<1x16xf32> to vector<16xf32>
            %add3A_544 = arith.addf %get3A_538, %get3A_543 : vector<16xf32>
            %get3A_545 = arith.constant 1 : i32
            %get3A_546 = arith.index_cast %get3A_545 : i32 to index
            %get3A_547 = arith.index_cast %mul3A_420 : i32 to index
            %get3A_548 = tpu.vector_load %arg21[%get3A_546, %get3A_547] {strides = array<i32>} : memref<16x1024xf32, #tpu.memory_space<vmem>>, vector<1x16xf32>,
            %get3A_549 = vector.shape_cast %get3A_548 : vector<1x16xf32> to vector<16xf32>
            %add3A_550 = arith.addf %add3A_544, %get3A_549 : vector<16xf32>
            %swap3A = arith.constant 1 : i32
            %swap3A_551 = arith.index_cast %swap3A : i32 to index
            %swap3A_552 = arith.index_cast %mul3A_420 : i32 to index
            %swap3A_553 = tpu.vector_load %arg22[%swap3A_551, %swap3A_552] {strides = array<i32>} : memref<16x1024xf32, #tpu.memory_space<vmem>>, vector<1x16xf32>,
            %swap3A_554 = vector.shape_cast %swap3A_553 : vector<1x16xf32> to vector<16xf32>
            %swap3A_555 = vector.shape_cast %add3A_550 : vector<16xf32> to vector<1x16xf32>
            tpu.vector_store %arg22[%swap3A_551, %swap3A_552], %swap3A_555 {strides = array<i32>} : memref<16x1024xf32, #tpu.memory_space<vmem>>, vector<1x16xf32>,
          } else {
          }
          %le3A_435 = arith.constant 2 : i32
          %le3A_436 = arith.cmpi sle, %sub3A_366, %le3A_435 : i32
          %and3A_437 = arith.constant true
          %and3A_438 = arith.andi %le3A_436, %and3A_437 : i1
          %convert_element_type3A_439 = arith.extui %and3A_438 : i1 to i32
          %cond3A_440 = arith.constant 0 : i32
          %cond3A_441 = arith.cmpi ne, %convert_element_type3A_439, %cond3A_440 : i32
          scf.if %cond3A_441 {
            %get3A_534 = arith.constant 2 : i32
            %get3A_535 = arith.index_cast %get3A_534 : i32 to index
            %get3A_536 = arith.index_cast %mul3A_420 : i32 to index
            %get3A_537 = tpu.vector_load %arg19[%get3A_535, %get3A_536] {strides = array<i32>} : memref<16x1024xf32, #tpu.memory_space<vmem>>, vector<1x16xf32>,
            %get3A_538 = vector.shape_cast %get3A_537 : vector<1x16xf32> to vector<16xf32>
            %get3A_539 = arith.constant 2 : i32
            %get3A_540 = arith.index_cast %get3A_539 : i32 to index
            %get3A_541 = arith.index_cast %mul3A_420 : i32 to index
            %get3A_542 = tpu.vector_load %arg20[%get3A_540, %get3A_541] {strides = array<i32>} : memref<16x1024xf32, #tpu.memory_space<vmem>>, vector<1x16xf32>,
            %get3A_543 = vector.shape_cast %get3A_542 : vector<1x16xf32> to vector<16xf32>
            %add3A_544 = arith.addf %get3A_538, %get3A_543 : vector<16xf32>
            %get3A_545 = arith.constant 2 : i32
            %get3A_546 = arith.index_cast %get3A_545 : i32 to index
            %get3A_547 = arith.index_cast %mul3A_420 : i32 to index
            %get3A_548 = tpu.vector_load %arg21[%get3A_546, %get3A_547] {strides = array<i32>} : memref<16x1024xf32, #tpu.memory_space<vmem>>, vector<1x16xf32>,
            %get3A_549 = vector.shape_cast %get3A_548 : vector<1x16xf32> to vector<16xf32>
            %add3A_550 = arith.addf %add3A_544, %get3A_549 : vector<16xf32>
            %swap3A = arith.constant 2 : i32
            %swap3A_551 = arith.index_cast %swap3A : i32 to index
            %swap3A_552 = arith.index_cast %mul3A_420 : i32 to index
            %swap3A_553 = tpu.vector_load %arg22[%swap3A_551, %swap3A_552] {strides = array<i32>} : memref<16x1024xf32, #tpu.memory_space<vmem>>, vector<1x16xf32>,
            %swap3A_554 = vector.shape_cast %swap3A_553 : vector<1x16xf32> to vector<16xf32>
            %swap3A_555 = vector.shape_cast %add3A_550 : vector<16xf32> to vector<1x16xf32>
            tpu.vector_store %arg22[%swap3A_551, %swap3A_552], %swap3A_555 {strides = array<i32>} : memref<16x1024xf32, #tpu.memory_space<vmem>>, vector<1x16xf32>,
          } else {
          }
          %le3A_442 = arith.constant 3 : i32
          %le3A_443 = arith.cmpi sle, %sub3A_366, %le3A_442 : i32
          %and3A_444 = arith.constant true
          %and3A_445 = arith.andi %le3A_443, %and3A_444 : i1
          %convert_element_type3A_446 = arith.extui %and3A_445 : i1 to i32
          %cond3A_447 = arith.constant 0 : i32
          %cond3A_448 = arith.cmpi ne, %convert_element_type3A_446, %cond3A_447 : i32
          scf.if %cond3A_448 {
            %get3A_534 = arith.constant 3 : i32
            %get3A_535 = arith.index_cast %get3A_534 : i32 to index
            %get3A_536 = arith.index_cast %mul3A_420 : i32 to index
            %get3A_537 = tpu.vector_load %arg19[%get3A_535, %get3A_536] {strides = array<i32>} : memref<16x1024xf32, #tpu.memory_space<vmem>>, vector<1x16xf32>,
            %get3A_538 = vector.shape_cast %get3A_537 : vector<1x16xf32> to vector<16xf32>
            %get3A_539 = arith.constant 3 : i32
            %get3A_540 = arith.index_cast %get3A_539 : i32 to index
            %get3A_541 = arith.index_cast %mul3A_420 : i32 to index
            %get3A_542 = tpu.vector_load %arg20[%get3A_540, %get3A_541] {strides = array<i32>} : memref<16x1024xf32, #tpu.memory_space<vmem>>, vector<1x16xf32>,
            %get3A_543 = vector.shape_cast %get3A_542 : vector<1x16xf32> to vector<16xf32>
            %add3A_544 = arith.addf %get3A_538, %get3A_543 : vector<16xf32>
            %get3A_545 = arith.constant 3 : i32
            %get3A_546 = arith.index_cast %get3A_545 : i32 to index
            %get3A_547 = arith.index_cast %mul3A_420 : i32 to index
            %get3A_548 = tpu.vector_load %arg21[%get3A_546, %get3A_547] {strides = array<i32>} : memref<16x1024xf32, #tpu.memory_space<vmem>>, vector<1x16xf32>,
            %get3A_549 = vector.shape_cast %get3A_548 : vector<1x16xf32> to vector<16xf32>
            %add3A_550 = arith.addf %add3A_544, %get3A_549 : vector<16xf32>
            %swap3A = arith.constant 3 : i32
            %swap3A_551 = arith.index_cast %swap3A : i32 to index
            %swap3A_552 = arith.index_cast %mul3A_420 : i32 to index
            %swap3A_553 = tpu.vector_load %arg22[%swap3A_551, %swap3A_552] {strides = array<i32>} : memref<16x1024xf32, #tpu.memory_space<vmem>>, vector<1x16xf32>,
            %swap3A_554 = vector.shape_cast %swap3A_553 : vector<1x16xf32> to vector<16xf32>
            %swap3A_555 = vector.shape_cast %add3A_550 : vector<16xf32> to vector<1x16xf32>
            tpu.vector_store %arg22[%swap3A_551, %swap3A_552], %swap3A_555 {strides = array<i32>} : memref<16x1024xf32, #tpu.memory_space<vmem>>, vector<1x16xf32>,
          } else {
          }
          %le3A_449 = arith.constant 4 : i32
          %le3A_450 = arith.cmpi sle, %sub3A_366, %le3A_449 : i32
          %and3A_451 = arith.constant true
          %and3A_452 = arith.andi %le3A_450, %and3A_451 : i1
          %convert_element_type3A_453 = arith.extui %and3A_452 : i1 to i32
          %cond3A_454 = arith.constant 0 : i32
          %cond3A_455 = arith.cmpi ne, %convert_element_type3A_453, %cond3A_454 : i32
          scf.if %cond3A_455 {
            %get3A_534 = arith.constant 4 : i32
            %get3A_535 = arith.index_cast %get3A_534 : i32 to index
            %get3A_536 = arith.index_cast %mul3A_420 : i32 to index
            %get3A_537 = tpu.vector_load %arg19[%get3A_535, %get3A_536] {strides = array<i32>} : memref<16x1024xf32, #tpu.memory_space<vmem>>, vector<1x16xf32>,
            %get3A_538 = vector.shape_cast %get3A_537 : vector<1x16xf32> to vector<16xf32>
            %get3A_539 = arith.constant 4 : i32
            %get3A_540 = arith.index_cast %get3A_539 : i32 to index
            %get3A_541 = arith.index_cast %mul3A_420 : i32 to index
            %get3A_542 = tpu.vector_load %arg20[%get3A_540, %get3A_541] {strides = array<i32>} : memref<16x1024xf32, #tpu.memory_space<vmem>>, vector<1x16xf32>,
            %get3A_543 = vector.shape_cast %get3A_542 : vector<1x16xf32> to vector<16xf32>
            %add3A_544 = arith.addf %get3A_538, %get3A_543 : vector<16xf32>
            %get3A_545 = arith.constant 4 : i32
            %get3A_546 = arith.index_cast %get3A_545 : i32 to index
            %get3A_547 = arith.index_cast %mul3A_420 : i32 to index
            %get3A_548 = tpu.vector_load %arg21[%get3A_546, %get3A_547] {strides = array<i32>} : memref<16x1024xf32, #tpu.memory_space<vmem>>, vector<1x16xf32>,
            %get3A_549 = vector.shape_cast %get3A_548 : vector<1x16xf32> to vector<16xf32>
            %add3A_550 = arith.addf %add3A_544, %get3A_549 : vector<16xf32>
            %swap3A = arith.constant 4 : i32
            %swap3A_551 = arith.index_cast %swap3A : i32 to index
            %swap3A_552 = arith.index_cast %mul3A_420 : i32 to index
            %swap3A_553 = tpu.vector_load %arg22[%swap3A_551, %swap3A_552] {strides = array<i32>} : memref<16x1024xf32, #tpu.memory_space<vmem>>, vector<1x16xf32>,
            %swap3A_554 = vector.shape_cast %swap3A_553 : vector<1x16xf32> to vector<16xf32>
            %swap3A_555 = vector.shape_cast %add3A_550 : vector<16xf32> to vector<1x16xf32>
            tpu.vector_store %arg22[%swap3A_551, %swap3A_552], %swap3A_555 {strides = array<i32>} : memref<16x1024xf32, #tpu.memory_space<vmem>>, vector<1x16xf32>,
          } else {
          }
          %le3A_456 = arith.constant 5 : i32
          %le3A_457 = arith.cmpi sle, %sub3A_366, %le3A_456 : i32
          %and3A_458 = arith.constant true
          %and3A_459 = arith.andi %le3A_457, %and3A_458 : i1
          %convert_element_type3A_460 = arith.extui %and3A_459 : i1 to i32
          %cond3A_461 = arith.constant 0 : i32
          %cond3A_462 = arith.cmpi ne, %convert_element_type3A_460, %cond3A_461 : i32
          scf.if %cond3A_462 {
            %get3A_534 = arith.constant 5 : i32
            %get3A_535 = arith.index_cast %get3A_534 : i32 to index
            %get3A_536 = arith.index_cast %mul3A_420 : i32 to index
            %get3A_537 = tpu.vector_load %arg19[%get3A_535, %get3A_536] {strides = array<i32>} : memref<16x1024xf32, #tpu.memory_space<vmem>>, vector<1x16xf32>,
            %get3A_538 = vector.shape_cast %get3A_537 : vector<1x16xf32> to vector<16xf32>
            %get3A_539 = arith.constant 5 : i32
            %get3A_540 = arith.index_cast %get3A_539 : i32 to index
            %get3A_541 = arith.index_cast %mul3A_420 : i32 to index
            %get3A_542 = tpu.vector_load %arg20[%get3A_540, %get3A_541] {strides = array<i32>} : memref<16x1024xf32, #tpu.memory_space<vmem>>, vector<1x16xf32>,
            %get3A_543 = vector.shape_cast %get3A_542 : vector<1x16xf32> to vector<16xf32>
            %add3A_544 = arith.addf %get3A_538, %get3A_543 : vector<16xf32>
            %get3A_545 = arith.constant 5 : i32
            %get3A_546 = arith.index_cast %get3A_545 : i32 to index
            %get3A_547 = arith.index_cast %mul3A_420 : i32 to index
            %get3A_548 = tpu.vector_load %arg21[%get3A_546, %get3A_547] {strides = array<i32>} : memref<16x1024xf32, #tpu.memory_space<vmem>>, vector<1x16xf32>,
            %get3A_549 = vector.shape_cast %get3A_548 : vector<1x16xf32> to vector<16xf32>
            %add3A_550 = arith.addf %add3A_544, %get3A_549 : vector<16xf32>
            %swap3A = arith.constant 5 : i32
            %swap3A_551 = arith.index_cast %swap3A : i32 to index
            %swap3A_552 = arith.index_cast %mul3A_420 : i32 to index
            %swap3A_553 = tpu.vector_load %arg22[%swap3A_551, %swap3A_552] {strides = array<i32>} : memref<16x1024xf32, #tpu.memory_space<vmem>>, vector<1x16xf32>,
            %swap3A_554 = vector.shape_cast %swap3A_553 : vector<1x16xf32> to vector<16xf32>
            %swap3A_555 = vector.shape_cast %add3A_550 : vector<16xf32> to vector<1x16xf32>
            tpu.vector_store %arg22[%swap3A_551, %swap3A_552], %swap3A_555 {strides = array<i32>} : memref<16x1024xf32, #tpu.memory_space<vmem>>, vector<1x16xf32>,
          } else {
          }
          %le3A_463 = arith.constant 6 : i32
          %le3A_464 = arith.cmpi sle, %sub3A_366, %le3A_463 : i32
          %and3A_465 = arith.constant true
          %and3A_466 = arith.andi %le3A_464, %and3A_465 : i1
          %convert_element_type3A_467 = arith.extui %and3A_466 : i1 to i32
          %cond3A_468 = arith.constant 0 : i32
          %cond3A_469 = arith.cmpi ne, %convert_element_type3A_467, %cond3A_468 : i32
          scf.if %cond3A_469 {
            %get3A_534 = arith.constant 6 : i32
            %get3A_535 = arith.index_cast %get3A_534 : i32 to index
            %get3A_536 = arith.index_cast %mul3A_420 : i32 to index
            %get3A_537 = tpu.vector_load %arg19[%get3A_535, %get3A_536] {strides = array<i32>} : memref<16x1024xf32, #tpu.memory_space<vmem>>, vector<1x16xf32>,
            %get3A_538 = vector.shape_cast %get3A_537 : vector<1x16xf32> to vector<16xf32>
            %get3A_539 = arith.constant 6 : i32
            %get3A_540 = arith.index_cast %get3A_539 : i32 to index
            %get3A_541 = arith.index_cast %mul3A_420 : i32 to index
            %get3A_542 = tpu.vector_load %arg20[%get3A_540, %get3A_541] {strides = array<i32>} : memref<16x1024xf32, #tpu.memory_space<vmem>>, vector<1x16xf32>,
            %get3A_543 = vector.shape_cast %get3A_542 : vector<1x16xf32> to vector<16xf32>
            %add3A_544 = arith.addf %get3A_538, %get3A_543 : vector<16xf32>
            %get3A_545 = arith.constant 6 : i32
            %get3A_546 = arith.index_cast %get3A_545 : i32 to index
            %get3A_547 = arith.index_cast %mul3A_420 : i32 to index
            %get3A_548 = tpu.vector_load %arg21[%get3A_546, %get3A_547] {strides = array<i32>} : memref<16x1024xf32, #tpu.memory_space<vmem>>, vector<1x16xf32>,
            %get3A_549 = vector.shape_cast %get3A_548 : vector<1x16xf32> to vector<16xf32>
            %add3A_550 = arith.addf %add3A_544, %get3A_549 : vector<16xf32>
            %swap3A = arith.constant 6 : i32
            %swap3A_551 = arith.index_cast %swap3A : i32 to index
            %swap3A_552 = arith.index_cast %mul3A_420 : i32 to index
            %swap3A_553 = tpu.vector_load %arg22[%swap3A_551, %swap3A_552] {strides = array<i32>} : memref<16x1024xf32, #tpu.memory_space<vmem>>, vector<1x16xf32>,
            %swap3A_554 = vector.shape_cast %swap3A_553 : vector<1x16xf32> to vector<16xf32>
            %swap3A_555 = vector.shape_cast %add3A_550 : vector<16xf32> to vector<1x16xf32>
            tpu.vector_store %arg22[%swap3A_551, %swap3A_552], %swap3A_555 {strides = array<i32>} : memref<16x1024xf32, #tpu.memory_space<vmem>>, vector<1x16xf32>,
          } else {
          }
          %le3A_470 = arith.constant 7 : i32
          %le3A_471 = arith.cmpi sle, %sub3A_366, %le3A_470 : i32
          %and3A_472 = arith.constant true
          %and3A_473 = arith.andi %le3A_471, %and3A_472 : i1
          %convert_element_type3A_474 = arith.extui %and3A_473 : i1 to i32
          %cond3A_475 = arith.constant 0 : i32
          %cond3A_476 = arith.cmpi ne, %convert_element_type3A_474, %cond3A_475 : i32
          scf.if %cond3A_476 {
            %get3A_534 = arith.constant 7 : i32
            %get3A_535 = arith.index_cast %get3A_534 : i32 to index
            %get3A_536 = arith.index_cast %mul3A_420 : i32 to index
            %get3A_537 = tpu.vector_load %arg19[%get3A_535, %get3A_536] {strides = array<i32>} : memref<16x1024xf32, #tpu.memory_space<vmem>>, vector<1x16xf32>,
            %get3A_538 = vector.shape_cast %get3A_537 : vector<1x16xf32> to vector<16xf32>
            %get3A_539 = arith.constant 7 : i32
            %get3A_540 = arith.index_cast %get3A_539 : i32 to index
            %get3A_541 = arith.index_cast %mul3A_420 : i32 to index
            %get3A_542 = tpu.vector_load %arg20[%get3A_540, %get3A_541] {strides = array<i32>} : memref<16x1024xf32, #tpu.memory_space<vmem>>, vector<1x16xf32>,
            %get3A_543 = vector.shape_cast %get3A_542 : vector<1x16xf32> to vector<16xf32>
            %add3A_544 = arith.addf %get3A_538, %get3A_543 : vector<16xf32>
            %get3A_545 = arith.constant 7 : i32
            %get3A_546 = arith.index_cast %get3A_545 : i32 to index
            %get3A_547 = arith.index_cast %mul3A_420 : i32 to index
            %get3A_548 = tpu.vector_load %arg21[%get3A_546, %get3A_547] {strides = array<i32>} : memref<16x1024xf32, #tpu.memory_space<vmem>>, vector<1x16xf32>,
            %get3A_549 = vector.shape_cast %get3A_548 : vector<1x16xf32> to vector<16xf32>
            %add3A_550 = arith.addf %add3A_544, %get3A_549 : vector<16xf32>
            %swap3A = arith.constant 7 : i32
            %swap3A_551 = arith.index_cast %swap3A : i32 to index
            %swap3A_552 = arith.index_cast %mul3A_420 : i32 to index
            %swap3A_553 = tpu.vector_load %arg22[%swap3A_551, %swap3A_552] {strides = array<i32>} : memref<16x1024xf32, #tpu.memory_space<vmem>>, vector<1x16xf32>,
            %swap3A_554 = vector.shape_cast %swap3A_553 : vector<1x16xf32> to vector<16xf32>
            %swap3A_555 = vector.shape_cast %add3A_550 : vector<16xf32> to vector<1x16xf32>
            tpu.vector_store %arg22[%swap3A_551, %swap3A_552], %swap3A_555 {strides = array<i32>} : memref<16x1024xf32, #tpu.memory_space<vmem>>, vector<1x16xf32>,
          } else {
          }
          %le3A_477 = arith.constant 8 : i32
          %le3A_478 = arith.cmpi sle, %sub3A_366, %le3A_477 : i32
          %and3A_479 = arith.constant true
          %and3A_480 = arith.andi %le3A_478, %and3A_479 : i1
          %convert_element_type3A_481 = arith.extui %and3A_480 : i1 to i32
          %cond3A_482 = arith.constant 0 : i32
          %cond3A_483 = arith.cmpi ne, %convert_element_type3A_481, %cond3A_482 : i32
          scf.if %cond3A_483 {
            %get3A_534 = arith.constant 8 : i32
            %get3A_535 = arith.index_cast %get3A_534 : i32 to index
            %get3A_536 = arith.index_cast %mul3A_420 : i32 to index
            %get3A_537 = tpu.vector_load %arg19[%get3A_535, %get3A_536] {strides = array<i32>} : memref<16x1024xf32, #tpu.memory_space<vmem>>, vector<1x16xf32>,
            %get3A_538 = vector.shape_cast %get3A_537 : vector<1x16xf32> to vector<16xf32>
            %get3A_539 = arith.constant 8 : i32
            %get3A_540 = arith.index_cast %get3A_539 : i32 to index
            %get3A_541 = arith.index_cast %mul3A_420 : i32 to index
            %get3A_542 = tpu.vector_load %arg20[%get3A_540, %get3A_541] {strides = array<i32>} : memref<16x1024xf32, #tpu.memory_space<vmem>>, vector<1x16xf32>,
            %get3A_543 = vector.shape_cast %get3A_542 : vector<1x16xf32> to vector<16xf32>
            %add3A_544 = arith.addf %get3A_538, %get3A_543 : vector<16xf32>
            %get3A_545 = arith.constant 8 : i32
            %get3A_546 = arith.index_cast %get3A_545 : i32 to index
            %get3A_547 = arith.index_cast %mul3A_420 : i32 to index
            %get3A_548 = tpu.vector_load %arg21[%get3A_546, %get3A_547] {strides = array<i32>} : memref<16x1024xf32, #tpu.memory_space<vmem>>, vector<1x16xf32>,
            %get3A_549 = vector.shape_cast %get3A_548 : vector<1x16xf32> to vector<16xf32>
            %add3A_550 = arith.addf %add3A_544, %get3A_549 : vector<16xf32>
            %swap3A = arith.constant 8 : i32
            %swap3A_551 = arith.index_cast %swap3A : i32 to index
            %swap3A_552 = arith.index_cast %mul3A_420 : i32 to index
            %swap3A_553 = tpu.vector_load %arg22[%swap3A_551, %swap3A_552] {strides = array<i32>} : memref<16x1024xf32, #tpu.memory_space<vmem>>, vector<1x16xf32>,
            %swap3A_554 = vector.shape_cast %swap3A_553 : vector<1x16xf32> to vector<16xf32>
            %swap3A_555 = vector.shape_cast %add3A_550 : vector<16xf32> to vector<1x16xf32>
            tpu.vector_store %arg22[%swap3A_551, %swap3A_552], %swap3A_555 {strides = array<i32>} : memref<16x1024xf32, #tpu.memory_space<vmem>>, vector<1x16xf32>,
          } else {
          }
          %le3A_484 = arith.constant 9 : i32
          %le3A_485 = arith.cmpi sle, %sub3A_366, %le3A_484 : i32
          %and3A_486 = arith.constant true
          %and3A_487 = arith.andi %le3A_485, %and3A_486 : i1
          %convert_element_type3A_488 = arith.extui %and3A_487 : i1 to i32
          %cond3A_489 = arith.constant 0 : i32
          %cond3A_490 = arith.cmpi ne, %convert_element_type3A_488, %cond3A_489 : i32
          scf.if %cond3A_490 {
            %get3A_534 = arith.constant 9 : i32
            %get3A_535 = arith.index_cast %get3A_534 : i32 to index
            %get3A_536 = arith.index_cast %mul3A_420 : i32 to index
            %get3A_537 = tpu.vector_load %arg19[%get3A_535, %get3A_536] {strides = array<i32>} : memref<16x1024xf32, #tpu.memory_space<vmem>>, vector<1x16xf32>,
            %get3A_538 = vector.shape_cast %get3A_537 : vector<1x16xf32> to vector<16xf32>
            %get3A_539 = arith.constant 9 : i32
            %get3A_540 = arith.index_cast %get3A_539 : i32 to index
            %get3A_541 = arith.index_cast %mul3A_420 : i32 to index
            %get3A_542 = tpu.vector_load %arg20[%get3A_540, %get3A_541] {strides = array<i32>} : memref<16x1024xf32, #tpu.memory_space<vmem>>, vector<1x16xf32>,
            %get3A_543 = vector.shape_cast %get3A_542 : vector<1x16xf32> to vector<16xf32>
            %add3A_544 = arith.addf %get3A_538, %get3A_543 : vector<16xf32>
            %get3A_545 = arith.constant 9 : i32
            %get3A_546 = arith.index_cast %get3A_545 : i32 to index
            %get3A_547 = arith.index_cast %mul3A_420 : i32 to index
            %get3A_548 = tpu.vector_load %arg21[%get3A_546, %get3A_547] {strides = array<i32>} : memref<16x1024xf32, #tpu.memory_space<vmem>>, vector<1x16xf32>,
            %get3A_549 = vector.shape_cast %get3A_548 : vector<1x16xf32> to vector<16xf32>
            %add3A_550 = arith.addf %add3A_544, %get3A_549 : vector<16xf32>
            %swap3A = arith.constant 9 : i32
            %swap3A_551 = arith.index_cast %swap3A : i32 to index
            %swap3A_552 = arith.index_cast %mul3A_420 : i32 to index
            %swap3A_553 = tpu.vector_load %arg22[%swap3A_551, %swap3A_552] {strides = array<i32>} : memref<16x1024xf32, #tpu.memory_space<vmem>>, vector<1x16xf32>,
            %swap3A_554 = vector.shape_cast %swap3A_553 : vector<1x16xf32> to vector<16xf32>
            %swap3A_555 = vector.shape_cast %add3A_550 : vector<16xf32> to vector<1x16xf32>
            tpu.vector_store %arg22[%swap3A_551, %swap3A_552], %swap3A_555 {strides = array<i32>} : memref<16x1024xf32, #tpu.memory_space<vmem>>, vector<1x16xf32>,
          } else {
          }
          %le3A_491 = arith.constant 10 : i32
          %le3A_492 = arith.cmpi sle, %sub3A_366, %le3A_491 : i32
          %and3A_493 = arith.constant true
          %and3A_494 = arith.andi %le3A_492, %and3A_493 : i1
          %convert_element_type3A_495 = arith.extui %and3A_494 : i1 to i32
          %cond3A_496 = arith.constant 0 : i32
          %cond3A_497 = arith.cmpi ne, %convert_element_type3A_495, %cond3A_496 : i32
          scf.if %cond3A_497 {
            %get3A_534 = arith.constant 10 : i32
            %get3A_535 = arith.index_cast %get3A_534 : i32 to index
            %get3A_536 = arith.index_cast %mul3A_420 : i32 to index
            %get3A_537 = tpu.vector_load %arg19[%get3A_535, %get3A_536] {strides = array<i32>} : memref<16x1024xf32, #tpu.memory_space<vmem>>, vector<1x16xf32>,
            %get3A_538 = vector.shape_cast %get3A_537 : vector<1x16xf32> to vector<16xf32>
            %get3A_539 = arith.constant 10 : i32
            %get3A_540 = arith.index_cast %get3A_539 : i32 to index
            %get3A_541 = arith.index_cast %mul3A_420 : i32 to index
            %get3A_542 = tpu.vector_load %arg20[%get3A_540, %get3A_541] {strides = array<i32>} : memref<16x1024xf32, #tpu.memory_space<vmem>>, vector<1x16xf32>,
            %get3A_543 = vector.shape_cast %get3A_542 : vector<1x16xf32> to vector<16xf32>
            %add3A_544 = arith.addf %get3A_538, %get3A_543 : vector<16xf32>
            %get3A_545 = arith.constant 10 : i32
            %get3A_546 = arith.index_cast %get3A_545 : i32 to index
            %get3A_547 = arith.index_cast %mul3A_420 : i32 to index
            %get3A_548 = tpu.vector_load %arg21[%get3A_546, %get3A_547] {strides = array<i32>} : memref<16x1024xf32, #tpu.memory_space<vmem>>, vector<1x16xf32>,
            %get3A_549 = vector.shape_cast %get3A_548 : vector<1x16xf32> to vector<16xf32>
            %add3A_550 = arith.addf %add3A_544, %get3A_549 : vector<16xf32>
            %swap3A = arith.constant 10 : i32
            %swap3A_551 = arith.index_cast %swap3A : i32 to index
            %swap3A_552 = arith.index_cast %mul3A_420 : i32 to index
            %swap3A_553 = tpu.vector_load %arg22[%swap3A_551, %swap3A_552] {strides = array<i32>} : memref<16x1024xf32, #tpu.memory_space<vmem>>, vector<1x16xf32>,
            %swap3A_554 = vector.shape_cast %swap3A_553 : vector<1x16xf32> to vector<16xf32>
            %swap3A_555 = vector.shape_cast %add3A_550 : vector<16xf32> to vector<1x16xf32>
            tpu.vector_store %arg22[%swap3A_551, %swap3A_552], %swap3A_555 {strides = array<i32>} : memref<16x1024xf32, #tpu.memory_space<vmem>>, vector<1x16xf32>,
          } else {
          }
          %le3A_498 = arith.constant 11 : i32
          %le3A_499 = arith.cmpi sle, %sub3A_366, %le3A_498 : i32
          %and3A_500 = arith.constant true
          %and3A_501 = arith.andi %le3A_499, %and3A_500 : i1
          %convert_element_type3A_502 = arith.extui %and3A_501 : i1 to i32
          %cond3A_503 = arith.constant 0 : i32
          %cond3A_504 = arith.cmpi ne, %convert_element_type3A_502, %cond3A_503 : i32
          scf.if %cond3A_504 {
            %get3A_534 = arith.constant 11 : i32
            %get3A_535 = arith.index_cast %get3A_534 : i32 to index
            %get3A_536 = arith.index_cast %mul3A_420 : i32 to index
            %get3A_537 = tpu.vector_load %arg19[%get3A_535, %get3A_536] {strides = array<i32>} : memref<16x1024xf32, #tpu.memory_space<vmem>>, vector<1x16xf32>,
            %get3A_538 = vector.shape_cast %get3A_537 : vector<1x16xf32> to vector<16xf32>
            %get3A_539 = arith.constant 11 : i32
            %get3A_540 = arith.index_cast %get3A_539 : i32 to index
            %get3A_541 = arith.index_cast %mul3A_420 : i32 to index
            %get3A_542 = tpu.vector_load %arg20[%get3A_540, %get3A_541] {strides = array<i32>} : memref<16x1024xf32, #tpu.memory_space<vmem>>, vector<1x16xf32>,
            %get3A_543 = vector.shape_cast %get3A_542 : vector<1x16xf32> to vector<16xf32>
            %add3A_544 = arith.addf %get3A_538, %get3A_543 : vector<16xf32>
            %get3A_545 = arith.constant 11 : i32
            %get3A_546 = arith.index_cast %get3A_545 : i32 to index
            %get3A_547 = arith.index_cast %mul3A_420 : i32 to index
            %get3A_548 = tpu.vector_load %arg21[%get3A_546, %get3A_547] {strides = array<i32>} : memref<16x1024xf32, #tpu.memory_space<vmem>>, vector<1x16xf32>,
            %get3A_549 = vector.shape_cast %get3A_548 : vector<1x16xf32> to vector<16xf32>
            %add3A_550 = arith.addf %add3A_544, %get3A_549 : vector<16xf32>
            %swap3A = arith.constant 11 : i32
            %swap3A_551 = arith.index_cast %swap3A : i32 to index
            %swap3A_552 = arith.index_cast %mul3A_420 : i32 to index
            %swap3A_553 = tpu.vector_load %arg22[%swap3A_551, %swap3A_552] {strides = array<i32>} : memref<16x1024xf32, #tpu.memory_space<vmem>>, vector<1x16xf32>,
            %swap3A_554 = vector.shape_cast %swap3A_553 : vector<1x16xf32> to vector<16xf32>
            %swap3A_555 = vector.shape_cast %add3A_550 : vector<16xf32> to vector<1x16xf32>
            tpu.vector_store %arg22[%swap3A_551, %swap3A_552], %swap3A_555 {strides = array<i32>} : memref<16x1024xf32, #tpu.memory_space<vmem>>, vector<1x16xf32>,
          } else {
          }
          %le3A_505 = arith.constant 12 : i32
          %le3A_506 = arith.cmpi sle, %sub3A_366, %le3A_505 : i32
          %and3A_507 = arith.constant true
          %and3A_508 = arith.andi %le3A_506, %and3A_507 : i1
          %convert_element_type3A_509 = arith.extui %and3A_508 : i1 to i32
          %cond3A_510 = arith.constant 0 : i32
          %cond3A_511 = arith.cmpi ne, %convert_element_type3A_509, %cond3A_510 : i32
          scf.if %cond3A_511 {
            %get3A_534 = arith.constant 12 : i32
            %get3A_535 = arith.index_cast %get3A_534 : i32 to index
            %get3A_536 = arith.index_cast %mul3A_420 : i32 to index
            %get3A_537 = tpu.vector_load %arg19[%get3A_535, %get3A_536] {strides = array<i32>} : memref<16x1024xf32, #tpu.memory_space<vmem>>, vector<1x16xf32>,
            %get3A_538 = vector.shape_cast %get3A_537 : vector<1x16xf32> to vector<16xf32>
            %get3A_539 = arith.constant 12 : i32
            %get3A_540 = arith.index_cast %get3A_539 : i32 to index
            %get3A_541 = arith.index_cast %mul3A_420 : i32 to index
            %get3A_542 = tpu.vector_load %arg20[%get3A_540, %get3A_541] {strides = array<i32>} : memref<16x1024xf32, #tpu.memory_space<vmem>>, vector<1x16xf32>,
            %get3A_543 = vector.shape_cast %get3A_542 : vector<1x16xf32> to vector<16xf32>
            %add3A_544 = arith.addf %get3A_538, %get3A_543 : vector<16xf32>
            %get3A_545 = arith.constant 12 : i32
            %get3A_546 = arith.index_cast %get3A_545 : i32 to index
            %get3A_547 = arith.index_cast %mul3A_420 : i32 to index
            %get3A_548 = tpu.vector_load %arg21[%get3A_546, %get3A_547] {strides = array<i32>} : memref<16x1024xf32, #tpu.memory_space<vmem>>, vector<1x16xf32>,
            %get3A_549 = vector.shape_cast %get3A_548 : vector<1x16xf32> to vector<16xf32>
            %add3A_550 = arith.addf %add3A_544, %get3A_549 : vector<16xf32>
            %swap3A = arith.constant 12 : i32
            %swap3A_551 = arith.index_cast %swap3A : i32 to index
            %swap3A_552 = arith.index_cast %mul3A_420 : i32 to index
            %swap3A_553 = tpu.vector_load %arg22[%swap3A_551, %swap3A_552] {strides = array<i32>} : memref<16x1024xf32, #tpu.memory_space<vmem>>, vector<1x16xf32>,
            %swap3A_554 = vector.shape_cast %swap3A_553 : vector<1x16xf32> to vector<16xf32>
            %swap3A_555 = vector.shape_cast %add3A_550 : vector<16xf32> to vector<1x16xf32>
            tpu.vector_store %arg22[%swap3A_551, %swap3A_552], %swap3A_555 {strides = array<i32>} : memref<16x1024xf32, #tpu.memory_space<vmem>>, vector<1x16xf32>,
          } else {
          }
          %le3A_512 = arith.constant 13 : i32
          %le3A_513 = arith.cmpi sle, %sub3A_366, %le3A_512 : i32
          %and3A_514 = arith.constant true
          %and3A_515 = arith.andi %le3A_513, %and3A_514 : i1
          %convert_element_type3A_516 = arith.extui %and3A_515 : i1 to i32
          %cond3A_517 = arith.constant 0 : i32
          %cond3A_518 = arith.cmpi ne, %convert_element_type3A_516, %cond3A_517 : i32
          scf.if %cond3A_518 {
            %get3A_534 = arith.constant 13 : i32
            %get3A_535 = arith.index_cast %get3A_534 : i32 to index
            %get3A_536 = arith.index_cast %mul3A_420 : i32 to index
            %get3A_537 = tpu.vector_load %arg19[%get3A_535, %get3A_536] {strides = array<i32>} : memref<16x1024xf32, #tpu.memory_space<vmem>>, vector<1x16xf32>,
            %get3A_538 = vector.shape_cast %get3A_537 : vector<1x16xf32> to vector<16xf32>
            %get3A_539 = arith.constant 13 : i32
            %get3A_540 = arith.index_cast %get3A_539 : i32 to index
            %get3A_541 = arith.index_cast %mul3A_420 : i32 to index
            %get3A_542 = tpu.vector_load %arg20[%get3A_540, %get3A_541] {strides = array<i32>} : memref<16x1024xf32, #tpu.memory_space<vmem>>, vector<1x16xf32>,
            %get3A_543 = vector.shape_cast %get3A_542 : vector<1x16xf32> to vector<16xf32>
            %add3A_544 = arith.addf %get3A_538, %get3A_543 : vector<16xf32>
            %get3A_545 = arith.constant 13 : i32
            %get3A_546 = arith.index_cast %get3A_545 : i32 to index
            %get3A_547 = arith.index_cast %mul3A_420 : i32 to index
            %get3A_548 = tpu.vector_load %arg21[%get3A_546, %get3A_547] {strides = array<i32>} : memref<16x1024xf32, #tpu.memory_space<vmem>>, vector<1x16xf32>,
            %get3A_549 = vector.shape_cast %get3A_548 : vector<1x16xf32> to vector<16xf32>
            %add3A_550 = arith.addf %add3A_544, %get3A_549 : vector<16xf32>
            %swap3A = arith.constant 13 : i32
            %swap3A_551 = arith.index_cast %swap3A : i32 to index
            %swap3A_552 = arith.index_cast %mul3A_420 : i32 to index
            %swap3A_553 = tpu.vector_load %arg22[%swap3A_551, %swap3A_552] {strides = array<i32>} : memref<16x1024xf32, #tpu.memory_space<vmem>>, vector<1x16xf32>,
            %swap3A_554 = vector.shape_cast %swap3A_553 : vector<1x16xf32> to vector<16xf32>
            %swap3A_555 = vector.shape_cast %add3A_550 : vector<16xf32> to vector<1x16xf32>
            tpu.vector_store %arg22[%swap3A_551, %swap3A_552], %swap3A_555 {strides = array<i32>} : memref<16x1024xf32, #tpu.memory_space<vmem>>, vector<1x16xf32>,
          } else {
          }
          %le3A_519 = arith.constant 14 : i32
          %le3A_520 = arith.cmpi sle, %sub3A_366, %le3A_519 : i32
          %and3A_521 = arith.constant true
          %and3A_522 = arith.andi %le3A_520, %and3A_521 : i1
          %convert_element_type3A_523 = arith.extui %and3A_522 : i1 to i32
          %cond3A_524 = arith.constant 0 : i32
          %cond3A_525 = arith.cmpi ne, %convert_element_type3A_523, %cond3A_524 : i32
          scf.if %cond3A_525 {
            %get3A_534 = arith.constant 14 : i32
            %get3A_535 = arith.index_cast %get3A_534 : i32 to index
            %get3A_536 = arith.index_cast %mul3A_420 : i32 to index
            %get3A_537 = tpu.vector_load %arg19[%get3A_535, %get3A_536] {strides = array<i32>} : memref<16x1024xf32, #tpu.memory_space<vmem>>, vector<1x16xf32>,
            %get3A_538 = vector.shape_cast %get3A_537 : vector<1x16xf32> to vector<16xf32>
            %get3A_539 = arith.constant 14 : i32
            %get3A_540 = arith.index_cast %get3A_539 : i32 to index
            %get3A_541 = arith.index_cast %mul3A_420 : i32 to index
            %get3A_542 = tpu.vector_load %arg20[%get3A_540, %get3A_541] {strides = array<i32>} : memref<16x1024xf32, #tpu.memory_space<vmem>>, vector<1x16xf32>,
            %get3A_543 = vector.shape_cast %get3A_542 : vector<1x16xf32> to vector<16xf32>
            %add3A_544 = arith.addf %get3A_538, %get3A_543 : vector<16xf32>
            %get3A_545 = arith.constant 14 : i32
            %get3A_546 = arith.index_cast %get3A_545 : i32 to index
            %get3A_547 = arith.index_cast %mul3A_420 : i32 to index
            %get3A_548 = tpu.vector_load %arg21[%get3A_546, %get3A_547] {strides = array<i32>} : memref<16x1024xf32, #tpu.memory_space<vmem>>, vector<1x16xf32>,
            %get3A_549 = vector.shape_cast %get3A_548 : vector<1x16xf32> to vector<16xf32>
            %add3A_550 = arith.addf %add3A_544, %get3A_549 : vector<16xf32>
            %swap3A = arith.constant 14 : i32
            %swap3A_551 = arith.index_cast %swap3A : i32 to index
            %swap3A_552 = arith.index_cast %mul3A_420 : i32 to index
            %swap3A_553 = tpu.vector_load %arg22[%swap3A_551, %swap3A_552] {strides = array<i32>} : memref<16x1024xf32, #tpu.memory_space<vmem>>, vector<1x16xf32>,
            %swap3A_554 = vector.shape_cast %swap3A_553 : vector<1x16xf32> to vector<16xf32>
            %swap3A_555 = vector.shape_cast %add3A_550 : vector<16xf32> to vector<1x16xf32>
            tpu.vector_store %arg22[%swap3A_551, %swap3A_552], %swap3A_555 {strides = array<i32>} : memref<16x1024xf32, #tpu.memory_space<vmem>>, vector<1x16xf32>,
          } else {
          }
          %le3A_526 = arith.constant 15 : i32
          %le3A_527 = arith.cmpi sle, %sub3A_366, %le3A_526 : i32
          %and3A_528 = arith.constant true
          %and3A_529 = arith.andi %le3A_527, %and3A_528 : i1
          %convert_element_type3A_530 = arith.extui %and3A_529 : i1 to i32
          %cond3A_531 = arith.constant 0 : i32
          %cond3A_532 = arith.cmpi ne, %convert_element_type3A_530, %cond3A_531 : i32
          scf.if %cond3A_532 {
            %get3A_534 = arith.constant 15 : i32
            %get3A_535 = arith.index_cast %get3A_534 : i32 to index
            %get3A_536 = arith.index_cast %mul3A_420 : i32 to index
            %get3A_537 = tpu.vector_load %arg19[%get3A_535, %get3A_536] {strides = array<i32>} : memref<16x1024xf32, #tpu.memory_space<vmem>>, vector<1x16xf32>,
            %get3A_538 = vector.shape_cast %get3A_537 : vector<1x16xf32> to vector<16xf32>
            %get3A_539 = arith.constant 15 : i32
            %get3A_540 = arith.index_cast %get3A_539 : i32 to index
            %get3A_541 = arith.index_cast %mul3A_420 : i32 to index
            %get3A_542 = tpu.vector_load %arg20[%get3A_540, %get3A_541] {strides = array<i32>} : memref<16x1024xf32, #tpu.memory_space<vmem>>, vector<1x16xf32>,
            %get3A_543 = vector.shape_cast %get3A_542 : vector<1x16xf32> to vector<16xf32>
            %add3A_544 = arith.addf %get3A_538, %get3A_543 : vector<16xf32>
            %get3A_545 = arith.constant 15 : i32
            %get3A_546 = arith.index_cast %get3A_545 : i32 to index
            %get3A_547 = arith.index_cast %mul3A_420 : i32 to index
            %get3A_548 = tpu.vector_load %arg21[%get3A_546, %get3A_547] {strides = array<i32>} : memref<16x1024xf32, #tpu.memory_space<vmem>>, vector<1x16xf32>,
            %get3A_549 = vector.shape_cast %get3A_548 : vector<1x16xf32> to vector<16xf32>
            %add3A_550 = arith.addf %add3A_544, %get3A_549 : vector<16xf32>
            %swap3A = arith.constant 15 : i32
            %swap3A_551 = arith.index_cast %swap3A : i32 to index
            %swap3A_552 = arith.index_cast %mul3A_420 : i32 to index
            %swap3A_553 = tpu.vector_load %arg22[%swap3A_551, %swap3A_552] {strides = array<i32>} : memref<16x1024xf32, #tpu.memory_space<vmem>>, vector<1x16xf32>,
            %swap3A_554 = vector.shape_cast %swap3A_553 : vector<1x16xf32> to vector<16xf32>
            %swap3A_555 = vector.shape_cast %add3A_550 : vector<16xf32> to vector<1x16xf32>
            tpu.vector_store %arg22[%swap3A_551, %swap3A_552], %swap3A_555 {strides = array<i32>} : memref<16x1024xf32, #tpu.memory_space<vmem>>, vector<1x16xf32>,
          } else {
          }
          %scan3A_533 = arith.constant 0 : i32
          scf.yield %scan3A_533 : i32
        }
        %scan3A_416 = arith.constant 64 : i32
      } else {
      }
      %add3A_356 = arith.addi %mul3A_34, %mul3A_313 : i32
      %dma_start3A_357 = arith.constant 0 : i32
      %dma_start3A_358 = tpu.memref_slice %arg11[%add3A_356, %dma_start3A_357] : memref<16384x1024xf32, #tpu.memory_space<hbm>> -> memref<16x1024xf32, #tpu.memory_space<hbm>>
      %dma_start3A_359 = arith.constant 0 : i32
      %dma_start3A_360 = tpu.memref_slice %arg11[%add3A_356, %dma_start3A_359] : memref<16384x1024xf32, #tpu.memory_space<hbm>> -> memref<16x1024xf32, #tpu.memory_space<hbm>>
      tpu.enqueue_dma source(%arg22 : memref<16x1024xf32, #tpu.memory_space<vmem>>) target(%dma_start3A_360 : memref<16x1024xf32, #tpu.memory_space<hbm>>) target_semaphore(%arg24 : memref<!tpu.dma_semaphore, #tpu.memory_space<semaphore_mem>>)
      %dma_wait3A_361 = arith.constant 0 : i32
      %dma_wait3A_362 = tpu.memref_slice %arg11[%add3A_356, %dma_wait3A_361] : memref<16384x1024xf32, #tpu.memory_space<hbm>> -> memref<16x1024xf32, #tpu.memory_space<hbm>>
      %dma_wait3A_363 = arith.constant 0 : i32
      %dma_wait3A_364 = tpu.memref_slice %arg11[%add3A_356, %dma_wait3A_363] : memref<16384x1024xf32, #tpu.memory_space<hbm>> -> memref<16x1024xf32, #tpu.memory_space<hbm>>
      tpu.wait_dma2 semaphore(%arg24 : memref<!tpu.dma_semaphore, #tpu.memory_space<semaphore_mem>>) src(%arg22 : memref<16x1024xf32, #tpu.memory_space<vmem>>) dst(%dma_wait3A_364 : memref<16x1024xf32, #tpu.memory_space<hbm>>)
      %scan3A_365 = arith.constant 0 : i32
      scf.yield %scan3A_365 : i32
    }
    %scan3A_309 = arith.constant 32 : i32
    return
  }
}

</mosaic_0001>

<sc_bundles>
// kernel: kernel.3.cloned.1.call-start
scs
__scs_entry_jumppad:
0x0: {  	(pc) =	sbr.rel $0x88, $3  }
0x1: {  	(tag) =	ssettag $0x0;
	lr =	simm.s32 $0x1  }
0x2: {  	[smem:$0x3F98] =	sst lr;
	_ =	strace $0xD0000000  }
0x3: {  	_ = 	snop  }
0x4: {  	_ = 	snop  }
0x5: {  	_ = 	snop  }
0x6: {  	_ = 	snop  }
0x7: {  	_ = 	snop  }
__scs_overlays_trampoline_lowered:
0x8: {  	[smem:$0x3FA7] =	sst s0  }
0x9: {  	[smem:$0x3FA8] =	sst s1  }
0xa: {  	[smem:$0x3FA9] =	sst s2  }
0xb: {  	[smem:$0x3FAA] =	sst s3  }
0xc: {  	[smem:$0x3FAB] =	sst s4  }
0xd: {  	[smem:$0x3FAC] =	sst s5  }
0xe: {  	[smem:$0x3FAD] =	sst s6  }
0xf: {  	[smem:$0x3FAE] =	sst s7  }
0x10: {  	[smem:$0x3FAF] =	sst s8  }
0x11: {  	[smem:$0x3FB0] =	sst s9;
	s0 =	simm.s32 @!p0 $0x0  }
0x12: {  	s1 =	sld [smem:$0x3F96];
	s0 =	simm.s32 @p0 $0x1  }
0x13: {  	[smem:$0x3FB1] =	sst s0;
	s0 =	simm.s32 @!p1 $0x0  }
0x14: {  	s2 =	sld [smem:$0x3F95];
	s0 =	simm.s32 @p1 $0x1  }
0x15: {  	[smem:$0x3FB2] =	sst s0;
	s0 =	simm.s32 @!p2 $0x0  }
0x16: {  	s3 =	sld [smem:$0x3FDB];
	s0 =	simm.s32 @p2 $0x1  }
0x17: {  	s4 =	simm.s32 $0x1BF5;
	[smem:$0x3FB4] =	sst s0  }
0x18: {  	s0 =	sld [smem:$0x3F97];
	_ =	swait.ge [sflag:s4], $0x0  }
0x19: {  	s7 =	sld [smem:$0x3F98]  }
0x1a: {  	s8 =	sadd.s32 $0xFFFFE003, lr  }
0x1b: {  	s9 =	sadd.s32 $0xFFFFFEF7, lr;
	s5 =	simm.s32 $0xFFFFFFFF;
	p2 =	slt.u32 s8, $0xFFFFF086  }
0x1c: {  	p1 =	slt.u32 s9, $0xF7A;
	s5 =	simm.s32 @!p2 $0x0  }
0x1d: {  	s5 =	simm.s32 @p1 $0x1;
	p0 =	seq.s32 s7, s2  }
0x1e: {  	s7 =	smul.u32 @!p0 $0xF7A, s2;
	p2 =	seq.s32 @!p0 s5, $0x0  }
0x1f: {  	s9 =	smul.u32 $0xF7A, s1;
	s8 =	simm.s32 @!p0 $0x1BF5;
	p2 =	por !p2, p0  }
0x20: {  	[sflag:s8] =	ssyncset.s32 @!p0 $0xFFFFF086;
	s6 =	sadd.s32 @!p0 s3, s7;
	s7 =	simm.s32 @!p0 $0x108  }
0x21: {  	s3 =	sadd.s32 s3, s9;
	s6 =	sadd.s32 @!p0 $0x88, s6;
	s7 =	simm.s32 @p2 $0x1082  }
0x22: {  	[simem:s7], [sflag:s8] =	dma.local @!p0 [hbm:s6], $0xF7A  }
0x23: {  	s9 =	sor.u32 $0xD0000000, s2;
	s6 =	simm.s32 $0x108;
	_ =	swait.ge @!p0 [sflag:s8], $0x0  }
0x24: {  	s3 =	sadd.s32 $0x88, s3;
	s6 =	simm.s32 @!p1 $0x1082;
	[sflag:s4] =	ssyncset.s32 $0xFFFFF086  }
0x25: {  	[simem:s6], [sflag:s4] =	dma.local [hbm:s3], $0xF7A  }
0x26: {  	[smem:$0x3F98] =	sst s1;
	(tag) =	ssettag s2;
	_ =	strace s9  }
0x27: {  	s1 =	sld [smem:$0x3FA8]  }
0x28: {  	s2 =	sld [smem:$0x3FA9]  }
0x29: {  	s4 =	sld [smem:$0x3FAB]  }
0x2a: {  	p0 =	seq.s32 s5, $0x0;
	s5 =	sld [smem:$0x3FAC]  }
0x2b: {  	s6 =	sld [smem:$0x3FAD]  }
0x2c: {  	s7 =	sld [smem:$0x3FAE]  }
0x2d: {  	s3 =	simm.s32 $0x108;
	s8 =	sld [smem:$0x3FAF]  }
0x2e: {  	s3 =	simm.s32 @!p0 $0x1082;
	s9 =	sld [smem:$0x3FB0]  }
0x2f: {  	lr =	sadd.s32 s0, s3;
	s0 =	sld [smem:$0x3FA7]  }
0x30: {  	s3 =	sld [smem:$0x3FAA]  }
0x31: {  	[smem:$0x3FB3] =	sst s10  }
0x32: {  	s10 =	sld [smem:$0x3FB1];
	_ =	sdelay $0x3  }
0x33: {  	p0 =	seq.s32 s10, $0x1;
	s10 =	sld [smem:$0x3FB3];
	_ =	sdelay $0x3  }
0x34: {  	[smem:$0x3FB3] =	sst s10  }
0x35: {  	s10 =	sld [smem:$0x3FB2];
	_ =	sdelay $0x3  }
0x36: {  	p1 =	seq.s32 s10, $0x1;
	s10 =	sld [smem:$0x3FB3];
	_ =	sdelay $0x3  }
0x37: {  	[smem:$0x3FB3] =	sst s10  }
0x38: {  	s10 =	sld [smem:$0x3FB4]  }
0x39: {  	_ = 	snop;
	(pc) =	sbr.ind lr, $3  }
0x3a: {  	_ = 	snop  }
0x3b: {  	_ = 	snop  }
0x3c: {  	p2 =	seq.s32 s10, $0x1;
	s10 =	sld [smem:$0x3FB3]  }
0x3d: {  	_ =	shalt  }
0x3e: {  	_ =	shalt  }
0x3f: {  	_ =	shalt  }
0x40: {  	_ =	shalt  }
0x41: {  	_ =	shalt  }
0x42: {  	_ =	shalt  }
0x43: {  	_ =	shalt  }
0x44: {  	_ =	shalt  }
0x45: {  	_ =	shalt  }
0x46: {  	_ =	shalt  }
0x47: {  	_ =	shalt  }
0x48: {  	_ =	shalt  }
0x49: {  	_ =	shalt  }
0x4a: {  	_ =	shalt  }
0x4b: {  	_ =	shalt  }
0x4c: {  	_ =	shalt  }
0x4d: {  	_ =	shalt  }
0x4e: {  	_ =	shalt  }
0x4f: {  	_ =	shalt  }
0x50: {  	_ =	shalt  }
0x51: {  	_ =	shalt  }
0x52: {  	_ =	shalt  }
0x53: {  	_ =	shalt  }
0x54: {  	_ =	shalt  }
0x55: {  	_ =	shalt  }
0x56: {  	_ =	shalt  }
0x57: {  	_ =	shalt  }
0x58: {  	_ =	shalt  }
0x59: {  	_ =	shalt  }
0x5a: {  	_ =	shalt  }
0x5b: {  	_ =	shalt  }
0x5c: {  	_ =	shalt  }
0x5d: {  	_ =	shalt  }
0x5e: {  	_ =	shalt  }
0x5f: {  	_ =	shalt  }
0x60: {  	_ =	shalt  }
0x61: {  	_ =	shalt  }
0x62: {  	_ =	shalt  }
0x63: {  	_ =	shalt  }
0x64: {  	_ =	shalt  }
0x65: {  	_ =	shalt  }
0x66: {  	_ =	shalt  }
0x67: {  	_ =	shalt  }
0x68: {  	_ =	shalt  }
0x69: {  	_ =	shalt  }
0x6a: {  	_ =	shalt  }
0x6b: {  	_ =	shalt  }
0x6c: {  	_ =	shalt  }
0x6d: {  	_ =	shalt  }
0x6e: {  	_ =	shalt  }
0x6f: {  	_ =	shalt  }
0x70: {  	_ =	shalt  }
0x71: {  	_ =	shalt  }
0x72: {  	_ =	shalt  }
0x73: {  	_ =	shalt  }
0x74: {  	_ =	shalt  }
0x75: {  	_ =	shalt  }
0x76: {  	_ =	shalt  }
0x77: {  	_ =	shalt  }
0x78: {  	_ =	shalt  }
0x79: {  	_ =	shalt  }
0x7a: {  	_ =	shalt  }
0x7b: {  	_ =	shalt  }
0x7c: {  	_ =	shalt  }
0x7d: {  	_ =	shalt  }
0x7e: {  	_ =	shalt  }
0x7f: {  	_ =	shalt  }
0x80: {  	_ =	shalt  }
0x81: {  	_ =	shalt  }
0x82: {  	_ =	shalt  }
0x83: {  	_ =	shalt  }
0x84: {  	_ =	shalt  }
0x85: {  	_ =	shalt  }
0x86: {  	_ =	shalt  }
0x87: {  	_ =	shalt  }
.Lfunc_end0:
.L_simem_size_0:
called_computation_lowered:
.L_overlay_start_0:
0x88: {  	s2 =	sld [smem:$0x3FD9]  }
0x89: {  	s3 =	sld [smem:$0x3FFE];
	_ =	sdelay $0x1  }
0x8a: {  	s1 =	srdreg.scid  }
0x8b: {  	s0 =	sand.u32 $0x1, s1  }
0x8c: {  	s17 =	sshll.u32 s0, $0xA;
	s2 =	sadd.s32 s3, s2  }
0x8d: {  	s2 =	sadd.s32 s2, s17  }
0x8e: {  	[smem:$0x3FBF] =	sst s2  }
0x8f: {  	_ = 	snop  }
0x90: {  	s2 =	sld [smem:$0x3FC7]  }
0x91: {  	s18 =	sld [smem:$0x3FC6]  }
0x92: {  	s4 =	sld [smem:$0x3FC5]  }
0x93: {  	s5 =	sld [smem:$0x3FC4]  }
0x94: {  	s6 =	sld [smem:$0x3FC3]  }
0x95: {  	s7 =	sld [smem:$0x3FC2]  }
0x96: {  	s8 =	sld [smem:$0x3FC1]  }
0x97: {  	s9 =	sld [smem:$0x3FD0];
	(tm) =	ssettm $0x1  }
0x98: {  	s10 =	sld [smem:$0x3FFB];
	_ =	sdelay $0x3  }
0x99: {  	_ =	strace s10  }
0x9a: {  	s10 =	sld [smem:$0x3FFC];
	_ =	sdelay $0x3  }
0x9b: {  	_ =	strace s10  }
0x9c: {  	s10 =	sld [smem:$0x3FFD];
	_ =	sdelay $0x3  }
0x9d: {  	_ =	strace s10  }
0x9e: {  	_ =	strace $0x8FFFFFFF  }
0x9f: {  	s19 =	sld [smem:$0x3FDB];
	_ =	sdelay $0x1  }
0xa0: {  	s11 =	simm.s32 $_scs_section_size  }
0xa1: {  	s12 =	simm.s32 $_size__tile_overlayer_lowered;
	s13 =	simm.s32 $_tile_overlayer_lowered  }
0xa2: {  	s22 =	simm.s32 $0x1BFF;
	s21 =	sshll.u32 s13, $0x1;
	s10 =	sadd.s32 s11, s19  }
0xa3: {  	s14 =	simm.s32 $0x0;
	s20 =	sshll.u32 s12, $0x1;
	s12 =	sadd.s32 s21, s10  }
0xa4: {  	[timem:s14], [sflag:s22] =	dma.local [hbm:s12], s20  }
0xa5: {  	_ =	swait.ge [sflag:s22], s20  }
0xa6: {  	s11 =	ssub.s32 $0x0, s20;
	[sflag:s22] =	ssyncset.done $0x0  }
0xa7: {  	[sflag:s22] =	ssyncadd.s32 s11;
	_ =	sdelay $0x1  }
0xa8: {  	s23 =	simm.s32 $0x1B8B  }
0xa9: {  	_ =	swait.ge [sflag:s23], $0x1  }
0xaa: {  	[sflag:s23] =	ssyncset.done $0x0  }
0xab: {  	s25 =	simm.s32 $0x1B8E;
	s24 =	sld [smem:$0x3FFE];
	[sflag:s23] =	ssyncadd.s32 $0xFFFFFFFF  }
0xac: {  	s26 =	simm.s32 $execute0_lowered;
	[smem:$0x3FD2] =	sst s25  }
0xad: {  	s12 =	sshll.u32 s26, $0x1;
	_ =	strace $0x80000046;
	[dreg:$0x1] =	wrdreg $0xFFFFFFFF  }
0xae: {  	s28 =	simm.s32 $_size_execute0_lowered;
	s10 =	sadd.s32 s10, s12;
	[dreg:$0x0] =	wrdreg $0x0  }
0xaf: {  	s12 =	sshll.u32 s28, $0x1;
	[dreg:$0x2] =	wrdreg s10  }
0xb0: {  	[dreg:$0x3] =	wrdreg s12  }
0xb1: {  	[dreg:$0x4] =	wrdreg $0xC0  }
0xb2: {  	_ =	task [dreg:s14], $0x5FFFF  }
0xb3: {  	[dreg:$0x1] =	wrdreg $0xFFFFFFFF  }
0xb4: {  	[dreg:$0x0] =	wrdreg $0x60  }
0xb5: {  	[dreg:$0x2] =	wrdreg s24  }
0xb6: {  	[dreg:$0x3] =	wrdreg s2  }
0xb7: {  	[dreg:$0x4] =	wrdreg s18  }
0xb8: {  	[dreg:$0x5] =	wrdreg s4  }
0xb9: {  	[dreg:$0x6] =	wrdreg s5  }
0xba: {  	[dreg:$0x7] =	wrdreg s6  }
0xbb: {  	[dreg:$0x8] =	wrdreg s7  }
0xbc: {  	[dreg:$0x9] =	wrdreg s8  }
0xbd: {  	[dreg:$0xa] =	wrdreg s9  }
0xbe: {  	[dreg:$0xb] =	wrdreg $0x9  }
0xbf: {  	_ =	task.clear_ibuf [dreg:s14], $0xCFFFF;
	_ =	strace $0x90000046  }
0xc0: {  	s29 =	simm.s32 $0x9;
	_ =	strace $0x80000048  }
0xc1: {  	_ =	swait.ge [sflag:s29], $0x1  }
0xc2: {  	[sflag:s29] =	ssyncadd.s32 $0xFFFFFFFF  }
0xc3: {  	_ =	strace $0x90000048  }
0xc4: {  	_ =	sfence  }
0xc5: {  	s30 =	sld [smem:$0x0];
	_ =	sdelay $0x2  }
0xc6: {  	s31 =	sshll.u32 s1, $0xD;
	s1 =	sshrl.u32 s1, $0x2  }
0xc7: {  	s3 =	sand.u32 $0x4000, s31;
	s1 =	sadd.s32 s1, s30  }
0xc8: {  	s0 =	sor.u32 s3, s0;
	s1 =	sshll.u32 s1, $0x11  }
0xc9: {  	s0 =	sor.u32 s1, s0  }
0xca: {  	s0 =	sadd.s32 $0x8F2B, s0  }
0xcb: {  	[sflag:s0] =	ssyncadd.remote.s32 $0x1  }
0xcc: {  	_ =	sfence.sel $0xFFFF  }
0xcd: {  	[dreg:$0x0] =	wrdreg $0xFFFFFFFF;
	(pc) =	sbr.abs _section_cstart, $3  }
0xce: {  	[dreg:$0x1] =	wrdreg $0xFFFFFFFF  }
0xcf: {  	_ =	task.clear_ibuf [dreg:s14], $0x2FFFF;
	_ =	strace $0x9FFFFFFF  }
0xd0: {  	(tm) =	ssettm $0x7FFFFFFF  }
0xd1: {  	_ =	shalt  }
tec
execute0_lowered:
.L_overlay_start_1:
0x0: {  	(tag) =	ssettag $0x1  }
0x1: {  	s0 =	rddreg [dreg:$0x0]  }
0x2: {  	s14 =	rddreg [dreg:$0x2]  }
0x3: {  	s15 =	rddreg [dreg:$0x3]  }
0x4: {  	s24 =	rddreg [dreg:$0x4]  }
0x5: {  	s31 =	rddreg [dreg:$0x5]  }
0x6: {  	s1 =	srdreg.scid;
	s13 =	rddreg [dreg:$0x6]  }
0x7: {  	s16 =	stileid.u32;
	s4 =	rddreg [dreg:$0x7]  }
0x8: {  	s3 =	simm.s32 $0x1;
	s21 =	rddreg [dreg:$0x8];
	s9 =	simm.s32 $0x0  }
0x9: {  	s10 =	simm.s32 $0x1;
	s1 =	sand.u32 $0x1, s1;
	s2 =	sshll.u32 s16, $0x1  }
0xa: {  	[smem:$0x7FF] =	sst s9;
	s11 =	sadd.s32 $0x1800, s0;
	s22 =	sshll.u32 s16, $0xD  }
0xb: {  	s17 =	sadd.s32 $0x1A00, s0;
	s18 =	sadd.s32 $0x1B00, s0;
	s19 =	sadd.s32 $0x100, s14  }
0xc: {  	s20 =	sadd.s32 $0x200, s14;
	s28 =	sadd.s32 $0x100, s24;
	s29 =	sadd.s32 $0x200, s24  }
0xd: {  	s2 =	sor.u32 s1, s2;
	p1 =	seq.s32 s1, $0x1;
	_ =	strace $0x80000047  }
0xe: {  	s7 =	ssub.s32 $0x2, s1;
	s12 =	sshll.u32 s1, $0x9;
	p0 =	seq.s32 s2, $0x0  }
0xf: {  	s6 =	sshll.u32 s2, $0x6;
	s8 =	sshrl.u32 s7, $0x1;
	s23 =	sor.u32 s12, s22  }
0x10: {  	s1 =	sshll.u32 s2, $0x2;
	s26 =	sshll.u32 s2, $0x10;
	s22 =	sadd.s32 $0x300, s14  }
0x11: {  	s6 =	sadd.s32 s6, s0;
	s7 =	ssub.s32 s7, s8;
	s8 =	sadd.s32 $0x30, s13  }
0x12: {  	p0 =	por !p0, !p1;
	s25 =	sadd.s32 $0x1000, s6;
	[dreg:$0x10] =	wrdreg s8  }
0x13: {  	s21 =	sadd.s32 s21, s26;
	s2 =	smax.u32 s7, $0x1;
	[dreg:$0xb] =	wrdreg s25  }
0x14: {  	s26 =	sadd.s32 $0x300, s15;
	s6 =	sadd.s32 $0x20, s13;
	[dreg:$0xd] =	wrdreg s2  }
0x15: {  	p0 =	por !p0, !p0;
	s8 =	sadd.s32 $0x60, s13;
	[dreg:$0xf] =	wrdreg s6  }
0x16: {  	s3 =	simm.s32 @!p0 $0x0;
	s6 =	sadd.s32 $0x50, s13;
	[dreg:$0x13] =	wrdreg s8  }
0x17: {  	s25 =	sadd.s32 $0x200, s15;
	s8 =	sadd.s32 $0x30, s4;
	[dreg:$0x12] =	wrdreg s6  }
0x18: {  	s3 =	ssub.s32 s16, s3;
	s6 =	sadd.s32 $0x20, s4;
	[dreg:$0x17] =	wrdreg s8  }
0x19: {  	s16 =	sadd.s32 $0x1900, s0;
	s8 =	sadd.s32 $0x70, s4;
	[dreg:$0x16] =	wrdreg s6  }
0x1a: {  	s5 =	sshll.u32 s3, $0x7;
	s6 =	sadd.s32 $0x60, s4;
	[dreg:$0x1b] =	wrdreg s8  }
0x1b: {  	p0 =	seq.s32 s3, $0xF;
	s8 =	sadd.s32 $0x80, s15;
	[dreg:$0x1a] =	wrdreg s6  }
0x1c: {  	s5 =	sand.u32 $0x1FFFFF80, s5;
	s6 =	sadd.s32 $0x380, s14;
	[smem:$0x7F2] =	sst s8  }
0x1d: {  	s8 =	sadd.s32 $0x380, s24;
	s5 =	sadd.s32 s5, s0;
	[dreg:$0x1f] =	wrdreg s6  }
0x1e: {  	s0 =	simm.s32 @!p0 $0x0;
	s6 =	sadd.s32 $0x280, s24;
	[smem:$0x7F9] =	sst s8  }
0x1f: {  	s5 =	sadd.s32 $0x800, s5;
	s0 =	simm.s32 @p0 $0x1;
	[smem:$0x7F8] =	sst s6  }
0x20: {  	p0 =	seq.s32 s3, $0xE;
	[dreg:$0xa] =	wrdreg s5;
	s5 =	sshrl.u32 s23, $0x3  }
0x21: {  	[smem:$0x7E3] =	sst s0;
	s0 =	simm.s32 @!p0 $0x0;
	s5 =	sadd.s32 s11, s5  }
0x22: {  	s0 =	simm.s32 @p0 $0x1;
	p0 =	seq.s32 s3, $0xD;
	[dreg:$0xc] =	wrdreg s5  }
0x23: {  	[smem:$0x7E4] =	sst s0;
	s0 =	simm.s32 @!p0 $0x0;
	s5 =	sadd.s32 $0x10, s13  }
0x24: {  	s23 =	sadd.s32 $0x100, s15;
	s0 =	simm.s32 @p0 $0x1;
	[dreg:$0xe] =	wrdreg s5  }
0x25: {  	p0 =	seq.s32 s3, $0xC;
	s5 =	sadd.s32 $0x40, s13;
	[smem:$0x7E5] =	sst s0  }
0x26: {  	s13 =	sadd.s32 $0x70, s13;
	s0 =	simm.s32 @!p0 $0x0;
	[dreg:$0x11] =	wrdreg s5  }
0x27: {  	[dreg:$0x14] =	wrdreg s13;
	s0 =	simm.s32 @p0 $0x1;
	p0 =	seq.s32 s3, $0xB  }
0x28: {  	s5 =	sadd.s32 $0x10, s4;
	[smem:$0x7E6] =	sst s0;
	s0 =	simm.s32 @!p0 $0x0  }
0x29: {  	[dreg:$0x15] =	wrdreg s5;
	s0 =	simm.s32 @p0 $0x1;
	p0 =	seq.s32 s3, $0xA  }
0x2a: {  	s13 =	sadd.s32 $0x40, s4;
	[smem:$0x7E7] =	sst s0;
	s0 =	simm.s32 @!p0 $0x0  }
0x2b: {  	[dreg:$0x18] =	wrdreg s13;
	s0 =	simm.s32 @p0 $0x1;
	p0 =	seq.s32 s3, $0x9  }
0x2c: {  	s5 =	sadd.s32 $0x50, s4;
	[smem:$0x7E8] =	sst s0;
	s0 =	simm.s32 @!p0 $0x0  }
0x2d: {  	[dreg:$0x19] =	wrdreg s5;
	s0 =	simm.s32 @p0 $0x1;
	p0 =	seq.s32 s3, $0x8  }
0x2e: {  	s13 =	sadd.s32 $0x80, s14;
	[smem:$0x7E9] =	sst s0;
	s0 =	simm.s32 @!p0 $0x0  }
0x2f: {  	[dreg:$0x1c] =	wrdreg s13;
	s0 =	simm.s32 @p0 $0x1;
	p0 =	seq.s32 s3, $0x7  }
0x30: {  	s4 =	sadd.s32 $0x180, s14;
	[smem:$0x7EA] =	sst s0;
	s0 =	simm.s32 @!p0 $0x0  }
0x31: {  	[dreg:$0x1d] =	wrdreg s4;
	s0 =	simm.s32 @p0 $0x1;
	p0 =	seq.s32 s3, $0x6  }
0x32: {  	s5 =	sadd.s32 $0x280, s14;
	[smem:$0x7EB] =	sst s0;
	s0 =	simm.s32 @!p0 $0x0  }
0x33: {  	[dreg:$0x1e] =	wrdreg s5;
	s0 =	simm.s32 @p0 $0x1;
	p0 =	seq.s32 s3, $0x5  }
0x34: {  	s13 =	sadd.s32 $0x180, s15;
	[smem:$0x7EC] =	sst s0;
	s0 =	simm.s32 @!p0 $0x0  }
0x35: {  	[smem:$0x7F3] =	sst s13;
	s0 =	simm.s32 @p0 $0x1;
	p0 =	seq.s32 s3, $0x4  }
0x36: {  	s14 =	sadd.s32 $0x280, s15;
	[smem:$0x7ED] =	sst s0;
	s0 =	simm.s32 @!p0 $0x0  }
0x37: {  	[smem:$0x7F4] =	sst s14;
	s0 =	simm.s32 @p0 $0x1;
	p0 =	seq.s32 s3, $0x3  }
0x38: {  	s15 =	sadd.s32 $0x380, s15;
	[smem:$0x7EE] =	sst s0;
	s0 =	simm.s32 @!p0 $0x0  }
0x39: {  	[smem:$0x7F5] =	sst s15;
	s0 =	simm.s32 @p0 $0x1;
	p0 =	seq.s32 s3, $0x2  }
0x3a: {  	s4 =	sadd.s32 $0x80, s24;
	[smem:$0x7EF] =	sst s0;
	s0 =	simm.s32 @!p0 $0x0  }
0x3b: {  	[smem:$0x7F6] =	sst s4;
	s0 =	simm.s32 @p0 $0x1;
	p0 =	seq.s32 s3, $0x1  }
0x3c: {  	s3 =	smov.u32 s31;
	[smem:$0x7F0] =	sst s0;
	s0 =	simm.s32 @!p0 $0x0  }
0x3d: {  	s5 =	sadd.s32 $0x180, s24;
	s7 =	sadd.s32 $0x200, s3;
	s0 =	simm.s32 @p0 $0x1  }
0x3e: {  	v0 =	vmov s1;
	[smem:$0x7F1] =	sst s0;
	s0 =	sadd.s32 $0x300, s3;
	s3 =	smov.u32 s3  }
.Ltmp0:
0x3f: {  	v1 =	vshll.u32 v0, $0x3;
	[smem:$0x7F7] =	sst s5;
	s13 =	sadd.s32 $0x80, s3;
	(pc) =	sbr.rel .LBB2_1-.Ltmp0, $4  }
0x40: {  	s30 =	sadd.s32 $0x300, s24;
	v0 =	vand.u32 $0x4, v0;
	v1 =	vand.u32 $0x7FFFFFC0, v1;
	s14 =	sadd.s32 $0x180, s3;
	[smem:$0x7FA] =	sst s13  }
0x41: {  	v2 =	vimm.f32 $0.0e+00;
	s1 =	simm.s32 $0x9280;
	v0 =	vor.u32 v0, v1;
	v1 =	vlaneseq.u32;
	s15 =	sadd.s32 $0x280, s3;
	[smem:$0x7FB] =	sst s14  }
0x42: {  	v3 =	vimm.s32 $0x0;
	vm0 =	vmmov $0xffff;
	v5 =	vshrl.u32 v1, $0x3;
	s6 =	simm.s32 $0x2;
	s24 =	sadd.s32 $0x380, s3;
	[smem:$0x7FC] =	sst s15  }
0x43: {  	v4 =	vand.u32 $0x7, v1;
	v6 =	vor.u32 $0x8, v1;
	v5 =	vmul.u32 $0x8, v5;
	s31 =	sadd.s32 $0x100, s31;
	s3 =	simm.s32 $0x0;
	[smem:$0x7FD] =	sst s24  }
.LBB2_63:
0x44: {  	s3 =	sld [smem:$0x7E2];
	_ =	sdelay $0x2  }
0x45: {  	s2 =	rddreg [dreg:$0xd];
	s3 =	sadd.s32 $0x1, s3  }
0x46: {  	p0 =	sne.s32 s3, s2  }
.Ltmp1:
0x47: {  	_ = 	snop;
	(pc) =	sbr.rel @!p0 .LBB2_64-.Ltmp1, $1  }
0x48: {  	_ =	sdelay $0x3  }
.LBB2_1:
0x49: {  	[smem:$0x7E2] =	sst s3  }
0x4a: {  	s2 =	rddreg [dreg:$0xa];
	s3 =	simm.s32 $0x3  }
0x4b: {  	[tilespmem:s9], [sflag:$0x3] =	stream.linear.gather [hbm4b:s2+s9], $0x400, $0x38;
	[tilespmem:$0x11A80] =	vst v63  }
0x4c: {  	_ =	swait.ge [sflag:s3], $0x400  }
0x4d: {  	[sflag:s3] =	ssyncset.done $0x0  }
0x4e: {  	s4 =	simm.s32 $0x400;
	s8 =	rddreg [dreg:$0xb];
	[sflag:s3] =	ssyncadd.s32 $0xFFFFFC00  }
0x4f: {  	[tilespmem:s4], [sflag:$0x3] =	stream.linear.gather [hbm4b:s8+s9], $0x200, $0x38;
	[tilespmem:$0x11A80] =	vst v63  }
0x50: {  	_ =	swait.ge [sflag:s3], $0x200  }
0x51: {  	[sflag:s3] =	ssyncset.done $0x0  }
0x52: {  	[sflag:s3] =	ssyncadd.s32 $0xFFFFFE00  }
0x53: {  	s14 =	simm.s32 $0xA00;
	s13 =	rddreg [dreg:$0x1]  }
0x54: {  	[tilespmem:s14], [sflag:$0x3] =	stream.linear.gather [hbm4b:s13+s9], $0x80, $0x38;
	[tilespmem:$0x11A80] =	vst v63  }
0x55: {  	_ =	swait.ge [sflag:s3], $0x80  }
0x56: {  	[sflag:s3] =	ssyncset.done $0x0  }
0x57: {  	[sflag:s3] =	ssyncadd.s32 $0xFFFFFF80  }
0x58: {  	s24 =	simm.s32 $0x1A80;
	s15 =	rddreg [dreg:$0x6]  }
0x59: {  	[tilespmem:s24], [sflag:$0x3] =	stream.linear.gather [hbm4b:s15+s9], $0x80, $0x38;
	[tilespmem:$0x11A80] =	vst v63  }
0x5a: {  	s8 =	simm.s32 $0x1E80;
	s5 =	rddreg [dreg:$0xe]  }
0x5b: {  	[tilespmem:s8], [sflag:$0x3] =	stream.linear.gather [hbm4b:s5+s9], $0x80, $0x38;
	[tilespmem:$0x11A80] =	vst v63  }
0x5c: {  	s14 =	simm.s32 $0x2280;
	s13 =	rddreg [dreg:$0xf]  }
0x5d: {  	[tilespmem:s14], [sflag:$0x3] =	stream.linear.gather [hbm4b:s13+s9], $0x80, $0x38;
	[tilespmem:$0x11A80] =	vst v63  }
0x5e: {  	s15 =	rddreg [dreg:$0x10];
	s24 =	simm.s32 $0x2680  }
0x5f: {  	[tilespmem:s24], [sflag:$0x3] =	stream.linear.gather [hbm4b:s15+s9], $0x80, $0x38;
	[tilespmem:$0x11A80] =	vst v63  }
0x60: {  	s5 =	rddreg [dreg:$0x11];
	s8 =	simm.s32 $0x2A80  }
0x61: {  	[tilespmem:s8], [sflag:$0x3] =	stream.linear.gather [hbm4b:s5+s9], $0x80, $0x38;
	[tilespmem:$0x11A80] =	vst v63  }
0x62: {  	s13 =	rddreg [dreg:$0x12];
	s14 =	simm.s32 $0x2E80  }
0x63: {  	[tilespmem:s14], [sflag:$0x3] =	stream.linear.gather [hbm4b:s13+s9], $0x80, $0x38;
	[tilespmem:$0x11A80] =	vst v63  }
0x64: {  	s15 =	rddreg [dreg:$0x13];
	s24 =	simm.s32 $0x3280  }
0x65: {  	[tilespmem:s24], [sflag:$0x3] =	stream.linear.gather [hbm4b:s15+s9], $0x80, $0x38;
	[tilespmem:$0x11A80] =	vst v63  }
0x66: {  	s5 =	rddreg [dreg:$0x14];
	s8 =	simm.s32 $0x3680  }
0x67: {  	[tilespmem:s8], [sflag:$0x3] =	stream.linear.gather [hbm4b:s5+s9], $0x80, $0x38;
	[tilespmem:$0x11A80] =	vst v63  }
0x68: {  	_ =	swait.ge [sflag:s3], $0x400  }
0x69: {  	[sflag:s3] =	ssyncset.done $0x0  }
0x6a: {  	[sflag:s3] =	ssyncadd.s32 $0xFFFFFC00  }
0x6b: {  	s14 =	simm.s32 $0x5A80;
	s13 =	rddreg [dreg:$0x7]  }
0x6c: {  	[tilespmem:s14], [sflag:$0x3] =	stream.linear.gather [hbm4b:s13+s9], $0x80, $0x38;
	[tilespmem:$0x11A80] =	vst v63  }
0x6d: {  	s24 =	simm.s32 $0x5E80;
	s15 =	rddreg [dreg:$0x15]  }
0x6e: {  	[tilespmem:s24], [sflag:$0x3] =	stream.linear.gather [hbm4b:s15+s9], $0x80, $0x38;
	[tilespmem:$0x11A80] =	vst v63  }
0x6f: {  	s8 =	simm.s32 $0x6280;
	s5 =	rddreg [dreg:$0x16]  }
0x70: {  	[tilespmem:s8], [sflag:$0x3] =	stream.linear.gather [hbm4b:s5+s9], $0x80, $0x38;
	[tilespmem:$0x11A80] =	vst v63  }
0x71: {  	s13 =	rddreg [dreg:$0x17];
	s14 =	simm.s32 $0x6680  }
0x72: {  	[tilespmem:s14], [sflag:$0x3] =	stream.linear.gather [hbm4b:s13+s9], $0x80, $0x38;
	[tilespmem:$0x11A80] =	vst v63  }
0x73: {  	s15 =	rddreg [dreg:$0x18];
	s24 =	simm.s32 $0x6A80  }
0x74: {  	[tilespmem:s24], [sflag:$0x3] =	stream.linear.gather [hbm4b:s15+s9], $0x80, $0x38;
	[tilespmem:$0x11A80] =	vst v63  }
0x75: {  	s5 =	rddreg [dreg:$0x19];
	s8 =	simm.s32 $0x6E80  }
0x76: {  	[tilespmem:s8], [sflag:$0x3] =	stream.linear.gather [hbm4b:s5+s9], $0x80, $0x38;
	[tilespmem:$0x11A80] =	vst v63  }
0x77: {  	s13 =	rddreg [dreg:$0x1a];
	s14 =	simm.s32 $0x7280  }
0x78: {  	[tilespmem:s14], [sflag:$0x3] =	stream.linear.gather [hbm4b:s13+s9], $0x80, $0x38;
	[tilespmem:$0x11A80] =	vst v63  }
0x79: {  	s15 =	rddreg [dreg:$0x1b];
	s24 =	simm.s32 $0x7680  }
0x7a: {  	[tilespmem:s24], [sflag:$0x3] =	stream.linear.gather [hbm4b:s15+s9], $0x80, $0x38;
	[tilespmem:$0x11A80] =	vst v63  }
0x7b: {  	_ =	swait.ge [sflag:s3], $0x400  }
0x7c: {  	[sflag:s3] =	ssyncset.done $0x0  }
0x7d: {  	[sflag:s3] =	ssyncadd.s32 $0xFFFFFC00  }
0x7e: {  	v8 =	vld [tilespmem:s9+$0x0];
	_ =	sdelay $0x4  }
0x7f: {  	v7 =	vimm.s32 $0x4000;
	s2 =	simm.s32 $0x10;
	s3 =	simm.s32 $0x10;
	vm1 =	veq.s32 v8, $0x0;
	v8 =	vor.u32 s9, v1  }
.LBB2_2:
0x80: {  	v9 =	vld [tilespmem:s3+$0x0];
	p0 =	sne.s32 s2, $0x3F0;
	v8 =	vnsel vm1, $0x4000, v8;
	s4 =	smov.u32 s2;
	s2 =	sadd.s32 $0x10, s2  }
.Ltmp2:
0x81: {  	vm1 =	vlt.s32 v7, v8;
	(pc) =	sbr.rel @p0 .LBB2_2-.Ltmp2, $2  }
0x82: {  	v7 =	vsel vm1, v7, v8;
	_ =	sdelay $0x2  }
0x83: {  	s3 =	sadd.s32 $0x10, s3;
	v8 =	vor.u32 s4, v1;
	vm1 =	veq.s32 v9, $0x0  }
0x84: {  	s2 =	simm.s32 $0x0;
	s3 =	rddreg [dreg:$0x2];
	s4 =	simm.s32 $0x9A80  }
0x85: {  	v9 =	vld [tilespmem:$0xA00];
	[tilespmem:s4], [sflag:$0x1] =	stream.linear.gather [hbm4b:s3+s2], $0x80, $0x38  }
0x86: {  	s15 =	rddreg [dreg:$0x1c];
	s24 =	simm.s32 $0x9E80  }
0x87: {  	[tilespmem:s24], [sflag:$0x1] =	stream.linear.gather [hbm4b:s15+s2], $0x80, $0x38;
	[tilespmem:$0x11A80] =	vst v63  }
0x88: {  	s5 =	simm.s32 $0xA280  }
0x89: {  	[tilespmem:s5], [sflag:$0x1] =	stream.linear.gather [hbm4b:s19+s2], $0x80, $0x38;
	[tilespmem:$0x11A80] =	vst v63  }
0x8a: {  	s8 =	rddreg [dreg:$0x1d];
	s13 =	simm.s32 $0xA680  }
0x8b: {  	[tilespmem:s13], [sflag:$0x1] =	stream.linear.gather [hbm4b:s8+s2], $0x80, $0x38;
	[tilespmem:$0x11A80] =	vst v63  }
0x8c: {  	s14 =	simm.s32 $0xAA80  }
0x8d: {  	[tilespmem:s14], [sflag:$0x1] =	stream.linear.gather [hbm4b:s20+s2], $0x80, $0x38;
	[tilespmem:$0x11A80] =	vst v63  }
0x8e: {  	s15 =	rddreg [dreg:$0x1e];
	s24 =	simm.s32 $0xAE80  }
0x8f: {  	[tilespmem:s24], [sflag:$0x1] =	stream.linear.gather [hbm4b:s15+s2], $0x80, $0x38;
	[tilespmem:$0x11A80] =	vst v63  }
0x90: {  	s4 =	simm.s32 $0xB280  }
0x91: {  	[tilespmem:s4], [sflag:$0x1] =	stream.linear.gather [hbm4b:s22+s2], $0x80, $0x38;
	[tilespmem:$0x11A80] =	vst v63  }
0x92: {  	s5 =	rddreg [dreg:$0x1f];
	s8 =	simm.s32 $0xB680  }
0x93: {  	[tilespmem:s8], [sflag:$0x1] =	stream.linear.gather [hbm4b:s5+s2], $0x80, $0x38;
	[tilespmem:$0x11A80] =	vst v63  }
0x94: {  	_ =	swait.ge [sflag:s10], $0x400  }
0x95: {  	[sflag:s10] =	ssyncset.done $0x0  }
0x96: {  	s15 =	sld [smem:$0x7F2];
	[sflag:s10] =	ssyncadd.s32 $0xFFFFFC00  }
0x97: {  	s14 =	simm.s32 $0x9B00;
	s13 =	rddreg [dreg:$0x3]  }
0x98: {  	[tilespmem:s14], [sflag:$0x1] =	stream.linear.gather [hbm4b:s13+s2], $0x80, $0x38;
	[tilespmem:$0x11A80] =	vst v63  }
0x99: {  	s24 =	simm.s32 $0x9F00  }
0x9a: {  	[tilespmem:s24], [sflag:$0x1] =	stream.linear.gather [hbm4b:s15+s2], $0x80, $0x38;
	[tilespmem:$0x11A80] =	vst v63  }
0x9b: {  	s5 =	simm.s32 $0xA300;
	s8 =	sld [smem:$0x7F3]  }
0x9c: {  	[tilespmem:s5], [sflag:$0x1] =	stream.linear.gather [hbm4b:s23+s2], $0x80, $0x38;
	[tilespmem:$0x11A80] =	vst v63  }
0x9d: {  	s13 =	simm.s32 $0xA700  }
0x9e: {  	[tilespmem:s13], [sflag:$0x1] =	stream.linear.gather [hbm4b:s8+s2], $0x80, $0x38;
	[tilespmem:$0x11A80] =	vst v63  }
0x9f: {  	s14 =	simm.s32 $0xAB00;
	s15 =	sld [smem:$0x7F4]  }
0xa0: {  	[tilespmem:s14], [sflag:$0x1] =	stream.linear.gather [hbm4b:s25+s2], $0x80, $0x38;
	[tilespmem:$0x11A80] =	vst v63  }
0xa1: {  	s24 =	simm.s32 $0xAF00  }
0xa2: {  	[tilespmem:s24], [sflag:$0x1] =	stream.linear.gather [hbm4b:s15+s2], $0x80, $0x38;
	[tilespmem:$0x11A80] =	vst v63  }
0xa3: {  	s4 =	simm.s32 $0xB300;
	s5 =	sld [smem:$0x7F5]  }
0xa4: {  	[tilespmem:s4], [sflag:$0x1] =	stream.linear.gather [hbm4b:s26+s2], $0x80, $0x38;
	[tilespmem:$0x11A80] =	vst v63  }
0xa5: {  	s8 =	simm.s32 $0xB700  }
0xa6: {  	[tilespmem:s8], [sflag:$0x1] =	stream.linear.gather [hbm4b:s5+s2], $0x80, $0x38;
	[tilespmem:$0x11A80] =	vst v63  }
0xa7: {  	_ =	swait.ge [sflag:s10], $0x400  }
0xa8: {  	[sflag:s10] =	ssyncset.done $0x0  }
0xa9: {  	s15 =	sld [smem:$0x7F6];
	[sflag:s10] =	ssyncadd.s32 $0xFFFFFC00  }
0xaa: {  	s14 =	simm.s32 $0x9B80;
	s13 =	rddreg [dreg:$0x4]  }
0xab: {  	[tilespmem:s14], [sflag:$0x1] =	stream.linear.gather [hbm4b:s13+s2], $0x80, $0x38;
	[tilespmem:$0x11A80] =	vst v63  }
0xac: {  	s24 =	simm.s32 $0x9F80  }
0xad: {  	[tilespmem:s24], [sflag:$0x1] =	stream.linear.gather [hbm4b:s15+s2], $0x80, $0x38;
	[tilespmem:$0x11A80] =	vst v63  }
0xae: {  	s5 =	simm.s32 $0xA380;
	s8 =	sld [smem:$0x7F7]  }
0xaf: {  	[tilespmem:s5], [sflag:$0x1] =	stream.linear.gather [hbm4b:s28+s2], $0x80, $0x38;
	[tilespmem:$0x11A80] =	vst v63  }
0xb0: {  	s13 =	simm.s32 $0xA780  }
0xb1: {  	[tilespmem:s13], [sflag:$0x1] =	stream.linear.gather [hbm4b:s8+s2], $0x80, $0x38;
	[tilespmem:$0x11A80] =	vst v63  }
0xb2: {  	s14 =	simm.s32 $0xAB80;
	s15 =	sld [smem:$0x7F8]  }
0xb3: {  	[tilespmem:s14], [sflag:$0x1] =	stream.linear.gather [hbm4b:s29+s2], $0x80, $0x38;
	[tilespmem:$0x11A80] =	vst v63  }
0xb4: {  	s24 =	simm.s32 $0xAF80  }
0xb5: {  	[tilespmem:s24], [sflag:$0x1] =	stream.linear.gather [hbm4b:s15+s2], $0x80, $0x38;
	[tilespmem:$0x11A80] =	vst v63  }
0xb6: {  	s4 =	simm.s32 $0xB380;
	s5 =	sld [smem:$0x7F9]  }
0xb7: {  	[tilespmem:s4], [sflag:$0x1] =	stream.linear.gather [hbm4b:s30+s2], $0x80, $0x38;
	[tilespmem:$0x11A80] =	vst v63  }
0xb8: {  	s8 =	simm.s32 $0xB780  }
0xb9: {  	[tilespmem:s8], [sflag:$0x1] =	stream.linear.gather [hbm4b:s5+s2], $0x80, $0x38;
	[tilespmem:$0x11A80] =	vst v63  }
0xba: {  	_ =	swait.ge [sflag:s10], $0x400  }
0xbb: {  	[sflag:s10] =	ssyncset.done $0x0  }
0xbc: {  	s15 =	sld [smem:$0x7FA];
	[sflag:s10] =	ssyncadd.s32 $0xFFFFFC00  }
0xbd: {  	s14 =	simm.s32 $0x9C00;
	s13 =	rddreg [dreg:$0x5]  }
0xbe: {  	[tilespmem:s14], [sflag:$0x1] =	stream.linear.gather [hbm4b:s13+s2], $0x80, $0x38;
	[tilespmem:$0x11A80] =	vst v63  }
0xbf: {  	s24 =	simm.s32 $0xA000  }
0xc0: {  	[tilespmem:s24], [sflag:$0x1] =	stream.linear.gather [hbm4b:s15+s2], $0x80, $0x38;
	[tilespmem:$0x11A80] =	vst v63  }
0xc1: {  	s5 =	simm.s32 $0xA400;
	s8 =	sld [smem:$0x7FB]  }
0xc2: {  	[tilespmem:s5], [sflag:$0x1] =	stream.linear.gather [hbm4b:s31+s2], $0x80, $0x38;
	[tilespmem:$0x11A80] =	vst v63  }
0xc3: {  	s13 =	simm.s32 $0xA800  }
0xc4: {  	(v2sf) =	vpush v9, $0x0;
	[tilespmem:s13], [sflag:$0x1] =	stream.linear.gather [hbm4b:s8+s2], $0x80, $0x38;
	[tilespmem:$0x11A80] =	vst v63  }
0xc5: {  	(v2sf) =	vpush v9, $0x1;
	s14 =	simm.s32 $0xAC00;
	s13 =	sld [smem:$0x7FC]  }
0xc6: {  	[tilespmem:s14], [sflag:$0x1] =	stream.linear.gather [hbm4b:s7+s2], $0x80, $0x38;
	[tilespmem:$0x11A80] =	vst v63  }
0xc7: {  	s14 =	simm.s32 $0xB000  }
0xc8: {  	(v2sf) =	vpush v9, $0x2;
	[tilespmem:s14], [sflag:$0x1] =	stream.linear.gather [hbm4b:s13+s2], $0x80, $0x38;
	[tilespmem:$0x11A80] =	vst v63  }
0xc9: {  	s15 =	simm.s32 $0xB400  }
0xca: {  	[tilespmem:s15], [sflag:$0x1] =	stream.linear.gather [hbm4b:s0+s2], $0x80, $0x38;
	[tilespmem:$0x11A80] =	vst v63  }
0xcb: {  	(v2sf) =	vpush v9, $0x3;
	s15 =	sld [smem:$0x7FD];
	_ =	sdelay $0x1  }
0xcc: {  	s24 =	simm.s32 $0xB800  }
0xcd: {  	(v2sf) =	vpush v9, $0x4;
	[tilespmem:s24], [sflag:$0x1] =	stream.linear.gather [hbm4b:s15+s2], $0x80, $0x38;
	[tilespmem:$0x11A80] =	vst v63  }
0xce: {  	s24 =	sld [smem:$0x7F1]  }
0xcf: {  	(v2sf) =	vpush v9, $0x5  }
0xd0: {  	(v2sf) =	vpush v9, $0x6  }
0xd1: {  	p0 =	seq.s32 s24, $0x1;
	s24 =	sld [smem:$0x7F0]  }
0xd2: {  	(v2sf) =	vpush v9, $0x7;
	s3 =	spop (v2sf)  }
0xd3: {  	(v2sf) =	vpush v9, $0x8;
	s4 =	spop (v2sf)  }
0xd4: {  	s3 =	smov.u32 @p0 s4;
	p0 =	seq.s32 s24, $0x1;
	s24 =	sld [smem:$0x7EF]  }
0xd5: {  	(v2sf) =	vpush v9, $0x9  }
0xd6: {  	(v2sf) =	vpush v9, $0xA;
	s5 =	spop (v2sf)  }
0xd7: {  	s3 =	smov.u32 @p0 s5;
	p0 =	seq.s32 s24, $0x1;
	s24 =	sld [smem:$0x7EE]  }
0xd8: {  	(v2sf) =	vpush v9, $0xB  }
0xd9: {  	(v2sf) =	vpush v9, $0xC;
	s8 =	spop (v2sf)  }
0xda: {  	s3 =	smov.u32 @p0 s8;
	p0 =	seq.s32 s24, $0x1;
	s24 =	sld [smem:$0x7ED]  }
0xdb: {  	(v2sf) =	vpush v9, $0xD  }
0xdc: {  	(v2sf) =	vpush v9, $0xE;
	s13 =	spop (v2sf)  }
0xdd: {  	s3 =	smov.u32 @p0 s13;
	p0 =	seq.s32 s24, $0x1;
	s24 =	sld [smem:$0x7EC]  }
0xde: {  	(v2sf) =	vpush v9, $0xF;
	s14 =	spop (v2sf)  }
0xdf: {  	s15 =	spop (v2sf)  }
0xe0: {  	s3 =	smov.u32 @p0 s14;
	p0 =	seq.s32 s24, $0x1;
	s24 =	sld [smem:$0x7EB]  }
0xe1: {  	s4 =	spop (v2sf)  }
0xe2: {  	s5 =	spop (v2sf)  }
0xe3: {  	s3 =	smov.u32 @p0 s15;
	p0 =	seq.s32 s24, $0x1;
	s24 =	sld [smem:$0x7EA]  }
0xe4: {  	s8 =	spop (v2sf)  }
0xe5: {  	s13 =	spop (v2sf)  }
0xe6: {  	s3 =	smov.u32 @p0 s4;
	p0 =	seq.s32 s24, $0x1;
	s24 =	sld [smem:$0x7E9]  }
0xe7: {  	s14 =	spop (v2sf)  }
0xe8: {  	s15 =	spop (v2sf)  }
0xe9: {  	s3 =	smov.u32 @p0 s5;
	p0 =	seq.s32 s24, $0x1;
	s24 =	sld [smem:$0x7E8]  }
0xea: {  	s4 =	spop (v2sf)  }
0xeb: {  	s5 =	spop (v2sf)  }
0xec: {  	s3 =	smov.u32 @p0 s8;
	p0 =	seq.s32 s24, $0x1;
	s24 =	sld [smem:$0x7E7]  }
0xed: {  	s8 =	spop (v2sf)  }
0xee: {  	_ =	swait.ge [sflag:s10], $0x400  }
0xef: {  	s3 =	smov.u32 @p0 s13;
	p0 =	seq.s32 s24, $0x1;
	s24 =	sld [smem:$0x7E6]  }
0xf0: {  	s2 =	sand.u32 $0x70, s2;
	s3 =	smov.u32 @p0 s14;
	s14 =	simm.s32 $0x0  }
0xf1: {  	[sflag:s10] =	ssyncset.done $0x0;
	s13 =	sand.u32 $0xFFFFFC00, s14;
	s14 =	simm.s32 $0x0  }
0xf2: {  	p0 =	seq.s32 s24, $0x1;
	s14 =	sand.u32 $0x3FFFFE00, s14;
	s24 =	sld [smem:$0x7E5]  }
0xf3: {  	s13 =	sor.u32 s2, s13;
	s2 =	sor.u32 s2, s14;
	s14 =	sld [smem:$0x7E4]  }
0xf4: {  	[sflag:s10] =	ssyncadd.s32 $0xFFFFFC00;
	s3 =	smov.u32 @p0 s15;
	s15 =	sld [smem:$0x7E3]  }
0xf5: {  	v10 =	vld [tilespmem:s13+$0x1A80];
	p0 =	seq.s32 s24, $0x1  }
0xf6: {  	s3 =	smov.u32 @p0 s4;
	p0 =	seq.s32 s14, $0x1  }
0xf7: {  	v11 =	vld [tilespmem:s13+$0x5A80];
	[tilespmem:s2+$0xA80] =	vst v2;
	s3 =	smov.u32 @p0 s5;
	p0 =	seq.s32 s15, $0x1  }
0xf8: {  	[tilespmem:s2+$0xB00] =	vst v2;
	s3 =	smov.u32 @p0 s8  }
0xf9: {  	v12 =	vld [tilespmem:s13+$0x9A80];
	v9 =	vmov s3  }
0xfa: {  	v10 =	vmul.f32 v10, v9  }
0xfb: {  	v13 =	vld [tilespmem:s13+$0x9B00]  }
0xfc: {  	v10 =	vadd.f32 v11, v10;
	_ =	sdelay $0x1  }
0xfd: {  	v11 =	vsub.f32 v10, v12;
	_ =	sdelay $0x1  }
0xfe: {  	v11 =	vsub.f32 v11, v13;
	_ =	sdelay $0x1  }
0xff: {  	[tilespmem:s2+$0xB80] =	vst v11  }
0x100: {  	v11 =	vld [tilespmem:s13+$0x9B80];
	_ =	sdelay $0x1  }
0x101: {  	v63 =	vld [tilespmem:s13+$0x9C00];
	_ =	sdelay $0x2  }
0x102: {  	v8 =	vnsel vm1, $0x4000, v8;
	v10 =	vsub.f32 v10, v11  }
0x103: {  	vm1 =	vlt.s32 v7, v8;
	s24 =	simm.s32 $0x80;
	s4 =	simm.s32 $0x10;
	s5 =	simm.s32 $0x2  }
0x104: {  	v7 =	vsel vm1, v7, v8;
	s8 =	sand.u32 $0x70, s4;
	s3 =	simm.s32 $0x1;
	s13 =	sand.u32 $0xFFFFFC00, s24;
	v8 =	vsub.f32 v10, v63  }
.LBB2_4:
0x105: {  	p0 =	sne.s32 s5, $0x3F  }
0x106: {  	s13 =	sor.u32 s8, s13;
	s14 =	smov.u32 s5;
	s5 =	sadd.s32 $0x1, s5  }
0x107: {  	s15 =	sshll.u32 s3, $0x6;
	[tilespmem:s2+$0xC00] =	vst v8;
	s3 =	smov.u32 s14  }
0x108: {  	s2 =	sand.u32 $0x3FFFFE00, s15;
	v8 =	vld [tilespmem:s13+$0x1A80]  }
0x109: {  	s2 =	sor.u32 s8, s2;
	v10 =	vld [tilespmem:s13+$0x5A80]  }
0x10a: {  	[tilespmem:s2+$0xA80] =	vst v2  }
0x10b: {  	[tilespmem:s2+$0xB00] =	vst v2  }
0x10c: {  	v11 =	vld [tilespmem:s13+$0x9A80]  }
0x10d: {  	v8 =	vmul.f32 v8, v9;
	v12 =	vld [tilespmem:s13+$0x9B00];
	_ =	sdelay $0x1  }
0x10e: {  	v8 =	vadd.f32 v10, v8;
	_ =	sdelay $0x1  }
0x10f: {  	v10 =	vsub.f32 v8, v11;
	_ =	sdelay $0x1  }
0x110: {  	v10 =	vsub.f32 v10, v12;
	_ =	sdelay $0x1  }
0x111: {  	[tilespmem:s2+$0xB80] =	vst v10  }
0x112: {  	v10 =	vld [tilespmem:s13+$0x9B80]  }
0x113: {  	v11 =	vld [tilespmem:s13+$0x9C00];
	_ =	sdelay $0x1  }
.Ltmp3:
0x114: {  	(pc) =	sbr.rel @p0 .LBB2_4-.Ltmp3, $4  }
0x115: {  	_ = 	snop  }
0x116: {  	v8 =	vsub.f32 v8, v10  }
0x117: {  	s4 =	sadd.s32 $0x10, s4;
	s13 =	sshll.u32 s3, $0x7  }
0x118: {  	s8 =	sand.u32 $0x70, s4;
	s13 =	sand.u32 $0xFFFFFC00, s13;
	v8 =	vsub.f32 v8, v11  }
0x119: {  	_ = 	snop  }
0x11a: {  	s4 =	sor.u32 s8, s13;
	s3 =	sshll.u32 s3, $0x6;
	[tilespmem:s2+$0xC00] =	vst v8  }
0x11b: {  	s14 =	sand.u32 $0x3FFFFE00, s3;
	v8 =	vld [tilespmem:s4+$0x1A80]  }
0x11c: {  	s2 =	sor.u32 s8, s14  }
0x11d: {  	v10 =	vld [tilespmem:s4+$0x5A80];
	[tilespmem:s2+$0xA80] =	vst v2  }
0x11e: {  	[tilespmem:s2+$0xB00] =	vst v2  }
0x11f: {  	v11 =	vld [tilespmem:s4+$0x9A80]  }
0x120: {  	v8 =	vmul.f32 v8, v9  }
0x121: {  	v9 =	vld [tilespmem:s4+$0x9B00]  }
0x122: {  	v8 =	vadd.f32 v10, v8;
	_ =	sdelay $0x1  }
0x123: {  	v10 =	vsub.f32 v8, v11;
	_ =	sdelay $0x1  }
0x124: {  	v9 =	vsub.f32 v10, v9;
	_ =	sdelay $0x1  }
0x125: {  	[tilespmem:s2+$0xB80] =	vst v9  }
0x126: {  	v9 =	vld [tilespmem:s4+$0x9B80];
	_ =	sdelay $0x1  }
0x127: {  	v10 =	vld [tilespmem:s4+$0x9C00];
	_ =	sdelay $0x2  }
0x128: {  	v8 =	vsub.f32 v8, v9;
	_ =	sdelay $0x1  }
0x129: {  	v8 =	vsub.f32 v8, v10  }
0x12a: {  	s15 =	rddreg [dreg:$0xc];
	s24 =	simm.s32 $0x200  }
0x12b: {  	s5 =	simm.s32 $0xA80;
	s8 =	simm.s32 $0x3;
	[tilespmem:s2+$0xC00] =	vst v8;
	s2 =	simm.s32 $0x400  }
0x12c: {  	[hbm4b:s15+s24] =	stream.strided.scatter [tilespmem:s5], [sflag:$0x3], $0x1000, s2, s24, $0x38;
	[tilespmem:$0x11A80] =	vst v63  }
0x12d: {  	s13 =	simm.s32 $0x0;
	_ =	swait.ge [sflag:s8], $0x1000  }
0x12e: {  	s14 =	sand.u32 $0x180, s13;
	[sflag:s8] =	ssyncset.done $0x0  }
0x12f: {  	s5 =	sand.u32 $0x70, s13;
	[sflag:s8] =	ssyncadd.s32 $0xFFFFF000;
	s8 =	sadd.s32 s14, s12  }
0x130: {  	s5 =	sadd.s32 s5, s8  }
0x131: {  	v8 =	vld [tilespmem:s5+$0x0];
	_ =	sdelay $0x1  }
0x132: {  	v9 =	vld [tilespmem:s2+$0x0];
	_ =	sdelay $0x2  }
0x133: {  	s15 =	simm.s32 $0x10;
	vm1 =	veq.s32 v8, $0x2  }
0x134: {  	s3 =	simm.s32 $0x800;
	s4 =	simm.s32 $0x600;
	s24 =	sand.u32 $0x180, s15;
	v8 =	vsel vm1, $0x0, v8  }
0x135: {  	s13 =	sadd.s32 s24, s12;
	s8 =	sand.u32 $0x70, s15;
	s5 =	simm.s32 $0x20;
	[tilespmem:s4+$0x0] =	vst v8;
	v8 =	vsel vm1, $0x0, v9  }
.LBB2_6:
0x136: {  	p0 =	seq.s32 s5, $0x1F0;
	s8 =	sadd.s32 s8, s13;
	[tilespmem:s3+$0x0] =	vst v8  }
0x137: {  	v8 =	vld [tilespmem:s8+$0x0]  }
0x138: {  	s2 =	sadd.s32 $0x10, s2  }
0x139: {  	v9 =	vld [tilespmem:s2+$0x0]  }
.Ltmp4:
0x13a: {  	(pc) =	sbr.rel @!p0 .LBB2_6-.Ltmp4, $4  }
0x13b: {  	_ = 	snop  }
0x13c: {  	vm1 =	veq.s32 v8, $0x2  }
0x13d: {  	s13 =	sand.u32 $0x180, s5;
	s4 =	sadd.s32 $0x10, s4;
	s3 =	sadd.s32 $0x10, s3;
	v8 =	vsel vm1, $0x0, v8  }
0x13e: {  	s8 =	sand.u32 $0x70, s5;
	s13 =	sadd.s32 s13, s12;
	s5 =	sadd.s32 $0x10, s5;
	[tilespmem:s4+$0x0] =	vst v8;
	v8 =	vsel vm1, $0x0, v9  }
0x13f: {  	(v2sf) =	vpush v7, $0x0  }
0x140: {  	(v2sf) =	vpush v7, $0x1;
	_ =	sdelay $0x1  }
0x141: {  	(v2sf) =	vpush v7, $0x2;
	_ =	sdelay $0x1  }
0x142: {  	(v2sf) =	vpush v7, $0x3;
	_ =	sdelay $0x1  }
0x143: {  	(v2sf) =	vpush v7, $0x4;
	_ =	sdelay $0x1  }
0x144: {  	(v2sf) =	vpush v7, $0x5;
	_ =	sdelay $0x1  }
0x145: {  	(v2sf) =	vpush v7, $0x6;
	_ =	sdelay $0x1  }
0x146: {  	(v2sf) =	vpush v7, $0x7  }
0x147: {  	[tilespmem:s3+$0x0] =	vst v8;
	s2 =	sadd.s32 $0x10, s2  }
0x148: {  	v9 =	vld [tilespmem:s2+$0x0];
	s2 =	spop (v2sf);
	(v2sf) =	vpush v7, $0x8  }
0x149: {  	s24 =	sadd.s32 $0x10, s3;
	s3 =	spop (v2sf)  }
0x14a: {  	(v2sf) =	vpush v7, $0x9;
	p0 =	slt.s32 s2, s3  }
0x14b: {  	s3 =	smov.u32 @p0 s2;
	s2 =	spop (v2sf)  }
0x14c: {  	(v2sf) =	vpush v7, $0xA;
	p0 =	slt.s32 s3, s2  }
0x14d: {  	s2 =	smov.u32 @p0 s3;
	s3 =	spop (v2sf)  }
0x14e: {  	(v2sf) =	vpush v7, $0xB;
	p0 =	slt.s32 s2, s3  }
0x14f: {  	s3 =	smov.u32 @p0 s2;
	s2 =	spop (v2sf)  }
0x150: {  	(v2sf) =	vpush v7, $0xC;
	p0 =	slt.s32 s3, s2  }
0x151: {  	s2 =	smov.u32 @p0 s3;
	s3 =	spop (v2sf)  }
0x152: {  	(v2sf) =	vpush v7, $0xD;
	p0 =	slt.s32 s2, s3  }
0x153: {  	s3 =	smov.u32 @p0 s2;
	s2 =	spop (v2sf)  }
0x154: {  	(v2sf) =	vpush v7, $0xE;
	p0 =	slt.s32 s3, s2  }
0x155: {  	s2 =	smov.u32 @p0 s3;
	s3 =	spop (v2sf)  }
0x156: {  	(v2sf) =	vpush v7, $0xF;
	p0 =	slt.s32 s2, s3  }
0x157: {  	s3 =	smov.u32 @p0 s2;
	s2 =	spop (v2sf)  }
0x158: {  	p0 =	slt.s32 s3, s2  }
0x159: {  	s2 =	smov.u32 @p0 s3;
	s3 =	spop (v2sf)  }
0x15a: {  	p0 =	slt.s32 s2, s3  }
0x15b: {  	s3 =	smov.u32 @p0 s2;
	s2 =	spop (v2sf)  }
0x15c: {  	p0 =	slt.s32 s3, s2  }
0x15d: {  	s2 =	smov.u32 @p0 s3;
	s3 =	spop (v2sf)  }
0x15e: {  	p0 =	slt.s32 s2, s3  }
0x15f: {  	s3 =	smov.u32 @p0 s2;
	s2 =	spop (v2sf)  }
0x160: {  	p0 =	slt.s32 s3, s2  }
0x161: {  	s2 =	smov.u32 @p0 s3;
	s3 =	spop (v2sf)  }
0x162: {  	p0 =	slt.s32 s2, s3  }
0x163: {  	s3 =	smov.u32 @p0 s2;
	s2 =	spop (v2sf)  }
0x164: {  	p0 =	slt.s32 s3, s2  }
0x165: {  	s5 =	sadd.s32 s8, s13;
	s2 =	smov.u32 @p0 s3;
	s3 =	spop (v2sf)  }
0x166: {  	v8 =	vld [tilespmem:s5+$0x0];
	p0 =	slt.s32 s2, s3  }
0x167: {  	s3 =	smov.u32 @p0 s2  }
0x168: {  	p0 =	slt.s32 s3, $0x4000;
	s2 =	sadd.s32 $0x1, s3  }
0x169: {  	s2 =	simm.s32 @!p0 $0x0  }
.Ltmp5:
0x16a: {  	s2 =	ssub.s32 s2, s12;
	(pc) =	sbr.rel .LBB2_8-.Ltmp5, $4  }
0x16b: {  	vm1 =	veq.s32 v8, $0x2;
	p0 =	sgt.s32 s2, $0x0  }
0x16c: {  	s15 =	sadd.s32 $0x10, s4;
	v8 =	vsel vm1, $0x0, v8;
	s2 =	simm.s32 @!p0 $0x0  }
0x16d: {  	[tilespmem:s15+$0x0] =	vst v8;
	v8 =	vsel vm1, $0x0, v9;
	s8 =	smin.u32 s2, $0x200  }
0x16e: {  	[tilespmem:s24+$0x0] =	vst v8;
	s2 =	simm.s32 $0x0;
	v7 =	vmov s8  }
.LBB2_62:
0x16f: {  	s3 =	sshll.u32 s2, $0xB;
	s2 =	sadd.s32 $0x1, s2  }
0x170: {  	p0 =	sne.s32 s2, $0x20  }
.Ltmp6:
0x171: {  	s4 =	simm.s32 $0xDA80;
	s3 =	sadd.s32 s3, s21;
	(pc) =	sbr.rel @!p0 .LBB2_63-.Ltmp6, $4  }
0x172: {  	[hbm4b:s3+s9] =	stream.linear.scatter [tilespmem:s4], [sflag:$0x2], $0x4000, $0x38;
	[tilespmem:$0x11A80] =	vst v63  }
0x173: {  	_ =	swait.ge [sflag:s6], $0x4000  }
0x174: {  	[sflag:s6] =	ssyncset.done $0x0  }
0x175: {  	[sflag:s6] =	ssyncadd.s32 $0xFFFFC000  }
.LBB2_8:
0x176: {  	s3 =	sshll.u32 s2, $0x4  }
0x177: {  	s4 =	sand.u32 $0x180, s3  }
0x178: {  	s5 =	sand.u32 $0x70, s3;
	s4 =	sadd.s32 s4, s12  }
0x179: {  	s4 =	sadd.s32 s5, s4  }
0x17a: {  	v8 =	vld [tilespmem:s4+$0x0];
	_ =	sdelay $0x2  }
0x17b: {  	v9 =	vor.u32 s3, v1  }
0x17c: {  	vm1 =	vge.u32 v9, v7  }
0x17d: {  	vm2 =	veq.s32 v8, $0x2;
	v8 =	vsel vm1, $0x1, v3  }
0x17e: {  	v63 =	vsel vm2, $0x2, v3;
	v8 =	vor.u32 v8, v0  }
0x17f: {  	v8 =	vor.u32 v63, v8  }
0x180: {  	v9 =	vperm.xlane v8, v4;
	_ =	sdelay $0x1  }
0x181: {  	v9 =	vadd.s32 v5, v9;
	_ =	sdelay $0x3  }
0x182: {  	s13 =	simm.s32 $0x9A80  }
0x183: {  	[tilespmem:s13], [sflag:$0x1] =	stream.indirect_vreg.gather [hbm4b:s11+s9], $0x80, v9, vm0, $0xb8;
	[tilespmem:$0x11A80] =	vst v63  }
0x184: {  	s14 =	simm.s32 $0xA280;
	v8 =	vperm.xlane v8, v6  }
0x185: {  	[tilespmem:s14], [sflag:$0x1] =	stream.indirect_vreg.gather [hbm4b:s16+s9], $0x80, v9, vm0, $0xb8;
	[tilespmem:$0x11A80] =	vst v63  }
0x186: {  	s15 =	simm.s32 $0xAA80;
	v8 =	vadd.s32 v5, v8  }
0x187: {  	[tilespmem:s15], [sflag:$0x1] =	stream.indirect_vreg.gather [hbm4b:s17+s9], $0x80, v9, vm0, $0xb8;
	[tilespmem:$0x11A80] =	vst v63  }
0x188: {  	s24 =	simm.s32 $0xB280  }
0x189: {  	[tilespmem:s24], [sflag:$0x1] =	stream.indirect_vreg.gather [hbm4b:s18+s9], $0x80, v9, vm0, $0xb8;
	[tilespmem:$0x11A80] =	vst v63  }
0x18a: {  	s5 =	simm.s32 $0xBA80  }
0x18b: {  	[tilespmem:s5], [sflag:$0x1] =	stream.indirect_vreg.gather [hbm4b:s11+s9], $0x80, v8, vm0, $0xb8;
	[tilespmem:$0x11A80] =	vst v63  }
0x18c: {  	s13 =	simm.s32 $0xC280;
	s24 =	sadd.s32 $0x10, s3  }
0x18d: {  	[tilespmem:s13], [sflag:$0x1] =	stream.indirect_vreg.gather [hbm4b:s16+s9], $0x80, v8, vm0, $0xb8;
	[tilespmem:$0x11A80] =	vst v63  }
0x18e: {  	s14 =	simm.s32 $0xCA80;
	p0 =	sgt.u32 s24, s8  }
0x18f: {  	[tilespmem:s14], [sflag:$0x1] =	stream.indirect_vreg.gather [hbm4b:s17+s9], $0x80, v8, vm0, $0xb8;
	[tilespmem:$0x11A80] =	vst v63  }
.Ltmp7:
0x190: {  	s15 =	simm.s32 $0xD280;
	(pc) =	sbr.rel @!p0 .LBB2_9-.Ltmp7, $4  }
0x191: {  	[tilespmem:s15], [sflag:$0x1] =	stream.indirect_vreg.gather [hbm4b:s18+s9], $0x80, v8, vm0, $0xb8;
	[tilespmem:$0x11A80] =	vst v63  }
0x192: {  	_ =	swait.ge [sflag:s10], $0x4000  }
0x193: {  	[sflag:s10] =	ssyncset.done $0x0  }
0x194: {  	p1 =	sgt.u32 s8, s3;
	[sflag:s10] =	ssyncadd.s32 $0xFFFFC000  }
.Ltmp8:
0x195: {  	(pc) =	sbr.rel @!p1 .LBB2_12-.Ltmp8, $1  }
0x196: {  	_ =	sdelay $0x3  }
0x197: {  	p0 =	por !p1, !p0  }
0x198: {  	p0 =	por !p0, !p0  }
.Ltmp9:
0x199: {  	_ = 	snop;
	(pc) =	sbr.rel @!p0 .LBB2_62-.Ltmp9, $1  }
0x19a: {  	_ =	sdelay $0x3  }
0x19b: {  	v8 =	vld [tilespmem:s3+$0x600];
	_ =	sdelay $0x4  }
0x19c: {  	v9 =	vshll.u32 v8, $0x3  }
0x19d: {  	v8 =	vand.u32 $0x7, v8;
	v9 =	vand.u32 $0xFFFFFFC0, v9  }
0x19e: {  	v8 =	vor.u32 v8, v9  }
0x19f: {  	v9 =	vperm.xlane v8, v4;
	_ =	sdelay $0x1  }
0x1a0: {  	v9 =	vadd.s32 v5, v9;
	_ =	sdelay $0x3  }
0x1a1: {  	s5 =	simm.s32 $0x0;
	s4 =	rddreg [dreg:$0x2];
	s13 =	simm.s32 $0x1A80  }
0x1a2: {  	v10 =	vld [tilespmem:s3+$0x800];
	[tilespmem:s13], [sflag:$0x1] =	stream.indirect_vreg.gather [hbm4b:s4+s5], $0x80, v9, vm0, $0xb8  }
0x1a3: {  	s24 =	simm.s32 $0x2280;
	v8 =	vperm.xlane v8, v6  }
0x1a4: {  	[tilespmem:s24], [sflag:$0x1] =	stream.indirect_vreg.gather [hbm4b:s19+s5], $0x80, v9, vm0, $0xb8;
	[tilespmem:$0x11A80] =	vst v63  }
0x1a5: {  	s14 =	simm.s32 $0x2A80;
	v8 =	vadd.s32 v5, v8  }
0x1a6: {  	[tilespmem:s14], [sflag:$0x1] =	stream.indirect_vreg.gather [hbm4b:s20+s5], $0x80, v9, vm0, $0xb8;
	[tilespmem:$0x11A80] =	vst v63  }
0x1a7: {  	s15 =	simm.s32 $0x3280  }
0x1a8: {  	[tilespmem:s15], [sflag:$0x1] =	stream.indirect_vreg.gather [hbm4b:s22+s5], $0x80, v9, vm0, $0xb8;
	[tilespmem:$0x11A80] =	vst v63  }
0x1a9: {  	s24 =	simm.s32 $0x3A80  }
0x1aa: {  	[tilespmem:s24], [sflag:$0x1] =	stream.indirect_vreg.gather [hbm4b:s4+s5], $0x80, v8, vm0, $0xb8;
	[tilespmem:$0x11A80] =	vst v63  }
0x1ab: {  	v63 =	vshll.u32 v10, $0x3;
	s13 =	simm.s32 $0x4280  }
0x1ac: {  	v10 =	vand.u32 $0x7, v10;
	v9 =	vand.u32 $0xFFFFFFC0, v63;
	[tilespmem:s13], [sflag:$0x1] =	stream.indirect_vreg.gather [hbm4b:s19+s5], $0x80, v8, vm0, $0xb8;
	[tilespmem:$0x11A80] =	vst v63  }
0x1ad: {  	s14 =	simm.s32 $0x4A80;
	v9 =	vor.u32 v10, v9  }
0x1ae: {  	v10 =	vperm.xlane v9, v4;
	[tilespmem:s14], [sflag:$0x1] =	stream.indirect_vreg.gather [hbm4b:s20+s5], $0x80, v8, vm0, $0xb8;
	[tilespmem:$0x11A80] =	vst v63  }
0x1af: {  	s15 =	simm.s32 $0x5280  }
0x1b0: {  	v10 =	vadd.s32 v5, v10;
	[tilespmem:s15], [sflag:$0x1] =	stream.indirect_vreg.gather [hbm4b:s22+s5], $0x80, v8, vm0, $0xb8;
	[tilespmem:$0x11A80] =	vst v63  }
0x1b1: {  	_ =	swait.ge [sflag:s10], $0x4000  }
0x1b2: {  	[sflag:s10] =	ssyncset.done $0x0  }
0x1b3: {  	[sflag:s10] =	ssyncadd.s32 $0xFFFFC000  }
0x1b4: {  	s24 =	simm.s32 $0x5A80;
	s4 =	rddreg [dreg:$0x3]  }
0x1b5: {  	[tilespmem:s24], [sflag:$0x1] =	stream.indirect_vreg.gather [hbm4b:s4+s5], $0x80, v10, vm0, $0xb8;
	[tilespmem:$0x11A80] =	vst v63  }
0x1b6: {  	s14 =	simm.s32 $0x6280;
	v8 =	vperm.xlane v9, v6  }
0x1b7: {  	[tilespmem:s14], [sflag:$0x1] =	stream.indirect_vreg.gather [hbm4b:s23+s5], $0x80, v10, vm0, $0xb8;
	[tilespmem:$0x11A80] =	vst v63  }
0x1b8: {  	s15 =	simm.s32 $0x6A80;
	v8 =	vadd.s32 v5, v8  }
0x1b9: {  	[tilespmem:s15], [sflag:$0x1] =	stream.indirect_vreg.gather [hbm4b:s25+s5], $0x80, v10, vm0, $0xb8;
	[tilespmem:$0x11A80] =	vst v63  }
0x1ba: {  	s24 =	simm.s32 $0x7280  }
0x1bb: {  	[tilespmem:s24], [sflag:$0x1] =	stream.indirect_vreg.gather [hbm4b:s26+s5], $0x80, v10, vm0, $0xb8;
	[tilespmem:$0x11A80] =	vst v63  }
0x1bc: {  	s14 =	simm.s32 $0x7A80  }
0x1bd: {  	[tilespmem:s14], [sflag:$0x1] =	stream.indirect_vreg.gather [hbm4b:s4+s5], $0x80, v8, vm0, $0xb8;
	[tilespmem:$0x11A80] =	vst v63  }
0x1be: {  	s4 =	ssub.s32 s8, s3  }
0x1bf: {  	s15 =	simm.s32 $0x8280;
	p4 =	slt.u32 s4, $0x2  }
0x1c0: {  	[tilespmem:s15], [sflag:$0x1] =	stream.indirect_vreg.gather [hbm4b:s23+s5], $0x80, v8, vm0, $0xb8;
	[tilespmem:$0x11A80] =	vst v63  }
0x1c1: {  	p0 =	seq.s32 @!p4 s4, $0x2  }
0x1c2: {  	s24 =	simm.s32 $0x8A80;
	p5 =	por p4, p0  }
0x1c3: {  	[tilespmem:s24], [sflag:$0x1] =	stream.indirect_vreg.gather [hbm4b:s25+s5], $0x80, v8, vm0, $0xb8;
	[tilespmem:$0x11A80] =	vst v63  }
0x1c4: {  	p0 =	slt.u32 @!p5 s4, $0x4  }
0x1c5: {  	p6 =	por p5, p0  }
0x1c6: {  	[tilespmem:s1], [sflag:$0x1] =	stream.indirect_vreg.gather [hbm4b:s26+s5], $0x80, v8, vm0, $0xb8;
	[tilespmem:$0x11A80] =	vst v63  }
0x1c7: {  	p0 =	seq.s32 @!p6 s4, $0x4  }
0x1c8: {  	p1 =	por p6, p0  }
0x1c9: {  	p0 =	slt.u32 @!p1 s4, $0x6;
	s13 =	simm.s32 @!p1 $0x0  }
0x1ca: {  	s13 =	simm.s32 @p1 $0x1;
	p1 =	por p1, p0  }
0x1cb: {  	[smem:$0x7D9] =	sst s13;
	p0 =	seq.s32 @!p1 s4, $0x6;
	s13 =	simm.s32 @!p1 $0x0  }
0x1cc: {  	s13 =	simm.s32 @p1 $0x1;
	p1 =	por p1, p0  }
0x1cd: {  	[smem:$0x7DA] =	sst s13;
	p0 =	slt.u32 @!p1 s4, $0x8;
	s13 =	simm.s32 @!p1 $0x0  }
0x1ce: {  	s13 =	simm.s32 @p1 $0x1;
	p0 =	por p1, p0  }
0x1cf: {  	s14 =	simm.s32 @!p4 $0x0;
	[smem:$0x7DB] =	sst s13;
	p1 =	seq.s32 @!p0 s4, $0x8  }
0x1d0: {  	s14 =	simm.s32 @p4 $0x1;
	p1 =	por p0, p1;
	_ =	swait.ge [sflag:s10], $0x4000  }
0x1d1: {  	p2 =	slt.u32 @!p1 s4, $0xA;
	s13 =	simm.s32 @!p1 $0x0;
	[smem:$0x7DF] =	sst s14  }
0x1d2: {  	s14 =	simm.s32 @!p5 $0x0;
	s13 =	simm.s32 @p1 $0x1;
	p1 =	por p1, p2  }
0x1d3: {  	s14 =	simm.s32 @p5 $0x1;
	[smem:$0x7DC] =	sst s13;
	p3 =	seq.s32 @!p1 s4, $0xA  }
.Ltmp10:
0x1d4: {  	s13 =	simm.s32 @!p1 $0x0;
	[smem:$0x7E0] =	sst s14;
	(pc) =	sbr.rel .LBB2_18-.Ltmp10, $4  }
0x1d5: {  	s14 =	simm.s32 @!p6 $0x0;
	s13 =	simm.s32 @p1 $0x1;
	p1 =	por p1, p3  }
0x1d6: {  	s14 =	simm.s32 @p6 $0x1;
	[smem:$0x7DD] =	sst s13;
	s13 =	simm.s32 @!p1 $0x0  }
0x1d7: {  	[sflag:s10] =	ssyncset.done $0x0;
	[smem:$0x7E1] =	sst s14;
	s13 =	simm.s32 @p1 $0x1  }
0x1d8: {  	[sflag:s10] =	ssyncadd.s32 $0xFFFFC000;
	[smem:$0x7DE] =	sst s13;
	s13 =	simm.s32 $0x0  }
.LBB2_20:
0x1d9: {  	s13 =	sadd.s32 $0x10, s13  }
0x1da: {  	p1 =	sne.s32 s13, $0x400  }
.Ltmp11:
0x1db: {  	_ = 	snop;
	(pc) =	sbr.rel @!p1 .LBB2_21-.Ltmp11, $2  }
0x1dc: {  	_ =	sdelay $0x2  }
0x1dd: {  	s5 =	sadd.s32 $0x80, s5  }
.LBB2_18:
0x1de: {  	s14 =	sand.u32 $0x70, s13;
	s15 =	sand.u32 $0x1C00, s5  }
0x1df: {  	s14 =	sor.u32 s14, s15  }
0x1e0: {  	v8 =	vld [tilespmem:s14+$0x1A80]  }
0x1e1: {  	v9 =	vld [tilespmem:s14+$0x5A80]  }
0x1e2: {  	v10 =	vld [tilespmem:s14+$0x9A80]  }
0x1e3: {  	v11 =	vld @!p4 [tilespmem:s14+$0x1B00]  }
0x1e4: {  	v12 =	vld @!p4 [tilespmem:s14+$0x5B00]  }
0x1e5: {  	v13 =	vld @!p4 [tilespmem:s14+$0x9B00]  }
0x1e6: {  	v14 =	vld @!p5 [tilespmem:s14+$0x1B80]  }
0x1e7: {  	s24 =	sld [smem:$0x7D9];
	v15 =	vld @!p5 [tilespmem:s14+$0x5B80]  }
0x1e8: {  	v16 =	vld @!p5 [tilespmem:s14+$0x9B80]  }
0x1e9: {  	v17 =	vld @!p6 [tilespmem:s14+$0x1C00]  }
0x1ea: {  	v18 =	vld @!p6 [tilespmem:s14+$0x5C00];
	p1 =	seq.s32 s24, $0x1;
	s24 =	sld [smem:$0x7DA]  }
0x1eb: {  	v19 =	vld @!p6 [tilespmem:s14+$0x9C00]  }
0x1ec: {  	v20 =	vld @!p1 [tilespmem:s14+$0x1C80]  }
0x1ed: {  	v21 =	vld @!p1 [tilespmem:s14+$0x5C80];
	p3 =	seq.s32 s24, $0x1;
	s24 =	sld [smem:$0x7DB]  }
0x1ee: {  	v22 =	vld @!p1 [tilespmem:s14+$0x9C80]  }
0x1ef: {  	v23 =	vld @!p3 [tilespmem:s14+$0x1D00]  }
0x1f0: {  	v24 =	vld @!p3 [tilespmem:s14+$0x5D00];
	p2 =	seq.s32 s24, $0x1  }
0x1f1: {  	v8 =	vadd.f32 v9, v8;
	v9 =	vld @!p2 [tilespmem:s14+$0x1D80]  }
0x1f2: {  	v11 =	vadd.f32 @!p4 v12, v11;
	v12 =	vld @!p2 [tilespmem:s14+$0x5D80]  }
0x1f3: {  	v8 =	vadd.f32 v10, v8;
	v10 =	vadd.f32 @!p5 v15, v14;
	v14 =	vld @!p3 [tilespmem:s14+$0x9D00]  }
0x1f4: {  	v11 =	vadd.f32 @!p4 v13, v11;
	v13 =	vadd.f32 @!p6 v18, v17;
	v15 =	vld @!p2 [tilespmem:s14+$0x9D80]  }
0x1f5: {  	[tilespmem:s14+$0xDA80] =	vst v8;
	v8 =	vadd.f32 @!p5 v16, v10;
	v10 =	vadd.f32 @!p1 v21, v20  }
0x1f6: {  	[tilespmem:s14+$0xDB00] =	vst @!p4 v11;
	v11 =	vadd.f32 @!p6 v19, v13;
	v13 =	vadd.f32 @!p3 v24, v23  }
0x1f7: {  	[tilespmem:s14+$0xDB80] =	vst @!p5 v8;
	v8 =	vadd.f32 @!p1 v22, v10;
	v9 =	vadd.f32 @!p2 v12, v9  }
0x1f8: {  	[tilespmem:s14+$0xDC00] =	vst @!p6 v11;
	v10 =	vadd.f32 @!p3 v14, v13  }
0x1f9: {  	[tilespmem:s14+$0xDC80] =	vst @!p1 v8;
	v8 =	vadd.f32 @!p2 v15, v9  }
0x1fa: {  	s15 =	sor.u32 @!p0 s5, s13;
	[tilespmem:s14+$0xDD00] =	vst @!p3 v10  }
0x1fb: {  	s15 =	sor.u32 @!p0 $0x380, s15;
	[tilespmem:s14+$0xDD80] =	vst @!p2 v8  }
0x1fc: {  	v8 =	vld @!p0 [tilespmem:s15+$0x1A80]  }
0x1fd: {  	v9 =	vld @!p0 [tilespmem:s15+$0x5A80];
	_ =	sdelay $0x1  }
0x1fe: {  	v10 =	vld @!p0 [tilespmem:s15+$0x9A80];
	_ =	sdelay $0x2  }
0x1ff: {  	v8 =	vadd.f32 @!p0 v9, v8  }
0x200: {  	s24 =	sld [smem:$0x7DC]  }
0x201: {  	v8 =	vadd.f32 @!p0 v10, v8;
	_ =	sdelay $0x1  }
0x202: {  	p1 =	seq.s32 s24, $0x1;
	[tilespmem:s15+$0xDA80] =	vst @!p0 v8  }
0x203: {  	v8 =	vld @!p1 [tilespmem:s14+$0x3A80]  }
0x204: {  	s24 =	sld [smem:$0x7DD];
	v9 =	vld @!p1 [tilespmem:s14+$0x7A80];
	_ =	sdelay $0x1  }
0x205: {  	v12 =	vld @!p1 [tilespmem:s14+$0xBA80]  }
0x206: {  	p2 =	seq.s32 s24, $0x1  }
0x207: {  	v10 =	vld @!p2 [tilespmem:s14+$0x3B00]  }
0x208: {  	v11 =	vld @!p2 [tilespmem:s14+$0x7B00];
	v8 =	vadd.f32 @!p1 v9, v8  }
0x209: {  	s24 =	sld [smem:$0x7DE]  }
0x20a: {  	v13 =	vld @!p2 [tilespmem:s14+$0xBB00];
	v8 =	vadd.f32 @!p1 v12, v8;
	_ =	sdelay $0x1  }
0x20b: {  	[tilespmem:s14+$0xFA80] =	vst @!p1 v8;
	p1 =	seq.s32 s24, $0x1  }
.Ltmp12:
0x20c: {  	v9 =	vadd.f32 @!p2 v11, v10;
	(pc) =	sbr.rel @p1 .LBB2_20-.Ltmp12, $3  }
0x20d: {  	_ = 	snop  }
0x20e: {  	v9 =	vadd.f32 @!p2 v13, v9;
	_ =	sdelay $0x1  }
0x20f: {  	[tilespmem:s14+$0xFB00] =	vst @!p2 v9  }
0x210: {  	v8 =	vld [tilespmem:s14+$0x3B80]  }
0x211: {  	v9 =	vld [tilespmem:s14+$0x7B80]  }
0x212: {  	p3 =	slt.u32 s4, $0xC;
	v10 =	vld [tilespmem:s14+$0xBB80]  }
0x213: {  	p6 =	seq.s32 @!p3 s4, $0xC;
	v11 =	vld @!p3 [tilespmem:s14+$0x3C00]  }
0x214: {  	v12 =	vld @!p3 [tilespmem:s14+$0x7C00];
	p4 =	por p6, p3  }
0x215: {  	v13 =	vld @!p3 [tilespmem:s14+$0xBC00];
	p1 =	slt.u32 @!p4 s4, $0xE  }
0x216: {  	v14 =	vld @!p4 [tilespmem:s14+$0x3C80];
	p5 =	por @!p3 p1, p6  }
0x217: {  	v15 =	vld @!p4 [tilespmem:s14+$0x7C80];
	p5 =	por p5, p3  }
0x218: {  	v16 =	vld @!p4 [tilespmem:s14+$0xBC80];
	p2 =	seq.s32 @!p5 s4, $0xE  }
0x219: {  	v17 =	vld @!p5 [tilespmem:s14+$0x3D00];
	p1 =	por @!p4 p2, p1  }
0x21a: {  	v18 =	vld @!p5 [tilespmem:s14+$0x7D00];
	p1 =	por @!p3 p1, p6  }
0x21b: {  	v8 =	vadd.f32 v9, v8;
	v9 =	vld @!p5 [tilespmem:s14+$0xBD00];
	p6 =	por p1, p3  }
0x21c: {  	v19 =	vld @!p6 [tilespmem:s14+$0x3D80]  }
0x21d: {  	v11 =	vadd.f32 @!p3 v12, v11;
	v20 =	vld @!p6 [tilespmem:s14+$0x7D80];
	_ =	sdelay $0x1  }
0x21e: {  	v11 =	vadd.f32 @!p3 v13, v11;
	v12 =	vld @!p6 [tilespmem:s14+$0xBD80];
	v13 =	vadd.f32 @!p5 v18, v17  }
0x21f: {  	s24 =	sld [smem:$0x7E0];
	v8 =	vadd.f32 v10, v8;
	v10 =	vadd.f32 @!p4 v15, v14  }
0x220: {  	v9 =	vadd.f32 @!p5 v9, v13  }
.Ltmp13:
0x221: {  	s15 =	sld [smem:$0x7DF];
	[tilespmem:s14+$0xFB80] =	vst v8;
	v8 =	vadd.f32 @!p4 v16, v10;
	v10 =	vadd.f32 @!p6 v20, v19;
	(pc) =	sbr.rel .LBB2_20-.Ltmp13, $4  }
0x222: {  	[tilespmem:s14+$0xFD00] =	vst @!p5 v9;
	p5 =	seq.s32 s24, $0x1;
	s24 =	sld [smem:$0x7E1]  }
0x223: {  	[tilespmem:s14+$0xFC80] =	vst @!p4 v8;
	v8 =	vadd.f32 @!p6 v12, v10  }
0x224: {  	[tilespmem:s14+$0xFC00] =	vst @!p3 v11  }
0x225: {  	p4 =	seq.s32 s15, $0x1;
	[tilespmem:s14+$0xFD80] =	vst @!p6 v8;
	p6 =	seq.s32 s24, $0x1  }
.LBB2_9:
0x226: {  	v8 =	vld [tilespmem:s3+$0x600];
	_ =	sdelay $0x4  }
0x227: {  	v9 =	vshll.u32 v8, $0x3  }
0x228: {  	v8 =	vand.u32 $0x7, v8;
	v9 =	vand.u32 $0xFFFFFFC0, v9  }
0x229: {  	v8 =	vor.u32 v8, v9  }
0x22a: {  	v9 =	vperm.xlane v8, v4;
	_ =	sdelay $0x1  }
0x22b: {  	v9 =	vadd.s32 v5, v9;
	_ =	sdelay $0x3  }
0x22c: {  	s4 =	simm.s32 $0x0;
	s5 =	rddreg [dreg:$0x2];
	s13 =	simm.s32 $0x1A80  }
0x22d: {  	v10 =	vld [tilespmem:s3+$0x800];
	[tilespmem:s13], [sflag:$0x1] =	stream.indirect_vreg.gather [hbm4b:s5+s4], $0x80, v9, vm0, $0xb8  }
0x22e: {  	s14 =	simm.s32 $0x2280;
	v8 =	vperm.xlane v8, v6  }
0x22f: {  	[tilespmem:s14], [sflag:$0x1] =	stream.indirect_vreg.gather [hbm4b:s19+s4], $0x80, v9, vm0, $0xb8;
	[tilespmem:$0x11A80] =	vst v63  }
0x230: {  	s15 =	simm.s32 $0x2A80;
	v8 =	vadd.s32 v5, v8  }
0x231: {  	[tilespmem:s15], [sflag:$0x1] =	stream.indirect_vreg.gather [hbm4b:s20+s4], $0x80, v9, vm0, $0xb8;
	[tilespmem:$0x11A80] =	vst v63  }
0x232: {  	s24 =	simm.s32 $0x3280  }
0x233: {  	[tilespmem:s24], [sflag:$0x1] =	stream.indirect_vreg.gather [hbm4b:s22+s4], $0x80, v9, vm0, $0xb8;
	[tilespmem:$0x11A80] =	vst v63  }
0x234: {  	s14 =	simm.s32 $0x3A80  }
0x235: {  	[tilespmem:s14], [sflag:$0x1] =	stream.indirect_vreg.gather [hbm4b:s5+s4], $0x80, v8, vm0, $0xb8;
	[tilespmem:$0x11A80] =	vst v63  }
0x236: {  	v52 =	vshll.u32 v10, $0x3;
	s15 =	simm.s32 $0x4280  }
0x237: {  	v10 =	vand.u32 $0x7, v10;
	v9 =	vand.u32 $0xFFFFFFC0, v52;
	[tilespmem:s15], [sflag:$0x1] =	stream.indirect_vreg.gather [hbm4b:s19+s4], $0x80, v8, vm0, $0xb8;
	[tilespmem:$0x11A80] =	vst v63  }
0x238: {  	s24 =	simm.s32 $0x4A80;
	v9 =	vor.u32 v10, v9  }
0x239: {  	v10 =	vperm.xlane v9, v4;
	[tilespmem:s24], [sflag:$0x1] =	stream.indirect_vreg.gather [hbm4b:s20+s4], $0x80, v8, vm0, $0xb8;
	[tilespmem:$0x11A80] =	vst v63  }
0x23a: {  	s13 =	simm.s32 $0x5280  }
0x23b: {  	v10 =	vadd.s32 v5, v10;
	[tilespmem:s13], [sflag:$0x1] =	stream.indirect_vreg.gather [hbm4b:s22+s4], $0x80, v8, vm0, $0xb8;
	[tilespmem:$0x11A80] =	vst v63  }
0x23c: {  	_ =	swait.ge [sflag:s10], $0x4000  }
0x23d: {  	[sflag:s10] =	ssyncset.done $0x0  }
0x23e: {  	[sflag:s10] =	ssyncadd.s32 $0xFFFFC000  }
0x23f: {  	s14 =	simm.s32 $0x5A80;
	s5 =	rddreg [dreg:$0x3]  }
0x240: {  	[tilespmem:s14], [sflag:$0x1] =	stream.indirect_vreg.gather [hbm4b:s5+s4], $0x80, v10, vm0, $0xb8;
	[tilespmem:$0x11A80] =	vst v63  }
0x241: {  	s15 =	simm.s32 $0x6280;
	v8 =	vperm.xlane v9, v6  }
0x242: {  	[tilespmem:s15], [sflag:$0x1] =	stream.indirect_vreg.gather [hbm4b:s23+s4], $0x80, v10, vm0, $0xb8;
	[tilespmem:$0x11A80] =	vst v63  }
0x243: {  	s24 =	simm.s32 $0x6A80;
	v8 =	vadd.s32 v5, v8  }
0x244: {  	[tilespmem:s24], [sflag:$0x1] =	stream.indirect_vreg.gather [hbm4b:s25+s4], $0x80, v10, vm0, $0xb8;
	[tilespmem:$0x11A80] =	vst v63  }
0x245: {  	s14 =	simm.s32 $0x7280  }
0x246: {  	[tilespmem:s14], [sflag:$0x1] =	stream.indirect_vreg.gather [hbm4b:s26+s4], $0x80, v10, vm0, $0xb8;
	[tilespmem:$0x11A80] =	vst v63  }
0x247: {  	s15 =	simm.s32 $0x7A80  }
0x248: {  	[tilespmem:s15], [sflag:$0x1] =	stream.indirect_vreg.gather [hbm4b:s5+s4], $0x80, v8, vm0, $0xb8;
	[tilespmem:$0x11A80] =	vst v63  }
0x249: {  	s24 =	simm.s32 $0x8280  }
0x24a: {  	[tilespmem:s24], [sflag:$0x1] =	stream.indirect_vreg.gather [hbm4b:s23+s4], $0x80, v8, vm0, $0xb8;
	[tilespmem:$0x11A80] =	vst v63  }
0x24b: {  	s13 =	simm.s32 $0x8A80  }
0x24c: {  	[tilespmem:s13], [sflag:$0x1] =	stream.indirect_vreg.gather [hbm4b:s25+s4], $0x80, v8, vm0, $0xb8;
	[tilespmem:$0x11A80] =	vst v63  }
0x24d: {  	_ = 	snop  }
0x24e: {  	[tilespmem:s1], [sflag:$0x1] =	stream.indirect_vreg.gather [hbm4b:s26+s4], $0x80, v8, vm0, $0xb8;
	[tilespmem:$0x11A80] =	vst v63  }
0x24f: {  	_ =	swait.ge [sflag:s10], $0x4000  }
0x250: {  	s14 =	sand.u32 $0x70, s4;
	s15 =	sand.u32 $0x1C00, s4;
	[sflag:s10] =	ssyncset.done $0x0  }
0x251: {  	s5 =	sor.u32 s14, s15;
	[sflag:s10] =	ssyncadd.s32 $0xFFFFC000  }
0x252: {  	v8 =	vld [tilespmem:s5+$0x9D80]  }
0x253: {  	v53 =	vld [tilespmem:s5+$0x9D00]  }
0x254: {  	v54 =	vld [tilespmem:s5+$0x5D80]  }
0x255: {  	v11 =	vld [tilespmem:s5+$0x9C80]  }
0x256: {  	v12 =	vld [tilespmem:s5+$0x9B00]  }
0x257: {  	v13 =	vld [tilespmem:s5+$0x5D00]  }
0x258: {  	v14 =	vld [tilespmem:s5+$0x1D80]  }
0x259: {  	v15 =	vld [tilespmem:s5+$0x9B80]  }
0x25a: {  	v16 =	vld [tilespmem:s5+$0x1D00]  }
0x25b: {  	v17 =	vld [tilespmem:s5+$0x1C80]  }
0x25c: {  	v18 =	vld [tilespmem:s5+$0x5A80]  }
0x25d: {  	v19 =	vld [tilespmem:s5+$0x5B80]  }
0x25e: {  	v20 =	vld [tilespmem:s5+$0x5C80]  }
0x25f: {  	v21 =	vld [tilespmem:s5+$0x5B00]  }
0x260: {  	v22 =	vld [tilespmem:s5+$0x1B80]  }
0x261: {  	v24 =	vld [tilespmem:s5+$0x1B00]  }
0x262: {  	v23 =	vld [tilespmem:s5+$0x5C00]  }
0x263: {  	v56 =	vld [tilespmem:s5+$0x1A80];
	v10 =	vadd.f32 v54, v14  }
0x264: {  	v55 =	vld [tilespmem:s5+$0x1C00];
	v13 =	vadd.f32 v13, v16  }
0x265: {  	v60 =	vld [tilespmem:s5+$0x9A80];
	v57 =	vadd.f32 v20, v17;
	v8 =	vadd.f32 v8, v10  }
0x266: {  	v58 =	vld [tilespmem:s5+$0x9C00];
	v61 =	vadd.f32 v21, v24;
	v9 =	vadd.f32 v53, v13  }
0x267: {  	v59 =	vadd.f32 v19, v22;
	v10 =	vadd.f32 v11, v57;
	[tilespmem:s5+$0xDD80] =	vst v8  }
0x268: {  	v63 =	vadd.f32 v18, v56;
	v11 =	vadd.f32 v12, v61;
	[tilespmem:s5+$0xDD00] =	vst v9  }
0x269: {  	v62 =	vadd.f32 v23, v55;
	v8 =	vadd.f32 v15, v59;
	[tilespmem:s5+$0xDC80] =	vst v10  }
0x26a: {  	v9 =	vadd.f32 v60, v63;
	[tilespmem:s5+$0xDB00] =	vst v11  }
0x26b: {  	[tilespmem:s5+$0xDB80] =	vst v8;
	v8 =	vadd.f32 v58, v62  }
0x26c: {  	s15 =	sor.u32 s4, s4;
	[tilespmem:s5+$0xDA80] =	vst v9  }
0x26d: {  	s24 =	sor.u32 $0x380, s15;
	[tilespmem:s5+$0xDC00] =	vst v8  }
0x26e: {  	v8 =	vld [tilespmem:s24+$0x1A80]  }
0x26f: {  	v9 =	vld [tilespmem:s24+$0x5A80];
	_ =	sdelay $0x1  }
0x270: {  	v10 =	vld [tilespmem:s24+$0x9A80];
	_ =	sdelay $0x2  }
0x271: {  	v8 =	vadd.f32 v9, v8;
	_ =	sdelay $0x1  }
0x272: {  	v8 =	vadd.f32 v10, v8;
	_ =	sdelay $0x1  }
0x273: {  	s13 =	simm.s32 $0x10;
	[tilespmem:s24+$0xDA80] =	vst v8  }
.LBB2_10:
0x274: {  	p2 =	seq.s32 s13, $0x3F0  }
0x275: {  	v8 =	vld [tilespmem:s5+$0x3D80];
	s4 =	sadd.s32 $0x80, s4;
	s14 =	smov.u32 s13;
	s13 =	sadd.s32 $0x10, s13  }
0x276: {  	v9 =	vld [tilespmem:s5+$0x7D80]  }
0x277: {  	v10 =	vld [tilespmem:s5+$0xBD80]  }
0x278: {  	v11 =	vld [tilespmem:s5+$0xBD00]  }
0x279: {  	v12 =	vld [tilespmem:s5+$0x7D00]  }
0x27a: {  	v13 =	vld [tilespmem:s5+$0xBB80]  }
0x27b: {  	v14 =	vld [tilespmem:s5+$0x3D00]  }
0x27c: {  	v15 =	vld [tilespmem:s5+$0x3C80]  }
0x27d: {  	v16 =	vld [tilespmem:s5+$0xBC80]  }
0x27e: {  	v17 =	vld [tilespmem:s5+$0x7C80]  }
0x27f: {  	v8 =	vadd.f32 v9, v8;
	v18 =	vld [tilespmem:s5+$0x7C00]  }
0x280: {  	v9 =	vld [tilespmem:s5+$0x7A80]  }
0x281: {  	v8 =	vadd.f32 v10, v8;
	v12 =	vadd.f32 v12, v14;
	v19 =	vld [tilespmem:s5+$0xBC00]  }
0x282: {  	v10 =	vld [tilespmem:s5+$0x3C00]  }
0x283: {  	v11 =	vadd.f32 v11, v12;
	v14 =	vld [tilespmem:s5+$0x7B80];
	v15 =	vadd.f32 v17, v15;
	[tilespmem:s5+$0xFD80] =	vst v8  }
0x284: {  	v8 =	vld [tilespmem:s5+$0x3B80]  }
0x285: {  	v12 =	vld [tilespmem:s5+$0x3B00];
	v15 =	vadd.f32 v16, v15;
	[tilespmem:s5+$0xFD00] =	vst v11  }
0x286: {  	v11 =	vld [tilespmem:s5+$0x7B00]  }
0x287: {  	v16 =	vld [tilespmem:s5+$0x3A80];
	v10 =	vadd.f32 v18, v10;
	[tilespmem:s5+$0xFC80] =	vst v15  }
0x288: {  	v15 =	vld [tilespmem:s5+$0xBB00]  }
0x289: {  	v17 =	vld [tilespmem:s5+$0xBA80];
	v8 =	vadd.f32 v14, v8;
	v10 =	vadd.f32 v19, v10;
	_ =	sdelay $0x1  }
0x28a: {  	v11 =	vadd.f32 v11, v12;
	v8 =	vadd.f32 v13, v8;
	[tilespmem:s5+$0xFC00] =	vst v10  }
0x28b: {  	v9 =	vadd.f32 v9, v16  }
0x28c: {  	v10 =	vadd.f32 v15, v11;
	[tilespmem:s5+$0xFB80] =	vst v8  }
0x28d: {  	v8 =	vadd.f32 v17, v9  }
0x28e: {  	[tilespmem:s5+$0xFB00] =	vst v10  }
0x28f: {  	s15 =	sor.u32 $0x2380, s15;
	[tilespmem:s5+$0xFA80] =	vst v8  }
0x290: {  	v8 =	vld [tilespmem:s15+$0x1A80]  }
0x291: {  	v9 =	vld [tilespmem:s15+$0x5A80]  }
0x292: {  	v10 =	vld [tilespmem:s15+$0x9A80];
	_ =	sdelay $0x3  }
0x293: {  	v8 =	vadd.f32 v9, v8;
	_ =	sdelay $0x1  }
0x294: {  	v8 =	vadd.f32 v10, v8  }
0x295: {  	s24 =	sand.u32 $0x1C00, s4;
	s5 =	sand.u32 $0x70, s14  }
0x296: {  	s5 =	sor.u32 s5, s24;
	[tilespmem:s15+$0xDA80] =	vst v8  }
0x297: {  	v8 =	vld [tilespmem:s5+$0x9D80]  }
0x298: {  	v9 =	vld [tilespmem:s5+$0x9D00]  }
0x299: {  	v10 =	vld [tilespmem:s5+$0x5D80]  }
0x29a: {  	v11 =	vld [tilespmem:s5+$0x9C80]  }
0x29b: {  	v12 =	vld [tilespmem:s5+$0x9B00]  }
0x29c: {  	v13 =	vld [tilespmem:s5+$0x5D00]  }
0x29d: {  	v14 =	vld [tilespmem:s5+$0x1D80]  }
0x29e: {  	v15 =	vld [tilespmem:s5+$0x9B80]  }
0x29f: {  	v16 =	vld [tilespmem:s5+$0x1D00]  }
0x2a0: {  	v17 =	vld [tilespmem:s5+$0x1C80]  }
0x2a1: {  	v18 =	vld [tilespmem:s5+$0x5A80]  }
0x2a2: {  	v19 =	vld [tilespmem:s5+$0x5B80];
	v10 =	vadd.f32 v10, v14  }
0x2a3: {  	v14 =	vld [tilespmem:s5+$0x5C80]  }
0x2a4: {  	v20 =	vld [tilespmem:s5+$0x5B00];
	v13 =	vadd.f32 v13, v16;
	v8 =	vadd.f32 v8, v10  }
0x2a5: {  	v10 =	vld [tilespmem:s5+$0x1B80]  }
0x2a6: {  	v16 =	vld [tilespmem:s5+$0x5C00];
	v9 =	vadd.f32 v9, v13  }
0x2a7: {  	v13 =	vld [tilespmem:s5+$0x1B00]  }
0x2a8: {  	v21 =	vld [tilespmem:s5+$0x1C00];
	v14 =	vadd.f32 v14, v17  }
0x2a9: {  	v17 =	vld [tilespmem:s5+$0x1A80]  }
0x2aa: {  	v10 =	vadd.f32 v19, v10;
	v19 =	vld [tilespmem:s5+$0x9C00];
	v11 =	vadd.f32 v11, v14  }
0x2ab: {  	v14 =	vld [tilespmem:s5+$0x9A80]  }
0x2ac: {  	v13 =	vadd.f32 v20, v13;
	v10 =	vadd.f32 v15, v10;
	[tilespmem:s5+$0xDD80] =	vst v8  }
0x2ad: {  	v8 =	vadd.f32 v16, v21;
	[tilespmem:s5+$0xDD00] =	vst v9  }
0x2ae: {  	v9 =	vadd.f32 v18, v17;
	v12 =	vadd.f32 v12, v13;
	[tilespmem:s5+$0xDC80] =	vst v11  }
0x2af: {  	[tilespmem:s5+$0xDB80] =	vst v10;
	v8 =	vadd.f32 v19, v8  }
0x2b0: {  	v9 =	vadd.f32 v14, v9;
	[tilespmem:s5+$0xDB00] =	vst v12  }
0x2b1: {  	s15 =	sor.u32 s14, s4;
	[tilespmem:s5+$0xDC00] =	vst v8  }
0x2b2: {  	s14 =	sor.u32 $0x380, s15;
	[tilespmem:s5+$0xDA80] =	vst v9  }
0x2b3: {  	v8 =	vld [tilespmem:s14+$0x1A80]  }
0x2b4: {  	v9 =	vld [tilespmem:s14+$0x5A80];
	_ =	sdelay $0x1  }
0x2b5: {  	v10 =	vld [tilespmem:s14+$0x9A80];
	_ =	sdelay $0x2  }
.Ltmp14:
0x2b6: {  	v8 =	vadd.f32 v9, v8;
	(pc) =	sbr.rel @!p2 .LBB2_10-.Ltmp14, $3  }
0x2b7: {  	_ = 	snop  }
0x2b8: {  	v8 =	vadd.f32 v10, v8;
	_ =	sdelay $0x1  }
0x2b9: {  	[tilespmem:s14+$0xDA80] =	vst v8  }
0x2ba: {  	v8 =	vld [tilespmem:s5+$0x3D80]  }
0x2bb: {  	v9 =	vld [tilespmem:s5+$0x7D80]  }
0x2bc: {  	v10 =	vld [tilespmem:s5+$0xBD80]  }
0x2bd: {  	v11 =	vld [tilespmem:s5+$0xBD00]  }
0x2be: {  	v12 =	vld [tilespmem:s5+$0x7D00]  }
0x2bf: {  	v14 =	vld [tilespmem:s5+$0x3D00]  }
0x2c0: {  	v15 =	vld [tilespmem:s5+$0x3C80]  }
0x2c1: {  	v16 =	vld [tilespmem:s5+$0xBC80]  }
0x2c2: {  	v17 =	vld [tilespmem:s5+$0x7C80]  }
0x2c3: {  	v18 =	vld [tilespmem:s5+$0x7C00]  }
0x2c4: {  	v55 =	vld [tilespmem:s5+$0x7A80]  }
0x2c5: {  	v19 =	vld [tilespmem:s5+$0xBC00]  }
0x2c6: {  	v56 =	vld [tilespmem:s5+$0x3C00];
	v8 =	vadd.f32 v9, v8  }
0x2c7: {  	v57 =	vld [tilespmem:s5+$0x7B80]  }
0x2c8: {  	v58 =	vld [tilespmem:s5+$0x3B80];
	v12 =	vadd.f32 v12, v14;
	v8 =	vadd.f32 v10, v8  }
0x2c9: {  	v62 =	vld [tilespmem:s5+$0x3A80]  }
0x2ca: {  	v60 =	vld [tilespmem:s5+$0x3B00];
	v59 =	vadd.f32 v17, v15;
	[tilespmem:s5+$0xFD80] =	vst v8;
	v8 =	vadd.f32 v11, v12  }
0x2cb: {  	v63 =	vld [tilespmem:s5+$0xBA80]  }
0x2cc: {  	v61 =	vld [tilespmem:s5+$0x7B00];
	[tilespmem:s5+$0xFD00] =	vst v8;
	v8 =	vadd.f32 v16, v59  }
0x2cd: {  	v13 =	vld [tilespmem:s5+$0xBB80]  }
0x2ce: {  	v9 =	vadd.f32 v55, v62;
	[tilespmem:s5+$0xFC80] =	vst v8;
	v8 =	vld [tilespmem:s5+$0xBB00]  }
0x2cf: {  	v10 =	vadd.f32 v18, v56  }
0x2d0: {  	v9 =	vadd.f32 v63, v9;
	v11 =	vadd.f32 v57, v58  }
0x2d1: {  	v10 =	vadd.f32 v19, v10;
	v12 =	vadd.f32 v61, v60  }
0x2d2: {  	[tilespmem:s5+$0xFA80] =	vst v9;
	v11 =	vadd.f32 v13, v11  }
0x2d3: {  	[tilespmem:s5+$0xFC00] =	vst v10;
	v8 =	vadd.f32 v8, v12  }
0x2d4: {  	[tilespmem:s5+$0xFB80] =	vst v11  }
0x2d5: {  	s4 =	sor.u32 $0x2380, s15;
	[tilespmem:s5+$0xFB00] =	vst v8  }
0x2d6: {  	v8 =	vld [tilespmem:s4+$0x1A80]  }
0x2d7: {  	v9 =	vld [tilespmem:s4+$0x5A80];
	_ =	sdelay $0x1  }
0x2d8: {  	v10 =	vld [tilespmem:s4+$0x9A80];
	_ =	sdelay $0x2  }
.Ltmp15:
0x2d9: {  	v8 =	vadd.f32 v9, v8;
	(pc) =	sbr.rel @p1 .LBB2_62-.Ltmp15, $3  }
0x2da: {  	_ = 	snop  }
0x2db: {  	v8 =	vadd.f32 v10, v8;
	_ =	sdelay $0x1  }
0x2dc: {  	[tilespmem:s4+$0xDA80] =	vst v8  }
.LBB2_12:
0x2dd: {  	v8 =	vld [tilespmem:s3+$0x600];
	_ =	sdelay $0x4  }
0x2de: {  	v9 =	vshll.u32 v8, $0x3  }
0x2df: {  	v8 =	vand.u32 $0x7, v8;
	v9 =	vand.u32 $0xFFFFFFC0, v9  }
0x2e0: {  	v8 =	vor.u32 v8, v9  }
0x2e1: {  	v9 =	vperm.xlane v8, v4;
	_ =	sdelay $0x1  }
0x2e2: {  	v9 =	vadd.s32 v5, v9;
	_ =	sdelay $0x3  }
0x2e3: {  	v10 =	vld [tilespmem:s3+$0x800];
	s3 =	simm.s32 $0x0;
	s4 =	rddreg [dreg:$0x4];
	s5 =	simm.s32 $0x1A80  }
0x2e4: {  	[tilespmem:s5], [sflag:$0x1] =	stream.indirect_vreg.gather [hbm4b:s4+s3], $0x80, v9, vm0, $0xb8;
	[tilespmem:$0x11A80] =	vst v63  }
0x2e5: {  	s13 =	simm.s32 $0x2280;
	v8 =	vperm.xlane v8, v6  }
0x2e6: {  	[tilespmem:s13], [sflag:$0x1] =	stream.indirect_vreg.gather [hbm4b:s28+s3], $0x80, v9, vm0, $0xb8;
	[tilespmem:$0x11A80] =	vst v63  }
0x2e7: {  	s14 =	simm.s32 $0x2A80;
	v8 =	vadd.s32 v5, v8  }
0x2e8: {  	[tilespmem:s14], [sflag:$0x1] =	stream.indirect_vreg.gather [hbm4b:s29+s3], $0x80, v9, vm0, $0xb8;
	[tilespmem:$0x11A80] =	vst v63  }
0x2e9: {  	s15 =	simm.s32 $0x3280  }
0x2ea: {  	[tilespmem:s15], [sflag:$0x1] =	stream.indirect_vreg.gather [hbm4b:s30+s3], $0x80, v9, vm0, $0xb8;
	[tilespmem:$0x11A80] =	vst v63  }
0x2eb: {  	s24 =	simm.s32 $0x3A80  }
0x2ec: {  	[tilespmem:s24], [sflag:$0x1] =	stream.indirect_vreg.gather [hbm4b:s4+s3], $0x80, v8, vm0, $0xb8;
	[tilespmem:$0x11A80] =	vst v63  }
0x2ed: {  	v52 =	vshll.u32 v10, $0x3;
	s13 =	simm.s32 $0x4280  }
0x2ee: {  	v10 =	vand.u32 $0x7, v10;
	v9 =	vand.u32 $0xFFFFFFC0, v52;
	[tilespmem:s13], [sflag:$0x1] =	stream.indirect_vreg.gather [hbm4b:s28+s3], $0x80, v8, vm0, $0xb8;
	[tilespmem:$0x11A80] =	vst v63  }
0x2ef: {  	s14 =	simm.s32 $0x4A80;
	v9 =	vor.u32 v10, v9  }
0x2f0: {  	v10 =	vperm.xlane v9, v4;
	[tilespmem:s14], [sflag:$0x1] =	stream.indirect_vreg.gather [hbm4b:s29+s3], $0x80, v8, vm0, $0xb8;
	[tilespmem:$0x11A80] =	vst v63  }
0x2f1: {  	s15 =	simm.s32 $0x5280  }
0x2f2: {  	v10 =	vadd.s32 v5, v10;
	[tilespmem:s15], [sflag:$0x1] =	stream.indirect_vreg.gather [hbm4b:s30+s3], $0x80, v8, vm0, $0xb8;
	[tilespmem:$0x11A80] =	vst v63  }
0x2f3: {  	_ =	swait.ge [sflag:s10], $0x4000  }
0x2f4: {  	[sflag:s10] =	ssyncset.done $0x0  }
0x2f5: {  	[sflag:s10] =	ssyncadd.s32 $0xFFFFC000  }
0x2f6: {  	s24 =	simm.s32 $0x5A80;
	s4 =	rddreg [dreg:$0x5]  }
0x2f7: {  	[tilespmem:s24], [sflag:$0x1] =	stream.indirect_vreg.gather [hbm4b:s4+s3], $0x80, v10, vm0, $0xb8;
	[tilespmem:$0x11A80] =	vst v63  }
0x2f8: {  	s13 =	simm.s32 $0x6280;
	v8 =	vperm.xlane v9, v6  }
0x2f9: {  	[tilespmem:s13], [sflag:$0x1] =	stream.indirect_vreg.gather [hbm4b:s31+s3], $0x80, v10, vm0, $0xb8;
	[tilespmem:$0x11A80] =	vst v63  }
0x2fa: {  	s14 =	simm.s32 $0x6A80;
	v8 =	vadd.s32 v5, v8  }
0x2fb: {  	[tilespmem:s14], [sflag:$0x1] =	stream.indirect_vreg.gather [hbm4b:s7+s3], $0x80, v10, vm0, $0xb8;
	[tilespmem:$0x11A80] =	vst v63  }
0x2fc: {  	s15 =	simm.s32 $0x7280  }
0x2fd: {  	[tilespmem:s15], [sflag:$0x1] =	stream.indirect_vreg.gather [hbm4b:s0+s3], $0x80, v10, vm0, $0xb8;
	[tilespmem:$0x11A80] =	vst v63  }
0x2fe: {  	s24 =	simm.s32 $0x7A80  }
0x2ff: {  	[tilespmem:s24], [sflag:$0x1] =	stream.indirect_vreg.gather [hbm4b:s4+s3], $0x80, v8, vm0, $0xb8;
	[tilespmem:$0x11A80] =	vst v63  }
0x300: {  	s5 =	simm.s32 $0x8280  }
0x301: {  	[tilespmem:s5], [sflag:$0x1] =	stream.indirect_vreg.gather [hbm4b:s31+s3], $0x80, v8, vm0, $0xb8;
	[tilespmem:$0x11A80] =	vst v63  }
0x302: {  	s13 =	simm.s32 $0x8A80  }
0x303: {  	[tilespmem:s13], [sflag:$0x1] =	stream.indirect_vreg.gather [hbm4b:s7+s3], $0x80, v8, vm0, $0xb8;
	[tilespmem:$0x11A80] =	vst v63  }
0x304: {  	_ = 	snop  }
0x305: {  	[tilespmem:s1], [sflag:$0x1] =	stream.indirect_vreg.gather [hbm4b:s0+s3], $0x80, v8, vm0, $0xb8;
	[tilespmem:$0x11A80] =	vst v63  }
0x306: {  	_ =	swait.ge [sflag:s10], $0x4000  }
0x307: {  	s14 =	sand.u32 $0x70, s3;
	s15 =	sand.u32 $0x1C00, s3;
	[sflag:s10] =	ssyncset.done $0x0  }
0x308: {  	s4 =	sor.u32 s14, s15;
	[sflag:s10] =	ssyncadd.s32 $0xFFFFC000  }
0x309: {  	v8 =	vld [tilespmem:s4+$0x9D80]  }
0x30a: {  	v53 =	vld [tilespmem:s4+$0x9D00]  }
0x30b: {  	v54 =	vld [tilespmem:s4+$0x5D80]  }
0x30c: {  	v11 =	vld [tilespmem:s4+$0x9C80]  }
0x30d: {  	v12 =	vld [tilespmem:s4+$0x9B00]  }
0x30e: {  	v13 =	vld [tilespmem:s4+$0x5D00]  }
0x30f: {  	v14 =	vld [tilespmem:s4+$0x1D80]  }
0x310: {  	v15 =	vld [tilespmem:s4+$0x9B80]  }
0x311: {  	v16 =	vld [tilespmem:s4+$0x1D00]  }
0x312: {  	v17 =	vld [tilespmem:s4+$0x1C80]  }
0x313: {  	v18 =	vld [tilespmem:s4+$0x5A80]  }
0x314: {  	v19 =	vld [tilespmem:s4+$0x5B80]  }
0x315: {  	v20 =	vld [tilespmem:s4+$0x5C80]  }
0x316: {  	v21 =	vld [tilespmem:s4+$0x5B00]  }
0x317: {  	v22 =	vld [tilespmem:s4+$0x1B80]  }
0x318: {  	v24 =	vld [tilespmem:s4+$0x1B00]  }
0x319: {  	v23 =	vld [tilespmem:s4+$0x5C00]  }
0x31a: {  	v56 =	vld [tilespmem:s4+$0x1A80];
	v10 =	vadd.f32 v54, v14  }
0x31b: {  	v55 =	vld [tilespmem:s4+$0x1C00];
	v13 =	vadd.f32 v13, v16  }
0x31c: {  	v60 =	vld [tilespmem:s4+$0x9A80];
	v57 =	vadd.f32 v20, v17;
	v8 =	vadd.f32 v8, v10  }
0x31d: {  	v58 =	vld [tilespmem:s4+$0x9C00];
	v61 =	vadd.f32 v21, v24;
	v9 =	vadd.f32 v53, v13  }
0x31e: {  	v59 =	vadd.f32 v19, v22;
	v10 =	vadd.f32 v11, v57;
	[tilespmem:s4+$0xDD80] =	vst v8  }
0x31f: {  	v63 =	vadd.f32 v18, v56;
	v11 =	vadd.f32 v12, v61;
	[tilespmem:s4+$0xDD00] =	vst v9  }
0x320: {  	v62 =	vadd.f32 v23, v55;
	v8 =	vadd.f32 v15, v59;
	[tilespmem:s4+$0xDC80] =	vst v10  }
0x321: {  	v9 =	vadd.f32 v60, v63;
	[tilespmem:s4+$0xDB00] =	vst v11  }
0x322: {  	[tilespmem:s4+$0xDB80] =	vst v8;
	v8 =	vadd.f32 v58, v62  }
0x323: {  	s14 =	sor.u32 s3, s3;
	[tilespmem:s4+$0xDA80] =	vst v9  }
0x324: {  	s24 =	sor.u32 $0x380, s14;
	[tilespmem:s4+$0xDC00] =	vst v8  }
0x325: {  	v8 =	vld [tilespmem:s24+$0x1A80]  }
0x326: {  	v9 =	vld [tilespmem:s24+$0x5A80];
	_ =	sdelay $0x1  }
0x327: {  	v10 =	vld [tilespmem:s24+$0x9A80];
	_ =	sdelay $0x2  }
0x328: {  	v8 =	vadd.f32 v9, v8;
	_ =	sdelay $0x1  }
0x329: {  	v8 =	vadd.f32 v10, v8;
	_ =	sdelay $0x1  }
0x32a: {  	s5 =	simm.s32 $0x10;
	[tilespmem:s24+$0xDA80] =	vst v8  }
.LBB2_13:
0x32b: {  	p1 =	seq.s32 s5, $0x3F0  }
0x32c: {  	v8 =	vld [tilespmem:s4+$0x3D80];
	s3 =	sadd.s32 $0x80, s3;
	s13 =	smov.u32 s5;
	s5 =	sadd.s32 $0x10, s5  }
0x32d: {  	v9 =	vld [tilespmem:s4+$0x7D80]  }
0x32e: {  	v10 =	vld [tilespmem:s4+$0xBD80]  }
0x32f: {  	v11 =	vld [tilespmem:s4+$0xBD00]  }
0x330: {  	v12 =	vld [tilespmem:s4+$0x7D00]  }
0x331: {  	v13 =	vld [tilespmem:s4+$0xBB80]  }
0x332: {  	v14 =	vld [tilespmem:s4+$0x3D00]  }
0x333: {  	v15 =	vld [tilespmem:s4+$0x3C80]  }
0x334: {  	v16 =	vld [tilespmem:s4+$0xBC80]  }
0x335: {  	v17 =	vld [tilespmem:s4+$0x7C80]  }
0x336: {  	v8 =	vadd.f32 v9, v8;
	v18 =	vld [tilespmem:s4+$0x7C00]  }
0x337: {  	v9 =	vld [tilespmem:s4+$0x7A80]  }
0x338: {  	v8 =	vadd.f32 v10, v8;
	v12 =	vadd.f32 v12, v14;
	v19 =	vld [tilespmem:s4+$0xBC00]  }
0x339: {  	v10 =	vld [tilespmem:s4+$0x3C00]  }
0x33a: {  	v11 =	vadd.f32 v11, v12;
	v14 =	vld [tilespmem:s4+$0x7B80];
	v15 =	vadd.f32 v17, v15;
	[tilespmem:s4+$0xFD80] =	vst v8  }
0x33b: {  	v8 =	vld [tilespmem:s4+$0x3B80]  }
0x33c: {  	v12 =	vld [tilespmem:s4+$0x3B00];
	v15 =	vadd.f32 v16, v15;
	[tilespmem:s4+$0xFD00] =	vst v11  }
0x33d: {  	v11 =	vld [tilespmem:s4+$0x7B00]  }
0x33e: {  	v16 =	vld [tilespmem:s4+$0x3A80];
	v10 =	vadd.f32 v18, v10;
	[tilespmem:s4+$0xFC80] =	vst v15  }
0x33f: {  	v15 =	vld [tilespmem:s4+$0xBB00]  }
0x340: {  	v17 =	vld [tilespmem:s4+$0xBA80];
	v8 =	vadd.f32 v14, v8;
	v10 =	vadd.f32 v19, v10;
	_ =	sdelay $0x1  }
0x341: {  	v11 =	vadd.f32 v11, v12;
	v8 =	vadd.f32 v13, v8;
	[tilespmem:s4+$0xFC00] =	vst v10  }
0x342: {  	v9 =	vadd.f32 v9, v16  }
0x343: {  	v10 =	vadd.f32 v15, v11;
	[tilespmem:s4+$0xFB80] =	vst v8  }
0x344: {  	v8 =	vadd.f32 v17, v9  }
0x345: {  	[tilespmem:s4+$0xFB00] =	vst v10  }
0x346: {  	s14 =	sor.u32 $0x2380, s14;
	[tilespmem:s4+$0xFA80] =	vst v8  }
0x347: {  	v8 =	vld [tilespmem:s14+$0x1A80]  }
0x348: {  	v9 =	vld [tilespmem:s14+$0x5A80]  }
0x349: {  	v10 =	vld [tilespmem:s14+$0x9A80];
	_ =	sdelay $0x3  }
0x34a: {  	v8 =	vadd.f32 v9, v8;
	_ =	sdelay $0x1  }
0x34b: {  	v8 =	vadd.f32 v10, v8  }
0x34c: {  	s15 =	sand.u32 $0x1C00, s3;
	s4 =	sand.u32 $0x70, s13  }
0x34d: {  	s4 =	sor.u32 s4, s15;
	[tilespmem:s14+$0xDA80] =	vst v8  }
0x34e: {  	v8 =	vld [tilespmem:s4+$0x9D80]  }
0x34f: {  	v9 =	vld [tilespmem:s4+$0x9D00]  }
0x350: {  	v10 =	vld [tilespmem:s4+$0x5D80]  }
0x351: {  	v11 =	vld [tilespmem:s4+$0x9C80]  }
0x352: {  	v12 =	vld [tilespmem:s4+$0x9B00]  }
0x353: {  	v13 =	vld [tilespmem:s4+$0x5D00]  }
0x354: {  	v14 =	vld [tilespmem:s4+$0x1D80]  }
0x355: {  	v15 =	vld [tilespmem:s4+$0x9B80]  }
0x356: {  	v16 =	vld [tilespmem:s4+$0x1D00]  }
0x357: {  	v17 =	vld [tilespmem:s4+$0x1C80]  }
0x358: {  	v18 =	vld [tilespmem:s4+$0x5A80]  }
0x359: {  	v19 =	vld [tilespmem:s4+$0x5B80];
	v10 =	vadd.f32 v10, v14  }
0x35a: {  	v14 =	vld [tilespmem:s4+$0x5C80]  }
0x35b: {  	v20 =	vld [tilespmem:s4+$0x5B00];
	v13 =	vadd.f32 v13, v16;
	v8 =	vadd.f32 v8, v10  }
0x35c: {  	v10 =	vld [tilespmem:s4+$0x1B80]  }
0x35d: {  	v16 =	vld [tilespmem:s4+$0x5C00];
	v9 =	vadd.f32 v9, v13  }
0x35e: {  	v13 =	vld [tilespmem:s4+$0x1B00]  }
0x35f: {  	v21 =	vld [tilespmem:s4+$0x1C00];
	v14 =	vadd.f32 v14, v17  }
0x360: {  	v17 =	vld [tilespmem:s4+$0x1A80]  }
0x361: {  	v10 =	vadd.f32 v19, v10;
	v19 =	vld [tilespmem:s4+$0x9C00];
	v11 =	vadd.f32 v11, v14  }
0x362: {  	v14 =	vld [tilespmem:s4+$0x9A80]  }
0x363: {  	v13 =	vadd.f32 v20, v13;
	v10 =	vadd.f32 v15, v10;
	[tilespmem:s4+$0xDD80] =	vst v8  }
0x364: {  	v8 =	vadd.f32 v16, v21;
	[tilespmem:s4+$0xDD00] =	vst v9  }
0x365: {  	v9 =	vadd.f32 v18, v17;
	v12 =	vadd.f32 v12, v13;
	[tilespmem:s4+$0xDC80] =	vst v11  }
0x366: {  	[tilespmem:s4+$0xDB80] =	vst v10;
	v8 =	vadd.f32 v19, v8  }
0x367: {  	v9 =	vadd.f32 v14, v9;
	[tilespmem:s4+$0xDB00] =	vst v12  }
0x368: {  	s14 =	sor.u32 s13, s3;
	[tilespmem:s4+$0xDC00] =	vst v8  }
0x369: {  	s13 =	sor.u32 $0x380, s14;
	[tilespmem:s4+$0xDA80] =	vst v9  }
0x36a: {  	v8 =	vld [tilespmem:s13+$0x1A80]  }
0x36b: {  	v9 =	vld [tilespmem:s13+$0x5A80];
	_ =	sdelay $0x1  }
0x36c: {  	v10 =	vld [tilespmem:s13+$0x9A80];
	_ =	sdelay $0x2  }
.Ltmp16:
0x36d: {  	v8 =	vadd.f32 v9, v8;
	(pc) =	sbr.rel @!p1 .LBB2_13-.Ltmp16, $3  }
0x36e: {  	_ = 	snop  }
0x36f: {  	v8 =	vadd.f32 v10, v8;
	_ =	sdelay $0x1  }
0x370: {  	[tilespmem:s13+$0xDA80] =	vst v8  }
0x371: {  	v8 =	vld [tilespmem:s4+$0x3D80]  }
0x372: {  	v9 =	vld [tilespmem:s4+$0x7D80]  }
0x373: {  	v10 =	vld [tilespmem:s4+$0xBD80]  }
0x374: {  	v11 =	vld [tilespmem:s4+$0xBD00]  }
0x375: {  	v12 =	vld [tilespmem:s4+$0x7D00]  }
0x376: {  	v14 =	vld [tilespmem:s4+$0x3D00]  }
0x377: {  	v15 =	vld [tilespmem:s4+$0x3C80]  }
0x378: {  	v16 =	vld [tilespmem:s4+$0xBC80]  }
0x379: {  	v17 =	vld [tilespmem:s4+$0x7C80]  }
0x37a: {  	v18 =	vld [tilespmem:s4+$0x7C00]  }
0x37b: {  	v55 =	vld [tilespmem:s4+$0x7A80]  }
0x37c: {  	v19 =	vld [tilespmem:s4+$0xBC00]  }
0x37d: {  	v56 =	vld [tilespmem:s4+$0x3C00];
	v8 =	vadd.f32 v9, v8  }
0x37e: {  	v57 =	vld [tilespmem:s4+$0x7B80]  }
0x37f: {  	v58 =	vld [tilespmem:s4+$0x3B80];
	v12 =	vadd.f32 v12, v14;
	v8 =	vadd.f32 v10, v8  }
0x380: {  	v62 =	vld [tilespmem:s4+$0x3A80]  }
0x381: {  	v60 =	vld [tilespmem:s4+$0x3B00];
	v59 =	vadd.f32 v17, v15;
	[tilespmem:s4+$0xFD80] =	vst v8;
	v8 =	vadd.f32 v11, v12  }
0x382: {  	v63 =	vld [tilespmem:s4+$0xBA80]  }
0x383: {  	v61 =	vld [tilespmem:s4+$0x7B00];
	[tilespmem:s4+$0xFD00] =	vst v8;
	v8 =	vadd.f32 v16, v59  }
0x384: {  	v13 =	vld [tilespmem:s4+$0xBB80]  }
0x385: {  	v9 =	vadd.f32 v55, v62;
	[tilespmem:s4+$0xFC80] =	vst v8;
	v8 =	vld [tilespmem:s4+$0xBB00]  }
0x386: {  	v10 =	vadd.f32 v18, v56  }
0x387: {  	v9 =	vadd.f32 v63, v9;
	v11 =	vadd.f32 v57, v58  }
0x388: {  	v10 =	vadd.f32 v19, v10;
	v12 =	vadd.f32 v61, v60  }
0x389: {  	[tilespmem:s4+$0xFA80] =	vst v9;
	v11 =	vadd.f32 v13, v11  }
0x38a: {  	[tilespmem:s4+$0xFC00] =	vst v10;
	v8 =	vadd.f32 v8, v12  }
0x38b: {  	[tilespmem:s4+$0xFB80] =	vst v11  }
0x38c: {  	s3 =	sor.u32 $0x2380, s14;
	[tilespmem:s4+$0xFB00] =	vst v8  }
0x38d: {  	v8 =	vld [tilespmem:s3+$0x1A80]  }
0x38e: {  	v9 =	vld [tilespmem:s3+$0x5A80];
	_ =	sdelay $0x1  }
0x38f: {  	v10 =	vld [tilespmem:s3+$0x9A80];
	_ =	sdelay $0x2  }
.Ltmp17:
0x390: {  	v8 =	vadd.f32 v9, v8;
	(pc) =	sbr.rel .LBB2_62-.Ltmp17, $3  }
0x391: {  	_ = 	snop  }
0x392: {  	v8 =	vadd.f32 v10, v8;
	_ =	sdelay $0x1  }
0x393: {  	[tilespmem:s3+$0xDA80] =	vst v8  }
.LBB2_21:
0x394: {  	v8 =	vld [tilespmem:s3+$0x600];
	_ =	sdelay $0x4  }
0x395: {  	v9 =	vshll.u32 v8, $0x3  }
0x396: {  	v8 =	vand.u32 $0x7, v8;
	v9 =	vand.u32 $0xFFFFFFC0, v9  }
0x397: {  	v8 =	vor.u32 v8, v9  }
0x398: {  	v9 =	vperm.xlane v8, v4;
	_ =	sdelay $0x1  }
0x399: {  	v9 =	vadd.s32 v5, v9;
	_ =	sdelay $0x3  }
0x39a: {  	v10 =	vld [tilespmem:s3+$0x800];
	s3 =	simm.s32 $0x0;
	s5 =	rddreg [dreg:$0x4];
	s13 =	simm.s32 $0x1A80  }
0x39b: {  	[tilespmem:s13], [sflag:$0x1] =	stream.indirect_vreg.gather [hbm4b:s5+s3], $0x80, v9, vm0, $0xb8;
	[tilespmem:$0x11A80] =	vst v63  }
0x39c: {  	s24 =	simm.s32 $0x2280;
	v8 =	vperm.xlane v8, v6  }
0x39d: {  	[tilespmem:s24], [sflag:$0x1] =	stream.indirect_vreg.gather [hbm4b:s28+s3], $0x80, v9, vm0, $0xb8;
	[tilespmem:$0x11A80] =	vst v63  }
0x39e: {  	s14 =	simm.s32 $0x2A80;
	v8 =	vadd.s32 v5, v8  }
0x39f: {  	[tilespmem:s14], [sflag:$0x1] =	stream.indirect_vreg.gather [hbm4b:s29+s3], $0x80, v9, vm0, $0xb8;
	[tilespmem:$0x11A80] =	vst v63  }
0x3a0: {  	s15 =	simm.s32 $0x3280  }
0x3a1: {  	[tilespmem:s15], [sflag:$0x1] =	stream.indirect_vreg.gather [hbm4b:s30+s3], $0x80, v9, vm0, $0xb8;
	[tilespmem:$0x11A80] =	vst v63  }
0x3a2: {  	s24 =	simm.s32 $0x3A80  }
0x3a3: {  	[tilespmem:s24], [sflag:$0x1] =	stream.indirect_vreg.gather [hbm4b:s5+s3], $0x80, v8, vm0, $0xb8;
	[tilespmem:$0x11A80] =	vst v63  }
0x3a4: {  	v63 =	vshll.u32 v10, $0x3;
	s13 =	simm.s32 $0x4280  }
0x3a5: {  	v10 =	vand.u32 $0x7, v10;
	v9 =	vand.u32 $0xFFFFFFC0, v63;
	[tilespmem:s13], [sflag:$0x1] =	stream.indirect_vreg.gather [hbm4b:s28+s3], $0x80, v8, vm0, $0xb8;
	[tilespmem:$0x11A80] =	vst v63  }
0x3a6: {  	s14 =	simm.s32 $0x4A80;
	v9 =	vor.u32 v10, v9  }
0x3a7: {  	v10 =	vperm.xlane v9, v4;
	[tilespmem:s14], [sflag:$0x1] =	stream.indirect_vreg.gather [hbm4b:s29+s3], $0x80, v8, vm0, $0xb8;
	[tilespmem:$0x11A80] =	vst v63  }
0x3a8: {  	s15 =	simm.s32 $0x5280  }
0x3a9: {  	v10 =	vadd.s32 v5, v10;
	[tilespmem:s15], [sflag:$0x1] =	stream.indirect_vreg.gather [hbm4b:s30+s3], $0x80, v8, vm0, $0xb8;
	[tilespmem:$0x11A80] =	vst v63  }
0x3aa: {  	_ =	swait.ge [sflag:s10], $0x4000  }
0x3ab: {  	[sflag:s10] =	ssyncset.done $0x0  }
0x3ac: {  	[sflag:s10] =	ssyncadd.s32 $0xFFFFC000  }
0x3ad: {  	s24 =	simm.s32 $0x5A80;
	s5 =	rddreg [dreg:$0x5]  }
0x3ae: {  	[tilespmem:s24], [sflag:$0x1] =	stream.indirect_vreg.gather [hbm4b:s5+s3], $0x80, v10, vm0, $0xb8;
	[tilespmem:$0x11A80] =	vst v63  }
0x3af: {  	s14 =	simm.s32 $0x6280;
	v8 =	vperm.xlane v9, v6  }
0x3b0: {  	[tilespmem:s14], [sflag:$0x1] =	stream.indirect_vreg.gather [hbm4b:s31+s3], $0x80, v10, vm0, $0xb8;
	[tilespmem:$0x11A80] =	vst v63  }
0x3b1: {  	s15 =	simm.s32 $0x6A80;
	v8 =	vadd.s32 v5, v8  }
0x3b2: {  	[tilespmem:s15], [sflag:$0x1] =	stream.indirect_vreg.gather [hbm4b:s7+s3], $0x80, v10, vm0, $0xb8;
	[tilespmem:$0x11A80] =	vst v63  }
0x3b3: {  	s24 =	simm.s32 $0x7280  }
0x3b4: {  	[tilespmem:s24], [sflag:$0x1] =	stream.indirect_vreg.gather [hbm4b:s0+s3], $0x80, v10, vm0, $0xb8;
	[tilespmem:$0x11A80] =	vst v63  }
0x3b5: {  	s14 =	simm.s32 $0x7A80  }
0x3b6: {  	[tilespmem:s14], [sflag:$0x1] =	stream.indirect_vreg.gather [hbm4b:s5+s3], $0x80, v8, vm0, $0xb8;
	[tilespmem:$0x11A80] =	vst v63  }
0x3b7: {  	s15 =	simm.s32 $0x8280  }
0x3b8: {  	[tilespmem:s15], [sflag:$0x1] =	stream.indirect_vreg.gather [hbm4b:s31+s3], $0x80, v8, vm0, $0xb8;
	[tilespmem:$0x11A80] =	vst v63  }
0x3b9: {  	s24 =	simm.s32 $0x8A80  }
0x3ba: {  	[tilespmem:s24], [sflag:$0x1] =	stream.indirect_vreg.gather [hbm4b:s7+s3], $0x80, v8, vm0, $0xb8;
	[tilespmem:$0x11A80] =	vst v63  }
0x3bb: {  	p1 =	sgt.u32 s4, $0x1;
	p2 =	sne.s32 s4, $0x2  }
0x3bc: {  	[tilespmem:s1], [sflag:$0x1] =	stream.indirect_vreg.gather [hbm4b:s0+s3], $0x80, v8, vm0, $0xb8;
	[tilespmem:$0x11A80] =	vst v63  }
0x3bd: {  	p3 =	sgt.u32 s4, $0x3;
	p4 =	sne.s32 s4, $0x4;
	_ =	swait.ge [sflag:s10], $0x4000  }
0x3be: {  	p5 =	sgt.u32 s4, $0x5;
	p6 =	sne.s32 s4, $0x6;
	[sflag:s10] =	ssyncset.done $0x0  }
0x3bf: {  	s13 =	simm.s32 $0x0;
	s5 =	simm.s32 $0x0;
	[sflag:s10] =	ssyncadd.s32 $0xFFFFC000  }
.LBB2_22:
.Ltmp18:
0x3c0: {  	(pc) =	sbr.rel @p1 .LBB2_24-.Ltmp18, $1  }
0x3c1: {  	_ =	sdelay $0x3  }
0x3c2: {  	s14 =	sand.u32 $0x70, s5;
	s15 =	sand.u32 $0x1C00, s3  }
0x3c3: {  	s15 =	sor.u32 s15, s14  }
0x3c4: {  	v8 =	vld [tilespmem:s15+$0x1B00]  }
0x3c5: {  	v9 =	vld [tilespmem:s15+$0x5B00];
	_ =	sdelay $0x1  }
0x3c6: {  	v10 =	vld [tilespmem:s15+$0x9B00];
	_ =	sdelay $0x2  }
.Ltmp19:
0x3c7: {  	v8 =	vadd.f32 v9, v8;
	(pc) =	sbr.rel .LBB2_26-.Ltmp19, $3  }
0x3c8: {  	_ = 	snop  }
0x3c9: {  	v8 =	vadd.f32 v10, v8;
	_ =	sdelay $0x1  }
0x3ca: {  	s14 =	sshll.u32 s13, $0x7;
	[tilespmem:s15+$0xDB00] =	vst v8  }
.LBB2_24:
.Ltmp20:
0x3cb: {  	(pc) =	sbr.rel @p2 .LBB2_27-.Ltmp20, $1  }
0x3cc: {  	_ =	sdelay $0x3  }
0x3cd: {  	s15 =	sand.u32 $0x70, s5;
	s24 =	sand.u32 $0x1C00, s3  }
0x3ce: {  	s14 =	sshll.u32 s13, $0x7;
	s15 =	sor.u32 s24, s15  }
.LBB2_26:
0x3cf: {  	v8 =	vld [tilespmem:s15+$0x1B80]  }
0x3d0: {  	v9 =	vld [tilespmem:s15+$0x5B80];
	_ =	sdelay $0x1  }
0x3d1: {  	v10 =	vld [tilespmem:s15+$0x9B80];
	_ =	sdelay $0x2  }
0x3d2: {  	v8 =	vadd.f32 v9, v8;
	_ =	sdelay $0x1  }
0x3d3: {  	v8 =	vadd.f32 v10, v8;
	_ =	sdelay $0x1  }
0x3d4: {  	[tilespmem:s15+$0xDB80] =	vst v8  }
.LBB2_29:
0x3d5: {  	v8 =	vld [tilespmem:s15+$0x1C00]  }
0x3d6: {  	v9 =	vld [tilespmem:s15+$0x5C00];
	_ =	sdelay $0x1  }
0x3d7: {  	v10 =	vld [tilespmem:s15+$0x9C00];
	_ =	sdelay $0x2  }
0x3d8: {  	v8 =	vadd.f32 v9, v8;
	_ =	sdelay $0x1  }
0x3d9: {  	v8 =	vadd.f32 v10, v8;
	_ =	sdelay $0x1  }
0x3da: {  	[tilespmem:s15+$0xDC00] =	vst v8  }
.LBB2_32:
0x3db: {  	v8 =	vld [tilespmem:s15+$0x1C80]  }
0x3dc: {  	v9 =	vld [tilespmem:s15+$0x5C80];
	_ =	sdelay $0x1  }
0x3dd: {  	v10 =	vld [tilespmem:s15+$0x9C80];
	_ =	sdelay $0x2  }
0x3de: {  	v8 =	vadd.f32 v9, v8;
	_ =	sdelay $0x1  }
0x3df: {  	v8 =	vadd.f32 v10, v8;
	_ =	sdelay $0x1  }
0x3e0: {  	[tilespmem:s15+$0xDC80] =	vst v8  }
.LBB2_35:
0x3e1: {  	v8 =	vld [tilespmem:s15+$0x1D00]  }
0x3e2: {  	v9 =	vld [tilespmem:s15+$0x5D00];
	_ =	sdelay $0x1  }
0x3e3: {  	v10 =	vld [tilespmem:s15+$0x9D00];
	_ =	sdelay $0x2  }
0x3e4: {  	v8 =	vadd.f32 v9, v8;
	_ =	sdelay $0x1  }
0x3e5: {  	v8 =	vadd.f32 v10, v8;
	_ =	sdelay $0x1  }
0x3e6: {  	[tilespmem:s15+$0xDD00] =	vst v8  }
.LBB2_38:
0x3e7: {  	v8 =	vld [tilespmem:s15+$0x1D80]  }
0x3e8: {  	v9 =	vld [tilespmem:s15+$0x5D80];
	_ =	sdelay $0x1  }
0x3e9: {  	v10 =	vld [tilespmem:s15+$0x9D80];
	_ =	sdelay $0x2  }
0x3ea: {  	v8 =	vadd.f32 v9, v8;
	_ =	sdelay $0x1  }
0x3eb: {  	v8 =	vadd.f32 v10, v8;
	_ =	sdelay $0x1  }
0x3ec: {  	[tilespmem:s15+$0xDD80] =	vst v8  }
.LBB2_40:
0x3ed: {  	s15 =	sor.u32 s14, s5  }
0x3ee: {  	s15 =	sor.u32 $0x380, s15  }
0x3ef: {  	v8 =	vld [tilespmem:s15+$0x1A80]  }
0x3f0: {  	v9 =	vld [tilespmem:s15+$0x5A80];
	_ =	sdelay $0x1  }
0x3f1: {  	v10 =	vld [tilespmem:s15+$0x9A80];
	_ =	sdelay $0x2  }
0x3f2: {  	v8 =	vadd.f32 v9, v8;
	_ =	sdelay $0x1  }
0x3f3: {  	v8 =	vadd.f32 v10, v8;
	_ =	sdelay $0x1  }
0x3f4: {  	[tilespmem:s15+$0xDA80] =	vst v8  }
.LBB2_42:
0x3f5: {  	s15 =	sand.u32 $0x70, s5;
	s24 =	sand.u32 $0x1C00, s14  }
0x3f6: {  	s15 =	sor.u32 s24, s15  }
0x3f7: {  	v8 =	vld [tilespmem:s15+$0x3A80]  }
0x3f8: {  	v9 =	vld [tilespmem:s15+$0x7A80];
	_ =	sdelay $0x1  }
0x3f9: {  	v10 =	vld [tilespmem:s15+$0xBA80];
	_ =	sdelay $0x2  }
0x3fa: {  	v8 =	vadd.f32 v9, v8;
	_ =	sdelay $0x1  }
0x3fb: {  	v8 =	vadd.f32 v10, v8;
	_ =	sdelay $0x1  }
0x3fc: {  	[tilespmem:s15+$0xFA80] =	vst v8  }
.LBB2_45:
0x3fd: {  	v8 =	vld [tilespmem:s15+$0x3B00]  }
0x3fe: {  	v9 =	vld [tilespmem:s15+$0x7B00];
	_ =	sdelay $0x1  }
0x3ff: {  	v10 =	vld [tilespmem:s15+$0xBB00];
	_ =	sdelay $0x2  }
0x400: {  	v8 =	vadd.f32 v9, v8;
	_ =	sdelay $0x1  }
0x401: {  	v8 =	vadd.f32 v10, v8;
	_ =	sdelay $0x1  }
0x402: {  	[tilespmem:s15+$0xFB00] =	vst v8  }
.LBB2_48:
0x403: {  	v8 =	vld [tilespmem:s15+$0x3B80]  }
0x404: {  	v9 =	vld [tilespmem:s15+$0x7B80];
	_ =	sdelay $0x1  }
0x405: {  	v10 =	vld [tilespmem:s15+$0xBB80];
	_ =	sdelay $0x2  }
0x406: {  	v8 =	vadd.f32 v9, v8;
	_ =	sdelay $0x1  }
0x407: {  	v8 =	vadd.f32 v10, v8;
	_ =	sdelay $0x1  }
0x408: {  	[tilespmem:s15+$0xFB80] =	vst v8  }
.LBB2_51:
0x409: {  	v8 =	vld [tilespmem:s15+$0x3C00]  }
0x40a: {  	v9 =	vld [tilespmem:s15+$0x7C00];
	_ =	sdelay $0x1  }
0x40b: {  	v10 =	vld [tilespmem:s15+$0xBC00];
	_ =	sdelay $0x2  }
0x40c: {  	v8 =	vadd.f32 v9, v8;
	_ =	sdelay $0x1  }
0x40d: {  	v8 =	vadd.f32 v10, v8;
	_ =	sdelay $0x1  }
0x40e: {  	[tilespmem:s15+$0xFC00] =	vst v8  }
.LBB2_54:
0x40f: {  	v8 =	vld [tilespmem:s15+$0x3C80]  }
0x410: {  	v9 =	vld [tilespmem:s15+$0x7C80];
	_ =	sdelay $0x1  }
0x411: {  	v10 =	vld [tilespmem:s15+$0xBC80];
	_ =	sdelay $0x2  }
0x412: {  	v8 =	vadd.f32 v9, v8;
	_ =	sdelay $0x1  }
0x413: {  	v8 =	vadd.f32 v10, v8;
	_ =	sdelay $0x1  }
0x414: {  	[tilespmem:s15+$0xFC80] =	vst v8  }
.LBB2_57:
0x415: {  	v8 =	vld [tilespmem:s15+$0x3D00]  }
0x416: {  	v9 =	vld [tilespmem:s15+$0x7D00];
	_ =	sdelay $0x1  }
0x417: {  	v10 =	vld [tilespmem:s15+$0xBD00];
	_ =	sdelay $0x2  }
0x418: {  	v8 =	vadd.f32 v9, v8;
	_ =	sdelay $0x1  }
0x419: {  	v8 =	vadd.f32 v10, v8;
	_ =	sdelay $0x1  }
0x41a: {  	[tilespmem:s15+$0xFD00] =	vst v8  }
.LBB2_60:
0x41b: {  	v8 =	vld [tilespmem:s15+$0x3D80]  }
0x41c: {  	v9 =	vld [tilespmem:s15+$0x7D80];
	_ =	sdelay $0x1  }
0x41d: {  	v10 =	vld [tilespmem:s15+$0xBD80];
	_ =	sdelay $0x2  }
0x41e: {  	v8 =	vadd.f32 v9, v8;
	_ =	sdelay $0x1  }
0x41f: {  	v8 =	vadd.f32 v10, v8;
	_ =	sdelay $0x1  }
0x420: {  	[tilespmem:s15+$0xFD80] =	vst v8  }
.LBB2_61:
0x421: {  	s14 =	sor.u32 s14, s5  }
0x422: {  	s14 =	sor.u32 $0x2380, s14  }
0x423: {  	v8 =	vld [tilespmem:s14+$0x1A80]  }
0x424: {  	v9 =	vld [tilespmem:s14+$0x5A80];
	_ =	sdelay $0x1  }
0x425: {  	v10 =	vld [tilespmem:s14+$0x9A80]  }
0x426: {  	s3 =	sadd.s32 $0x80, s3  }
0x427: {  	p0 =	sne.s32 s3, $0x2000  }
.Ltmp21:
0x428: {  	v8 =	vadd.f32 v9, v8;
	(pc) =	sbr.rel @p0 .LBB2_22-.Ltmp21, $4  }
.Ltmp22:
0x429: {  	_ = 	snop;
	(pc) =	sbr.rel @!p0 .LBB2_62-.Ltmp22, $4  }
0x42a: {  	v8 =	vadd.f32 v10, v8  }
0x42b: {  	_ = 	snop  }
0x42c: {  	s13 =	sadd.s32 $0x1, s13;
	s5 =	sadd.s32 $0x10, s5;
	[tilespmem:s14+$0xDA80] =	vst v8  }
0x42d: {  	_ = 	snop  }
.LBB2_27:
.Ltmp23:
0x42e: {  	(pc) =	sbr.rel @p3 .LBB2_30-.Ltmp23, $1  }
0x42f: {  	_ =	sdelay $0x3  }
.Ltmp24:
0x430: {  	(pc) =	sbr.rel .LBB2_29-.Ltmp24, $3  }
0x431: {  	_ =	sdelay $0x1  }
0x432: {  	s14 =	sand.u32 $0x70, s5;
	s15 =	sand.u32 $0x1C00, s3  }
0x433: {  	s15 =	sor.u32 s15, s14;
	s14 =	smov.u32 s3  }
.LBB2_30:
.Ltmp25:
0x434: {  	(pc) =	sbr.rel @p4 .LBB2_33-.Ltmp25, $1  }
0x435: {  	_ =	sdelay $0x3  }
.Ltmp26:
0x436: {  	(pc) =	sbr.rel .LBB2_32-.Ltmp26, $3  }
0x437: {  	_ =	sdelay $0x1  }
0x438: {  	s14 =	sand.u32 $0x70, s5;
	s15 =	sand.u32 $0x1C00, s3  }
0x439: {  	s15 =	sor.u32 s15, s14;
	s14 =	smov.u32 s3  }
.LBB2_33:
.Ltmp27:
0x43a: {  	(pc) =	sbr.rel @p5 .LBB2_36-.Ltmp27, $1  }
0x43b: {  	_ =	sdelay $0x3  }
.Ltmp28:
0x43c: {  	(pc) =	sbr.rel .LBB2_35-.Ltmp28, $3  }
0x43d: {  	_ =	sdelay $0x1  }
0x43e: {  	s14 =	sand.u32 $0x70, s5;
	s15 =	sand.u32 $0x1C00, s3  }
0x43f: {  	s15 =	sor.u32 s15, s14;
	s14 =	smov.u32 s3  }
.LBB2_36:
.Ltmp29:
0x440: {  	(pc) =	sbr.rel @p6 .LBB2_39-.Ltmp29, $1  }
0x441: {  	_ =	sdelay $0x3  }
.Ltmp30:
0x442: {  	(pc) =	sbr.rel .LBB2_38-.Ltmp30, $3  }
0x443: {  	_ =	sdelay $0x1  }
0x444: {  	s14 =	sand.u32 $0x70, s5;
	s15 =	sand.u32 $0x1C00, s3  }
0x445: {  	s15 =	sor.u32 s15, s14;
	s14 =	smov.u32 s3  }
.LBB2_39:
0x446: {  	p0 =	sgt.u32 s4, $0x7  }
.Ltmp31:
0x447: {  	_ = 	snop;
	(pc) =	sbr.rel @!p0 .LBB2_40-.Ltmp31, $2  }
0x448: {  	_ =	sdelay $0x2  }
0x449: {  	s14 =	smov.u32 s3  }
0x44a: {  	p0 =	sne.s32 s4, $0x8  }
.Ltmp32:
0x44b: {  	_ = 	snop;
	(pc) =	sbr.rel @!p0 .LBB2_42-.Ltmp32, $2  }
0x44c: {  	_ =	sdelay $0x2  }
0x44d: {  	s14 =	smov.u32 s3  }
0x44e: {  	p0 =	sgt.u32 s4, $0x9  }
.Ltmp33:
0x44f: {  	_ = 	snop;
	(pc) =	sbr.rel @p0 .LBB2_46-.Ltmp33, $1  }
0x450: {  	_ =	sdelay $0x3  }
.Ltmp34:
0x451: {  	(pc) =	sbr.rel .LBB2_45-.Ltmp34, $3  }
0x452: {  	_ =	sdelay $0x1  }
0x453: {  	s14 =	sand.u32 $0x70, s5;
	s15 =	sand.u32 $0x1C00, s3  }
0x454: {  	s15 =	sor.u32 s15, s14;
	s14 =	smov.u32 s3  }
.LBB2_46:
0x455: {  	p0 =	sne.s32 s4, $0xA  }
.Ltmp35:
0x456: {  	_ = 	snop;
	(pc) =	sbr.rel @p0 .LBB2_49-.Ltmp35, $1  }
0x457: {  	_ =	sdelay $0x3  }
.Ltmp36:
0x458: {  	(pc) =	sbr.rel .LBB2_48-.Ltmp36, $3  }
0x459: {  	_ =	sdelay $0x1  }
0x45a: {  	s14 =	sand.u32 $0x70, s5;
	s15 =	sand.u32 $0x1C00, s3  }
0x45b: {  	s15 =	sor.u32 s15, s14;
	s14 =	smov.u32 s3  }
.LBB2_49:
0x45c: {  	p0 =	sgt.u32 s4, $0xB  }
.Ltmp37:
0x45d: {  	_ = 	snop;
	(pc) =	sbr.rel @p0 .LBB2_52-.Ltmp37, $1  }
0x45e: {  	_ =	sdelay $0x3  }
.Ltmp38:
0x45f: {  	(pc) =	sbr.rel .LBB2_51-.Ltmp38, $3  }
0x460: {  	_ =	sdelay $0x1  }
0x461: {  	s14 =	sand.u32 $0x70, s5;
	s15 =	sand.u32 $0x1C00, s3  }
0x462: {  	s15 =	sor.u32 s15, s14;
	s14 =	smov.u32 s3  }
.LBB2_52:
0x463: {  	p0 =	sne.s32 s4, $0xC  }
.Ltmp39:
0x464: {  	_ = 	snop;
	(pc) =	sbr.rel @p0 .LBB2_55-.Ltmp39, $1  }
0x465: {  	_ =	sdelay $0x3  }
.Ltmp40:
0x466: {  	(pc) =	sbr.rel .LBB2_54-.Ltmp40, $3  }
0x467: {  	_ =	sdelay $0x1  }
0x468: {  	s14 =	sand.u32 $0x70, s5;
	s15 =	sand.u32 $0x1C00, s3  }
0x469: {  	s15 =	sor.u32 s15, s14;
	s14 =	smov.u32 s3  }
.LBB2_55:
0x46a: {  	p0 =	sgt.u32 s4, $0xD  }
.Ltmp41:
0x46b: {  	_ = 	snop;
	(pc) =	sbr.rel @p0 .LBB2_58-.Ltmp41, $1  }
0x46c: {  	_ =	sdelay $0x3  }
.Ltmp42:
0x46d: {  	(pc) =	sbr.rel .LBB2_57-.Ltmp42, $3  }
0x46e: {  	_ =	sdelay $0x1  }
0x46f: {  	s14 =	sand.u32 $0x70, s5;
	s15 =	sand.u32 $0x1C00, s3  }
0x470: {  	s15 =	sor.u32 s15, s14;
	s14 =	smov.u32 s3  }
.LBB2_58:
0x471: {  	p0 =	sne.s32 s4, $0xE  }
.Ltmp43:
0x472: {  	_ = 	snop;
	(pc) =	sbr.rel @p0 .LBB2_61-.Ltmp43, $2  }
0x473: {  	_ =	sdelay $0x2  }
0x474: {  	s14 =	smov.u32 s3  }
.Ltmp44:
0x475: {  	(pc) =	sbr.rel .LBB2_60-.Ltmp44, $3  }
0x476: {  	_ =	sdelay $0x1  }
0x477: {  	s14 =	sand.u32 $0x70, s5;
	s15 =	sand.u32 $0x1C00, s3  }
0x478: {  	s15 =	sor.u32 s15, s14;
	s14 =	smov.u32 s3  }
.LBB2_64:
0x479: {  	_ =	sfence.sel $0x180000  }
0x47a: {  	[bflag:$0x0] =	sbarrier.arrive $0xFFFF  }
0x47b: {  	_ =	strace $0x90000047  }
0x47c: {  	s0 =	stileid.u32;
	[bflag:$0x2] =	sbarrier.arrive $0xFFFF  }
0x47d: {  	p0 =	sne.s32 s0, $0x0;
	s0 =	rddreg [dreg:$0x9]  }
0x47e: {  	s0 =	sadd.s32 @!p0 $0x100000, s0  }
0x47f: {  	[sflag:s0] =	ssyncadd.tile.s32 @!p0 $0x1;
	_ =	shalt  }
.Lfunc_end2:
_tile_overlayer_lowered:
.L_overlay_start_2:
0x480: {  	(tag) =	ssettag $0x2  }
0x481: {  	s0 =	rddreg [dreg:$0x0];
	s2 =	stileid.u32  }
0x482: {  	s1 =	rddreg [dreg:$0x1];
	p0 =	sne.s32 s2, $0x0  }
0x483: {  	s3 =	rddreg [dreg:$0x2];
	[bflag:$0x3] =	sbarrier.arrive $0xFFFF;
	s2 =	simm.s32 @!p0 $0x1C03  }
0x484: {  	[timem:s3], [sflag:s2] =	dma.local @!p0 [hbm:s0], s1  }
0x485: {  	s0 =	simm.s32 @!p0 $0x3  }
0x486: {  	_ =	swait.ge @!p0 [sflag:s0], s1  }
0x487: {  	s1 =	ssub.s32 @!p0 $0x0, s1;
	[sflag:s0] =	ssyncset.done @!p0 $0x0  }
0x488: {  	[sflag:s0] =	ssyncadd.s32 @!p0 s1  }
0x489: {  	[bflag:$0x3] =	sbarrier.arrive $0xFFFF  }
0x48a: {  	_ =	shalt  }

</sc_bundles>
